<compile_context>
chip_gen: v7x
topology: tpu7x:2x2x1
jax: 0.10.2.dev20260603
libtpu: 0.0.44.dev20260713+nightly
codegen_flags: <defaults>
</compile_context>

<pallas_src>
import functools

import jax
import jax.numpy as jnp
from jax import lax
from jax.experimental import pallas as pl
from jax.experimental.pallas import tpu as pltpu
from jax.experimental.pallas import tpu_sc as plsc

ENTITY_NUM = 1000000
RELATION_NUM = 1000
D = 64
B = 16384
HT = 2 * B

NC = 2
NS = 16
NW = NC * NS

BLK = 512
KMAX = 62
TAIL_BID = 1953
TAIL_LO = TAIL_BID * BLK
HITCAP = 4080
WROWS = 128
DUMP = HT
ROWS_N = HT + WROWS

_MESH = plsc.VectorSubcoreMesh(
    core_axis_name="c", subcore_axis_name="s", num_cores=NC, num_subcores=NS)
_PARAMS_TILED = pltpu.CompilerParams(
    needs_layout_passes=False, use_tc_tiling_on_sc=True)
_PARAMS_LINEAR = pltpu.CompilerParams(
    needs_layout_passes=False, use_tc_tiling_on_sc=False)


def _cs_tc_body(rel_ref, out_ref):
    r = rel_ref[...]
    out_ref[:, :D] = jnp.cos(r) + jnp.sin(r)
    out_ref[:, D:] = r


def _build_cr_table(relation_embedding):
    return pl.pallas_call(
        _cs_tc_body,
        out_shape=jax.ShapeDtypeStruct((RELATION_NUM, 2 * D), jnp.float32),
    )(relation_embedding)


def _sqrt16(x):
    xs = jnp.maximum(x, jnp.float32(1e-35))
    i = plsc.bitcast(xs, jnp.int32)
    i = jnp.int32(0x5F3759DF) - lax.shift_right_logical(i, jnp.int32(1))
    y = plsc.bitcast(i, jnp.float32)
    half = jnp.float32(0.5) * xs
    for _ in range(3):
        y = y * (jnp.float32(1.5) - half * y * y)
    return xs * y


def _pc(m):
    return plsc.all_reduce_population_count(m)[0]


def _phase1_body(ent_t, tailtab, ht_hbm, rows_hbm,
                 htbuf, hitE, hitP, blkE, blkP, stage0, stage1, wbuf, wpos,
                 semA, semB, semW):
    w = lax.axis_index("s") * NC + lax.axis_index("c")
    iota = lax.iota(jnp.int32, 16)

    pltpu.async_copy(
        ent_t.at[:, pl.ds(pl.multiple_of(w * BLK, 128), BLK)], stage0, semA)

    def passa_sc(s, cnt):
        hoff = pl.multiple_of(s * 4096, 128)
        pltpu.sync_copy(ht_hbm.at[pl.ds(hoff, 4096)], htbuf)

        def passa(j, cnt):
            off = pl.multiple_of(j * 16, 16)
            e = htbuf[pl.ds(off, 16)]
            pos = iota + s * 4096 + j * 16
            blkid = lax.shift_right_logical(e, jnp.int32(9))
            m = ((blkid - w) & jnp.int32(31)) == 0
            c2 = jnp.minimum(cnt, jnp.int32(HITCAP))
            plsc.store_compressed(hitE.at[pl.ds(c2, 16)], e, mask=m)
            plsc.store_compressed(hitP.at[pl.ds(c2, 16)], pos, mask=m)
            return cnt + _pc(m)

        return lax.fori_loop(0, 256, passa, cnt)

    cnt = lax.fori_loop(0, HT // 4096, passa_sc, jnp.int32(0))
    cnt = jnp.minimum(cnt, jnp.int32(HITCAP))
    nch = lax.shift_right_logical(cnt + 15, jnp.int32(4))

    for q in range(WROWS // 16):
        wpos[pl.ds(q * 16, 16)] = iota + jnp.int32(DUMP + q * 16)

    def flush(_wc):
        pltpu.async_copy(wbuf, rows_hbm.at[wpos], semW).wait()
        for q in range(WROWS // 16):
            wpos[pl.ds(q * 16, 16)] = iota + jnp.int32(DUMP + q * 16)
        return jnp.int32(0)

    def start_dma(k, stage, sem):
        bid = w + NW * k
        safe = jnp.where(bid <= TAIL_BID, bid, 0)
        is_tail = safe == TAIL_BID

        def tail_dma(_):
            pltpu.async_copy(tailtab, stage, sem)
            return 0

        def main_dma(_):
            off = pl.multiple_of(
                jnp.where(is_tail, 0, safe) * BLK, 128)
            pltpu.async_copy(ent_t.at[:, pl.ds(off, BLK)], stage, sem)
            return 0

        lax.cond(is_tail, tail_dma, main_dma, 0)

    def process(k, stage, sem, wcnt):
        bid = w + NW * k
        valid = bid <= TAIL_BID
        is_tail = bid == TAIL_BID
        blo = jnp.where(is_tail, jnp.int32(TAIL_LO), bid * BLK)
        bhi = blo + BLK
        pltpu.make_async_copy(ent_t.at[:, pl.ds(0, BLK)], stage, sem).wait()

        def do_block(wcnt):
            def comp(ch, bcnt):
                off = pl.multiple_of(ch * 16, 16)
                e = hitE[pl.ds(off, 16)]
                p = hitP[pl.ds(off, 16)]
                lanes = iota + ch * 16
                m = (lanes < cnt) & (e >= blo) & (e < bhi)
                bc2 = jnp.minimum(bcnt, jnp.int32(HITCAP))
                plsc.store_compressed(blkE.at[pl.ds(bc2, 16)], e, mask=m)
                plsc.store_compressed(blkP.at[pl.ds(bc2, 16)], p, mask=m)
                return bcnt + _pc(m)

            bcnt = lax.fori_loop(0, nch, comp, jnp.int32(0))
            bcnt = jnp.minimum(bcnt, jnp.int32(HITCAP))
            ngr = lax.shift_right_logical(bcnt + 15, jnp.int32(4))

            def group(g, wc):
                wc = lax.cond(wc + 16 > WROWS, flush, lambda x: x, wc)
                off = pl.multiple_of(g * 16, 16)
                e = blkE[pl.ds(off, 16)]
                p = blkP[pl.ds(off, 16)]
                gm = (iota + g * 16) < bcnt
                eloc = jnp.clip(e - blo, 0, BLK - 1)
                rowv = wc + iota
                plsc.store_compressed(wpos.at[pl.ds(wc, 16)], p, mask=gm)
                for d in range(D):
                    dsp = jnp.full((16,), d, jnp.int32)
                    vals = plsc.load_gather(stage, [dsp, eloc], mask=gm)
                    plsc.store_scatter(wbuf, [rowv, dsp], vals, mask=gm)
                return wc + _pc(gm)

            return lax.fori_loop(0, ngr, group, wcnt)

        return lax.cond(valid, do_block, lambda x: x, wcnt)

    def pair(k2, wcnt):
        ka = 2 * k2
        start_dma(ka + 1, stage1, semB)
        wcnt = process(ka, stage0, semA, wcnt)
        start_dma(ka + 2, stage0, semA)
        wcnt = process(ka + 1, stage1, semB, wcnt)
        return wcnt

    wcnt = lax.fori_loop(0, KMAX // 2, pair, jnp.int32(0))
    pltpu.make_async_copy(ent_t.at[:, pl.ds(0, BLK)], stage0, semA).wait()
    flush(wcnt)


_phase1 = functools.partial(
    pl.kernel,
    out_type=jax.ShapeDtypeStruct((ROWS_N, 2 * D), jnp.float32),
    compiler_params=_PARAMS_TILED,
    mesh=_MESH,
    scratch_types=[
        pltpu.VMEM((4096,), jnp.int32),
        pltpu.VMEM((HITCAP + 16,), jnp.int32),
        pltpu.VMEM((HITCAP + 16,), jnp.int32),
        pltpu.VMEM((HITCAP + 16,), jnp.int32),
        pltpu.VMEM((HITCAP + 16,), jnp.int32),
        pltpu.VMEM((D, BLK), jnp.float32),
        pltpu.VMEM((D, BLK), jnp.float32),
        pltpu.VMEM((WROWS, 2 * D), jnp.float32),
        pltpu.VMEM((WROWS,), jnp.int32),
        pltpu.SemaphoreType.DMA,
        pltpu.SemaphoreType.DMA,
        pltpu.SemaphoreType.DMA,
    ],
)(_phase1_body)


CH = 128
PER_W = B // NW
NCHUNK = PER_W // CH


def _phase2_body(rows_hbm, cr_hbm, rel_hbm, out_hbm,
                 relbuf, hbuf, hbuf2, tbuf, tbuf2, crbuf, crbuf2, obuf,
                 sem, sem2):
    w = lax.axis_index("s") * NC + lax.axis_index("c")
    base = w * PER_W
    iota = lax.iota(jnp.int32, 16)

    for c in range(NCHUNK):
        off = pl.multiple_of(base + c * CH, CH)
        pltpu.sync_copy(rel_hbm.at[pl.ds(off, CH)], relbuf.at[c])

    hbufs = (hbuf, hbuf2)
    tbufs = (tbuf, tbuf2)
    crbufs = (crbuf, crbuf2)
    sems = (sem, sem2)

    def fire(c):
        off = pl.multiple_of(base + c * CH, CH)
        s = c % 2
        return [
            pltpu.async_copy(rows_hbm.at[pl.ds(off, CH), :], hbufs[s],
                             sems[s]),
            pltpu.async_copy(rows_hbm.at[pl.ds(B + off, CH), :], tbufs[s],
                             sems[s]),
            pltpu.async_copy(cr_hbm.at[relbuf.at[c]], crbufs[s], sems[s]),
        ]

    pending = {0: fire(0)}
    for c in range(NCHUNK):
        if c + 1 < NCHUNK:
            pending[c + 1] = fire(c + 1)
        for cp in pending.pop(c):
            cp.wait()
        hbuf_c, tbuf_c, crbuf_c = hbufs[c % 2], tbufs[c % 2], crbufs[c % 2]

        def row(i, carry):
            s = jnp.zeros((16,), jnp.float32)
            for q in range(D // 16):
                qo = pl.multiple_of(q * 16, 16)
                qo2 = pl.multiple_of(D + q * 16, 16)
                h = hbuf_c[i, pl.ds(qo, 16)]
                t = tbuf_c[i, pl.ds(qo, 16)]
                cc = crbuf_c[i, pl.ds(qo, 16)]
                rr = crbuf_c[i, pl.ds(qo2, 16)]
                diff = h * cc + rr - t
                s = s + diff * diff
            for sh in (1, 2, 4, 8):
                s = s + s.at[iota ^ sh].get(mode="promise_in_bounds")
            lane = i & jnp.int32(15)
            m = iota == lane
            idx16 = jnp.full((16,), c * CH, jnp.int32) + i
            plsc.store_scatter(obuf, [idx16], _sqrt16(s), mask=m)
            return carry

        lax.fori_loop(0, CH, row, 0)

    pltpu.sync_copy(obuf, out_hbm.at[pl.ds(pl.multiple_of(base, PER_W), PER_W)])


_phase2 = functools.partial(
    pl.kernel,
    out_type=jax.ShapeDtypeStruct((B,), jnp.float32),
    compiler_params=_PARAMS_LINEAR,
    mesh=_MESH,
    scratch_types=[
        pltpu.VMEM((NCHUNK, CH), jnp.int32),
        pltpu.VMEM((CH, 2 * D), jnp.float32),
        pltpu.VMEM((CH, 2 * D), jnp.float32),
        pltpu.VMEM((CH, 2 * D), jnp.float32),
        pltpu.VMEM((CH, 2 * D), jnp.float32),
        pltpu.VMEM((CH, 2 * D), jnp.float32),
        pltpu.VMEM((CH, 2 * D), jnp.float32),
        pltpu.VMEM((PER_W,), jnp.float32),
        pltpu.SemaphoreType.DMA,
        pltpu.SemaphoreType.DMA,
    ],
)(_phase2_body)


def kernel(entity_embedding, relation_embedding, head, relation, tail):
    cr = _build_cr_table(relation_embedding)
    ent_t = jnp.swapaxes(entity_embedding, 0, 1)
    tailtab = jnp.pad(
        jnp.swapaxes(entity_embedding[TAIL_LO:], 0, 1), ((0, 0), (0, 448)))
    ht = jnp.concatenate([head, tail])
    rows = _phase1(ent_t, tailtab, ht)
    return _phase2(rows, cr, relation)

# --- scband reference (transcript-rebuilt; emitter-appended) ---
"""Pipeline reference for scband-rotat-e-84490596646914 (READ-ONLY COPY).

The authoritative reference and input builder live on the scoring server;
editing this copy changes nothing except your own understanding.
"""

import jax, jax.numpy as jnp
import numpy as np
import math

ENTITY_NUM = 1000000
RELATION_NUM = 1000
HIDDEN_DIM = 64
BATCH = 16384

def _xavier_uniform(key, shape):
    fan_in, fan_out = shape[0], shape[1]
    a = math.sqrt(6.0 / (fan_in + fan_out))
    return jax.random.uniform(key, shape, dtype=jnp.float32, minval=-a, maxval=a)

def setup_inputs(seed: int = 0) -> dict:
    key = jax.random.key(seed)
    k1, k2, k3, k4, k5 = jax.random.split(key, 5)
    head = jax.random.randint(k1, (BATCH,), 0, ENTITY_NUM, dtype=jnp.int64 if jax.config.jax_enable_x64 else jnp.int32).astype(jnp.int32)
    relation = jax.random.randint(k2, (BATCH,), 0, RELATION_NUM).astype(jnp.int32)
    tail = jax.random.randint(k3, (BATCH,), 0, ENTITY_NUM).astype(jnp.int32)
    entity_embedding = _xavier_uniform(k4, (ENTITY_NUM, HIDDEN_DIM))
    relation_embedding = _xavier_uniform(k5, (RELATION_NUM, HIDDEN_DIM))
    return {
        "entity_embedding": entity_embedding,
        "relation_embedding": relation_embedding,
        "head": head,
        "relation": relation,
        "tail": tail,
    }

def reference(entity_embedding, relation_embedding, head, relation, tail):
    head_embedding = jnp.take(entity_embedding, head, axis=0)
    tail_embedding = jnp.take(entity_embedding, tail, axis=0)
    rel_embedding = jnp.take(relation_embedding, relation, axis=0)
    rotated_head = head_embedding * jnp.cos(rel_embedding) + head_embedding * jnp.sin(rel_embedding)
    rotated_tail = tail_embedding
    diff = rotated_head + rel_embedding - rotated_tail
    score = jnp.sqrt(jnp.sum(diff * diff, axis=-1))
    return score

if __name__ == "__main__":
    import jax
    _d = setup_inputs()
    print(jax.jit(kernel)(*tuple(_d.values())))

</pallas_src>

<mosaic_0001>
#map = affine_map<(d0, d1) -> (0, 0)>
#map1 = affine_map<(d0, d1) -> (0)>
module attributes {stable_mosaic.version = 14 : i64} {
  func.func @_phase1_body(%arg0: i32, %arg1: i32, %arg2: memref<64x1000000xf32, #tpu.memory_space<hbm>>, %arg3: memref<64x512xf32, #tpu.memory_space<hbm>>, %arg4: memref<32768xi32, #tpu.memory_space<hbm>>, %arg5: memref<32896x128xf32, #tpu.memory_space<hbm>>, %arg6: memref<4096xi32, #tpu.memory_space<vmem>>, %arg7: memref<4096xi32, #tpu.memory_space<vmem>>, %arg8: memref<4096xi32, #tpu.memory_space<vmem>>, %arg9: memref<4096xi32, #tpu.memory_space<vmem>>, %arg10: memref<4096xi32, #tpu.memory_space<vmem>>, %arg11: memref<64x512xf32, #tpu.memory_space<vmem>>, %arg12: memref<64x512xf32, #tpu.memory_space<vmem>>, %arg13: memref<128x128xf32, #tpu.memory_space<vmem>>, %arg14: memref<128xi32, #tpu.memory_space<vmem>>, %arg15: memref<!tpu.dma_semaphore, #tpu.memory_space<semaphore_mem>>, %arg16: memref<!tpu.dma_semaphore, #tpu.memory_space<semaphore_mem>>, %arg17: memref<!tpu.dma_semaphore, #tpu.memory_space<semaphore_mem>>) attributes {dimension_semantics = [#tpu.dimension_semantics<core_parallel>, #tpu.dimension_semantics<subcore_parallel>], iteration_bounds = array<i64: 2, 16>, scalar_prefetch = 0 : i64, scratch_operands = 12 : i64, tpu.core_type = #tpu.core_type<sc_vector_subcore>, window_params = [{transform_indices = #map}, {transform_indices = #map}, {transform_indices = #map1}, {transform_indices = #map}]} {
    %mul3A = arith.constant 2 : i32
    %mul3A_0 = arith.muli %arg1, %mul3A : i32
    %add3A = arith.addi %mul3A_0, %arg0 : i32
    %iota3A = tpu.iota {dimensions = array<i32: 0>} : vector<16xi32>
    %mul3A_1 = arith.constant 512 : i32
    %mul3A_2 = arith.muli %add3A, %mul3A_1 : i32
    %multiple_of3A = tpu.assume_multiple %mul3A_2, 128 : i32
    %dma_start3A = arith.constant 0 : i32
    %dma_start3A_3 = tpu.memref_slice %arg2[%dma_start3A, %multiple_of3A] : memref<64x1000000xf32, #tpu.memory_space<hbm>> -> memref<64x512xf32, #tpu.memory_space<hbm>>
    %dma_start3A_4 = arith.constant 0 : i32
    %dma_start3A_5 = tpu.memref_slice %arg2[%dma_start3A_4, %multiple_of3A] : memref<64x1000000xf32, #tpu.memory_space<hbm>> -> memref<64x512xf32, #tpu.memory_space<hbm>>
    tpu.enqueue_dma source(%dma_start3A_5 : memref<64x512xf32, #tpu.memory_space<hbm>>) target(%arg11 : memref<64x512xf32, #tpu.memory_space<vmem>>) target_semaphore(%arg15 : memref<!tpu.dma_semaphore, #tpu.memory_space<semaphore_mem>>)
    %scan3A = arith.constant 0 : i32
    %scan3A_6 = arith.constant 0 : i32
    %scan3A_7 = arith.constant 8 : i32
    %scan3A_8 = arith.addi %scan3A_6, %scan3A_7 : i32
    %scan3A_9 = arith.constant 1 : i32
    %scan3A_10 = scf.for %scan3A_113 = %scan3A_6 to %scan3A_8 step %scan3A_9 iter_args(%scan3A_114 = %scan3A) -> (i32)  : i32 {
      %mul3A_115 = arith.constant 4096 : i32
      %mul3A_116 = arith.muli %scan3A_113, %mul3A_115 : i32
      %multiple_of3A_117 = tpu.assume_multiple %mul3A_116, 128 : i32
      "tpu.region"() ({
        %run_scoped3A = tpu.sem_alloc : memref<!tpu.dma_semaphore, #tpu.memory_space<semaphore_mem>>
        %dma_start3A_124 = tpu.memref_slice %arg4[%multiple_of3A_117] : memref<32768xi32, #tpu.memory_space<hbm>> -> memref<4096xi32, #tpu.memory_space<hbm>>
        %dma_start3A_125 = tpu.memref_slice %arg4[%multiple_of3A_117] : memref<32768xi32, #tpu.memory_space<hbm>> -> memref<4096xi32, #tpu.memory_space<hbm>>
        tpu.enqueue_dma source(%dma_start3A_125 : memref<4096xi32, #tpu.memory_space<hbm>>) target(%arg6 : memref<4096xi32, #tpu.memory_space<vmem>>) target_semaphore(%run_scoped3A : memref<!tpu.dma_semaphore, #tpu.memory_space<semaphore_mem>>)
        %dma_wait3A_126 = tpu.memref_slice %arg4[%multiple_of3A_117] : memref<32768xi32, #tpu.memory_space<hbm>> -> memref<4096xi32, #tpu.memory_space<hbm>>
        %dma_wait3A_127 = tpu.memref_slice %arg4[%multiple_of3A_117] : memref<32768xi32, #tpu.memory_space<hbm>> -> memref<4096xi32, #tpu.memory_space<hbm>>
        tpu.wait_dma2 semaphore(%run_scoped3A : memref<!tpu.dma_semaphore, #tpu.memory_space<semaphore_mem>>) src(%dma_wait3A_127 : memref<4096xi32, #tpu.memory_space<hbm>>) dst(%arg6 : memref<4096xi32, #tpu.memory_space<vmem>>)
        tpu.yield
      }) : () -> ()
      %scan3A_118 = arith.constant 0 : i32
      %scan3A_119 = arith.constant 256 : i32
      %scan3A_120 = arith.addi %scan3A_118, %scan3A_119 : i32
      %scan3A_121 = arith.constant 1 : i32
      %scan3A_122 = scf.for %scan3A_124 = %scan3A_118 to %scan3A_120 step %scan3A_121 iter_args(%scan3A_125 = %scan3A_114) -> (i32)  : i32 {
        %mul3A_126 = arith.constant 16 : i32
        %mul3A_127 = arith.muli %scan3A_124, %mul3A_126 : i32
        %multiple_of3A_128 = tpu.assume_multiple %mul3A_127, 16 : i32
        %get3A = arith.index_cast %multiple_of3A_128 : i32 to index
        %get3A_129 = tpu.vector_load %arg6[%get3A] {strides = array<i32>} : memref<4096xi32, #tpu.memory_space<vmem>>, vector<16xi32>,
        %mul3A_130 = arith.constant 4096 : i32
        %mul3A_131 = arith.muli %scan3A_113, %mul3A_130 : i32
        %add3A_132 = vector.broadcast %mul3A_131 : i32 to vector<16xi32>
        %add3A_133 = arith.addi %iota3A, %add3A_132 : vector<16xi32>
        %mul3A_134 = arith.constant 16 : i32
        %mul3A_135 = arith.muli %scan3A_124, %mul3A_134 : i32
        %add3A_136 = vector.broadcast %mul3A_135 : i32 to vector<16xi32>
        %add3A_137 = arith.addi %add3A_133, %add3A_136 : vector<16xi32>
        %shift_right_logical3A_138 = arith.constant 9 : i32
        %shift_right_logical3A_139 = vector.broadcast %shift_right_logical3A_138 : i32 to vector<16xi32>
        %shift_right_logical3A_140 = arith.shrui %get3A_129, %shift_right_logical3A_139 : vector<16xi32>
        %sub3A = vector.broadcast %add3A : i32 to vector<16xi32>
        %sub3A_141 = arith.subi %shift_right_logical3A_140, %sub3A : vector<16xi32>
        %and3A = arith.constant 31 : i32
        %and3A_142 = vector.broadcast %and3A : i32 to vector<16xi32>
        %and3A_143 = arith.andi %sub3A_141, %and3A_142 : vector<16xi32>
        %eq3A = arith.constant 0 : i32
        %eq3A_144 = vector.broadcast %eq3A : i32 to vector<16xi32>
        %eq3A_145 = arith.cmpi eq, %and3A_143, %eq3A_144 : vector<16xi32>
        %min3A_146 = arith.constant 4080 : i32
        %min3A_147 = arith.minsi %scan3A_125, %min3A_146 : i32
        %swap3A_148 = arith.index_cast %min3A_147 : i32 to index
        %swap3A_149 = tpu.vector_load %arg7[%swap3A_148] masked %eq3A_145 {strides = array<i32>} : memref<4096xi32, #tpu.memory_space<vmem>>, vector<16xi32>, vector<16xi1>
        tpu.vector_store %arg7[%swap3A_148], %get3A_129 masked %eq3A_145 {strides = array<i32>} : memref<4096xi32, #tpu.memory_space<vmem>>, vector<16xi32>, vector<16xi1>
        %swap3A_150 = arith.index_cast %min3A_147 : i32 to index
        %swap3A_151 = tpu.vector_load %arg8[%swap3A_150] masked %eq3A_145 {strides = array<i32>} : memref<4096xi32, #tpu.memory_space<vmem>>, vector<16xi32>, vector<16xi1>
        tpu.vector_store %arg8[%swap3A_150], %add3A_137 masked %eq3A_145 {strides = array<i32>} : memref<4096xi32, #tpu.memory_space<vmem>>, vector<16xi32>, vector<16xi1>
        %all_reduce_population_count3A = tpu.all_reduce %eq3A_145 {dim = 0 : i64, kind = #tpu.reduction_kind<sum>} : vector<16xi1> -> vector<16xi32>
        %slice3A = vector.extract_strided_slice %all_reduce_population_count3A {offsets = [0], sizes = [1], strides = [1]} : vector<16xi32> to vector<1xi32>
        %squeeze3A = vector.extract %slice3A[0] : i32 from vector<1xi32>
        %add3A_152 = arith.addi %scan3A_125, %squeeze3A : i32
        scf.yield %add3A_152 : i32
      }
      %scan3A_123 = arith.constant 256 : i32
      scf.yield %scan3A_122 : i32
    }
    %scan3A_11 = arith.constant 8 : i32
    %min3A = arith.constant 4080 : i32
    %min3A_12 = arith.minsi %scan3A_10, %min3A : i32
    %add3A_13 = arith.constant 15 : i32
    %add3A_14 = arith.addi %min3A_12, %add3A_13 : i32
    %shift_right_logical3A = arith.constant 4 : i32
    %shift_right_logical3A_15 = arith.shrui %add3A_14, %shift_right_logical3A : i32
    %add3A_16 = arith.constant 32768 : i32
    %add3A_17 = vector.broadcast %add3A_16 : i32 to vector<16xi32>
    %add3A_18 = arith.addi %iota3A, %add3A_17 : vector<16xi32>
    %swap3A = arith.constant 0 : index
    %swap3A_19 = tpu.vector_load %arg14[%swap3A] {strides = array<i32>} : memref<128xi32, #tpu.memory_space<vmem>>, vector<16xi32>,
    tpu.vector_store %arg14[%swap3A], %add3A_18 {strides = array<i32>} : memref<128xi32, #tpu.memory_space<vmem>>, vector<16xi32>,
    %add3A_20 = arith.constant 32784 : i32
    %add3A_21 = vector.broadcast %add3A_20 : i32 to vector<16xi32>
    %add3A_22 = arith.addi %iota3A, %add3A_21 : vector<16xi32>
    %swap3A_23 = arith.constant 16 : index
    %swap3A_24 = tpu.vector_load %arg14[%swap3A_23] {strides = array<i32>} : memref<128xi32, #tpu.memory_space<vmem>>, vector<16xi32>,
    tpu.vector_store %arg14[%swap3A_23], %add3A_22 {strides = array<i32>} : memref<128xi32, #tpu.memory_space<vmem>>, vector<16xi32>,
    %add3A_25 = arith.constant 32800 : i32
    %add3A_26 = vector.broadcast %add3A_25 : i32 to vector<16xi32>
    %add3A_27 = arith.addi %iota3A, %add3A_26 : vector<16xi32>
    %swap3A_28 = arith.constant 32 : index
    %swap3A_29 = tpu.vector_load %arg14[%swap3A_28] {strides = array<i32>} : memref<128xi32, #tpu.memory_space<vmem>>, vector<16xi32>,
    tpu.vector_store %arg14[%swap3A_28], %add3A_27 {strides = array<i32>} : memref<128xi32, #tpu.memory_space<vmem>>, vector<16xi32>,
    %add3A_30 = arith.constant 32816 : i32
    %add3A_31 = vector.broadcast %add3A_30 : i32 to vector<16xi32>
    %add3A_32 = arith.addi %iota3A, %add3A_31 : vector<16xi32>
    %swap3A_33 = arith.constant 48 : index
    %swap3A_34 = tpu.vector_load %arg14[%swap3A_33] {strides = array<i32>} : memref<128xi32, #tpu.memory_space<vmem>>, vector<16xi32>,
    tpu.vector_store %arg14[%swap3A_33], %add3A_32 {strides = array<i32>} : memref<128xi32, #tpu.memory_space<vmem>>, vector<16xi32>,
    %add3A_35 = arith.constant 32832 : i32
    %add3A_36 = vector.broadcast %add3A_35 : i32 to vector<16xi32>
    %add3A_37 = arith.addi %iota3A, %add3A_36 : vector<16xi32>
    %swap3A_38 = arith.constant 64 : index
    %swap3A_39 = tpu.vector_load %arg14[%swap3A_38] {strides = array<i32>} : memref<128xi32, #tpu.memory_space<vmem>>, vector<16xi32>,
    tpu.vector_store %arg14[%swap3A_38], %add3A_37 {strides = array<i32>} : memref<128xi32, #tpu.memory_space<vmem>>, vector<16xi32>,
    %add3A_40 = arith.constant 32848 : i32
    %add3A_41 = vector.broadcast %add3A_40 : i32 to vector<16xi32>
    %add3A_42 = arith.addi %iota3A, %add3A_41 : vector<16xi32>
    %swap3A_43 = arith.constant 80 : index
    %swap3A_44 = tpu.vector_load %arg14[%swap3A_43] {strides = array<i32>} : memref<128xi32, #tpu.memory_space<vmem>>, vector<16xi32>,
    tpu.vector_store %arg14[%swap3A_43], %add3A_42 {strides = array<i32>} : memref<128xi32, #tpu.memory_space<vmem>>, vector<16xi32>,
    %add3A_45 = arith.constant 32864 : i32
    %add3A_46 = vector.broadcast %add3A_45 : i32 to vector<16xi32>
    %add3A_47 = arith.addi %iota3A, %add3A_46 : vector<16xi32>
    %swap3A_48 = arith.constant 96 : index
    %swap3A_49 = tpu.vector_load %arg14[%swap3A_48] {strides = array<i32>} : memref<128xi32, #tpu.memory_space<vmem>>, vector<16xi32>,
    tpu.vector_store %arg14[%swap3A_48], %add3A_47 {strides = array<i32>} : memref<128xi32, #tpu.memory_space<vmem>>, vector<16xi32>,
    %add3A_50 = arith.constant 32880 : i32
    %add3A_51 = vector.broadcast %add3A_50 : i32 to vector<16xi32>
    %add3A_52 = arith.addi %iota3A, %add3A_51 : vector<16xi32>
    %swap3A_53 = arith.constant 112 : index
    %swap3A_54 = tpu.vector_load %arg14[%swap3A_53] {strides = array<i32>} : memref<128xi32, #tpu.memory_space<vmem>>, vector<16xi32>,
    tpu.vector_store %arg14[%swap3A_53], %add3A_52 {strides = array<i32>} : memref<128xi32, #tpu.memory_space<vmem>>, vector<16xi32>,
    %scan3A_55 = arith.constant 0 : i32
    %scan3A_56 = arith.constant 0 : i32
    %scan3A_57 = arith.constant 31 : i32
    %scan3A_58 = arith.addi %scan3A_56, %scan3A_57 : i32
    %scan3A_59 = arith.constant 1 : i32
    %scan3A_60 = scf.for %scan3A_113 = %scan3A_56 to %scan3A_58 step %scan3A_59 iter_args(%scan3A_114 = %scan3A_55) -> (i32)  : i32 {
      %mul3A_115 = arith.constant 2 : i32
      %mul3A_116 = arith.muli %mul3A_115, %scan3A_113 : i32
      %add3A_117 = arith.constant 1 : i32
      %add3A_118 = arith.addi %mul3A_116, %add3A_117 : i32
      %mul3A_119 = arith.constant 32 : i32
      %mul3A_120 = arith.muli %mul3A_119, %add3A_118 : i32
      %add3A_121 = arith.addi %add3A, %mul3A_120 : i32
      %le3A = arith.constant 1953 : i32
      %le3A_122 = arith.cmpi sle, %add3A_121, %le3A : i32
      %jit3A = arith.constant 0 : i32
      %select_n3A = arith.select %le3A_122, %add3A_121, %jit3A : i32
      %eq3A = arith.constant 1953 : i32
      %eq3A_123 = arith.cmpi eq, %select_n3A, %eq3A : i32
      %convert_element_type3A = arith.extui %eq3A_123 : i1 to i32
      %cond3A = arith.constant 0 : i32
      %cond3A_124 = arith.constant 0 : i32
      %cond3A_125 = arith.cmpi ne, %convert_element_type3A, %cond3A_124 : i32
      %cond3A_126 = scf.if %cond3A_125 -> (i32) {
        tpu.enqueue_dma source(%arg3 : memref<64x512xf32, #tpu.memory_space<hbm>>) target(%arg12 : memref<64x512xf32, #tpu.memory_space<vmem>>) target_semaphore(%arg16 : memref<!tpu.dma_semaphore, #tpu.memory_space<semaphore_mem>>)
        %cond3A_191 = arith.constant 0 : i32
        scf.yield %cond3A_191 : i32
      } else {
        %jit3A_191 = arith.constant 0 : i32
        %select_n3A_192 = arith.select %eq3A_123, %jit3A_191, %select_n3A : i32
        %mul3A_193 = arith.constant 512 : i32
        %mul3A_194 = arith.muli %select_n3A_192, %mul3A_193 : i32
        %multiple_of3A_195 = tpu.assume_multiple %mul3A_194, 128 : i32
        %dma_start3A_196 = arith.constant 0 : i32
        %dma_start3A_197 = tpu.memref_slice %arg2[%dma_start3A_196, %multiple_of3A_195] : memref<64x1000000xf32, #tpu.memory_space<hbm>> -> memref<64x512xf32, #tpu.memory_space<hbm>>
        %dma_start3A_198 = arith.constant 0 : i32
        %dma_start3A_199 = tpu.memref_slice %arg2[%dma_start3A_198, %multiple_of3A_195] : memref<64x1000000xf32, #tpu.memory_space<hbm>> -> memref<64x512xf32, #tpu.memory_space<hbm>>
        tpu.enqueue_dma source(%dma_start3A_199 : memref<64x512xf32, #tpu.memory_space<hbm>>) target(%arg12 : memref<64x512xf32, #tpu.memory_space<vmem>>) target_semaphore(%arg16 : memref<!tpu.dma_semaphore, #tpu.memory_space<semaphore_mem>>)
        %cond3A_200 = arith.constant 0 : i32
        scf.yield %cond3A_200 : i32
      }
      %mul3A_127 = arith.constant 32 : i32
      %mul3A_128 = arith.muli %mul3A_127, %mul3A_116 : i32
      %add3A_129 = arith.addi %add3A, %mul3A_128 : i32
      %le3A_130 = arith.constant 1953 : i32
      %le3A_131 = arith.cmpi sle, %add3A_129, %le3A_130 : i32
      %eq3A_132 = arith.constant 1953 : i32
      %eq3A_133 = arith.cmpi eq, %add3A_129, %eq3A_132 : i32
      %mul3A_134 = arith.constant 512 : i32
      %mul3A_135 = arith.muli %add3A_129, %mul3A_134 : i32
      %jit3A_136 = arith.constant 999936 : i32
      %select_n3A_137 = arith.select %eq3A_133, %jit3A_136, %mul3A_135 : i32
      %add3A_138 = arith.constant 512 : i32
      %add3A_139 = arith.addi %select_n3A_137, %add3A_138 : i32
      %dma_wait3A_140 = arith.constant 0 : i32
      %dma_wait3A_141 = arith.constant 0 : i32
      %dma_wait3A_142 = tpu.memref_slice %arg2[%dma_wait3A_140, %dma_wait3A_141] : memref<64x1000000xf32, #tpu.memory_space<hbm>> -> memref<64x512xf32, #tpu.memory_space<hbm>>
      %dma_wait3A_143 = arith.constant 0 : i32
      %dma_wait3A_144 = arith.constant 0 : i32
      %dma_wait3A_145 = tpu.memref_slice %arg2[%dma_wait3A_143, %dma_wait3A_144] : memref<64x1000000xf32, #tpu.memory_space<hbm>> -> memref<64x512xf32, #tpu.memory_space<hbm>>
      tpu.wait_dma2 semaphore(%arg15 : memref<!tpu.dma_semaphore, #tpu.memory_space<semaphore_mem>>) src(%dma_wait3A_145 : memref<64x512xf32, #tpu.memory_space<hbm>>) dst(%arg11 : memref<64x512xf32, #tpu.memory_space<vmem>>)
      %convert_element_type3A_146 = arith.extui %le3A_131 : i1 to i32
      %cond3A_147 = arith.constant 0 : i32
      %cond3A_148 = arith.cmpi ne, %convert_element_type3A_146, %cond3A_147 : i32
      %cond3A_149 = scf.if %cond3A_148 -> (i32) {
        %while3A = arith.constant 0 : i32
        %while3A_191 = arith.constant 0 : i32
        %while3A_192 = arith.subi %shift_right_logical3A_15, %while3A : i32
        %while3A_193 = arith.addi %while3A, %while3A_192 : i32
        %while3A_194 = arith.constant 1 : i32
        %while3A_195 = arith.divsi %while3A_192, %while3A_194 : i32
        %while3A_196 = arith.muli %while3A_195, %while3A_194 : i32
        %while3A_197 = arith.addi %while3A, %while3A_196 : i32
        %while3A_198 = arith.constant 1 : i32
        %while3A_199 = scf.for %while3A_219 = %while3A to %while3A_197 step %while3A_198 iter_args(%while3A_220 = %while3A_191) -> (i32)  : i32 {
          %mul3A_221 = arith.constant 16 : i32
          %mul3A_222 = arith.muli %while3A_219, %mul3A_221 : i32
          %multiple_of3A_223 = tpu.assume_multiple %mul3A_222, 16 : i32
          %get3A = arith.index_cast %multiple_of3A_223 : i32 to index
          %get3A_224 = tpu.vector_load %arg7[%get3A] {strides = array<i32>} : memref<4096xi32, #tpu.memory_space<vmem>>, vector<16xi32>,
          %get3A_225 = arith.index_cast %multiple_of3A_223 : i32 to index
          %get3A_226 = tpu.vector_load %arg8[%get3A_225] {strides = array<i32>} : memref<4096xi32, #tpu.memory_space<vmem>>, vector<16xi32>,
          %mul3A_227 = arith.constant 16 : i32
          %mul3A_228 = arith.muli %while3A_219, %mul3A_227 : i32
          %add3A_229 = vector.broadcast %mul3A_228 : i32 to vector<16xi32>
          %add3A_230 = arith.addi %iota3A, %add3A_229 : vector<16xi32>
          %lt3A = vector.broadcast %min3A_12 : i32 to vector<16xi32>
          %lt3A_231 = arith.cmpi slt, %add3A_230, %lt3A : vector<16xi32>
          %ge3A = vector.broadcast %select_n3A_137 : i32 to vector<16xi32>
          %ge3A_232 = arith.cmpi sge, %get3A_224, %ge3A : vector<16xi32>
          %and3A = arith.andi %lt3A_231, %ge3A_232 : vector<16xi1>
          %lt3A_233 = vector.broadcast %add3A_139 : i32 to vector<16xi32>
          %lt3A_234 = arith.cmpi slt, %get3A_224, %lt3A_233 : vector<16xi32>
          %and3A_235 = arith.andi %and3A, %lt3A_234 : vector<16xi1>
          %min3A_236 = arith.constant 4080 : i32
          %min3A_237 = arith.minsi %while3A_220, %min3A_236 : i32
          %swap3A_238 = arith.index_cast %min3A_237 : i32 to index
          %swap3A_239 = tpu.vector_load %arg9[%swap3A_238] masked %and3A_235 {strides = array<i32>} : memref<4096xi32, #tpu.memory_space<vmem>>, vector<16xi32>, vector<16xi1>
          tpu.vector_store %arg9[%swap3A_238], %get3A_224 masked %and3A_235 {strides = array<i32>} : memref<4096xi32, #tpu.memory_space<vmem>>, vector<16xi32>, vector<16xi1>
          %swap3A_240 = arith.index_cast %min3A_237 : i32 to index
          %swap3A_241 = tpu.vector_load %arg10[%swap3A_240] masked %and3A_235 {strides = array<i32>} : memref<4096xi32, #tpu.memory_space<vmem>>, vector<16xi32>, vector<16xi1>
          tpu.vector_store %arg10[%swap3A_240], %get3A_226 masked %and3A_235 {strides = array<i32>} : memref<4096xi32, #tpu.memory_space<vmem>>, vector<16xi32>, vector<16xi1>
          %all_reduce_population_count3A = tpu.all_reduce %and3A_235 {dim = 0 : i64, kind = #tpu.reduction_kind<sum>} : vector<16xi1> -> vector<16xi32>
          %slice3A = vector.extract_strided_slice %all_reduce_population_count3A {offsets = [0], sizes = [1], strides = [1]} : vector<16xi32> to vector<1xi32>
          %squeeze3A = vector.extract %slice3A[0] : i32 from vector<1xi32>
          %add3A_242 = arith.addi %while3A_220, %squeeze3A : i32
          scf.yield %add3A_242 : i32
        }
        %while3A_200 = arith.constant 1 : i32
        %while3A_201 = scf.for %while3A_219 = %while3A_197 to %while3A_193 step %while3A_200 iter_args(%while3A_220 = %while3A_199) -> (i32)  : i32 {
          %mul3A_221 = arith.constant 16 : i32
          %mul3A_222 = arith.muli %while3A_219, %mul3A_221 : i32
          %multiple_of3A_223 = tpu.assume_multiple %mul3A_222, 16 : i32
          %get3A = arith.index_cast %multiple_of3A_223 : i32 to index
          %get3A_224 = tpu.vector_load %arg7[%get3A] {strides = array<i32>} : memref<4096xi32, #tpu.memory_space<vmem>>, vector<16xi32>,
          %get3A_225 = arith.index_cast %multiple_of3A_223 : i32 to index
          %get3A_226 = tpu.vector_load %arg8[%get3A_225] {strides = array<i32>} : memref<4096xi32, #tpu.memory_space<vmem>>, vector<16xi32>,
          %mul3A_227 = arith.constant 16 : i32
          %mul3A_228 = arith.muli %while3A_219, %mul3A_227 : i32
          %add3A_229 = vector.broadcast %mul3A_228 : i32 to vector<16xi32>
          %add3A_230 = arith.addi %iota3A, %add3A_229 : vector<16xi32>
          %lt3A = vector.broadcast %min3A_12 : i32 to vector<16xi32>
          %lt3A_231 = arith.cmpi slt, %add3A_230, %lt3A : vector<16xi32>
          %ge3A = vector.broadcast %select_n3A_137 : i32 to vector<16xi32>
          %ge3A_232 = arith.cmpi sge, %get3A_224, %ge3A : vector<16xi32>
          %and3A = arith.andi %lt3A_231, %ge3A_232 : vector<16xi1>
          %lt3A_233 = vector.broadcast %add3A_139 : i32 to vector<16xi32>
          %lt3A_234 = arith.cmpi slt, %get3A_224, %lt3A_233 : vector<16xi32>
          %and3A_235 = arith.andi %and3A, %lt3A_234 : vector<16xi1>
          %min3A_236 = arith.constant 4080 : i32
          %min3A_237 = arith.minsi %while3A_220, %min3A_236 : i32
          %swap3A_238 = arith.index_cast %min3A_237 : i32 to index
          %swap3A_239 = tpu.vector_load %arg9[%swap3A_238] masked %and3A_235 {strides = array<i32>} : memref<4096xi32, #tpu.memory_space<vmem>>, vector<16xi32>, vector<16xi1>
          tpu.vector_store %arg9[%swap3A_238], %get3A_224 masked %and3A_235 {strides = array<i32>} : memref<4096xi32, #tpu.memory_space<vmem>>, vector<16xi32>, vector<16xi1>
          %swap3A_240 = arith.index_cast %min3A_237 : i32 to index
          %swap3A_241 = tpu.vector_load %arg10[%swap3A_240] masked %and3A_235 {strides = array<i32>} : memref<4096xi32, #tpu.memory_space<vmem>>, vector<16xi32>, vector<16xi1>
          tpu.vector_store %arg10[%swap3A_240], %get3A_226 masked %and3A_235 {strides = array<i32>} : memref<4096xi32, #tpu.memory_space<vmem>>, vector<16xi32>, vector<16xi1>
          %all_reduce_population_count3A = tpu.all_reduce %and3A_235 {dim = 0 : i64, kind = #tpu.reduction_kind<sum>} : vector<16xi1> -> vector<16xi32>
          %slice3A = vector.extract_strided_slice %all_reduce_population_count3A {offsets = [0], sizes = [1], strides = [1]} : vector<16xi32> to vector<1xi32>
          %squeeze3A = vector.extract %slice3A[0] : i32 from vector<1xi32>
          %add3A_242 = arith.addi %while3A_220, %squeeze3A : i32
          scf.yield %add3A_242 : i32
        }
        %min3A_202 = arith.constant 4080 : i32
        %min3A_203 = arith.minsi %while3A_201, %min3A_202 : i32
        %add3A_204 = arith.constant 15 : i32
        %add3A_205 = arith.addi %min3A_203, %add3A_204 : i32
        %shift_right_logical3A_206 = arith.constant 4 : i32
        %shift_right_logical3A_207 = arith.shrui %add3A_205, %shift_right_logical3A_206 : i32
        %while3A_208 = arith.constant 0 : i32
        %while3A_209 = arith.subi %shift_right_logical3A_207, %while3A_208 : i32
        %while3A_210 = arith.addi %while3A_208, %while3A_209 : i32
        %while3A_211 = arith.constant 1 : i32
        %while3A_212 = arith.divsi %while3A_209, %while3A_211 : i32
        %while3A_213 = arith.muli %while3A_212, %while3A_211 : i32
        %while3A_214 = arith.addi %while3A_208, %while3A_213 : i32
        %while3A_215 = arith.constant 1 : i32
        %while3A_216 = scf.for %while3A_219 = %while3A_208 to %while3A_214 step %while3A_215 iter_args(%while3A_220 = %scan3A_114) -> (i32)  : i32 {
          %add3A_221 = arith.constant 16 : i32
          %add3A_222 = arith.addi %while3A_220, %add3A_221 : i32
          %gt3A = arith.constant 128 : i32
          %gt3A_223 = arith.cmpi sgt, %add3A_222, %gt3A : i32
          %convert_element_type3A_224 = arith.extui %gt3A_223 : i1 to i32
          %cond3A_225 = arith.constant 0 : i32
          %cond3A_226 = arith.cmpi ne, %convert_element_type3A_224, %cond3A_225 : i32
          %cond3A_227 = scf.if %cond3A_226 -> (i32) {
            %dma_start3A_440 = arith.constant 0 : i32
            %dma_start3A_441 = arith.constant 0 : i32
            %dma_start3A_442 = tpu.memref_slice %arg5[%dma_start3A_440, %dma_start3A_441] : memref<32896x128xf32, #tpu.memory_space<hbm>> -> memref<32896x128xf32, #tpu.memory_space<hbm>>
            tpu.enqueue_indirect_dma source(%arg13 : memref<128x128xf32, #tpu.memory_space<vmem>>) target(%dma_start3A_442 : memref<32896x128xf32, #tpu.memory_space<hbm>>) offsets(%arg14 : memref<128xi32, #tpu.memory_space<vmem>>) semaphore(%arg17 : memref<!tpu.dma_semaphore, #tpu.memory_space<semaphore_mem>>)
            %dma_wait3A_443 = arith.constant 0 : i32
            %dma_wait3A_444 = arith.constant 0 : i32
            %dma_wait3A_445 = tpu.memref_slice %arg5[%dma_wait3A_443, %dma_wait3A_444] : memref<32896x128xf32, #tpu.memory_space<hbm>> -> memref<32896x128xf32, #tpu.memory_space<hbm>>
            tpu.wait_indirect_dma semaphore(%arg17 : memref<!tpu.dma_semaphore, #tpu.memory_space<semaphore_mem>>) src(%arg13 : memref<128x128xf32, #tpu.memory_space<vmem>>) dst(%dma_wait3A_445 : memref<32896x128xf32, #tpu.memory_space<hbm>>)
            %add3A_446 = arith.constant 32768 : i32
            %add3A_447 = vector.broadcast %add3A_446 : i32 to vector<16xi32>
            %add3A_448 = arith.addi %iota3A, %add3A_447 : vector<16xi32>
            %swap3A_449 = arith.constant 0 : index
            %swap3A_450 = tpu.vector_load %arg14[%swap3A_449] {strides = array<i32>} : memref<128xi32, #tpu.memory_space<vmem>>, vector<16xi32>,
            tpu.vector_store %arg14[%swap3A_449], %add3A_448 {strides = array<i32>} : memref<128xi32, #tpu.memory_space<vmem>>, vector<16xi32>,
            %add3A_451 = arith.constant 32784 : i32
            %add3A_452 = vector.broadcast %add3A_451 : i32 to vector<16xi32>
            %add3A_453 = arith.addi %iota3A, %add3A_452 : vector<16xi32>
            %swap3A_454 = arith.constant 16 : index
            %swap3A_455 = tpu.vector_load %arg14[%swap3A_454] {strides = array<i32>} : memref<128xi32, #tpu.memory_space<vmem>>, vector<16xi32>,
            tpu.vector_store %arg14[%swap3A_454], %add3A_453 {strides = array<i32>} : memref<128xi32, #tpu.memory_space<vmem>>, vector<16xi32>,
            %add3A_456 = arith.constant 32800 : i32
            %add3A_457 = vector.broadcast %add3A_456 : i32 to vector<16xi32>
            %add3A_458 = arith.addi %iota3A, %add3A_457 : vector<16xi32>
            %swap3A_459 = arith.constant 32 : index
            %swap3A_460 = tpu.vector_load %arg14[%swap3A_459] {strides = array<i32>} : memref<128xi32, #tpu.memory_space<vmem>>, vector<16xi32>,
            tpu.vector_store %arg14[%swap3A_459], %add3A_458 {strides = array<i32>} : memref<128xi32, #tpu.memory_space<vmem>>, vector<16xi32>,
            %add3A_461 = arith.constant 32816 : i32
            %add3A_462 = vector.broadcast %add3A_461 : i32 to vector<16xi32>
            %add3A_463 = arith.addi %iota3A, %add3A_462 : vector<16xi32>
            %swap3A_464 = arith.constant 48 : index
            %swap3A_465 = tpu.vector_load %arg14[%swap3A_464] {strides = array<i32>} : memref<128xi32, #tpu.memory_space<vmem>>, vector<16xi32>,
            tpu.vector_store %arg14[%swap3A_464], %add3A_463 {strides = array<i32>} : memref<128xi32, #tpu.memory_space<vmem>>, vector<16xi32>,
            %add3A_466 = arith.constant 32832 : i32
            %add3A_467 = vector.broadcast %add3A_466 : i32 to vector<16xi32>
            %add3A_468 = arith.addi %iota3A, %add3A_467 : vector<16xi32>
            %swap3A_469 = arith.constant 64 : index
            %swap3A_470 = tpu.vector_load %arg14[%swap3A_469] {strides = array<i32>} : memref<128xi32, #tpu.memory_space<vmem>>, vector<16xi32>,
            tpu.vector_store %arg14[%swap3A_469], %add3A_468 {strides = array<i32>} : memref<128xi32, #tpu.memory_space<vmem>>, vector<16xi32>,
            %add3A_471 = arith.constant 32848 : i32
            %add3A_472 = vector.broadcast %add3A_471 : i32 to vector<16xi32>
            %add3A_473 = arith.addi %iota3A, %add3A_472 : vector<16xi32>
            %swap3A_474 = arith.constant 80 : index
            %swap3A_475 = tpu.vector_load %arg14[%swap3A_474] {strides = array<i32>} : memref<128xi32, #tpu.memory_space<vmem>>, vector<16xi32>,
            tpu.vector_store %arg14[%swap3A_474], %add3A_473 {strides = array<i32>} : memref<128xi32, #tpu.memory_space<vmem>>, vector<16xi32>,
            %add3A_476 = arith.constant 32864 : i32
            %add3A_477 = vector.broadcast %add3A_476 : i32 to vector<16xi32>
            %add3A_478 = arith.addi %iota3A, %add3A_477 : vector<16xi32>
            %swap3A_479 = arith.constant 96 : index
            %swap3A_480 = tpu.vector_load %arg14[%swap3A_479] {strides = array<i32>} : memref<128xi32, #tpu.memory_space<vmem>>, vector<16xi32>,
            tpu.vector_store %arg14[%swap3A_479], %add3A_478 {strides = array<i32>} : memref<128xi32, #tpu.memory_space<vmem>>, vector<16xi32>,
            %add3A_481 = arith.constant 32880 : i32
            %add3A_482 = vector.broadcast %add3A_481 : i32 to vector<16xi32>
            %add3A_483 = arith.addi %iota3A, %add3A_482 : vector<16xi32>
            %swap3A_484 = arith.constant 112 : index
            %swap3A_485 = tpu.vector_load %arg14[%swap3A_484] {strides = array<i32>} : memref<128xi32, #tpu.memory_space<vmem>>, vector<16xi32>,
            tpu.vector_store %arg14[%swap3A_484], %add3A_483 {strides = array<i32>} : memref<128xi32, #tpu.memory_space<vmem>>, vector<16xi32>,
            %cond3A_486 = arith.constant 0 : i32
            scf.yield %cond3A_486 : i32
          } else {
            scf.yield %while3A_220 : i32
          }
          %mul3A_228 = arith.constant 16 : i32
          %mul3A_229 = arith.muli %while3A_219, %mul3A_228 : i32
          %multiple_of3A_230 = tpu.assume_multiple %mul3A_229, 16 : i32
          %get3A = arith.index_cast %multiple_of3A_230 : i32 to index
          %get3A_231 = tpu.vector_load %arg9[%get3A] {strides = array<i32>} : memref<4096xi32, #tpu.memory_space<vmem>>, vector<16xi32>,
          %get3A_232 = arith.index_cast %multiple_of3A_230 : i32 to index
          %get3A_233 = tpu.vector_load %arg10[%get3A_232] {strides = array<i32>} : memref<4096xi32, #tpu.memory_space<vmem>>, vector<16xi32>,
          %mul3A_234 = arith.constant 16 : i32
          %mul3A_235 = arith.muli %while3A_219, %mul3A_234 : i32
          %add3A_236 = vector.broadcast %mul3A_235 : i32 to vector<16xi32>
          %add3A_237 = arith.addi %iota3A, %add3A_236 : vector<16xi32>
          %lt3A = vector.broadcast %min3A_203 : i32 to vector<16xi32>
          %lt3A_238 = arith.cmpi slt, %add3A_237, %lt3A : vector<16xi32>
          %sub3A = vector.broadcast %select_n3A_137 : i32 to vector<16xi32>
          %sub3A_239 = arith.subi %get3A_231, %sub3A : vector<16xi32>
          %jit3A_240 = arith.constant 0 : i32
          %jit3A_241 = arith.constant 511 : i32
          %max3A = vector.broadcast %jit3A_240 : i32 to vector<16xi32>
          %max3A_242 = arith.maxsi %max3A, %sub3A_239 : vector<16xi32>
          %min3A_243 = vector.broadcast %jit3A_241 : i32 to vector<16xi32>
          %min3A_244 = arith.minsi %min3A_243, %max3A_242 : vector<16xi32>
          %add3A_245 = vector.broadcast %cond3A_227 : i32 to vector<16xi32>
          %add3A_246 = arith.addi %add3A_245, %iota3A : vector<16xi32>
          %swap3A_247 = arith.index_cast %cond3A_227 : i32 to index
          %swap3A_248 = tpu.vector_load %arg14[%swap3A_247] masked %lt3A_238 {strides = array<i32>} : memref<128xi32, #tpu.memory_space<vmem>>, vector<16xi32>, vector<16xi1>
          tpu.vector_store %arg14[%swap3A_247], %get3A_233 masked %lt3A_238 {strides = array<i32>} : memref<128xi32, #tpu.memory_space<vmem>>, vector<16xi32>, vector<16xi1>
          %broadcast_in_dim3A = arith.constant 0 : i32
          %broadcast_in_dim3A_249 = vector.broadcast %broadcast_in_dim3A : i32 to vector<16xi32>
          %gather3A = tpu.vector_load_idx %arg11[%broadcast_in_dim3A_249, %min3A_244] masked %lt3A_238 : memref<64x512xf32, #tpu.memory_space<vmem>>[vector<16xi32>, vector<16xi32>], vector<16xf32>, vector<16xi1>
          tpu.vector_store_idx %arg13[%add3A_246, %broadcast_in_dim3A_249], %gather3A masked %lt3A_238 : memref<128x128xf32, #tpu.memory_space<vmem>>[vector<16xi32>, vector<16xi32>], vector<16xf32>, vector<16xi1>
          %broadcast_in_dim3A_250 = arith.constant 1 : i32
          %broadcast_in_dim3A_251 = vector.broadcast %broadcast_in_dim3A_250 : i32 to vector<16xi32>
          %gather3A_252 = tpu.vector_load_idx %arg11[%broadcast_in_dim3A_251, %min3A_244] masked %lt3A_238 : memref<64x512xf32, #tpu.memory_space<vmem>>[vector<16xi32>, vector<16xi32>], vector<16xf32>, vector<16xi1>
          tpu.vector_store_idx %arg13[%add3A_246, %broadcast_in_dim3A_251], %gather3A_252 masked %lt3A_238 : memref<128x128xf32, #tpu.memory_space<vmem>>[vector<16xi32>, vector<16xi32>], vector<16xf32>, vector<16xi1>
          %broadcast_in_dim3A_253 = arith.constant 2 : i32
          %broadcast_in_dim3A_254 = vector.broadcast %broadcast_in_dim3A_253 : i32 to vector<16xi32>
          %gather3A_255 = tpu.vector_load_idx %arg11[%broadcast_in_dim3A_254, %min3A_244] masked %lt3A_238 : memref<64x512xf32, #tpu.memory_space<vmem>>[vector<16xi32>, vector<16xi32>], vector<16xf32>, vector<16xi1>
          tpu.vector_store_idx %arg13[%add3A_246, %broadcast_in_dim3A_254], %gather3A_255 masked %lt3A_238 : memref<128x128xf32, #tpu.memory_space<vmem>>[vector<16xi32>, vector<16xi32>], vector<16xf32>, vector<16xi1>
          %broadcast_in_dim3A_256 = arith.constant 3 : i32
          %broadcast_in_dim3A_257 = vector.broadcast %broadcast_in_dim3A_256 : i32 to vector<16xi32>
          %gather3A_258 = tpu.vector_load_idx %arg11[%broadcast_in_dim3A_257, %min3A_244] masked %lt3A_238 : memref<64x512xf32, #tpu.memory_space<vmem>>[vector<16xi32>, vector<16xi32>], vector<16xf32>, vector<16xi1>
          tpu.vector_store_idx %arg13[%add3A_246, %broadcast_in_dim3A_257], %gather3A_258 masked %lt3A_238 : memref<128x128xf32, #tpu.memory_space<vmem>>[vector<16xi32>, vector<16xi32>], vector<16xf32>, vector<16xi1>
          %broadcast_in_dim3A_259 = arith.constant 4 : i32
          %broadcast_in_dim3A_260 = vector.broadcast %broadcast_in_dim3A_259 : i32 to vector<16xi32>
          %gather3A_261 = tpu.vector_load_idx %arg11[%broadcast_in_dim3A_260, %min3A_244] masked %lt3A_238 : memref<64x512xf32, #tpu.memory_space<vmem>>[vector<16xi32>, vector<16xi32>], vector<16xf32>, vector<16xi1>
          tpu.vector_store_idx %arg13[%add3A_246, %broadcast_in_dim3A_260], %gather3A_261 masked %lt3A_238 : memref<128x128xf32, #tpu.memory_space<vmem>>[vector<16xi32>, vector<16xi32>], vector<16xf32>, vector<16xi1>
          %broadcast_in_dim3A_262 = arith.constant 5 : i32
          %broadcast_in_dim3A_263 = vector.broadcast %broadcast_in_dim3A_262 : i32 to vector<16xi32>
          %gather3A_264 = tpu.vector_load_idx %arg11[%broadcast_in_dim3A_263, %min3A_244] masked %lt3A_238 : memref<64x512xf32, #tpu.memory_space<vmem>>[vector<16xi32>, vector<16xi32>], vector<16xf32>, vector<16xi1>
          tpu.vector_store_idx %arg13[%add3A_246, %broadcast_in_dim3A_263], %gather3A_264 masked %lt3A_238 : memref<128x128xf32, #tpu.memory_space<vmem>>[vector<16xi32>, vector<16xi32>], vector<16xf32>, vector<16xi1>
          %broadcast_in_dim3A_265 = arith.constant 6 : i32
          %broadcast_in_dim3A_266 = vector.broadcast %broadcast_in_dim3A_265 : i32 to vector<16xi32>
          %gather3A_267 = tpu.vector_load_idx %arg11[%broadcast_in_dim3A_266, %min3A_244] masked %lt3A_238 : memref<64x512xf32, #tpu.memory_space<vmem>>[vector<16xi32>, vector<16xi32>], vector<16xf32>, vector<16xi1>
          tpu.vector_store_idx %arg13[%add3A_246, %broadcast_in_dim3A_266], %gather3A_267 masked %lt3A_238 : memref<128x128xf32, #tpu.memory_space<vmem>>[vector<16xi32>, vector<16xi32>], vector<16xf32>, vector<16xi1>
          %broadcast_in_dim3A_268 = arith.constant 7 : i32
          %broadcast_in_dim3A_269 = vector.broadcast %broadcast_in_dim3A_268 : i32 to vector<16xi32>
          %gather3A_270 = tpu.vector_load_idx %arg11[%broadcast_in_dim3A_269, %min3A_244] masked %lt3A_238 : memref<64x512xf32, #tpu.memory_space<vmem>>[vector<16xi32>, vector<16xi32>], vector<16xf32>, vector<16xi1>
          tpu.vector_store_idx %arg13[%add3A_246, %broadcast_in_dim3A_269], %gather3A_270 masked %lt3A_238 : memref<128x128xf32, #tpu.memory_space<vmem>>[vector<16xi32>, vector<16xi32>], vector<16xf32>, vector<16xi1>
          %broadcast_in_dim3A_271 = arith.constant 8 : i32
          %broadcast_in_dim3A_272 = vector.broadcast %broadcast_in_dim3A_271 : i32 to vector<16xi32>
          %gather3A_273 = tpu.vector_load_idx %arg11[%broadcast_in_dim3A_272, %min3A_244] masked %lt3A_238 : memref<64x512xf32, #tpu.memory_space<vmem>>[vector<16xi32>, vector<16xi32>], vector<16xf32>, vector<16xi1>
          tpu.vector_store_idx %arg13[%add3A_246, %broadcast_in_dim3A_272], %gather3A_273 masked %lt3A_238 : memref<128x128xf32, #tpu.memory_space<vmem>>[vector<16xi32>, vector<16xi32>], vector<16xf32>, vector<16xi1>
          %broadcast_in_dim3A_274 = arith.constant 9 : i32
          %broadcast_in_dim3A_275 = vector.broadcast %broadcast_in_dim3A_274 : i32 to vector<16xi32>
          %gather3A_276 = tpu.vector_load_idx %arg11[%broadcast_in_dim3A_275, %min3A_244] masked %lt3A_238 : memref<64x512xf32, #tpu.memory_space<vmem>>[vector<16xi32>, vector<16xi32>], vector<16xf32>, vector<16xi1>
          tpu.vector_store_idx %arg13[%add3A_246, %broadcast_in_dim3A_275], %gather3A_276 masked %lt3A_238 : memref<128x128xf32, #tpu.memory_space<vmem>>[vector<16xi32>, vector<16xi32>], vector<16xf32>, vector<16xi1>
          %broadcast_in_dim3A_277 = arith.constant 10 : i32
          %broadcast_in_dim3A_278 = vector.broadcast %broadcast_in_dim3A_277 : i32 to vector<16xi32>
          %gather3A_279 = tpu.vector_load_idx %arg11[%broadcast_in_dim3A_278, %min3A_244] masked %lt3A_238 : memref<64x512xf32, #tpu.memory_space<vmem>>[vector<16xi32>, vector<16xi32>], vector<16xf32>, vector<16xi1>
          tpu.vector_store_idx %arg13[%add3A_246, %broadcast_in_dim3A_278], %gather3A_279 masked %lt3A_238 : memref<128x128xf32, #tpu.memory_space<vmem>>[vector<16xi32>, vector<16xi32>], vector<16xf32>, vector<16xi1>
          %broadcast_in_dim3A_280 = arith.constant 11 : i32
          %broadcast_in_dim3A_281 = vector.broadcast %broadcast_in_dim3A_280 : i32 to vector<16xi32>
          %gather3A_282 = tpu.vector_load_idx %arg11[%broadcast_in_dim3A_281, %min3A_244] masked %lt3A_238 : memref<64x512xf32, #tpu.memory_space<vmem>>[vector<16xi32>, vector<16xi32>], vector<16xf32>, vector<16xi1>
          tpu.vector_store_idx %arg13[%add3A_246, %broadcast_in_dim3A_281], %gather3A_282 masked %lt3A_238 : memref<128x128xf32, #tpu.memory_space<vmem>>[vector<16xi32>, vector<16xi32>], vector<16xf32>, vector<16xi1>
          %broadcast_in_dim3A_283 = arith.constant 12 : i32
          %broadcast_in_dim3A_284 = vector.broadcast %broadcast_in_dim3A_283 : i32 to vector<16xi32>
          %gather3A_285 = tpu.vector_load_idx %arg11[%broadcast_in_dim3A_284, %min3A_244] masked %lt3A_238 : memref<64x512xf32, #tpu.memory_space<vmem>>[vector<16xi32>, vector<16xi32>], vector<16xf32>, vector<16xi1>
          tpu.vector_store_idx %arg13[%add3A_246, %broadcast_in_dim3A_284], %gather3A_285 masked %lt3A_238 : memref<128x128xf32, #tpu.memory_space<vmem>>[vector<16xi32>, vector<16xi32>], vector<16xf32>, vector<16xi1>
          %broadcast_in_dim3A_286 = arith.constant 13 : i32
          %broadcast_in_dim3A_287 = vector.broadcast %broadcast_in_dim3A_286 : i32 to vector<16xi32>
          %gather3A_288 = tpu.vector_load_idx %arg11[%broadcast_in_dim3A_287, %min3A_244] masked %lt3A_238 : memref<64x512xf32, #tpu.memory_space<vmem>>[vector<16xi32>, vector<16xi32>], vector<16xf32>, vector<16xi1>
          tpu.vector_store_idx %arg13[%add3A_246, %broadcast_in_dim3A_287], %gather3A_288 masked %lt3A_238 : memref<128x128xf32, #tpu.memory_space<vmem>>[vector<16xi32>, vector<16xi32>], vector<16xf32>, vector<16xi1>
          %broadcast_in_dim3A_289 = arith.constant 14 : i32
          %broadcast_in_dim3A_290 = vector.broadcast %broadcast_in_dim3A_289 : i32 to vector<16xi32>
          %gather3A_291 = tpu.vector_load_idx %arg11[%broadcast_in_dim3A_290, %min3A_244] masked %lt3A_238 : memref<64x512xf32, #tpu.memory_space<vmem>>[vector<16xi32>, vector<16xi32>], vector<16xf32>, vector<16xi1>
          tpu.vector_store_idx %arg13[%add3A_246, %broadcast_in_dim3A_290], %gather3A_291 masked %lt3A_238 : memref<128x128xf32, #tpu.memory_space<vmem>>[vector<16xi32>, vector<16xi32>], vector<16xf32>, vector<16xi1>
          %broadcast_in_dim3A_292 = arith.constant 15 : i32
          %broadcast_in_dim3A_293 = vector.broadcast %broadcast_in_dim3A_292 : i32 to vector<16xi32>
          %gather3A_294 = tpu.vector_load_idx %arg11[%broadcast_in_dim3A_293, %min3A_244] masked %lt3A_238 : memref<64x512xf32, #tpu.memory_space<vmem>>[vector<16xi32>, vector<16xi32>], vector<16xf32>, vector<16xi1>
          tpu.vector_store_idx %arg13[%add3A_246, %broadcast_in_dim3A_293], %gather3A_294 masked %lt3A_238 : memref<128x128xf32, #tpu.memory_space<vmem>>[vector<16xi32>, vector<16xi32>], vector<16xf32>, vector<16xi1>
          %broadcast_in_dim3A_295 = arith.constant 16 : i32
          %broadcast_in_dim3A_296 = vector.broadcast %broadcast_in_dim3A_295 : i32 to vector<16xi32>
          %gather3A_297 = tpu.vector_load_idx %arg11[%broadcast_in_dim3A_296, %min3A_244] masked %lt3A_238 : memref<64x512xf32, #tpu.memory_space<vmem>>[vector<16xi32>, vector<16xi32>], vector<16xf32>, vector<16xi1>
          tpu.vector_store_idx %arg13[%add3A_246, %broadcast_in_dim3A_296], %gather3A_297 masked %lt3A_238 : memref<128x128xf32, #tpu.memory_space<vmem>>[vector<16xi32>, vector<16xi32>], vector<16xf32>, vector<16xi1>
          %broadcast_in_dim3A_298 = arith.constant 17 : i32
          %broadcast_in_dim3A_299 = vector.broadcast %broadcast_in_dim3A_298 : i32 to vector<16xi32>
          %gather3A_300 = tpu.vector_load_idx %arg11[%broadcast_in_dim3A_299, %min3A_244] masked %lt3A_238 : memref<64x512xf32, #tpu.memory_space<vmem>>[vector<16xi32>, vector<16xi32>], vector<16xf32>, vector<16xi1>
          tpu.vector_store_idx %arg13[%add3A_246, %broadcast_in_dim3A_299], %gather3A_300 masked %lt3A_238 : memref<128x128xf32, #tpu.memory_space<vmem>>[vector<16xi32>, vector<16xi32>], vector<16xf32>, vector<16xi1>
          %broadcast_in_dim3A_301 = arith.constant 18 : i32
          %broadcast_in_dim3A_302 = vector.broadcast %broadcast_in_dim3A_301 : i32 to vector<16xi32>
          %gather3A_303 = tpu.vector_load_idx %arg11[%broadcast_in_dim3A_302, %min3A_244] masked %lt3A_238 : memref<64x512xf32, #tpu.memory_space<vmem>>[vector<16xi32>, vector<16xi32>], vector<16xf32>, vector<16xi1>
          tpu.vector_store_idx %arg13[%add3A_246, %broadcast_in_dim3A_302], %gather3A_303 masked %lt3A_238 : memref<128x128xf32, #tpu.memory_space<vmem>>[vector<16xi32>, vector<16xi32>], vector<16xf32>, vector<16xi1>
          %broadcast_in_dim3A_304 = arith.constant 19 : i32
          %broadcast_in_dim3A_305 = vector.broadcast %broadcast_in_dim3A_304 : i32 to vector<16xi32>
          %gather3A_306 = tpu.vector_load_idx %arg11[%broadcast_in_dim3A_305, %min3A_244] masked %lt3A_238 : memref<64x512xf32, #tpu.memory_space<vmem>>[vector<16xi32>, vector<16xi32>], vector<16xf32>, vector<16xi1>
          tpu.vector_store_idx %arg13[%add3A_246, %broadcast_in_dim3A_305], %gather3A_306 masked %lt3A_238 : memref<128x128xf32, #tpu.memory_space<vmem>>[vector<16xi32>, vector<16xi32>], vector<16xf32>, vector<16xi1>
          %broadcast_in_dim3A_307 = arith.constant 20 : i32
          %broadcast_in_dim3A_308 = vector.broadcast %broadcast_in_dim3A_307 : i32 to vector<16xi32>
          %gather3A_309 = tpu.vector_load_idx %arg11[%broadcast_in_dim3A_308, %min3A_244] masked %lt3A_238 : memref<64x512xf32, #tpu.memory_space<vmem>>[vector<16xi32>, vector<16xi32>], vector<16xf32>, vector<16xi1>
          tpu.vector_store_idx %arg13[%add3A_246, %broadcast_in_dim3A_308], %gather3A_309 masked %lt3A_238 : memref<128x128xf32, #tpu.memory_space<vmem>>[vector<16xi32>, vector<16xi32>], vector<16xf32>, vector<16xi1>
          %broadcast_in_dim3A_310 = arith.constant 21 : i32
          %broadcast_in_dim3A_311 = vector.broadcast %broadcast_in_dim3A_310 : i32 to vector<16xi32>
          %gather3A_312 = tpu.vector_load_idx %arg11[%broadcast_in_dim3A_311, %min3A_244] masked %lt3A_238 : memref<64x512xf32, #tpu.memory_space<vmem>>[vector<16xi32>, vector<16xi32>], vector<16xf32>, vector<16xi1>
          tpu.vector_store_idx %arg13[%add3A_246, %broadcast_in_dim3A_311], %gather3A_312 masked %lt3A_238 : memref<128x128xf32, #tpu.memory_space<vmem>>[vector<16xi32>, vector<16xi32>], vector<16xf32>, vector<16xi1>
          %broadcast_in_dim3A_313 = arith.constant 22 : i32
          %broadcast_in_dim3A_314 = vector.broadcast %broadcast_in_dim3A_313 : i32 to vector<16xi32>
          %gather3A_315 = tpu.vector_load_idx %arg11[%broadcast_in_dim3A_314, %min3A_244] masked %lt3A_238 : memref<64x512xf32, #tpu.memory_space<vmem>>[vector<16xi32>, vector<16xi32>], vector<16xf32>, vector<16xi1>
          tpu.vector_store_idx %arg13[%add3A_246, %broadcast_in_dim3A_314], %gather3A_315 masked %lt3A_238 : memref<128x128xf32, #tpu.memory_space<vmem>>[vector<16xi32>, vector<16xi32>], vector<16xf32>, vector<16xi1>
          %broadcast_in_dim3A_316 = arith.constant 23 : i32
          %broadcast_in_dim3A_317 = vector.broadcast %broadcast_in_dim3A_316 : i32 to vector<16xi32>
          %gather3A_318 = tpu.vector_load_idx %arg11[%broadcast_in_dim3A_317, %min3A_244] masked %lt3A_238 : memref<64x512xf32, #tpu.memory_space<vmem>>[vector<16xi32>, vector<16xi32>], vector<16xf32>, vector<16xi1>
          tpu.vector_store_idx %arg13[%add3A_246, %broadcast_in_dim3A_317], %gather3A_318 masked %lt3A_238 : memref<128x128xf32, #tpu.memory_space<vmem>>[vector<16xi32>, vector<16xi32>], vector<16xf32>, vector<16xi1>
          %broadcast_in_dim3A_319 = arith.constant 24 : i32
          %broadcast_in_dim3A_320 = vector.broadcast %broadcast_in_dim3A_319 : i32 to vector<16xi32>
          %gather3A_321 = tpu.vector_load_idx %arg11[%broadcast_in_dim3A_320, %min3A_244] masked %lt3A_238 : memref<64x512xf32, #tpu.memory_space<vmem>>[vector<16xi32>, vector<16xi32>], vector<16xf32>, vector<16xi1>
          tpu.vector_store_idx %arg13[%add3A_246, %broadcast_in_dim3A_320], %gather3A_321 masked %lt3A_238 : memref<128x128xf32, #tpu.memory_space<vmem>>[vector<16xi32>, vector<16xi32>], vector<16xf32>, vector<16xi1>
          %broadcast_in_dim3A_322 = arith.constant 25 : i32
          %broadcast_in_dim3A_323 = vector.broadcast %broadcast_in_dim3A_322 : i32 to vector<16xi32>
          %gather3A_324 = tpu.vector_load_idx %arg11[%broadcast_in_dim3A_323, %min3A_244] masked %lt3A_238 : memref<64x512xf32, #tpu.memory_space<vmem>>[vector<16xi32>, vector<16xi32>], vector<16xf32>, vector<16xi1>
          tpu.vector_store_idx %arg13[%add3A_246, %broadcast_in_dim3A_323], %gather3A_324 masked %lt3A_238 : memref<128x128xf32, #tpu.memory_space<vmem>>[vector<16xi32>, vector<16xi32>], vector<16xf32>, vector<16xi1>
          %broadcast_in_dim3A_325 = arith.constant 26 : i32
          %broadcast_in_dim3A_326 = vector.broadcast %broadcast_in_dim3A_325 : i32 to vector<16xi32>
          %gather3A_327 = tpu.vector_load_idx %arg11[%broadcast_in_dim3A_326, %min3A_244] masked %lt3A_238 : memref<64x512xf32, #tpu.memory_space<vmem>>[vector<16xi32>, vector<16xi32>], vector<16xf32>, vector<16xi1>
          tpu.vector_store_idx %arg13[%add3A_246, %broadcast_in_dim3A_326], %gather3A_327 masked %lt3A_238 : memref<128x128xf32, #tpu.memory_space<vmem>>[vector<16xi32>, vector<16xi32>], vector<16xf32>, vector<16xi1>
          %broadcast_in_dim3A_328 = arith.constant 27 : i32
          %broadcast_in_dim3A_329 = vector.broadcast %broadcast_in_dim3A_328 : i32 to vector<16xi32>
          %gather3A_330 = tpu.vector_load_idx %arg11[%broadcast_in_dim3A_329, %min3A_244] masked %lt3A_238 : memref<64x512xf32, #tpu.memory_space<vmem>>[vector<16xi32>, vector<16xi32>], vector<16xf32>, vector<16xi1>
          tpu.vector_store_idx %arg13[%add3A_246, %broadcast_in_dim3A_329], %gather3A_330 masked %lt3A_238 : memref<128x128xf32, #tpu.memory_space<vmem>>[vector<16xi32>, vector<16xi32>], vector<16xf32>, vector<16xi1>
          %broadcast_in_dim3A_331 = arith.constant 28 : i32
          %broadcast_in_dim3A_332 = vector.broadcast %broadcast_in_dim3A_331 : i32 to vector<16xi32>
          %gather3A_333 = tpu.vector_load_idx %arg11[%broadcast_in_dim3A_332, %min3A_244] masked %lt3A_238 : memref<64x512xf32, #tpu.memory_space<vmem>>[vector<16xi32>, vector<16xi32>], vector<16xf32>, vector<16xi1>
          tpu.vector_store_idx %arg13[%add3A_246, %broadcast_in_dim3A_332], %gather3A_333 masked %lt3A_238 : memref<128x128xf32, #tpu.memory_space<vmem>>[vector<16xi32>, vector<16xi32>], vector<16xf32>, vector<16xi1>
          %broadcast_in_dim3A_334 = arith.constant 29 : i32
          %broadcast_in_dim3A_335 = vector.broadcast %broadcast_in_dim3A_334 : i32 to vector<16xi32>
          %gather3A_336 = tpu.vector_load_idx %arg11[%broadcast_in_dim3A_335, %min3A_244] masked %lt3A_238 : memref<64x512xf32, #tpu.memory_space<vmem>>[vector<16xi32>, vector<16xi32>], vector<16xf32>, vector<16xi1>
          tpu.vector_store_idx %arg13[%add3A_246, %broadcast_in_dim3A_335], %gather3A_336 masked %lt3A_238 : memref<128x128xf32, #tpu.memory_space<vmem>>[vector<16xi32>, vector<16xi32>], vector<16xf32>, vector<16xi1>
          %broadcast_in_dim3A_337 = arith.constant 30 : i32
          %broadcast_in_dim3A_338 = vector.broadcast %broadcast_in_dim3A_337 : i32 to vector<16xi32>
          %gather3A_339 = tpu.vector_load_idx %arg11[%broadcast_in_dim3A_338, %min3A_244] masked %lt3A_238 : memref<64x512xf32, #tpu.memory_space<vmem>>[vector<16xi32>, vector<16xi32>], vector<16xf32>, vector<16xi1>
          tpu.vector_store_idx %arg13[%add3A_246, %broadcast_in_dim3A_338], %gather3A_339 masked %lt3A_238 : memref<128x128xf32, #tpu.memory_space<vmem>>[vector<16xi32>, vector<16xi32>], vector<16xf32>, vector<16xi1>
          %broadcast_in_dim3A_340 = arith.constant 31 : i32
          %broadcast_in_dim3A_341 = vector.broadcast %broadcast_in_dim3A_340 : i32 to vector<16xi32>
          %gather3A_342 = tpu.vector_load_idx %arg11[%broadcast_in_dim3A_341, %min3A_244] masked %lt3A_238 : memref<64x512xf32, #tpu.memory_space<vmem>>[vector<16xi32>, vector<16xi32>], vector<16xf32>, vector<16xi1>
          tpu.vector_store_idx %arg13[%add3A_246, %broadcast_in_dim3A_341], %gather3A_342 masked %lt3A_238 : memref<128x128xf32, #tpu.memory_space<vmem>>[vector<16xi32>, vector<16xi32>], vector<16xf32>, vector<16xi1>
          %broadcast_in_dim3A_343 = arith.constant 32 : i32
          %broadcast_in_dim3A_344 = vector.broadcast %broadcast_in_dim3A_343 : i32 to vector<16xi32>
          %gather3A_345 = tpu.vector_load_idx %arg11[%broadcast_in_dim3A_344, %min3A_244] masked %lt3A_238 : memref<64x512xf32, #tpu.memory_space<vmem>>[vector<16xi32>, vector<16xi32>], vector<16xf32>, vector<16xi1>
          tpu.vector_store_idx %arg13[%add3A_246, %broadcast_in_dim3A_344], %gather3A_345 masked %lt3A_238 : memref<128x128xf32, #tpu.memory_space<vmem>>[vector<16xi32>, vector<16xi32>], vector<16xf32>, vector<16xi1>
          %broadcast_in_dim3A_346 = arith.constant 33 : i32
          %broadcast_in_dim3A_347 = vector.broadcast %broadcast_in_dim3A_346 : i32 to vector<16xi32>
          %gather3A_348 = tpu.vector_load_idx %arg11[%broadcast_in_dim3A_347, %min3A_244] masked %lt3A_238 : memref<64x512xf32, #tpu.memory_space<vmem>>[vector<16xi32>, vector<16xi32>], vector<16xf32>, vector<16xi1>
          tpu.vector_store_idx %arg13[%add3A_246, %broadcast_in_dim3A_347], %gather3A_348 masked %lt3A_238 : memref<128x128xf32, #tpu.memory_space<vmem>>[vector<16xi32>, vector<16xi32>], vector<16xf32>, vector<16xi1>
          %broadcast_in_dim3A_349 = arith.constant 34 : i32
          %broadcast_in_dim3A_350 = vector.broadcast %broadcast_in_dim3A_349 : i32 to vector<16xi32>
          %gather3A_351 = tpu.vector_load_idx %arg11[%broadcast_in_dim3A_350, %min3A_244] masked %lt3A_238 : memref<64x512xf32, #tpu.memory_space<vmem>>[vector<16xi32>, vector<16xi32>], vector<16xf32>, vector<16xi1>
          tpu.vector_store_idx %arg13[%add3A_246, %broadcast_in_dim3A_350], %gather3A_351 masked %lt3A_238 : memref<128x128xf32, #tpu.memory_space<vmem>>[vector<16xi32>, vector<16xi32>], vector<16xf32>, vector<16xi1>
          %broadcast_in_dim3A_352 = arith.constant 35 : i32
          %broadcast_in_dim3A_353 = vector.broadcast %broadcast_in_dim3A_352 : i32 to vector<16xi32>
          %gather3A_354 = tpu.vector_load_idx %arg11[%broadcast_in_dim3A_353, %min3A_244] masked %lt3A_238 : memref<64x512xf32, #tpu.memory_space<vmem>>[vector<16xi32>, vector<16xi32>], vector<16xf32>, vector<16xi1>
          tpu.vector_store_idx %arg13[%add3A_246, %broadcast_in_dim3A_353], %gather3A_354 masked %lt3A_238 : memref<128x128xf32, #tpu.memory_space<vmem>>[vector<16xi32>, vector<16xi32>], vector<16xf32>, vector<16xi1>
          %broadcast_in_dim3A_355 = arith.constant 36 : i32
          %broadcast_in_dim3A_356 = vector.broadcast %broadcast_in_dim3A_355 : i32 to vector<16xi32>
          %gather3A_357 = tpu.vector_load_idx %arg11[%broadcast_in_dim3A_356, %min3A_244] masked %lt3A_238 : memref<64x512xf32, #tpu.memory_space<vmem>>[vector<16xi32>, vector<16xi32>], vector<16xf32>, vector<16xi1>
          tpu.vector_store_idx %arg13[%add3A_246, %broadcast_in_dim3A_356], %gather3A_357 masked %lt3A_238 : memref<128x128xf32, #tpu.memory_space<vmem>>[vector<16xi32>, vector<16xi32>], vector<16xf32>, vector<16xi1>
          %broadcast_in_dim3A_358 = arith.constant 37 : i32
          %broadcast_in_dim3A_359 = vector.broadcast %broadcast_in_dim3A_358 : i32 to vector<16xi32>
          %gather3A_360 = tpu.vector_load_idx %arg11[%broadcast_in_dim3A_359, %min3A_244] masked %lt3A_238 : memref<64x512xf32, #tpu.memory_space<vmem>>[vector<16xi32>, vector<16xi32>], vector<16xf32>, vector<16xi1>
          tpu.vector_store_idx %arg13[%add3A_246, %broadcast_in_dim3A_359], %gather3A_360 masked %lt3A_238 : memref<128x128xf32, #tpu.memory_space<vmem>>[vector<16xi32>, vector<16xi32>], vector<16xf32>, vector<16xi1>
          %broadcast_in_dim3A_361 = arith.constant 38 : i32
          %broadcast_in_dim3A_362 = vector.broadcast %broadcast_in_dim3A_361 : i32 to vector<16xi32>
          %gather3A_363 = tpu.vector_load_idx %arg11[%broadcast_in_dim3A_362, %min3A_244] masked %lt3A_238 : memref<64x512xf32, #tpu.memory_space<vmem>>[vector<16xi32>, vector<16xi32>], vector<16xf32>, vector<16xi1>
          tpu.vector_store_idx %arg13[%add3A_246, %broadcast_in_dim3A_362], %gather3A_363 masked %lt3A_238 : memref<128x128xf32, #tpu.memory_space<vmem>>[vector<16xi32>, vector<16xi32>], vector<16xf32>, vector<16xi1>
          %broadcast_in_dim3A_364 = arith.constant 39 : i32
          %broadcast_in_dim3A_365 = vector.broadcast %broadcast_in_dim3A_364 : i32 to vector<16xi32>
          %gather3A_366 = tpu.vector_load_idx %arg11[%broadcast_in_dim3A_365, %min3A_244] masked %lt3A_238 : memref<64x512xf32, #tpu.memory_space<vmem>>[vector<16xi32>, vector<16xi32>], vector<16xf32>, vector<16xi1>
          tpu.vector_store_idx %arg13[%add3A_246, %broadcast_in_dim3A_365], %gather3A_366 masked %lt3A_238 : memref<128x128xf32, #tpu.memory_space<vmem>>[vector<16xi32>, vector<16xi32>], vector<16xf32>, vector<16xi1>
          %broadcast_in_dim3A_367 = arith.constant 40 : i32
          %broadcast_in_dim3A_368 = vector.broadcast %broadcast_in_dim3A_367 : i32 to vector<16xi32>
          %gather3A_369 = tpu.vector_load_idx %arg11[%broadcast_in_dim3A_368, %min3A_244] masked %lt3A_238 : memref<64x512xf32, #tpu.memory_space<vmem>>[vector<16xi32>, vector<16xi32>], vector<16xf32>, vector<16xi1>
          tpu.vector_store_idx %arg13[%add3A_246, %broadcast_in_dim3A_368], %gather3A_369 masked %lt3A_238 : memref<128x128xf32, #tpu.memory_space<vmem>>[vector<16xi32>, vector<16xi32>], vector<16xf32>, vector<16xi1>
          %broadcast_in_dim3A_370 = arith.constant 41 : i32
          %broadcast_in_dim3A_371 = vector.broadcast %broadcast_in_dim3A_370 : i32 to vector<16xi32>
          %gather3A_372 = tpu.vector_load_idx %arg11[%broadcast_in_dim3A_371, %min3A_244] masked %lt3A_238 : memref<64x512xf32, #tpu.memory_space<vmem>>[vector<16xi32>, vector<16xi32>], vector<16xf32>, vector<16xi1>
          tpu.vector_store_idx %arg13[%add3A_246, %broadcast_in_dim3A_371], %gather3A_372 masked %lt3A_238 : memref<128x128xf32, #tpu.memory_space<vmem>>[vector<16xi32>, vector<16xi32>], vector<16xf32>, vector<16xi1>
          %broadcast_in_dim3A_373 = arith.constant 42 : i32
          %broadcast_in_dim3A_374 = vector.broadcast %broadcast_in_dim3A_373 : i32 to vector<16xi32>
          %gather3A_375 = tpu.vector_load_idx %arg11[%broadcast_in_dim3A_374, %min3A_244] masked %lt3A_238 : memref<64x512xf32, #tpu.memory_space<vmem>>[vector<16xi32>, vector<16xi32>], vector<16xf32>, vector<16xi1>
          tpu.vector_store_idx %arg13[%add3A_246, %broadcast_in_dim3A_374], %gather3A_375 masked %lt3A_238 : memref<128x128xf32, #tpu.memory_space<vmem>>[vector<16xi32>, vector<16xi32>], vector<16xf32>, vector<16xi1>
          %broadcast_in_dim3A_376 = arith.constant 43 : i32
          %broadcast_in_dim3A_377 = vector.broadcast %broadcast_in_dim3A_376 : i32 to vector<16xi32>
          %gather3A_378 = tpu.vector_load_idx %arg11[%broadcast_in_dim3A_377, %min3A_244] masked %lt3A_238 : memref<64x512xf32, #tpu.memory_space<vmem>>[vector<16xi32>, vector<16xi32>], vector<16xf32>, vector<16xi1>
          tpu.vector_store_idx %arg13[%add3A_246, %broadcast_in_dim3A_377], %gather3A_378 masked %lt3A_238 : memref<128x128xf32, #tpu.memory_space<vmem>>[vector<16xi32>, vector<16xi32>], vector<16xf32>, vector<16xi1>
          %broadcast_in_dim3A_379 = arith.constant 44 : i32
          %broadcast_in_dim3A_380 = vector.broadcast %broadcast_in_dim3A_379 : i32 to vector<16xi32>
          %gather3A_381 = tpu.vector_load_idx %arg11[%broadcast_in_dim3A_380, %min3A_244] masked %lt3A_238 : memref<64x512xf32, #tpu.memory_space<vmem>>[vector<16xi32>, vector<16xi32>], vector<16xf32>, vector<16xi1>
          tpu.vector_store_idx %arg13[%add3A_246, %broadcast_in_dim3A_380], %gather3A_381 masked %lt3A_238 : memref<128x128xf32, #tpu.memory_space<vmem>>[vector<16xi32>, vector<16xi32>], vector<16xf32>, vector<16xi1>
          %broadcast_in_dim3A_382 = arith.constant 45 : i32
          %broadcast_in_dim3A_383 = vector.broadcast %broadcast_in_dim3A_382 : i32 to vector<16xi32>
          %gather3A_384 = tpu.vector_load_idx %arg11[%broadcast_in_dim3A_383, %min3A_244] masked %lt3A_238 : memref<64x512xf32, #tpu.memory_space<vmem>>[vector<16xi32>, vector<16xi32>], vector<16xf32>, vector<16xi1>
          tpu.vector_store_idx %arg13[%add3A_246, %broadcast_in_dim3A_383], %gather3A_384 masked %lt3A_238 : memref<128x128xf32, #tpu.memory_space<vmem>>[vector<16xi32>, vector<16xi32>], vector<16xf32>, vector<16xi1>
          %broadcast_in_dim3A_385 = arith.constant 46 : i32
          %broadcast_in_dim3A_386 = vector.broadcast %broadcast_in_dim3A_385 : i32 to vector<16xi32>
          %gather3A_387 = tpu.vector_load_idx %arg11[%broadcast_in_dim3A_386, %min3A_244] masked %lt3A_238 : memref<64x512xf32, #tpu.memory_space<vmem>>[vector<16xi32>, vector<16xi32>], vector<16xf32>, vector<16xi1>
          tpu.vector_store_idx %arg13[%add3A_246, %broadcast_in_dim3A_386], %gather3A_387 masked %lt3A_238 : memref<128x128xf32, #tpu.memory_space<vmem>>[vector<16xi32>, vector<16xi32>], vector<16xf32>, vector<16xi1>
          %broadcast_in_dim3A_388 = arith.constant 47 : i32
          %broadcast_in_dim3A_389 = vector.broadcast %broadcast_in_dim3A_388 : i32 to vector<16xi32>
          %gather3A_390 = tpu.vector_load_idx %arg11[%broadcast_in_dim3A_389, %min3A_244] masked %lt3A_238 : memref<64x512xf32, #tpu.memory_space<vmem>>[vector<16xi32>, vector<16xi32>], vector<16xf32>, vector<16xi1>
          tpu.vector_store_idx %arg13[%add3A_246, %broadcast_in_dim3A_389], %gather3A_390 masked %lt3A_238 : memref<128x128xf32, #tpu.memory_space<vmem>>[vector<16xi32>, vector<16xi32>], vector<16xf32>, vector<16xi1>
          %broadcast_in_dim3A_391 = arith.constant 48 : i32
          %broadcast_in_dim3A_392 = vector.broadcast %broadcast_in_dim3A_391 : i32 to vector<16xi32>
          %gather3A_393 = tpu.vector_load_idx %arg11[%broadcast_in_dim3A_392, %min3A_244] masked %lt3A_238 : memref<64x512xf32, #tpu.memory_space<vmem>>[vector<16xi32>, vector<16xi32>], vector<16xf32>, vector<16xi1>
          tpu.vector_store_idx %arg13[%add3A_246, %broadcast_in_dim3A_392], %gather3A_393 masked %lt3A_238 : memref<128x128xf32, #tpu.memory_space<vmem>>[vector<16xi32>, vector<16xi32>], vector<16xf32>, vector<16xi1>
          %broadcast_in_dim3A_394 = arith.constant 49 : i32
          %broadcast_in_dim3A_395 = vector.broadcast %broadcast_in_dim3A_394 : i32 to vector<16xi32>
          %gather3A_396 = tpu.vector_load_idx %arg11[%broadcast_in_dim3A_395, %min3A_244] masked %lt3A_238 : memref<64x512xf32, #tpu.memory_space<vmem>>[vector<16xi32>, vector<16xi32>], vector<16xf32>, vector<16xi1>
          tpu.vector_store_idx %arg13[%add3A_246, %broadcast_in_dim3A_395], %gather3A_396 masked %lt3A_238 : memref<128x128xf32, #tpu.memory_space<vmem>>[vector<16xi32>, vector<16xi32>], vector<16xf32>, vector<16xi1>
          %broadcast_in_dim3A_397 = arith.constant 50 : i32
          %broadcast_in_dim3A_398 = vector.broadcast %broadcast_in_dim3A_397 : i32 to vector<16xi32>
          %gather3A_399 = tpu.vector_load_idx %arg11[%broadcast_in_dim3A_398, %min3A_244] masked %lt3A_238 : memref<64x512xf32, #tpu.memory_space<vmem>>[vector<16xi32>, vector<16xi32>], vector<16xf32>, vector<16xi1>
          tpu.vector_store_idx %arg13[%add3A_246, %broadcast_in_dim3A_398], %gather3A_399 masked %lt3A_238 : memref<128x128xf32, #tpu.memory_space<vmem>>[vector<16xi32>, vector<16xi32>], vector<16xf32>, vector<16xi1>
          %broadcast_in_dim3A_400 = arith.constant 51 : i32
          %broadcast_in_dim3A_401 = vector.broadcast %broadcast_in_dim3A_400 : i32 to vector<16xi32>
          %gather3A_402 = tpu.vector_load_idx %arg11[%broadcast_in_dim3A_401, %min3A_244] masked %lt3A_238 : memref<64x512xf32, #tpu.memory_space<vmem>>[vector<16xi32>, vector<16xi32>], vector<16xf32>, vector<16xi1>
          tpu.vector_store_idx %arg13[%add3A_246, %broadcast_in_dim3A_401], %gather3A_402 masked %lt3A_238 : memref<128x128xf32, #tpu.memory_space<vmem>>[vector<16xi32>, vector<16xi32>], vector<16xf32>, vector<16xi1>
          %broadcast_in_dim3A_403 = arith.constant 52 : i32
          %broadcast_in_dim3A_404 = vector.broadcast %broadcast_in_dim3A_403 : i32 to vector<16xi32>
          %gather3A_405 = tpu.vector_load_idx %arg11[%broadcast_in_dim3A_404, %min3A_244] masked %lt3A_238 : memref<64x512xf32, #tpu.memory_space<vmem>>[vector<16xi32>, vector<16xi32>], vector<16xf32>, vector<16xi1>
          tpu.vector_store_idx %arg13[%add3A_246, %broadcast_in_dim3A_404], %gather3A_405 masked %lt3A_238 : memref<128x128xf32, #tpu.memory_space<vmem>>[vector<16xi32>, vector<16xi32>], vector<16xf32>, vector<16xi1>
          %broadcast_in_dim3A_406 = arith.constant 53 : i32
          %broadcast_in_dim3A_407 = vector.broadcast %broadcast_in_dim3A_406 : i32 to vector<16xi32>
          %gather3A_408 = tpu.vector_load_idx %arg11[%broadcast_in_dim3A_407, %min3A_244] masked %lt3A_238 : memref<64x512xf32, #tpu.memory_space<vmem>>[vector<16xi32>, vector<16xi32>], vector<16xf32>, vector<16xi1>
          tpu.vector_store_idx %arg13[%add3A_246, %broadcast_in_dim3A_407], %gather3A_408 masked %lt3A_238 : memref<128x128xf32, #tpu.memory_space<vmem>>[vector<16xi32>, vector<16xi32>], vector<16xf32>, vector<16xi1>
          %broadcast_in_dim3A_409 = arith.constant 54 : i32
          %broadcast_in_dim3A_410 = vector.broadcast %broadcast_in_dim3A_409 : i32 to vector<16xi32>
          %gather3A_411 = tpu.vector_load_idx %arg11[%broadcast_in_dim3A_410, %min3A_244] masked %lt3A_238 : memref<64x512xf32, #tpu.memory_space<vmem>>[vector<16xi32>, vector<16xi32>], vector<16xf32>, vector<16xi1>
          tpu.vector_store_idx %arg13[%add3A_246, %broadcast_in_dim3A_410], %gather3A_411 masked %lt3A_238 : memref<128x128xf32, #tpu.memory_space<vmem>>[vector<16xi32>, vector<16xi32>], vector<16xf32>, vector<16xi1>
          %broadcast_in_dim3A_412 = arith.constant 55 : i32
          %broadcast_in_dim3A_413 = vector.broadcast %broadcast_in_dim3A_412 : i32 to vector<16xi32>
          %gather3A_414 = tpu.vector_load_idx %arg11[%broadcast_in_dim3A_413, %min3A_244] masked %lt3A_238 : memref<64x512xf32, #tpu.memory_space<vmem>>[vector<16xi32>, vector<16xi32>], vector<16xf32>, vector<16xi1>
          tpu.vector_store_idx %arg13[%add3A_246, %broadcast_in_dim3A_413], %gather3A_414 masked %lt3A_238 : memref<128x128xf32, #tpu.memory_space<vmem>>[vector<16xi32>, vector<16xi32>], vector<16xf32>, vector<16xi1>
          %broadcast_in_dim3A_415 = arith.constant 56 : i32
          %broadcast_in_dim3A_416 = vector.broadcast %broadcast_in_dim3A_415 : i32 to vector<16xi32>
          %gather3A_417 = tpu.vector_load_idx %arg11[%broadcast_in_dim3A_416, %min3A_244] masked %lt3A_238 : memref<64x512xf32, #tpu.memory_space<vmem>>[vector<16xi32>, vector<16xi32>], vector<16xf32>, vector<16xi1>
          tpu.vector_store_idx %arg13[%add3A_246, %broadcast_in_dim3A_416], %gather3A_417 masked %lt3A_238 : memref<128x128xf32, #tpu.memory_space<vmem>>[vector<16xi32>, vector<16xi32>], vector<16xf32>, vector<16xi1>
          %broadcast_in_dim3A_418 = arith.constant 57 : i32
          %broadcast_in_dim3A_419 = vector.broadcast %broadcast_in_dim3A_418 : i32 to vector<16xi32>
          %gather3A_420 = tpu.vector_load_idx %arg11[%broadcast_in_dim3A_419, %min3A_244] masked %lt3A_238 : memref<64x512xf32, #tpu.memory_space<vmem>>[vector<16xi32>, vector<16xi32>], vector<16xf32>, vector<16xi1>
          tpu.vector_store_idx %arg13[%add3A_246, %broadcast_in_dim3A_419], %gather3A_420 masked %lt3A_238 : memref<128x128xf32, #tpu.memory_space<vmem>>[vector<16xi32>, vector<16xi32>], vector<16xf32>, vector<16xi1>
          %broadcast_in_dim3A_421 = arith.constant 58 : i32
          %broadcast_in_dim3A_422 = vector.broadcast %broadcast_in_dim3A_421 : i32 to vector<16xi32>
          %gather3A_423 = tpu.vector_load_idx %arg11[%broadcast_in_dim3A_422, %min3A_244] masked %lt3A_238 : memref<64x512xf32, #tpu.memory_space<vmem>>[vector<16xi32>, vector<16xi32>], vector<16xf32>, vector<16xi1>
          tpu.vector_store_idx %arg13[%add3A_246, %broadcast_in_dim3A_422], %gather3A_423 masked %lt3A_238 : memref<128x128xf32, #tpu.memory_space<vmem>>[vector<16xi32>, vector<16xi32>], vector<16xf32>, vector<16xi1>
          %broadcast_in_dim3A_424 = arith.constant 59 : i32
          %broadcast_in_dim3A_425 = vector.broadcast %broadcast_in_dim3A_424 : i32 to vector<16xi32>
          %gather3A_426 = tpu.vector_load_idx %arg11[%broadcast_in_dim3A_425, %min3A_244] masked %lt3A_238 : memref<64x512xf32, #tpu.memory_space<vmem>>[vector<16xi32>, vector<16xi32>], vector<16xf32>, vector<16xi1>
          tpu.vector_store_idx %arg13[%add3A_246, %broadcast_in_dim3A_425], %gather3A_426 masked %lt3A_238 : memref<128x128xf32, #tpu.memory_space<vmem>>[vector<16xi32>, vector<16xi32>], vector<16xf32>, vector<16xi1>
          %broadcast_in_dim3A_427 = arith.constant 60 : i32
          %broadcast_in_dim3A_428 = vector.broadcast %broadcast_in_dim3A_427 : i32 to vector<16xi32>
          %gather3A_429 = tpu.vector_load_idx %arg11[%broadcast_in_dim3A_428, %min3A_244] masked %lt3A_238 : memref<64x512xf32, #tpu.memory_space<vmem>>[vector<16xi32>, vector<16xi32>], vector<16xf32>, vector<16xi1>
          tpu.vector_store_idx %arg13[%add3A_246, %broadcast_in_dim3A_428], %gather3A_429 masked %lt3A_238 : memref<128x128xf32, #tpu.memory_space<vmem>>[vector<16xi32>, vector<16xi32>], vector<16xf32>, vector<16xi1>
          %broadcast_in_dim3A_430 = arith.constant 61 : i32
          %broadcast_in_dim3A_431 = vector.broadcast %broadcast_in_dim3A_430 : i32 to vector<16xi32>
          %gather3A_432 = tpu.vector_load_idx %arg11[%broadcast_in_dim3A_431, %min3A_244] masked %lt3A_238 : memref<64x512xf32, #tpu.memory_space<vmem>>[vector<16xi32>, vector<16xi32>], vector<16xf32>, vector<16xi1>
          tpu.vector_store_idx %arg13[%add3A_246, %broadcast_in_dim3A_431], %gather3A_432 masked %lt3A_238 : memref<128x128xf32, #tpu.memory_space<vmem>>[vector<16xi32>, vector<16xi32>], vector<16xf32>, vector<16xi1>
          %broadcast_in_dim3A_433 = arith.constant 62 : i32
          %broadcast_in_dim3A_434 = vector.broadcast %broadcast_in_dim3A_433 : i32 to vector<16xi32>
          %gather3A_435 = tpu.vector_load_idx %arg11[%broadcast_in_dim3A_434, %min3A_244] masked %lt3A_238 : memref<64x512xf32, #tpu.memory_space<vmem>>[vector<16xi32>, vector<16xi32>], vector<16xf32>, vector<16xi1>
          tpu.vector_store_idx %arg13[%add3A_246, %broadcast_in_dim3A_434], %gather3A_435 masked %lt3A_238 : memref<128x128xf32, #tpu.memory_space<vmem>>[vector<16xi32>, vector<16xi32>], vector<16xf32>, vector<16xi1>
          %broadcast_in_dim3A_436 = arith.constant 63 : i32
          %broadcast_in_dim3A_437 = vector.broadcast %broadcast_in_dim3A_436 : i32 to vector<16xi32>
          %gather3A_438 = tpu.vector_load_idx %arg11[%broadcast_in_dim3A_437, %min3A_244] masked %lt3A_238 : memref<64x512xf32, #tpu.memory_space<vmem>>[vector<16xi32>, vector<16xi32>], vector<16xf32>, vector<16xi1>
          tpu.vector_store_idx %arg13[%add3A_246, %broadcast_in_dim3A_437], %gather3A_438 masked %lt3A_238 : memref<128x128xf32, #tpu.memory_space<vmem>>[vector<16xi32>, vector<16xi32>], vector<16xf32>, vector<16xi1>
          %all_reduce_population_count3A = tpu.all_reduce %lt3A_238 {dim = 0 : i64, kind = #tpu.reduction_kind<sum>} : vector<16xi1> -> vector<16xi32>
          %slice3A = vector.extract_strided_slice %all_reduce_population_count3A {offsets = [0], sizes = [1], strides = [1]} : vector<16xi32> to vector<1xi32>
          %squeeze3A = vector.extract %slice3A[0] : i32 from vector<1xi32>
          %add3A_439 = arith.addi %cond3A_227, %squeeze3A : i32
          scf.yield %add3A_439 : i32
        }
        %while3A_217 = arith.constant 1 : i32
        %while3A_218 = scf.for %while3A_219 = %while3A_214 to %while3A_210 step %while3A_217 iter_args(%while3A_220 = %while3A_216) -> (i32)  : i32 {
          %add3A_221 = arith.constant 16 : i32
          %add3A_222 = arith.addi %while3A_220, %add3A_221 : i32
          %gt3A = arith.constant 128 : i32
          %gt3A_223 = arith.cmpi sgt, %add3A_222, %gt3A : i32
          %convert_element_type3A_224 = arith.extui %gt3A_223 : i1 to i32
          %cond3A_225 = arith.constant 0 : i32
          %cond3A_226 = arith.cmpi ne, %convert_element_type3A_224, %cond3A_225 : i32
          %cond3A_227 = scf.if %cond3A_226 -> (i32) {
            %dma_start3A_440 = arith.constant 0 : i32
            %dma_start3A_441 = arith.constant 0 : i32
            %dma_start3A_442 = tpu.memref_slice %arg5[%dma_start3A_440, %dma_start3A_441] : memref<32896x128xf32, #tpu.memory_space<hbm>> -> memref<32896x128xf32, #tpu.memory_space<hbm>>
            tpu.enqueue_indirect_dma source(%arg13 : memref<128x128xf32, #tpu.memory_space<vmem>>) target(%dma_start3A_442 : memref<32896x128xf32, #tpu.memory_space<hbm>>) offsets(%arg14 : memref<128xi32, #tpu.memory_space<vmem>>) semaphore(%arg17 : memref<!tpu.dma_semaphore, #tpu.memory_space<semaphore_mem>>)
            %dma_wait3A_443 = arith.constant 0 : i32
            %dma_wait3A_444 = arith.constant 0 : i32
            %dma_wait3A_445 = tpu.memref_slice %arg5[%dma_wait3A_443, %dma_wait3A_444] : memref<32896x128xf32, #tpu.memory_space<hbm>> -> memref<32896x128xf32, #tpu.memory_space<hbm>>
            tpu.wait_indirect_dma semaphore(%arg17 : memref<!tpu.dma_semaphore, #tpu.memory_space<semaphore_mem>>) src(%arg13 : memref<128x128xf32, #tpu.memory_space<vmem>>) dst(%dma_wait3A_445 : memref<32896x128xf32, #tpu.memory_space<hbm>>)
            %add3A_446 = arith.constant 32768 : i32
            %add3A_447 = vector.broadcast %add3A_446 : i32 to vector<16xi32>
            %add3A_448 = arith.addi %iota3A, %add3A_447 : vector<16xi32>
            %swap3A_449 = arith.constant 0 : index
            %swap3A_450 = tpu.vector_load %arg14[%swap3A_449] {strides = array<i32>} : memref<128xi32, #tpu.memory_space<vmem>>, vector<16xi32>,
            tpu.vector_store %arg14[%swap3A_449], %add3A_448 {strides = array<i32>} : memref<128xi32, #tpu.memory_space<vmem>>, vector<16xi32>,
            %add3A_451 = arith.constant 32784 : i32
            %add3A_452 = vector.broadcast %add3A_451 : i32 to vector<16xi32>
            %add3A_453 = arith.addi %iota3A, %add3A_452 : vector<16xi32>
            %swap3A_454 = arith.constant 16 : index
            %swap3A_455 = tpu.vector_load %arg14[%swap3A_454] {strides = array<i32>} : memref<128xi32, #tpu.memory_space<vmem>>, vector<16xi32>,
            tpu.vector_store %arg14[%swap3A_454], %add3A_453 {strides = array<i32>} : memref<128xi32, #tpu.memory_space<vmem>>, vector<16xi32>,
            %add3A_456 = arith.constant 32800 : i32
            %add3A_457 = vector.broadcast %add3A_456 : i32 to vector<16xi32>
            %add3A_458 = arith.addi %iota3A, %add3A_457 : vector<16xi32>
            %swap3A_459 = arith.constant 32 : index
            %swap3A_460 = tpu.vector_load %arg14[%swap3A_459] {strides = array<i32>} : memref<128xi32, #tpu.memory_space<vmem>>, vector<16xi32>,
            tpu.vector_store %arg14[%swap3A_459], %add3A_458 {strides = array<i32>} : memref<128xi32, #tpu.memory_space<vmem>>, vector<16xi32>,
            %add3A_461 = arith.constant 32816 : i32
            %add3A_462 = vector.broadcast %add3A_461 : i32 to vector<16xi32>
            %add3A_463 = arith.addi %iota3A, %add3A_462 : vector<16xi32>
            %swap3A_464 = arith.constant 48 : index
            %swap3A_465 = tpu.vector_load %arg14[%swap3A_464] {strides = array<i32>} : memref<128xi32, #tpu.memory_space<vmem>>, vector<16xi32>,
            tpu.vector_store %arg14[%swap3A_464], %add3A_463 {strides = array<i32>} : memref<128xi32, #tpu.memory_space<vmem>>, vector<16xi32>,
            %add3A_466 = arith.constant 32832 : i32
            %add3A_467 = vector.broadcast %add3A_466 : i32 to vector<16xi32>
            %add3A_468 = arith.addi %iota3A, %add3A_467 : vector<16xi32>
            %swap3A_469 = arith.constant 64 : index
            %swap3A_470 = tpu.vector_load %arg14[%swap3A_469] {strides = array<i32>} : memref<128xi32, #tpu.memory_space<vmem>>, vector<16xi32>,
            tpu.vector_store %arg14[%swap3A_469], %add3A_468 {strides = array<i32>} : memref<128xi32, #tpu.memory_space<vmem>>, vector<16xi32>,
            %add3A_471 = arith.constant 32848 : i32
            %add3A_472 = vector.broadcast %add3A_471 : i32 to vector<16xi32>
            %add3A_473 = arith.addi %iota3A, %add3A_472 : vector<16xi32>
            %swap3A_474 = arith.constant 80 : index
            %swap3A_475 = tpu.vector_load %arg14[%swap3A_474] {strides = array<i32>} : memref<128xi32, #tpu.memory_space<vmem>>, vector<16xi32>,
            tpu.vector_store %arg14[%swap3A_474], %add3A_473 {strides = array<i32>} : memref<128xi32, #tpu.memory_space<vmem>>, vector<16xi32>,
            %add3A_476 = arith.constant 32864 : i32
            %add3A_477 = vector.broadcast %add3A_476 : i32 to vector<16xi32>
            %add3A_478 = arith.addi %iota3A, %add3A_477 : vector<16xi32>
            %swap3A_479 = arith.constant 96 : index
            %swap3A_480 = tpu.vector_load %arg14[%swap3A_479] {strides = array<i32>} : memref<128xi32, #tpu.memory_space<vmem>>, vector<16xi32>,
            tpu.vector_store %arg14[%swap3A_479], %add3A_478 {strides = array<i32>} : memref<128xi32, #tpu.memory_space<vmem>>, vector<16xi32>,
            %add3A_481 = arith.constant 32880 : i32
            %add3A_482 = vector.broadcast %add3A_481 : i32 to vector<16xi32>
            %add3A_483 = arith.addi %iota3A, %add3A_482 : vector<16xi32>
            %swap3A_484 = arith.constant 112 : index
            %swap3A_485 = tpu.vector_load %arg14[%swap3A_484] {strides = array<i32>} : memref<128xi32, #tpu.memory_space<vmem>>, vector<16xi32>,
            tpu.vector_store %arg14[%swap3A_484], %add3A_483 {strides = array<i32>} : memref<128xi32, #tpu.memory_space<vmem>>, vector<16xi32>,
            %cond3A_486 = arith.constant 0 : i32
            scf.yield %cond3A_486 : i32
          } else {
            scf.yield %while3A_220 : i32
          }
          %mul3A_228 = arith.constant 16 : i32
          %mul3A_229 = arith.muli %while3A_219, %mul3A_228 : i32
          %multiple_of3A_230 = tpu.assume_multiple %mul3A_229, 16 : i32
          %get3A = arith.index_cast %multiple_of3A_230 : i32 to index
          %get3A_231 = tpu.vector_load %arg9[%get3A] {strides = array<i32>} : memref<4096xi32, #tpu.memory_space<vmem>>, vector<16xi32>,
          %get3A_232 = arith.index_cast %multiple_of3A_230 : i32 to index
          %get3A_233 = tpu.vector_load %arg10[%get3A_232] {strides = array<i32>} : memref<4096xi32, #tpu.memory_space<vmem>>, vector<16xi32>,
          %mul3A_234 = arith.constant 16 : i32
          %mul3A_235 = arith.muli %while3A_219, %mul3A_234 : i32
          %add3A_236 = vector.broadcast %mul3A_235 : i32 to vector<16xi32>
          %add3A_237 = arith.addi %iota3A, %add3A_236 : vector<16xi32>
          %lt3A = vector.broadcast %min3A_203 : i32 to vector<16xi32>
          %lt3A_238 = arith.cmpi slt, %add3A_237, %lt3A : vector<16xi32>
          %sub3A = vector.broadcast %select_n3A_137 : i32 to vector<16xi32>
          %sub3A_239 = arith.subi %get3A_231, %sub3A : vector<16xi32>
          %jit3A_240 = arith.constant 0 : i32
          %jit3A_241 = arith.constant 511 : i32
          %max3A = vector.broadcast %jit3A_240 : i32 to vector<16xi32>
          %max3A_242 = arith.maxsi %max3A, %sub3A_239 : vector<16xi32>
          %min3A_243 = vector.broadcast %jit3A_241 : i32 to vector<16xi32>
          %min3A_244 = arith.minsi %min3A_243, %max3A_242 : vector<16xi32>
          %add3A_245 = vector.broadcast %cond3A_227 : i32 to vector<16xi32>
          %add3A_246 = arith.addi %add3A_245, %iota3A : vector<16xi32>
          %swap3A_247 = arith.index_cast %cond3A_227 : i32 to index
          %swap3A_248 = tpu.vector_load %arg14[%swap3A_247] masked %lt3A_238 {strides = array<i32>} : memref<128xi32, #tpu.memory_space<vmem>>, vector<16xi32>, vector<16xi1>
          tpu.vector_store %arg14[%swap3A_247], %get3A_233 masked %lt3A_238 {strides = array<i32>} : memref<128xi32, #tpu.memory_space<vmem>>, vector<16xi32>, vector<16xi1>
          %broadcast_in_dim3A = arith.constant 0 : i32
          %broadcast_in_dim3A_249 = vector.broadcast %broadcast_in_dim3A : i32 to vector<16xi32>
          %gather3A = tpu.vector_load_idx %arg11[%broadcast_in_dim3A_249, %min3A_244] masked %lt3A_238 : memref<64x512xf32, #tpu.memory_space<vmem>>[vector<16xi32>, vector<16xi32>], vector<16xf32>, vector<16xi1>
          tpu.vector_store_idx %arg13[%add3A_246, %broadcast_in_dim3A_249], %gather3A masked %lt3A_238 : memref<128x128xf32, #tpu.memory_space<vmem>>[vector<16xi32>, vector<16xi32>], vector<16xf32>, vector<16xi1>
          %broadcast_in_dim3A_250 = arith.constant 1 : i32
          %broadcast_in_dim3A_251 = vector.broadcast %broadcast_in_dim3A_250 : i32 to vector<16xi32>
          %gather3A_252 = tpu.vector_load_idx %arg11[%broadcast_in_dim3A_251, %min3A_244] masked %lt3A_238 : memref<64x512xf32, #tpu.memory_space<vmem>>[vector<16xi32>, vector<16xi32>], vector<16xf32>, vector<16xi1>
          tpu.vector_store_idx %arg13[%add3A_246, %broadcast_in_dim3A_251], %gather3A_252 masked %lt3A_238 : memref<128x128xf32, #tpu.memory_space<vmem>>[vector<16xi32>, vector<16xi32>], vector<16xf32>, vector<16xi1>
          %broadcast_in_dim3A_253 = arith.constant 2 : i32
          %broadcast_in_dim3A_254 = vector.broadcast %broadcast_in_dim3A_253 : i32 to vector<16xi32>
          %gather3A_255 = tpu.vector_load_idx %arg11[%broadcast_in_dim3A_254, %min3A_244] masked %lt3A_238 : memref<64x512xf32, #tpu.memory_space<vmem>>[vector<16xi32>, vector<16xi32>], vector<16xf32>, vector<16xi1>
          tpu.vector_store_idx %arg13[%add3A_246, %broadcast_in_dim3A_254], %gather3A_255 masked %lt3A_238 : memref<128x128xf32, #tpu.memory_space<vmem>>[vector<16xi32>, vector<16xi32>], vector<16xf32>, vector<16xi1>
          %broadcast_in_dim3A_256 = arith.constant 3 : i32
          %broadcast_in_dim3A_257 = vector.broadcast %broadcast_in_dim3A_256 : i32 to vector<16xi32>
          %gather3A_258 = tpu.vector_load_idx %arg11[%broadcast_in_dim3A_257, %min3A_244] masked %lt3A_238 : memref<64x512xf32, #tpu.memory_space<vmem>>[vector<16xi32>, vector<16xi32>], vector<16xf32>, vector<16xi1>
          tpu.vector_store_idx %arg13[%add3A_246, %broadcast_in_dim3A_257], %gather3A_258 masked %lt3A_238 : memref<128x128xf32, #tpu.memory_space<vmem>>[vector<16xi32>, vector<16xi32>], vector<16xf32>, vector<16xi1>
          %broadcast_in_dim3A_259 = arith.constant 4 : i32
          %broadcast_in_dim3A_260 = vector.broadcast %broadcast_in_dim3A_259 : i32 to vector<16xi32>
          %gather3A_261 = tpu.vector_load_idx %arg11[%broadcast_in_dim3A_260, %min3A_244] masked %lt3A_238 : memref<64x512xf32, #tpu.memory_space<vmem>>[vector<16xi32>, vector<16xi32>], vector<16xf32>, vector<16xi1>
          tpu.vector_store_idx %arg13[%add3A_246, %broadcast_in_dim3A_260], %gather3A_261 masked %lt3A_238 : memref<128x128xf32, #tpu.memory_space<vmem>>[vector<16xi32>, vector<16xi32>], vector<16xf32>, vector<16xi1>
          %broadcast_in_dim3A_262 = arith.constant 5 : i32
          %broadcast_in_dim3A_263 = vector.broadcast %broadcast_in_dim3A_262 : i32 to vector<16xi32>
          %gather3A_264 = tpu.vector_load_idx %arg11[%broadcast_in_dim3A_263, %min3A_244] masked %lt3A_238 : memref<64x512xf32, #tpu.memory_space<vmem>>[vector<16xi32>, vector<16xi32>], vector<16xf32>, vector<16xi1>
          tpu.vector_store_idx %arg13[%add3A_246, %broadcast_in_dim3A_263], %gather3A_264 masked %lt3A_238 : memref<128x128xf32, #tpu.memory_space<vmem>>[vector<16xi32>, vector<16xi32>], vector<16xf32>, vector<16xi1>
          %broadcast_in_dim3A_265 = arith.constant 6 : i32
          %broadcast_in_dim3A_266 = vector.broadcast %broadcast_in_dim3A_265 : i32 to vector<16xi32>
          %gather3A_267 = tpu.vector_load_idx %arg11[%broadcast_in_dim3A_266, %min3A_244] masked %lt3A_238 : memref<64x512xf32, #tpu.memory_space<vmem>>[vector<16xi32>, vector<16xi32>], vector<16xf32>, vector<16xi1>
          tpu.vector_store_idx %arg13[%add3A_246, %broadcast_in_dim3A_266], %gather3A_267 masked %lt3A_238 : memref<128x128xf32, #tpu.memory_space<vmem>>[vector<16xi32>, vector<16xi32>], vector<16xf32>, vector<16xi1>
          %broadcast_in_dim3A_268 = arith.constant 7 : i32
          %broadcast_in_dim3A_269 = vector.broadcast %broadcast_in_dim3A_268 : i32 to vector<16xi32>
          %gather3A_270 = tpu.vector_load_idx %arg11[%broadcast_in_dim3A_269, %min3A_244] masked %lt3A_238 : memref<64x512xf32, #tpu.memory_space<vmem>>[vector<16xi32>, vector<16xi32>], vector<16xf32>, vector<16xi1>
          tpu.vector_store_idx %arg13[%add3A_246, %broadcast_in_dim3A_269], %gather3A_270 masked %lt3A_238 : memref<128x128xf32, #tpu.memory_space<vmem>>[vector<16xi32>, vector<16xi32>], vector<16xf32>, vector<16xi1>
          %broadcast_in_dim3A_271 = arith.constant 8 : i32
          %broadcast_in_dim3A_272 = vector.broadcast %broadcast_in_dim3A_271 : i32 to vector<16xi32>
          %gather3A_273 = tpu.vector_load_idx %arg11[%broadcast_in_dim3A_272, %min3A_244] masked %lt3A_238 : memref<64x512xf32, #tpu.memory_space<vmem>>[vector<16xi32>, vector<16xi32>], vector<16xf32>, vector<16xi1>
          tpu.vector_store_idx %arg13[%add3A_246, %broadcast_in_dim3A_272], %gather3A_273 masked %lt3A_238 : memref<128x128xf32, #tpu.memory_space<vmem>>[vector<16xi32>, vector<16xi32>], vector<16xf32>, vector<16xi1>
          %broadcast_in_dim3A_274 = arith.constant 9 : i32
          %broadcast_in_dim3A_275 = vector.broadcast %broadcast_in_dim3A_274 : i32 to vector<16xi32>
          %gather3A_276 = tpu.vector_load_idx %arg11[%broadcast_in_dim3A_275, %min3A_244] masked %lt3A_238 : memref<64x512xf32, #tpu.memory_space<vmem>>[vector<16xi32>, vector<16xi32>], vector<16xf32>, vector<16xi1>
          tpu.vector_store_idx %arg13[%add3A_246, %broadcast_in_dim3A_275], %gather3A_276 masked %lt3A_238 : memref<128x128xf32, #tpu.memory_space<vmem>>[vector<16xi32>, vector<16xi32>], vector<16xf32>, vector<16xi1>
          %broadcast_in_dim3A_277 = arith.constant 10 : i32
          %broadcast_in_dim3A_278 = vector.broadcast %broadcast_in_dim3A_277 : i32 to vector<16xi32>
          %gather3A_279 = tpu.vector_load_idx %arg11[%broadcast_in_dim3A_278, %min3A_244] masked %lt3A_238 : memref<64x512xf32, #tpu.memory_space<vmem>>[vector<16xi32>, vector<16xi32>], vector<16xf32>, vector<16xi1>
          tpu.vector_store_idx %arg13[%add3A_246, %broadcast_in_dim3A_278], %gather3A_279 masked %lt3A_238 : memref<128x128xf32, #tpu.memory_space<vmem>>[vector<16xi32>, vector<16xi32>], vector<16xf32>, vector<16xi1>
          %broadcast_in_dim3A_280 = arith.constant 11 : i32
          %broadcast_in_dim3A_281 = vector.broadcast %broadcast_in_dim3A_280 : i32 to vector<16xi32>
          %gather3A_282 = tpu.vector_load_idx %arg11[%broadcast_in_dim3A_281, %min3A_244] masked %lt3A_238 : memref<64x512xf32, #tpu.memory_space<vmem>>[vector<16xi32>, vector<16xi32>], vector<16xf32>, vector<16xi1>
          tpu.vector_store_idx %arg13[%add3A_246, %broadcast_in_dim3A_281], %gather3A_282 masked %lt3A_238 : memref<128x128xf32, #tpu.memory_space<vmem>>[vector<16xi32>, vector<16xi32>], vector<16xf32>, vector<16xi1>
          %broadcast_in_dim3A_283 = arith.constant 12 : i32
          %broadcast_in_dim3A_284 = vector.broadcast %broadcast_in_dim3A_283 : i32 to vector<16xi32>
          %gather3A_285 = tpu.vector_load_idx %arg11[%broadcast_in_dim3A_284, %min3A_244] masked %lt3A_238 : memref<64x512xf32, #tpu.memory_space<vmem>>[vector<16xi32>, vector<16xi32>], vector<16xf32>, vector<16xi1>
          tpu.vector_store_idx %arg13[%add3A_246, %broadcast_in_dim3A_284], %gather3A_285 masked %lt3A_238 : memref<128x128xf32, #tpu.memory_space<vmem>>[vector<16xi32>, vector<16xi32>], vector<16xf32>, vector<16xi1>
          %broadcast_in_dim3A_286 = arith.constant 13 : i32
          %broadcast_in_dim3A_287 = vector.broadcast %broadcast_in_dim3A_286 : i32 to vector<16xi32>
          %gather3A_288 = tpu.vector_load_idx %arg11[%broadcast_in_dim3A_287, %min3A_244] masked %lt3A_238 : memref<64x512xf32, #tpu.memory_space<vmem>>[vector<16xi32>, vector<16xi32>], vector<16xf32>, vector<16xi1>
          tpu.vector_store_idx %arg13[%add3A_246, %broadcast_in_dim3A_287], %gather3A_288 masked %lt3A_238 : memref<128x128xf32, #tpu.memory_space<vmem>>[vector<16xi32>, vector<16xi32>], vector<16xf32>, vector<16xi1>
          %broadcast_in_dim3A_289 = arith.constant 14 : i32
          %broadcast_in_dim3A_290 = vector.broadcast %broadcast_in_dim3A_289 : i32 to vector<16xi32>
          %gather3A_291 = tpu.vector_load_idx %arg11[%broadcast_in_dim3A_290, %min3A_244] masked %lt3A_238 : memref<64x512xf32, #tpu.memory_space<vmem>>[vector<16xi32>, vector<16xi32>], vector<16xf32>, vector<16xi1>
          tpu.vector_store_idx %arg13[%add3A_246, %broadcast_in_dim3A_290], %gather3A_291 masked %lt3A_238 : memref<128x128xf32, #tpu.memory_space<vmem>>[vector<16xi32>, vector<16xi32>], vector<16xf32>, vector<16xi1>
          %broadcast_in_dim3A_292 = arith.constant 15 : i32
          %broadcast_in_dim3A_293 = vector.broadcast %broadcast_in_dim3A_292 : i32 to vector<16xi32>
          %gather3A_294 = tpu.vector_load_idx %arg11[%broadcast_in_dim3A_293, %min3A_244] masked %lt3A_238 : memref<64x512xf32, #tpu.memory_space<vmem>>[vector<16xi32>, vector<16xi32>], vector<16xf32>, vector<16xi1>
          tpu.vector_store_idx %arg13[%add3A_246, %broadcast_in_dim3A_293], %gather3A_294 masked %lt3A_238 : memref<128x128xf32, #tpu.memory_space<vmem>>[vector<16xi32>, vector<16xi32>], vector<16xf32>, vector<16xi1>
          %broadcast_in_dim3A_295 = arith.constant 16 : i32
          %broadcast_in_dim3A_296 = vector.broadcast %broadcast_in_dim3A_295 : i32 to vector<16xi32>
          %gather3A_297 = tpu.vector_load_idx %arg11[%broadcast_in_dim3A_296, %min3A_244] masked %lt3A_238 : memref<64x512xf32, #tpu.memory_space<vmem>>[vector<16xi32>, vector<16xi32>], vector<16xf32>, vector<16xi1>
          tpu.vector_store_idx %arg13[%add3A_246, %broadcast_in_dim3A_296], %gather3A_297 masked %lt3A_238 : memref<128x128xf32, #tpu.memory_space<vmem>>[vector<16xi32>, vector<16xi32>], vector<16xf32>, vector<16xi1>
          %broadcast_in_dim3A_298 = arith.constant 17 : i32
          %broadcast_in_dim3A_299 = vector.broadcast %broadcast_in_dim3A_298 : i32 to vector<16xi32>
          %gather3A_300 = tpu.vector_load_idx %arg11[%broadcast_in_dim3A_299, %min3A_244] masked %lt3A_238 : memref<64x512xf32, #tpu.memory_space<vmem>>[vector<16xi32>, vector<16xi32>], vector<16xf32>, vector<16xi1>
          tpu.vector_store_idx %arg13[%add3A_246, %broadcast_in_dim3A_299], %gather3A_300 masked %lt3A_238 : memref<128x128xf32, #tpu.memory_space<vmem>>[vector<16xi32>, vector<16xi32>], vector<16xf32>, vector<16xi1>
          %broadcast_in_dim3A_301 = arith.constant 18 : i32
          %broadcast_in_dim3A_302 = vector.broadcast %broadcast_in_dim3A_301 : i32 to vector<16xi32>
          %gather3A_303 = tpu.vector_load_idx %arg11[%broadcast_in_dim3A_302, %min3A_244] masked %lt3A_238 : memref<64x512xf32, #tpu.memory_space<vmem>>[vector<16xi32>, vector<16xi32>], vector<16xf32>, vector<16xi1>
          tpu.vector_store_idx %arg13[%add3A_246, %broadcast_in_dim3A_302], %gather3A_303 masked %lt3A_238 : memref<128x128xf32, #tpu.memory_space<vmem>>[vector<16xi32>, vector<16xi32>], vector<16xf32>, vector<16xi1>
          %broadcast_in_dim3A_304 = arith.constant 19 : i32
          %broadcast_in_dim3A_305 = vector.broadcast %broadcast_in_dim3A_304 : i32 to vector<16xi32>
          %gather3A_306 = tpu.vector_load_idx %arg11[%broadcast_in_dim3A_305, %min3A_244] masked %lt3A_238 : memref<64x512xf32, #tpu.memory_space<vmem>>[vector<16xi32>, vector<16xi32>], vector<16xf32>, vector<16xi1>
          tpu.vector_store_idx %arg13[%add3A_246, %broadcast_in_dim3A_305], %gather3A_306 masked %lt3A_238 : memref<128x128xf32, #tpu.memory_space<vmem>>[vector<16xi32>, vector<16xi32>], vector<16xf32>, vector<16xi1>
          %broadcast_in_dim3A_307 = arith.constant 20 : i32
          %broadcast_in_dim3A_308 = vector.broadcast %broadcast_in_dim3A_307 : i32 to vector<16xi32>
          %gather3A_309 = tpu.vector_load_idx %arg11[%broadcast_in_dim3A_308, %min3A_244] masked %lt3A_238 : memref<64x512xf32, #tpu.memory_space<vmem>>[vector<16xi32>, vector<16xi32>], vector<16xf32>, vector<16xi1>
          tpu.vector_store_idx %arg13[%add3A_246, %broadcast_in_dim3A_308], %gather3A_309 masked %lt3A_238 : memref<128x128xf32, #tpu.memory_space<vmem>>[vector<16xi32>, vector<16xi32>], vector<16xf32>, vector<16xi1>
          %broadcast_in_dim3A_310 = arith.constant 21 : i32
          %broadcast_in_dim3A_311 = vector.broadcast %broadcast_in_dim3A_310 : i32 to vector<16xi32>
          %gather3A_312 = tpu.vector_load_idx %arg11[%broadcast_in_dim3A_311, %min3A_244] masked %lt3A_238 : memref<64x512xf32, #tpu.memory_space<vmem>>[vector<16xi32>, vector<16xi32>], vector<16xf32>, vector<16xi1>
          tpu.vector_store_idx %arg13[%add3A_246, %broadcast_in_dim3A_311], %gather3A_312 masked %lt3A_238 : memref<128x128xf32, #tpu.memory_space<vmem>>[vector<16xi32>, vector<16xi32>], vector<16xf32>, vector<16xi1>
          %broadcast_in_dim3A_313 = arith.constant 22 : i32
          %broadcast_in_dim3A_314 = vector.broadcast %broadcast_in_dim3A_313 : i32 to vector<16xi32>
          %gather3A_315 = tpu.vector_load_idx %arg11[%broadcast_in_dim3A_314, %min3A_244] masked %lt3A_238 : memref<64x512xf32, #tpu.memory_space<vmem>>[vector<16xi32>, vector<16xi32>], vector<16xf32>, vector<16xi1>
          tpu.vector_store_idx %arg13[%add3A_246, %broadcast_in_dim3A_314], %gather3A_315 masked %lt3A_238 : memref<128x128xf32, #tpu.memory_space<vmem>>[vector<16xi32>, vector<16xi32>], vector<16xf32>, vector<16xi1>
          %broadcast_in_dim3A_316 = arith.constant 23 : i32
          %broadcast_in_dim3A_317 = vector.broadcast %broadcast_in_dim3A_316 : i32 to vector<16xi32>
          %gather3A_318 = tpu.vector_load_idx %arg11[%broadcast_in_dim3A_317, %min3A_244] masked %lt3A_238 : memref<64x512xf32, #tpu.memory_space<vmem>>[vector<16xi32>, vector<16xi32>], vector<16xf32>, vector<16xi1>
          tpu.vector_store_idx %arg13[%add3A_246, %broadcast_in_dim3A_317], %gather3A_318 masked %lt3A_238 : memref<128x128xf32, #tpu.memory_space<vmem>>[vector<16xi32>, vector<16xi32>], vector<16xf32>, vector<16xi1>
          %broadcast_in_dim3A_319 = arith.constant 24 : i32
          %broadcast_in_dim3A_320 = vector.broadcast %broadcast_in_dim3A_319 : i32 to vector<16xi32>
          %gather3A_321 = tpu.vector_load_idx %arg11[%broadcast_in_dim3A_320, %min3A_244] masked %lt3A_238 : memref<64x512xf32, #tpu.memory_space<vmem>>[vector<16xi32>, vector<16xi32>], vector<16xf32>, vector<16xi1>
          tpu.vector_store_idx %arg13[%add3A_246, %broadcast_in_dim3A_320], %gather3A_321 masked %lt3A_238 : memref<128x128xf32, #tpu.memory_space<vmem>>[vector<16xi32>, vector<16xi32>], vector<16xf32>, vector<16xi1>
          %broadcast_in_dim3A_322 = arith.constant 25 : i32
          %broadcast_in_dim3A_323 = vector.broadcast %broadcast_in_dim3A_322 : i32 to vector<16xi32>
          %gather3A_324 = tpu.vector_load_idx %arg11[%broadcast_in_dim3A_323, %min3A_244] masked %lt3A_238 : memref<64x512xf32, #tpu.memory_space<vmem>>[vector<16xi32>, vector<16xi32>], vector<16xf32>, vector<16xi1>
          tpu.vector_store_idx %arg13[%add3A_246, %broadcast_in_dim3A_323], %gather3A_324 masked %lt3A_238 : memref<128x128xf32, #tpu.memory_space<vmem>>[vector<16xi32>, vector<16xi32>], vector<16xf32>, vector<16xi1>
          %broadcast_in_dim3A_325 = arith.constant 26 : i32
          %broadcast_in_dim3A_326 = vector.broadcast %broadcast_in_dim3A_325 : i32 to vector<16xi32>
          %gather3A_327 = tpu.vector_load_idx %arg11[%broadcast_in_dim3A_326, %min3A_244] masked %lt3A_238 : memref<64x512xf32, #tpu.memory_space<vmem>>[vector<16xi32>, vector<16xi32>], vector<16xf32>, vector<16xi1>
          tpu.vector_store_idx %arg13[%add3A_246, %broadcast_in_dim3A_326], %gather3A_327 masked %lt3A_238 : memref<128x128xf32, #tpu.memory_space<vmem>>[vector<16xi32>, vector<16xi32>], vector<16xf32>, vector<16xi1>
          %broadcast_in_dim3A_328 = arith.constant 27 : i32
          %broadcast_in_dim3A_329 = vector.broadcast %broadcast_in_dim3A_328 : i32 to vector<16xi32>
          %gather3A_330 = tpu.vector_load_idx %arg11[%broadcast_in_dim3A_329, %min3A_244] masked %lt3A_238 : memref<64x512xf32, #tpu.memory_space<vmem>>[vector<16xi32>, vector<16xi32>], vector<16xf32>, vector<16xi1>
          tpu.vector_store_idx %arg13[%add3A_246, %broadcast_in_dim3A_329], %gather3A_330 masked %lt3A_238 : memref<128x128xf32, #tpu.memory_space<vmem>>[vector<16xi32>, vector<16xi32>], vector<16xf32>, vector<16xi1>
          %broadcast_in_dim3A_331 = arith.constant 28 : i32
          %broadcast_in_dim3A_332 = vector.broadcast %broadcast_in_dim3A_331 : i32 to vector<16xi32>
          %gather3A_333 = tpu.vector_load_idx %arg11[%broadcast_in_dim3A_332, %min3A_244] masked %lt3A_238 : memref<64x512xf32, #tpu.memory_space<vmem>>[vector<16xi32>, vector<16xi32>], vector<16xf32>, vector<16xi1>
          tpu.vector_store_idx %arg13[%add3A_246, %broadcast_in_dim3A_332], %gather3A_333 masked %lt3A_238 : memref<128x128xf32, #tpu.memory_space<vmem>>[vector<16xi32>, vector<16xi32>], vector<16xf32>, vector<16xi1>
          %broadcast_in_dim3A_334 = arith.constant 29 : i32
          %broadcast_in_dim3A_335 = vector.broadcast %broadcast_in_dim3A_334 : i32 to vector<16xi32>
          %gather3A_336 = tpu.vector_load_idx %arg11[%broadcast_in_dim3A_335, %min3A_244] masked %lt3A_238 : memref<64x512xf32, #tpu.memory_space<vmem>>[vector<16xi32>, vector<16xi32>], vector<16xf32>, vector<16xi1>
          tpu.vector_store_idx %arg13[%add3A_246, %broadcast_in_dim3A_335], %gather3A_336 masked %lt3A_238 : memref<128x128xf32, #tpu.memory_space<vmem>>[vector<16xi32>, vector<16xi32>], vector<16xf32>, vector<16xi1>
          %broadcast_in_dim3A_337 = arith.constant 30 : i32
          %broadcast_in_dim3A_338 = vector.broadcast %broadcast_in_dim3A_337 : i32 to vector<16xi32>
          %gather3A_339 = tpu.vector_load_idx %arg11[%broadcast_in_dim3A_338, %min3A_244] masked %lt3A_238 : memref<64x512xf32, #tpu.memory_space<vmem>>[vector<16xi32>, vector<16xi32>], vector<16xf32>, vector<16xi1>
          tpu.vector_store_idx %arg13[%add3A_246, %broadcast_in_dim3A_338], %gather3A_339 masked %lt3A_238 : memref<128x128xf32, #tpu.memory_space<vmem>>[vector<16xi32>, vector<16xi32>], vector<16xf32>, vector<16xi1>
          %broadcast_in_dim3A_340 = arith.constant 31 : i32
          %broadcast_in_dim3A_341 = vector.broadcast %broadcast_in_dim3A_340 : i32 to vector<16xi32>
          %gather3A_342 = tpu.vector_load_idx %arg11[%broadcast_in_dim3A_341, %min3A_244] masked %lt3A_238 : memref<64x512xf32, #tpu.memory_space<vmem>>[vector<16xi32>, vector<16xi32>], vector<16xf32>, vector<16xi1>
          tpu.vector_store_idx %arg13[%add3A_246, %broadcast_in_dim3A_341], %gather3A_342 masked %lt3A_238 : memref<128x128xf32, #tpu.memory_space<vmem>>[vector<16xi32>, vector<16xi32>], vector<16xf32>, vector<16xi1>
          %broadcast_in_dim3A_343 = arith.constant 32 : i32
          %broadcast_in_dim3A_344 = vector.broadcast %broadcast_in_dim3A_343 : i32 to vector<16xi32>
          %gather3A_345 = tpu.vector_load_idx %arg11[%broadcast_in_dim3A_344, %min3A_244] masked %lt3A_238 : memref<64x512xf32, #tpu.memory_space<vmem>>[vector<16xi32>, vector<16xi32>], vector<16xf32>, vector<16xi1>
          tpu.vector_store_idx %arg13[%add3A_246, %broadcast_in_dim3A_344], %gather3A_345 masked %lt3A_238 : memref<128x128xf32, #tpu.memory_space<vmem>>[vector<16xi32>, vector<16xi32>], vector<16xf32>, vector<16xi1>
          %broadcast_in_dim3A_346 = arith.constant 33 : i32
          %broadcast_in_dim3A_347 = vector.broadcast %broadcast_in_dim3A_346 : i32 to vector<16xi32>
          %gather3A_348 = tpu.vector_load_idx %arg11[%broadcast_in_dim3A_347, %min3A_244] masked %lt3A_238 : memref<64x512xf32, #tpu.memory_space<vmem>>[vector<16xi32>, vector<16xi32>], vector<16xf32>, vector<16xi1>
          tpu.vector_store_idx %arg13[%add3A_246, %broadcast_in_dim3A_347], %gather3A_348 masked %lt3A_238 : memref<128x128xf32, #tpu.memory_space<vmem>>[vector<16xi32>, vector<16xi32>], vector<16xf32>, vector<16xi1>
          %broadcast_in_dim3A_349 = arith.constant 34 : i32
          %broadcast_in_dim3A_350 = vector.broadcast %broadcast_in_dim3A_349 : i32 to vector<16xi32>
          %gather3A_351 = tpu.vector_load_idx %arg11[%broadcast_in_dim3A_350, %min3A_244] masked %lt3A_238 : memref<64x512xf32, #tpu.memory_space<vmem>>[vector<16xi32>, vector<16xi32>], vector<16xf32>, vector<16xi1>
          tpu.vector_store_idx %arg13[%add3A_246, %broadcast_in_dim3A_350], %gather3A_351 masked %lt3A_238 : memref<128x128xf32, #tpu.memory_space<vmem>>[vector<16xi32>, vector<16xi32>], vector<16xf32>, vector<16xi1>
          %broadcast_in_dim3A_352 = arith.constant 35 : i32
          %broadcast_in_dim3A_353 = vector.broadcast %broadcast_in_dim3A_352 : i32 to vector<16xi32>
          %gather3A_354 = tpu.vector_load_idx %arg11[%broadcast_in_dim3A_353, %min3A_244] masked %lt3A_238 : memref<64x512xf32, #tpu.memory_space<vmem>>[vector<16xi32>, vector<16xi32>], vector<16xf32>, vector<16xi1>
          tpu.vector_store_idx %arg13[%add3A_246, %broadcast_in_dim3A_353], %gather3A_354 masked %lt3A_238 : memref<128x128xf32, #tpu.memory_space<vmem>>[vector<16xi32>, vector<16xi32>], vector<16xf32>, vector<16xi1>
          %broadcast_in_dim3A_355 = arith.constant 36 : i32
          %broadcast_in_dim3A_356 = vector.broadcast %broadcast_in_dim3A_355 : i32 to vector<16xi32>
          %gather3A_357 = tpu.vector_load_idx %arg11[%broadcast_in_dim3A_356, %min3A_244] masked %lt3A_238 : memref<64x512xf32, #tpu.memory_space<vmem>>[vector<16xi32>, vector<16xi32>], vector<16xf32>, vector<16xi1>
          tpu.vector_store_idx %arg13[%add3A_246, %broadcast_in_dim3A_356], %gather3A_357 masked %lt3A_238 : memref<128x128xf32, #tpu.memory_space<vmem>>[vector<16xi32>, vector<16xi32>], vector<16xf32>, vector<16xi1>
          %broadcast_in_dim3A_358 = arith.constant 37 : i32
          %broadcast_in_dim3A_359 = vector.broadcast %broadcast_in_dim3A_358 : i32 to vector<16xi32>
          %gather3A_360 = tpu.vector_load_idx %arg11[%broadcast_in_dim3A_359, %min3A_244] masked %lt3A_238 : memref<64x512xf32, #tpu.memory_space<vmem>>[vector<16xi32>, vector<16xi32>], vector<16xf32>, vector<16xi1>
          tpu.vector_store_idx %arg13[%add3A_246, %broadcast_in_dim3A_359], %gather3A_360 masked %lt3A_238 : memref<128x128xf32, #tpu.memory_space<vmem>>[vector<16xi32>, vector<16xi32>], vector<16xf32>, vector<16xi1>
          %broadcast_in_dim3A_361 = arith.constant 38 : i32
          %broadcast_in_dim3A_362 = vector.broadcast %broadcast_in_dim3A_361 : i32 to vector<16xi32>
          %gather3A_363 = tpu.vector_load_idx %arg11[%broadcast_in_dim3A_362, %min3A_244] masked %lt3A_238 : memref<64x512xf32, #tpu.memory_space<vmem>>[vector<16xi32>, vector<16xi32>], vector<16xf32>, vector<16xi1>
          tpu.vector_store_idx %arg13[%add3A_246, %broadcast_in_dim3A_362], %gather3A_363 masked %lt3A_238 : memref<128x128xf32, #tpu.memory_space<vmem>>[vector<16xi32>, vector<16xi32>], vector<16xf32>, vector<16xi1>
          %broadcast_in_dim3A_364 = arith.constant 39 : i32
          %broadcast_in_dim3A_365 = vector.broadcast %broadcast_in_dim3A_364 : i32 to vector<16xi32>
          %gather3A_366 = tpu.vector_load_idx %arg11[%broadcast_in_dim3A_365, %min3A_244] masked %lt3A_238 : memref<64x512xf32, #tpu.memory_space<vmem>>[vector<16xi32>, vector<16xi32>], vector<16xf32>, vector<16xi1>
          tpu.vector_store_idx %arg13[%add3A_246, %broadcast_in_dim3A_365], %gather3A_366 masked %lt3A_238 : memref<128x128xf32, #tpu.memory_space<vmem>>[vector<16xi32>, vector<16xi32>], vector<16xf32>, vector<16xi1>
          %broadcast_in_dim3A_367 = arith.constant 40 : i32
          %broadcast_in_dim3A_368 = vector.broadcast %broadcast_in_dim3A_367 : i32 to vector<16xi32>
          %gather3A_369 = tpu.vector_load_idx %arg11[%broadcast_in_dim3A_368, %min3A_244] masked %lt3A_238 : memref<64x512xf32, #tpu.memory_space<vmem>>[vector<16xi32>, vector<16xi32>], vector<16xf32>, vector<16xi1>
          tpu.vector_store_idx %arg13[%add3A_246, %broadcast_in_dim3A_368], %gather3A_369 masked %lt3A_238 : memref<128x128xf32, #tpu.memory_space<vmem>>[vector<16xi32>, vector<16xi32>], vector<16xf32>, vector<16xi1>
          %broadcast_in_dim3A_370 = arith.constant 41 : i32
          %broadcast_in_dim3A_371 = vector.broadcast %broadcast_in_dim3A_370 : i32 to vector<16xi32>
          %gather3A_372 = tpu.vector_load_idx %arg11[%broadcast_in_dim3A_371, %min3A_244] masked %lt3A_238 : memref<64x512xf32, #tpu.memory_space<vmem>>[vector<16xi32>, vector<16xi32>], vector<16xf32>, vector<16xi1>
          tpu.vector_store_idx %arg13[%add3A_246, %broadcast_in_dim3A_371], %gather3A_372 masked %lt3A_238 : memref<128x128xf32, #tpu.memory_space<vmem>>[vector<16xi32>, vector<16xi32>], vector<16xf32>, vector<16xi1>
          %broadcast_in_dim3A_373 = arith.constant 42 : i32
          %broadcast_in_dim3A_374 = vector.broadcast %broadcast_in_dim3A_373 : i32 to vector<16xi32>
          %gather3A_375 = tpu.vector_load_idx %arg11[%broadcast_in_dim3A_374, %min3A_244] masked %lt3A_238 : memref<64x512xf32, #tpu.memory_space<vmem>>[vector<16xi32>, vector<16xi32>], vector<16xf32>, vector<16xi1>
          tpu.vector_store_idx %arg13[%add3A_246, %broadcast_in_dim3A_374], %gather3A_375 masked %lt3A_238 : memref<128x128xf32, #tpu.memory_space<vmem>>[vector<16xi32>, vector<16xi32>], vector<16xf32>, vector<16xi1>
          %broadcast_in_dim3A_376 = arith.constant 43 : i32
          %broadcast_in_dim3A_377 = vector.broadcast %broadcast_in_dim3A_376 : i32 to vector<16xi32>
          %gather3A_378 = tpu.vector_load_idx %arg11[%broadcast_in_dim3A_377, %min3A_244] masked %lt3A_238 : memref<64x512xf32, #tpu.memory_space<vmem>>[vector<16xi32>, vector<16xi32>], vector<16xf32>, vector<16xi1>
          tpu.vector_store_idx %arg13[%add3A_246, %broadcast_in_dim3A_377], %gather3A_378 masked %lt3A_238 : memref<128x128xf32, #tpu.memory_space<vmem>>[vector<16xi32>, vector<16xi32>], vector<16xf32>, vector<16xi1>
          %broadcast_in_dim3A_379 = arith.constant 44 : i32
          %broadcast_in_dim3A_380 = vector.broadcast %broadcast_in_dim3A_379 : i32 to vector<16xi32>
          %gather3A_381 = tpu.vector_load_idx %arg11[%broadcast_in_dim3A_380, %min3A_244] masked %lt3A_238 : memref<64x512xf32, #tpu.memory_space<vmem>>[vector<16xi32>, vector<16xi32>], vector<16xf32>, vector<16xi1>
          tpu.vector_store_idx %arg13[%add3A_246, %broadcast_in_dim3A_380], %gather3A_381 masked %lt3A_238 : memref<128x128xf32, #tpu.memory_space<vmem>>[vector<16xi32>, vector<16xi32>], vector<16xf32>, vector<16xi1>
          %broadcast_in_dim3A_382 = arith.constant 45 : i32
          %broadcast_in_dim3A_383 = vector.broadcast %broadcast_in_dim3A_382 : i32 to vector<16xi32>
          %gather3A_384 = tpu.vector_load_idx %arg11[%broadcast_in_dim3A_383, %min3A_244] masked %lt3A_238 : memref<64x512xf32, #tpu.memory_space<vmem>>[vector<16xi32>, vector<16xi32>], vector<16xf32>, vector<16xi1>
          tpu.vector_store_idx %arg13[%add3A_246, %broadcast_in_dim3A_383], %gather3A_384 masked %lt3A_238 : memref<128x128xf32, #tpu.memory_space<vmem>>[vector<16xi32>, vector<16xi32>], vector<16xf32>, vector<16xi1>
          %broadcast_in_dim3A_385 = arith.constant 46 : i32
          %broadcast_in_dim3A_386 = vector.broadcast %broadcast_in_dim3A_385 : i32 to vector<16xi32>
          %gather3A_387 = tpu.vector_load_idx %arg11[%broadcast_in_dim3A_386, %min3A_244] masked %lt3A_238 : memref<64x512xf32, #tpu.memory_space<vmem>>[vector<16xi32>, vector<16xi32>], vector<16xf32>, vector<16xi1>
          tpu.vector_store_idx %arg13[%add3A_246, %broadcast_in_dim3A_386], %gather3A_387 masked %lt3A_238 : memref<128x128xf32, #tpu.memory_space<vmem>>[vector<16xi32>, vector<16xi32>], vector<16xf32>, vector<16xi1>
          %broadcast_in_dim3A_388 = arith.constant 47 : i32
          %broadcast_in_dim3A_389 = vector.broadcast %broadcast_in_dim3A_388 : i32 to vector<16xi32>
          %gather3A_390 = tpu.vector_load_idx %arg11[%broadcast_in_dim3A_389, %min3A_244] masked %lt3A_238 : memref<64x512xf32, #tpu.memory_space<vmem>>[vector<16xi32>, vector<16xi32>], vector<16xf32>, vector<16xi1>
          tpu.vector_store_idx %arg13[%add3A_246, %broadcast_in_dim3A_389], %gather3A_390 masked %lt3A_238 : memref<128x128xf32, #tpu.memory_space<vmem>>[vector<16xi32>, vector<16xi32>], vector<16xf32>, vector<16xi1>
          %broadcast_in_dim3A_391 = arith.constant 48 : i32
          %broadcast_in_dim3A_392 = vector.broadcast %broadcast_in_dim3A_391 : i32 to vector<16xi32>
          %gather3A_393 = tpu.vector_load_idx %arg11[%broadcast_in_dim3A_392, %min3A_244] masked %lt3A_238 : memref<64x512xf32, #tpu.memory_space<vmem>>[vector<16xi32>, vector<16xi32>], vector<16xf32>, vector<16xi1>
          tpu.vector_store_idx %arg13[%add3A_246, %broadcast_in_dim3A_392], %gather3A_393 masked %lt3A_238 : memref<128x128xf32, #tpu.memory_space<vmem>>[vector<16xi32>, vector<16xi32>], vector<16xf32>, vector<16xi1>
          %broadcast_in_dim3A_394 = arith.constant 49 : i32
          %broadcast_in_dim3A_395 = vector.broadcast %broadcast_in_dim3A_394 : i32 to vector<16xi32>
          %gather3A_396 = tpu.vector_load_idx %arg11[%broadcast_in_dim3A_395, %min3A_244] masked %lt3A_238 : memref<64x512xf32, #tpu.memory_space<vmem>>[vector<16xi32>, vector<16xi32>], vector<16xf32>, vector<16xi1>
          tpu.vector_store_idx %arg13[%add3A_246, %broadcast_in_dim3A_395], %gather3A_396 masked %lt3A_238 : memref<128x128xf32, #tpu.memory_space<vmem>>[vector<16xi32>, vector<16xi32>], vector<16xf32>, vector<16xi1>
          %broadcast_in_dim3A_397 = arith.constant 50 : i32
          %broadcast_in_dim3A_398 = vector.broadcast %broadcast_in_dim3A_397 : i32 to vector<16xi32>
          %gather3A_399 = tpu.vector_load_idx %arg11[%broadcast_in_dim3A_398, %min3A_244] masked %lt3A_238 : memref<64x512xf32, #tpu.memory_space<vmem>>[vector<16xi32>, vector<16xi32>], vector<16xf32>, vector<16xi1>
          tpu.vector_store_idx %arg13[%add3A_246, %broadcast_in_dim3A_398], %gather3A_399 masked %lt3A_238 : memref<128x128xf32, #tpu.memory_space<vmem>>[vector<16xi32>, vector<16xi32>], vector<16xf32>, vector<16xi1>
          %broadcast_in_dim3A_400 = arith.constant 51 : i32
          %broadcast_in_dim3A_401 = vector.broadcast %broadcast_in_dim3A_400 : i32 to vector<16xi32>
          %gather3A_402 = tpu.vector_load_idx %arg11[%broadcast_in_dim3A_401, %min3A_244] masked %lt3A_238 : memref<64x512xf32, #tpu.memory_space<vmem>>[vector<16xi32>, vector<16xi32>], vector<16xf32>, vector<16xi1>
          tpu.vector_store_idx %arg13[%add3A_246, %broadcast_in_dim3A_401], %gather3A_402 masked %lt3A_238 : memref<128x128xf32, #tpu.memory_space<vmem>>[vector<16xi32>, vector<16xi32>], vector<16xf32>, vector<16xi1>
          %broadcast_in_dim3A_403 = arith.constant 52 : i32
          %broadcast_in_dim3A_404 = vector.broadcast %broadcast_in_dim3A_403 : i32 to vector<16xi32>
          %gather3A_405 = tpu.vector_load_idx %arg11[%broadcast_in_dim3A_404, %min3A_244] masked %lt3A_238 : memref<64x512xf32, #tpu.memory_space<vmem>>[vector<16xi32>, vector<16xi32>], vector<16xf32>, vector<16xi1>
          tpu.vector_store_idx %arg13[%add3A_246, %broadcast_in_dim3A_404], %gather3A_405 masked %lt3A_238 : memref<128x128xf32, #tpu.memory_space<vmem>>[vector<16xi32>, vector<16xi32>], vector<16xf32>, vector<16xi1>
          %broadcast_in_dim3A_406 = arith.constant 53 : i32
          %broadcast_in_dim3A_407 = vector.broadcast %broadcast_in_dim3A_406 : i32 to vector<16xi32>
          %gather3A_408 = tpu.vector_load_idx %arg11[%broadcast_in_dim3A_407, %min3A_244] masked %lt3A_238 : memref<64x512xf32, #tpu.memory_space<vmem>>[vector<16xi32>, vector<16xi32>], vector<16xf32>, vector<16xi1>
          tpu.vector_store_idx %arg13[%add3A_246, %broadcast_in_dim3A_407], %gather3A_408 masked %lt3A_238 : memref<128x128xf32, #tpu.memory_space<vmem>>[vector<16xi32>, vector<16xi32>], vector<16xf32>, vector<16xi1>
          %broadcast_in_dim3A_409 = arith.constant 54 : i32
          %broadcast_in_dim3A_410 = vector.broadcast %broadcast_in_dim3A_409 : i32 to vector<16xi32>
          %gather3A_411 = tpu.vector_load_idx %arg11[%broadcast_in_dim3A_410, %min3A_244] masked %lt3A_238 : memref<64x512xf32, #tpu.memory_space<vmem>>[vector<16xi32>, vector<16xi32>], vector<16xf32>, vector<16xi1>
          tpu.vector_store_idx %arg13[%add3A_246, %broadcast_in_dim3A_410], %gather3A_411 masked %lt3A_238 : memref<128x128xf32, #tpu.memory_space<vmem>>[vector<16xi32>, vector<16xi32>], vector<16xf32>, vector<16xi1>
          %broadcast_in_dim3A_412 = arith.constant 55 : i32
          %broadcast_in_dim3A_413 = vector.broadcast %broadcast_in_dim3A_412 : i32 to vector<16xi32>
          %gather3A_414 = tpu.vector_load_idx %arg11[%broadcast_in_dim3A_413, %min3A_244] masked %lt3A_238 : memref<64x512xf32, #tpu.memory_space<vmem>>[vector<16xi32>, vector<16xi32>], vector<16xf32>, vector<16xi1>
          tpu.vector_store_idx %arg13[%add3A_246, %broadcast_in_dim3A_413], %gather3A_414 masked %lt3A_238 : memref<128x128xf32, #tpu.memory_space<vmem>>[vector<16xi32>, vector<16xi32>], vector<16xf32>, vector<16xi1>
          %broadcast_in_dim3A_415 = arith.constant 56 : i32
          %broadcast_in_dim3A_416 = vector.broadcast %broadcast_in_dim3A_415 : i32 to vector<16xi32>
          %gather3A_417 = tpu.vector_load_idx %arg11[%broadcast_in_dim3A_416, %min3A_244] masked %lt3A_238 : memref<64x512xf32, #tpu.memory_space<vmem>>[vector<16xi32>, vector<16xi32>], vector<16xf32>, vector<16xi1>
          tpu.vector_store_idx %arg13[%add3A_246, %broadcast_in_dim3A_416], %gather3A_417 masked %lt3A_238 : memref<128x128xf32, #tpu.memory_space<vmem>>[vector<16xi32>, vector<16xi32>], vector<16xf32>, vector<16xi1>
          %broadcast_in_dim3A_418 = arith.constant 57 : i32
          %broadcast_in_dim3A_419 = vector.broadcast %broadcast_in_dim3A_418 : i32 to vector<16xi32>
          %gather3A_420 = tpu.vector_load_idx %arg11[%broadcast_in_dim3A_419, %min3A_244] masked %lt3A_238 : memref<64x512xf32, #tpu.memory_space<vmem>>[vector<16xi32>, vector<16xi32>], vector<16xf32>, vector<16xi1>
          tpu.vector_store_idx %arg13[%add3A_246, %broadcast_in_dim3A_419], %gather3A_420 masked %lt3A_238 : memref<128x128xf32, #tpu.memory_space<vmem>>[vector<16xi32>, vector<16xi32>], vector<16xf32>, vector<16xi1>
          %broadcast_in_dim3A_421 = arith.constant 58 : i32
          %broadcast_in_dim3A_422 = vector.broadcast %broadcast_in_dim3A_421 : i32 to vector<16xi32>
          %gather3A_423 = tpu.vector_load_idx %arg11[%broadcast_in_dim3A_422, %min3A_244] masked %lt3A_238 : memref<64x512xf32, #tpu.memory_space<vmem>>[vector<16xi32>, vector<16xi32>], vector<16xf32>, vector<16xi1>
          tpu.vector_store_idx %arg13[%add3A_246, %broadcast_in_dim3A_422], %gather3A_423 masked %lt3A_238 : memref<128x128xf32, #tpu.memory_space<vmem>>[vector<16xi32>, vector<16xi32>], vector<16xf32>, vector<16xi1>
          %broadcast_in_dim3A_424 = arith.constant 59 : i32
          %broadcast_in_dim3A_425 = vector.broadcast %broadcast_in_dim3A_424 : i32 to vector<16xi32>
          %gather3A_426 = tpu.vector_load_idx %arg11[%broadcast_in_dim3A_425, %min3A_244] masked %lt3A_238 : memref<64x512xf32, #tpu.memory_space<vmem>>[vector<16xi32>, vector<16xi32>], vector<16xf32>, vector<16xi1>
          tpu.vector_store_idx %arg13[%add3A_246, %broadcast_in_dim3A_425], %gather3A_426 masked %lt3A_238 : memref<128x128xf32, #tpu.memory_space<vmem>>[vector<16xi32>, vector<16xi32>], vector<16xf32>, vector<16xi1>
          %broadcast_in_dim3A_427 = arith.constant 60 : i32
          %broadcast_in_dim3A_428 = vector.broadcast %broadcast_in_dim3A_427 : i32 to vector<16xi32>
          %gather3A_429 = tpu.vector_load_idx %arg11[%broadcast_in_dim3A_428, %min3A_244] masked %lt3A_238 : memref<64x512xf32, #tpu.memory_space<vmem>>[vector<16xi32>, vector<16xi32>], vector<16xf32>, vector<16xi1>
          tpu.vector_store_idx %arg13[%add3A_246, %broadcast_in_dim3A_428], %gather3A_429 masked %lt3A_238 : memref<128x128xf32, #tpu.memory_space<vmem>>[vector<16xi32>, vector<16xi32>], vector<16xf32>, vector<16xi1>
          %broadcast_in_dim3A_430 = arith.constant 61 : i32
          %broadcast_in_dim3A_431 = vector.broadcast %broadcast_in_dim3A_430 : i32 to vector<16xi32>
          %gather3A_432 = tpu.vector_load_idx %arg11[%broadcast_in_dim3A_431, %min3A_244] masked %lt3A_238 : memref<64x512xf32, #tpu.memory_space<vmem>>[vector<16xi32>, vector<16xi32>], vector<16xf32>, vector<16xi1>
          tpu.vector_store_idx %arg13[%add3A_246, %broadcast_in_dim3A_431], %gather3A_432 masked %lt3A_238 : memref<128x128xf32, #tpu.memory_space<vmem>>[vector<16xi32>, vector<16xi32>], vector<16xf32>, vector<16xi1>
          %broadcast_in_dim3A_433 = arith.constant 62 : i32
          %broadcast_in_dim3A_434 = vector.broadcast %broadcast_in_dim3A_433 : i32 to vector<16xi32>
          %gather3A_435 = tpu.vector_load_idx %arg11[%broadcast_in_dim3A_434, %min3A_244] masked %lt3A_238 : memref<64x512xf32, #tpu.memory_space<vmem>>[vector<16xi32>, vector<16xi32>], vector<16xf32>, vector<16xi1>
          tpu.vector_store_idx %arg13[%add3A_246, %broadcast_in_dim3A_434], %gather3A_435 masked %lt3A_238 : memref<128x128xf32, #tpu.memory_space<vmem>>[vector<16xi32>, vector<16xi32>], vector<16xf32>, vector<16xi1>
          %broadcast_in_dim3A_436 = arith.constant 63 : i32
          %broadcast_in_dim3A_437 = vector.broadcast %broadcast_in_dim3A_436 : i32 to vector<16xi32>
          %gather3A_438 = tpu.vector_load_idx %arg11[%broadcast_in_dim3A_437, %min3A_244] masked %lt3A_238 : memref<64x512xf32, #tpu.memory_space<vmem>>[vector<16xi32>, vector<16xi32>], vector<16xf32>, vector<16xi1>
          tpu.vector_store_idx %arg13[%add3A_246, %broadcast_in_dim3A_437], %gather3A_438 masked %lt3A_238 : memref<128x128xf32, #tpu.memory_space<vmem>>[vector<16xi32>, vector<16xi32>], vector<16xf32>, vector<16xi1>
          %all_reduce_population_count3A = tpu.all_reduce %lt3A_238 {dim = 0 : i64, kind = #tpu.reduction_kind<sum>} : vector<16xi1> -> vector<16xi32>
          %slice3A = vector.extract_strided_slice %all_reduce_population_count3A {offsets = [0], sizes = [1], strides = [1]} : vector<16xi32> to vector<1xi32>
          %squeeze3A = vector.extract %slice3A[0] : i32 from vector<1xi32>
          %add3A_439 = arith.addi %cond3A_227, %squeeze3A : i32
          scf.yield %add3A_439 : i32
        }
        scf.yield %while3A_218 : i32
      } else {
        scf.yield %scan3A_114 : i32
      }
      %add3A_150 = arith.constant 2 : i32
      %add3A_151 = arith.addi %mul3A_116, %add3A_150 : i32
      %mul3A_152 = arith.constant 32 : i32
      %mul3A_153 = arith.muli %mul3A_152, %add3A_151 : i32
      %add3A_154 = arith.addi %add3A, %mul3A_153 : i32
      %le3A_155 = arith.constant 1953 : i32
      %le3A_156 = arith.cmpi sle, %add3A_154, %le3A_155 : i32
      %jit3A_157 = arith.constant 0 : i32
      %select_n3A_158 = arith.select %le3A_156, %add3A_154, %jit3A_157 : i32
      %eq3A_159 = arith.constant 1953 : i32
      %eq3A_160 = arith.cmpi eq, %select_n3A_158, %eq3A_159 : i32
      %convert_element_type3A_161 = arith.extui %eq3A_160 : i1 to i32
      %cond3A_162 = arith.constant 0 : i32
      %cond3A_163 = arith.constant 0 : i32
      %cond3A_164 = arith.cmpi ne, %convert_element_type3A_161, %cond3A_163 : i32
      %cond3A_165 = scf.if %cond3A_164 -> (i32) {
        tpu.enqueue_dma source(%arg3 : memref<64x512xf32, #tpu.memory_space<hbm>>) target(%arg11 : memref<64x512xf32, #tpu.memory_space<vmem>>) target_semaphore(%arg15 : memref<!tpu.dma_semaphore, #tpu.memory_space<semaphore_mem>>)
        %cond3A_191 = arith.constant 0 : i32
        scf.yield %cond3A_191 : i32
      } else {
        %jit3A_191 = arith.constant 0 : i32
        %select_n3A_192 = arith.select %eq3A_160, %jit3A_191, %select_n3A_158 : i32
        %mul3A_193 = arith.constant 512 : i32
        %mul3A_194 = arith.muli %select_n3A_192, %mul3A_193 : i32
        %multiple_of3A_195 = tpu.assume_multiple %mul3A_194, 128 : i32
        %dma_start3A_196 = arith.constant 0 : i32
        %dma_start3A_197 = tpu.memref_slice %arg2[%dma_start3A_196, %multiple_of3A_195] : memref<64x1000000xf32, #tpu.memory_space<hbm>> -> memref<64x512xf32, #tpu.memory_space<hbm>>
        %dma_start3A_198 = arith.constant 0 : i32
        %dma_start3A_199 = tpu.memref_slice %arg2[%dma_start3A_198, %multiple_of3A_195] : memref<64x1000000xf32, #tpu.memory_space<hbm>> -> memref<64x512xf32, #tpu.memory_space<hbm>>
        tpu.enqueue_dma source(%dma_start3A_199 : memref<64x512xf32, #tpu.memory_space<hbm>>) target(%arg11 : memref<64x512xf32, #tpu.memory_space<vmem>>) target_semaphore(%arg15 : memref<!tpu.dma_semaphore, #tpu.memory_space<semaphore_mem>>)
        %cond3A_200 = arith.constant 0 : i32
        scf.yield %cond3A_200 : i32
      }
      %add3A_166 = arith.constant 1 : i32
      %add3A_167 = arith.addi %mul3A_116, %add3A_166 : i32
      %mul3A_168 = arith.constant 32 : i32
      %mul3A_169 = arith.muli %mul3A_168, %add3A_167 : i32
      %add3A_170 = arith.addi %add3A, %mul3A_169 : i32
      %le3A_171 = arith.constant 1953 : i32
      %le3A_172 = arith.cmpi sle, %add3A_170, %le3A_171 : i32
      %eq3A_173 = arith.constant 1953 : i32
      %eq3A_174 = arith.cmpi eq, %add3A_170, %eq3A_173 : i32
      %mul3A_175 = arith.constant 512 : i32
      %mul3A_176 = arith.muli %add3A_170, %mul3A_175 : i32
      %jit3A_177 = arith.constant 999936 : i32
      %select_n3A_178 = arith.select %eq3A_174, %jit3A_177, %mul3A_176 : i32
      %add3A_179 = arith.constant 512 : i32
      %add3A_180 = arith.addi %select_n3A_178, %add3A_179 : i32
      %dma_wait3A_181 = arith.constant 0 : i32
      %dma_wait3A_182 = arith.constant 0 : i32
      %dma_wait3A_183 = tpu.memref_slice %arg2[%dma_wait3A_181, %dma_wait3A_182] : memref<64x1000000xf32, #tpu.memory_space<hbm>> -> memref<64x512xf32, #tpu.memory_space<hbm>>
      %dma_wait3A_184 = arith.constant 0 : i32
      %dma_wait3A_185 = arith.constant 0 : i32
      %dma_wait3A_186 = tpu.memref_slice %arg2[%dma_wait3A_184, %dma_wait3A_185] : memref<64x1000000xf32, #tpu.memory_space<hbm>> -> memref<64x512xf32, #tpu.memory_space<hbm>>
      tpu.wait_dma2 semaphore(%arg16 : memref<!tpu.dma_semaphore, #tpu.memory_space<semaphore_mem>>) src(%dma_wait3A_186 : memref<64x512xf32, #tpu.memory_space<hbm>>) dst(%arg12 : memref<64x512xf32, #tpu.memory_space<vmem>>)
      %convert_element_type3A_187 = arith.extui %le3A_172 : i1 to i32
      %cond3A_188 = arith.constant 0 : i32
      %cond3A_189 = arith.cmpi ne, %convert_element_type3A_187, %cond3A_188 : i32
      %cond3A_190 = scf.if %cond3A_189 -> (i32) {
        %while3A = arith.constant 0 : i32
        %while3A_191 = arith.constant 0 : i32
        %while3A_192 = arith.subi %shift_right_logical3A_15, %while3A : i32
        %while3A_193 = arith.addi %while3A, %while3A_192 : i32
        %while3A_194 = arith.constant 1 : i32
        %while3A_195 = arith.divsi %while3A_192, %while3A_194 : i32
        %while3A_196 = arith.muli %while3A_195, %while3A_194 : i32
        %while3A_197 = arith.addi %while3A, %while3A_196 : i32
        %while3A_198 = arith.constant 1 : i32
        %while3A_199 = scf.for %while3A_219 = %while3A to %while3A_197 step %while3A_198 iter_args(%while3A_220 = %while3A_191) -> (i32)  : i32 {
          %mul3A_221 = arith.constant 16 : i32
          %mul3A_222 = arith.muli %while3A_219, %mul3A_221 : i32
          %multiple_of3A_223 = tpu.assume_multiple %mul3A_222, 16 : i32
          %get3A = arith.index_cast %multiple_of3A_223 : i32 to index
          %get3A_224 = tpu.vector_load %arg7[%get3A] {strides = array<i32>} : memref<4096xi32, #tpu.memory_space<vmem>>, vector<16xi32>,
          %get3A_225 = arith.index_cast %multiple_of3A_223 : i32 to index
          %get3A_226 = tpu.vector_load %arg8[%get3A_225] {strides = array<i32>} : memref<4096xi32, #tpu.memory_space<vmem>>, vector<16xi32>,
          %mul3A_227 = arith.constant 16 : i32
          %mul3A_228 = arith.muli %while3A_219, %mul3A_227 : i32
          %add3A_229 = vector.broadcast %mul3A_228 : i32 to vector<16xi32>
          %add3A_230 = arith.addi %iota3A, %add3A_229 : vector<16xi32>
          %lt3A = vector.broadcast %min3A_12 : i32 to vector<16xi32>
          %lt3A_231 = arith.cmpi slt, %add3A_230, %lt3A : vector<16xi32>
          %ge3A = vector.broadcast %select_n3A_178 : i32 to vector<16xi32>
          %ge3A_232 = arith.cmpi sge, %get3A_224, %ge3A : vector<16xi32>
          %and3A = arith.andi %lt3A_231, %ge3A_232 : vector<16xi1>
          %lt3A_233 = vector.broadcast %add3A_180 : i32 to vector<16xi32>
          %lt3A_234 = arith.cmpi slt, %get3A_224, %lt3A_233 : vector<16xi32>
          %and3A_235 = arith.andi %and3A, %lt3A_234 : vector<16xi1>
          %min3A_236 = arith.constant 4080 : i32
          %min3A_237 = arith.minsi %while3A_220, %min3A_236 : i32
          %swap3A_238 = arith.index_cast %min3A_237 : i32 to index
          %swap3A_239 = tpu.vector_load %arg9[%swap3A_238] masked %and3A_235 {strides = array<i32>} : memref<4096xi32, #tpu.memory_space<vmem>>, vector<16xi32>, vector<16xi1>
          tpu.vector_store %arg9[%swap3A_238], %get3A_224 masked %and3A_235 {strides = array<i32>} : memref<4096xi32, #tpu.memory_space<vmem>>, vector<16xi32>, vector<16xi1>
          %swap3A_240 = arith.index_cast %min3A_237 : i32 to index
          %swap3A_241 = tpu.vector_load %arg10[%swap3A_240] masked %and3A_235 {strides = array<i32>} : memref<4096xi32, #tpu.memory_space<vmem>>, vector<16xi32>, vector<16xi1>
          tpu.vector_store %arg10[%swap3A_240], %get3A_226 masked %and3A_235 {strides = array<i32>} : memref<4096xi32, #tpu.memory_space<vmem>>, vector<16xi32>, vector<16xi1>
          %all_reduce_population_count3A = tpu.all_reduce %and3A_235 {dim = 0 : i64, kind = #tpu.reduction_kind<sum>} : vector<16xi1> -> vector<16xi32>
          %slice3A = vector.extract_strided_slice %all_reduce_population_count3A {offsets = [0], sizes = [1], strides = [1]} : vector<16xi32> to vector<1xi32>
          %squeeze3A = vector.extract %slice3A[0] : i32 from vector<1xi32>
          %add3A_242 = arith.addi %while3A_220, %squeeze3A : i32
          scf.yield %add3A_242 : i32
        }
        %while3A_200 = arith.constant 1 : i32
        %while3A_201 = scf.for %while3A_219 = %while3A_197 to %while3A_193 step %while3A_200 iter_args(%while3A_220 = %while3A_199) -> (i32)  : i32 {
          %mul3A_221 = arith.constant 16 : i32
          %mul3A_222 = arith.muli %while3A_219, %mul3A_221 : i32
          %multiple_of3A_223 = tpu.assume_multiple %mul3A_222, 16 : i32
          %get3A = arith.index_cast %multiple_of3A_223 : i32 to index
          %get3A_224 = tpu.vector_load %arg7[%get3A] {strides = array<i32>} : memref<4096xi32, #tpu.memory_space<vmem>>, vector<16xi32>,
          %get3A_225 = arith.index_cast %multiple_of3A_223 : i32 to index
          %get3A_226 = tpu.vector_load %arg8[%get3A_225] {strides = array<i32>} : memref<4096xi32, #tpu.memory_space<vmem>>, vector<16xi32>,
          %mul3A_227 = arith.constant 16 : i32
          %mul3A_228 = arith.muli %while3A_219, %mul3A_227 : i32
          %add3A_229 = vector.broadcast %mul3A_228 : i32 to vector<16xi32>
          %add3A_230 = arith.addi %iota3A, %add3A_229 : vector<16xi32>
          %lt3A = vector.broadcast %min3A_12 : i32 to vector<16xi32>
          %lt3A_231 = arith.cmpi slt, %add3A_230, %lt3A : vector<16xi32>
          %ge3A = vector.broadcast %select_n3A_178 : i32 to vector<16xi32>
          %ge3A_232 = arith.cmpi sge, %get3A_224, %ge3A : vector<16xi32>
          %and3A = arith.andi %lt3A_231, %ge3A_232 : vector<16xi1>
          %lt3A_233 = vector.broadcast %add3A_180 : i32 to vector<16xi32>
          %lt3A_234 = arith.cmpi slt, %get3A_224, %lt3A_233 : vector<16xi32>
          %and3A_235 = arith.andi %and3A, %lt3A_234 : vector<16xi1>
          %min3A_236 = arith.constant 4080 : i32
          %min3A_237 = arith.minsi %while3A_220, %min3A_236 : i32
          %swap3A_238 = arith.index_cast %min3A_237 : i32 to index
          %swap3A_239 = tpu.vector_load %arg9[%swap3A_238] masked %and3A_235 {strides = array<i32>} : memref<4096xi32, #tpu.memory_space<vmem>>, vector<16xi32>, vector<16xi1>
          tpu.vector_store %arg9[%swap3A_238], %get3A_224 masked %and3A_235 {strides = array<i32>} : memref<4096xi32, #tpu.memory_space<vmem>>, vector<16xi32>, vector<16xi1>
          %swap3A_240 = arith.index_cast %min3A_237 : i32 to index
          %swap3A_241 = tpu.vector_load %arg10[%swap3A_240] masked %and3A_235 {strides = array<i32>} : memref<4096xi32, #tpu.memory_space<vmem>>, vector<16xi32>, vector<16xi1>
          tpu.vector_store %arg10[%swap3A_240], %get3A_226 masked %and3A_235 {strides = array<i32>} : memref<4096xi32, #tpu.memory_space<vmem>>, vector<16xi32>, vector<16xi1>
          %all_reduce_population_count3A = tpu.all_reduce %and3A_235 {dim = 0 : i64, kind = #tpu.reduction_kind<sum>} : vector<16xi1> -> vector<16xi32>
          %slice3A = vector.extract_strided_slice %all_reduce_population_count3A {offsets = [0], sizes = [1], strides = [1]} : vector<16xi32> to vector<1xi32>
          %squeeze3A = vector.extract %slice3A[0] : i32 from vector<1xi32>
          %add3A_242 = arith.addi %while3A_220, %squeeze3A : i32
          scf.yield %add3A_242 : i32
        }
        %min3A_202 = arith.constant 4080 : i32
        %min3A_203 = arith.minsi %while3A_201, %min3A_202 : i32
        %add3A_204 = arith.constant 15 : i32
        %add3A_205 = arith.addi %min3A_203, %add3A_204 : i32
        %shift_right_logical3A_206 = arith.constant 4 : i32
        %shift_right_logical3A_207 = arith.shrui %add3A_205, %shift_right_logical3A_206 : i32
        %while3A_208 = arith.constant 0 : i32
        %while3A_209 = arith.subi %shift_right_logical3A_207, %while3A_208 : i32
        %while3A_210 = arith.addi %while3A_208, %while3A_209 : i32
        %while3A_211 = arith.constant 1 : i32
        %while3A_212 = arith.divsi %while3A_209, %while3A_211 : i32
        %while3A_213 = arith.muli %while3A_212, %while3A_211 : i32
        %while3A_214 = arith.addi %while3A_208, %while3A_213 : i32
        %while3A_215 = arith.constant 1 : i32
        %while3A_216 = scf.for %while3A_219 = %while3A_208 to %while3A_214 step %while3A_215 iter_args(%while3A_220 = %cond3A_149) -> (i32)  : i32 {
          %add3A_221 = arith.constant 16 : i32
          %add3A_222 = arith.addi %while3A_220, %add3A_221 : i32
          %gt3A = arith.constant 128 : i32
          %gt3A_223 = arith.cmpi sgt, %add3A_222, %gt3A : i32
          %convert_element_type3A_224 = arith.extui %gt3A_223 : i1 to i32
          %cond3A_225 = arith.constant 0 : i32
          %cond3A_226 = arith.cmpi ne, %convert_element_type3A_224, %cond3A_225 : i32
          %cond3A_227 = scf.if %cond3A_226 -> (i32) {
            %dma_start3A_440 = arith.constant 0 : i32
            %dma_start3A_441 = arith.constant 0 : i32
            %dma_start3A_442 = tpu.memref_slice %arg5[%dma_start3A_440, %dma_start3A_441] : memref<32896x128xf32, #tpu.memory_space<hbm>> -> memref<32896x128xf32, #tpu.memory_space<hbm>>
            tpu.enqueue_indirect_dma source(%arg13 : memref<128x128xf32, #tpu.memory_space<vmem>>) target(%dma_start3A_442 : memref<32896x128xf32, #tpu.memory_space<hbm>>) offsets(%arg14 : memref<128xi32, #tpu.memory_space<vmem>>) semaphore(%arg17 : memref<!tpu.dma_semaphore, #tpu.memory_space<semaphore_mem>>)
            %dma_wait3A_443 = arith.constant 0 : i32
            %dma_wait3A_444 = arith.constant 0 : i32
            %dma_wait3A_445 = tpu.memref_slice %arg5[%dma_wait3A_443, %dma_wait3A_444] : memref<32896x128xf32, #tpu.memory_space<hbm>> -> memref<32896x128xf32, #tpu.memory_space<hbm>>
            tpu.wait_indirect_dma semaphore(%arg17 : memref<!tpu.dma_semaphore, #tpu.memory_space<semaphore_mem>>) src(%arg13 : memref<128x128xf32, #tpu.memory_space<vmem>>) dst(%dma_wait3A_445 : memref<32896x128xf32, #tpu.memory_space<hbm>>)
            %add3A_446 = arith.constant 32768 : i32
            %add3A_447 = vector.broadcast %add3A_446 : i32 to vector<16xi32>
            %add3A_448 = arith.addi %iota3A, %add3A_447 : vector<16xi32>
            %swap3A_449 = arith.constant 0 : index
            %swap3A_450 = tpu.vector_load %arg14[%swap3A_449] {strides = array<i32>} : memref<128xi32, #tpu.memory_space<vmem>>, vector<16xi32>,
            tpu.vector_store %arg14[%swap3A_449], %add3A_448 {strides = array<i32>} : memref<128xi32, #tpu.memory_space<vmem>>, vector<16xi32>,
            %add3A_451 = arith.constant 32784 : i32
            %add3A_452 = vector.broadcast %add3A_451 : i32 to vector<16xi32>
            %add3A_453 = arith.addi %iota3A, %add3A_452 : vector<16xi32>
            %swap3A_454 = arith.constant 16 : index
            %swap3A_455 = tpu.vector_load %arg14[%swap3A_454] {strides = array<i32>} : memref<128xi32, #tpu.memory_space<vmem>>, vector<16xi32>,
            tpu.vector_store %arg14[%swap3A_454], %add3A_453 {strides = array<i32>} : memref<128xi32, #tpu.memory_space<vmem>>, vector<16xi32>,
            %add3A_456 = arith.constant 32800 : i32
            %add3A_457 = vector.broadcast %add3A_456 : i32 to vector<16xi32>
            %add3A_458 = arith.addi %iota3A, %add3A_457 : vector<16xi32>
            %swap3A_459 = arith.constant 32 : index
            %swap3A_460 = tpu.vector_load %arg14[%swap3A_459] {strides = array<i32>} : memref<128xi32, #tpu.memory_space<vmem>>, vector<16xi32>,
            tpu.vector_store %arg14[%swap3A_459], %add3A_458 {strides = array<i32>} : memref<128xi32, #tpu.memory_space<vmem>>, vector<16xi32>,
            %add3A_461 = arith.constant 32816 : i32
            %add3A_462 = vector.broadcast %add3A_461 : i32 to vector<16xi32>
            %add3A_463 = arith.addi %iota3A, %add3A_462 : vector<16xi32>
            %swap3A_464 = arith.constant 48 : index
            %swap3A_465 = tpu.vector_load %arg14[%swap3A_464] {strides = array<i32>} : memref<128xi32, #tpu.memory_space<vmem>>, vector<16xi32>,
            tpu.vector_store %arg14[%swap3A_464], %add3A_463 {strides = array<i32>} : memref<128xi32, #tpu.memory_space<vmem>>, vector<16xi32>,
            %add3A_466 = arith.constant 32832 : i32
            %add3A_467 = vector.broadcast %add3A_466 : i32 to vector<16xi32>
            %add3A_468 = arith.addi %iota3A, %add3A_467 : vector<16xi32>
            %swap3A_469 = arith.constant 64 : index
            %swap3A_470 = tpu.vector_load %arg14[%swap3A_469] {strides = array<i32>} : memref<128xi32, #tpu.memory_space<vmem>>, vector<16xi32>,
            tpu.vector_store %arg14[%swap3A_469], %add3A_468 {strides = array<i32>} : memref<128xi32, #tpu.memory_space<vmem>>, vector<16xi32>,
            %add3A_471 = arith.constant 32848 : i32
            %add3A_472 = vector.broadcast %add3A_471 : i32 to vector<16xi32>
            %add3A_473 = arith.addi %iota3A, %add3A_472 : vector<16xi32>
            %swap3A_474 = arith.constant 80 : index
            %swap3A_475 = tpu.vector_load %arg14[%swap3A_474] {strides = array<i32>} : memref<128xi32, #tpu.memory_space<vmem>>, vector<16xi32>,
            tpu.vector_store %arg14[%swap3A_474], %add3A_473 {strides = array<i32>} : memref<128xi32, #tpu.memory_space<vmem>>, vector<16xi32>,
            %add3A_476 = arith.constant 32864 : i32
            %add3A_477 = vector.broadcast %add3A_476 : i32 to vector<16xi32>
            %add3A_478 = arith.addi %iota3A, %add3A_477 : vector<16xi32>
            %swap3A_479 = arith.constant 96 : index
            %swap3A_480 = tpu.vector_load %arg14[%swap3A_479] {strides = array<i32>} : memref<128xi32, #tpu.memory_space<vmem>>, vector<16xi32>,
            tpu.vector_store %arg14[%swap3A_479], %add3A_478 {strides = array<i32>} : memref<128xi32, #tpu.memory_space<vmem>>, vector<16xi32>,
            %add3A_481 = arith.constant 32880 : i32
            %add3A_482 = vector.broadcast %add3A_481 : i32 to vector<16xi32>
            %add3A_483 = arith.addi %iota3A, %add3A_482 : vector<16xi32>
            %swap3A_484 = arith.constant 112 : index
            %swap3A_485 = tpu.vector_load %arg14[%swap3A_484] {strides = array<i32>} : memref<128xi32, #tpu.memory_space<vmem>>, vector<16xi32>,
            tpu.vector_store %arg14[%swap3A_484], %add3A_483 {strides = array<i32>} : memref<128xi32, #tpu.memory_space<vmem>>, vector<16xi32>,
            %cond3A_486 = arith.constant 0 : i32
            scf.yield %cond3A_486 : i32
          } else {
            scf.yield %while3A_220 : i32
          }
          %mul3A_228 = arith.constant 16 : i32
          %mul3A_229 = arith.muli %while3A_219, %mul3A_228 : i32
          %multiple_of3A_230 = tpu.assume_multiple %mul3A_229, 16 : i32
          %get3A = arith.index_cast %multiple_of3A_230 : i32 to index
          %get3A_231 = tpu.vector_load %arg9[%get3A] {strides = array<i32>} : memref<4096xi32, #tpu.memory_space<vmem>>, vector<16xi32>,
          %get3A_232 = arith.index_cast %multiple_of3A_230 : i32 to index
          %get3A_233 = tpu.vector_load %arg10[%get3A_232] {strides = array<i32>} : memref<4096xi32, #tpu.memory_space<vmem>>, vector<16xi32>,
          %mul3A_234 = arith.constant 16 : i32
          %mul3A_235 = arith.muli %while3A_219, %mul3A_234 : i32
          %add3A_236 = vector.broadcast %mul3A_235 : i32 to vector<16xi32>
          %add3A_237 = arith.addi %iota3A, %add3A_236 : vector<16xi32>
          %lt3A = vector.broadcast %min3A_203 : i32 to vector<16xi32>
          %lt3A_238 = arith.cmpi slt, %add3A_237, %lt3A : vector<16xi32>
          %sub3A = vector.broadcast %select_n3A_178 : i32 to vector<16xi32>
          %sub3A_239 = arith.subi %get3A_231, %sub3A : vector<16xi32>
          %jit3A_240 = arith.constant 0 : i32
          %jit3A_241 = arith.constant 511 : i32
          %max3A = vector.broadcast %jit3A_240 : i32 to vector<16xi32>
          %max3A_242 = arith.maxsi %max3A, %sub3A_239 : vector<16xi32>
          %min3A_243 = vector.broadcast %jit3A_241 : i32 to vector<16xi32>
          %min3A_244 = arith.minsi %min3A_243, %max3A_242 : vector<16xi32>
          %add3A_245 = vector.broadcast %cond3A_227 : i32 to vector<16xi32>
          %add3A_246 = arith.addi %add3A_245, %iota3A : vector<16xi32>
          %swap3A_247 = arith.index_cast %cond3A_227 : i32 to index
          %swap3A_248 = tpu.vector_load %arg14[%swap3A_247] masked %lt3A_238 {strides = array<i32>} : memref<128xi32, #tpu.memory_space<vmem>>, vector<16xi32>, vector<16xi1>
          tpu.vector_store %arg14[%swap3A_247], %get3A_233 masked %lt3A_238 {strides = array<i32>} : memref<128xi32, #tpu.memory_space<vmem>>, vector<16xi32>, vector<16xi1>
          %broadcast_in_dim3A = arith.constant 0 : i32
          %broadcast_in_dim3A_249 = vector.broadcast %broadcast_in_dim3A : i32 to vector<16xi32>
          %gather3A = tpu.vector_load_idx %arg12[%broadcast_in_dim3A_249, %min3A_244] masked %lt3A_238 : memref<64x512xf32, #tpu.memory_space<vmem>>[vector<16xi32>, vector<16xi32>], vector<16xf32>, vector<16xi1>
          tpu.vector_store_idx %arg13[%add3A_246, %broadcast_in_dim3A_249], %gather3A masked %lt3A_238 : memref<128x128xf32, #tpu.memory_space<vmem>>[vector<16xi32>, vector<16xi32>], vector<16xf32>, vector<16xi1>
          %broadcast_in_dim3A_250 = arith.constant 1 : i32
          %broadcast_in_dim3A_251 = vector.broadcast %broadcast_in_dim3A_250 : i32 to vector<16xi32>
          %gather3A_252 = tpu.vector_load_idx %arg12[%broadcast_in_dim3A_251, %min3A_244] masked %lt3A_238 : memref<64x512xf32, #tpu.memory_space<vmem>>[vector<16xi32>, vector<16xi32>], vector<16xf32>, vector<16xi1>
          tpu.vector_store_idx %arg13[%add3A_246, %broadcast_in_dim3A_251], %gather3A_252 masked %lt3A_238 : memref<128x128xf32, #tpu.memory_space<vmem>>[vector<16xi32>, vector<16xi32>], vector<16xf32>, vector<16xi1>
          %broadcast_in_dim3A_253 = arith.constant 2 : i32
          %broadcast_in_dim3A_254 = vector.broadcast %broadcast_in_dim3A_253 : i32 to vector<16xi32>
          %gather3A_255 = tpu.vector_load_idx %arg12[%broadcast_in_dim3A_254, %min3A_244] masked %lt3A_238 : memref<64x512xf32, #tpu.memory_space<vmem>>[vector<16xi32>, vector<16xi32>], vector<16xf32>, vector<16xi1>
          tpu.vector_store_idx %arg13[%add3A_246, %broadcast_in_dim3A_254], %gather3A_255 masked %lt3A_238 : memref<128x128xf32, #tpu.memory_space<vmem>>[vector<16xi32>, vector<16xi32>], vector<16xf32>, vector<16xi1>
          %broadcast_in_dim3A_256 = arith.constant 3 : i32
          %broadcast_in_dim3A_257 = vector.broadcast %broadcast_in_dim3A_256 : i32 to vector<16xi32>
          %gather3A_258 = tpu.vector_load_idx %arg12[%broadcast_in_dim3A_257, %min3A_244] masked %lt3A_238 : memref<64x512xf32, #tpu.memory_space<vmem>>[vector<16xi32>, vector<16xi32>], vector<16xf32>, vector<16xi1>
          tpu.vector_store_idx %arg13[%add3A_246, %broadcast_in_dim3A_257], %gather3A_258 masked %lt3A_238 : memref<128x128xf32, #tpu.memory_space<vmem>>[vector<16xi32>, vector<16xi32>], vector<16xf32>, vector<16xi1>
          %broadcast_in_dim3A_259 = arith.constant 4 : i32
          %broadcast_in_dim3A_260 = vector.broadcast %broadcast_in_dim3A_259 : i32 to vector<16xi32>
          %gather3A_261 = tpu.vector_load_idx %arg12[%broadcast_in_dim3A_260, %min3A_244] masked %lt3A_238 : memref<64x512xf32, #tpu.memory_space<vmem>>[vector<16xi32>, vector<16xi32>], vector<16xf32>, vector<16xi1>
          tpu.vector_store_idx %arg13[%add3A_246, %broadcast_in_dim3A_260], %gather3A_261 masked %lt3A_238 : memref<128x128xf32, #tpu.memory_space<vmem>>[vector<16xi32>, vector<16xi32>], vector<16xf32>, vector<16xi1>
          %broadcast_in_dim3A_262 = arith.constant 5 : i32
          %broadcast_in_dim3A_263 = vector.broadcast %broadcast_in_dim3A_262 : i32 to vector<16xi32>
          %gather3A_264 = tpu.vector_load_idx %arg12[%broadcast_in_dim3A_263, %min3A_244] masked %lt3A_238 : memref<64x512xf32, #tpu.memory_space<vmem>>[vector<16xi32>, vector<16xi32>], vector<16xf32>, vector<16xi1>
          tpu.vector_store_idx %arg13[%add3A_246, %broadcast_in_dim3A_263], %gather3A_264 masked %lt3A_238 : memref<128x128xf32, #tpu.memory_space<vmem>>[vector<16xi32>, vector<16xi32>], vector<16xf32>, vector<16xi1>
          %broadcast_in_dim3A_265 = arith.constant 6 : i32
          %broadcast_in_dim3A_266 = vector.broadcast %broadcast_in_dim3A_265 : i32 to vector<16xi32>
          %gather3A_267 = tpu.vector_load_idx %arg12[%broadcast_in_dim3A_266, %min3A_244] masked %lt3A_238 : memref<64x512xf32, #tpu.memory_space<vmem>>[vector<16xi32>, vector<16xi32>], vector<16xf32>, vector<16xi1>
          tpu.vector_store_idx %arg13[%add3A_246, %broadcast_in_dim3A_266], %gather3A_267 masked %lt3A_238 : memref<128x128xf32, #tpu.memory_space<vmem>>[vector<16xi32>, vector<16xi32>], vector<16xf32>, vector<16xi1>
          %broadcast_in_dim3A_268 = arith.constant 7 : i32
          %broadcast_in_dim3A_269 = vector.broadcast %broadcast_in_dim3A_268 : i32 to vector<16xi32>
          %gather3A_270 = tpu.vector_load_idx %arg12[%broadcast_in_dim3A_269, %min3A_244] masked %lt3A_238 : memref<64x512xf32, #tpu.memory_space<vmem>>[vector<16xi32>, vector<16xi32>], vector<16xf32>, vector<16xi1>
          tpu.vector_store_idx %arg13[%add3A_246, %broadcast_in_dim3A_269], %gather3A_270 masked %lt3A_238 : memref<128x128xf32, #tpu.memory_space<vmem>>[vector<16xi32>, vector<16xi32>], vector<16xf32>, vector<16xi1>
          %broadcast_in_dim3A_271 = arith.constant 8 : i32
          %broadcast_in_dim3A_272 = vector.broadcast %broadcast_in_dim3A_271 : i32 to vector<16xi32>
          %gather3A_273 = tpu.vector_load_idx %arg12[%broadcast_in_dim3A_272, %min3A_244] masked %lt3A_238 : memref<64x512xf32, #tpu.memory_space<vmem>>[vector<16xi32>, vector<16xi32>], vector<16xf32>, vector<16xi1>
          tpu.vector_store_idx %arg13[%add3A_246, %broadcast_in_dim3A_272], %gather3A_273 masked %lt3A_238 : memref<128x128xf32, #tpu.memory_space<vmem>>[vector<16xi32>, vector<16xi32>], vector<16xf32>, vector<16xi1>
          %broadcast_in_dim3A_274 = arith.constant 9 : i32
          %broadcast_in_dim3A_275 = vector.broadcast %broadcast_in_dim3A_274 : i32 to vector<16xi32>
          %gather3A_276 = tpu.vector_load_idx %arg12[%broadcast_in_dim3A_275, %min3A_244] masked %lt3A_238 : memref<64x512xf32, #tpu.memory_space<vmem>>[vector<16xi32>, vector<16xi32>], vector<16xf32>, vector<16xi1>
          tpu.vector_store_idx %arg13[%add3A_246, %broadcast_in_dim3A_275], %gather3A_276 masked %lt3A_238 : memref<128x128xf32, #tpu.memory_space<vmem>>[vector<16xi32>, vector<16xi32>], vector<16xf32>, vector<16xi1>
          %broadcast_in_dim3A_277 = arith.constant 10 : i32
          %broadcast_in_dim3A_278 = vector.broadcast %broadcast_in_dim3A_277 : i32 to vector<16xi32>
          %gather3A_279 = tpu.vector_load_idx %arg12[%broadcast_in_dim3A_278, %min3A_244] masked %lt3A_238 : memref<64x512xf32, #tpu.memory_space<vmem>>[vector<16xi32>, vector<16xi32>], vector<16xf32>, vector<16xi1>
          tpu.vector_store_idx %arg13[%add3A_246, %broadcast_in_dim3A_278], %gather3A_279 masked %lt3A_238 : memref<128x128xf32, #tpu.memory_space<vmem>>[vector<16xi32>, vector<16xi32>], vector<16xf32>, vector<16xi1>
          %broadcast_in_dim3A_280 = arith.constant 11 : i32
          %broadcast_in_dim3A_281 = vector.broadcast %broadcast_in_dim3A_280 : i32 to vector<16xi32>
          %gather3A_282 = tpu.vector_load_idx %arg12[%broadcast_in_dim3A_281, %min3A_244] masked %lt3A_238 : memref<64x512xf32, #tpu.memory_space<vmem>>[vector<16xi32>, vector<16xi32>], vector<16xf32>, vector<16xi1>
          tpu.vector_store_idx %arg13[%add3A_246, %broadcast_in_dim3A_281], %gather3A_282 masked %lt3A_238 : memref<128x128xf32, #tpu.memory_space<vmem>>[vector<16xi32>, vector<16xi32>], vector<16xf32>, vector<16xi1>
          %broadcast_in_dim3A_283 = arith.constant 12 : i32
          %broadcast_in_dim3A_284 = vector.broadcast %broadcast_in_dim3A_283 : i32 to vector<16xi32>
          %gather3A_285 = tpu.vector_load_idx %arg12[%broadcast_in_dim3A_284, %min3A_244] masked %lt3A_238 : memref<64x512xf32, #tpu.memory_space<vmem>>[vector<16xi32>, vector<16xi32>], vector<16xf32>, vector<16xi1>
          tpu.vector_store_idx %arg13[%add3A_246, %broadcast_in_dim3A_284], %gather3A_285 masked %lt3A_238 : memref<128x128xf32, #tpu.memory_space<vmem>>[vector<16xi32>, vector<16xi32>], vector<16xf32>, vector<16xi1>
          %broadcast_in_dim3A_286 = arith.constant 13 : i32
          %broadcast_in_dim3A_287 = vector.broadcast %broadcast_in_dim3A_286 : i32 to vector<16xi32>
          %gather3A_288 = tpu.vector_load_idx %arg12[%broadcast_in_dim3A_287, %min3A_244] masked %lt3A_238 : memref<64x512xf32, #tpu.memory_space<vmem>>[vector<16xi32>, vector<16xi32>], vector<16xf32>, vector<16xi1>
          tpu.vector_store_idx %arg13[%add3A_246, %broadcast_in_dim3A_287], %gather3A_288 masked %lt3A_238 : memref<128x128xf32, #tpu.memory_space<vmem>>[vector<16xi32>, vector<16xi32>], vector<16xf32>, vector<16xi1>
          %broadcast_in_dim3A_289 = arith.constant 14 : i32
          %broadcast_in_dim3A_290 = vector.broadcast %broadcast_in_dim3A_289 : i32 to vector<16xi32>
          %gather3A_291 = tpu.vector_load_idx %arg12[%broadcast_in_dim3A_290, %min3A_244] masked %lt3A_238 : memref<64x512xf32, #tpu.memory_space<vmem>>[vector<16xi32>, vector<16xi32>], vector<16xf32>, vector<16xi1>
          tpu.vector_store_idx %arg13[%add3A_246, %broadcast_in_dim3A_290], %gather3A_291 masked %lt3A_238 : memref<128x128xf32, #tpu.memory_space<vmem>>[vector<16xi32>, vector<16xi32>], vector<16xf32>, vector<16xi1>
          %broadcast_in_dim3A_292 = arith.constant 15 : i32
          %broadcast_in_dim3A_293 = vector.broadcast %broadcast_in_dim3A_292 : i32 to vector<16xi32>
          %gather3A_294 = tpu.vector_load_idx %arg12[%broadcast_in_dim3A_293, %min3A_244] masked %lt3A_238 : memref<64x512xf32, #tpu.memory_space<vmem>>[vector<16xi32>, vector<16xi32>], vector<16xf32>, vector<16xi1>
          tpu.vector_store_idx %arg13[%add3A_246, %broadcast_in_dim3A_293], %gather3A_294 masked %lt3A_238 : memref<128x128xf32, #tpu.memory_space<vmem>>[vector<16xi32>, vector<16xi32>], vector<16xf32>, vector<16xi1>
          %broadcast_in_dim3A_295 = arith.constant 16 : i32
          %broadcast_in_dim3A_296 = vector.broadcast %broadcast_in_dim3A_295 : i32 to vector<16xi32>
          %gather3A_297 = tpu.vector_load_idx %arg12[%broadcast_in_dim3A_296, %min3A_244] masked %lt3A_238 : memref<64x512xf32, #tpu.memory_space<vmem>>[vector<16xi32>, vector<16xi32>], vector<16xf32>, vector<16xi1>
          tpu.vector_store_idx %arg13[%add3A_246, %broadcast_in_dim3A_296], %gather3A_297 masked %lt3A_238 : memref<128x128xf32, #tpu.memory_space<vmem>>[vector<16xi32>, vector<16xi32>], vector<16xf32>, vector<16xi1>
          %broadcast_in_dim3A_298 = arith.constant 17 : i32
          %broadcast_in_dim3A_299 = vector.broadcast %broadcast_in_dim3A_298 : i32 to vector<16xi32>
          %gather3A_300 = tpu.vector_load_idx %arg12[%broadcast_in_dim3A_299, %min3A_244] masked %lt3A_238 : memref<64x512xf32, #tpu.memory_space<vmem>>[vector<16xi32>, vector<16xi32>], vector<16xf32>, vector<16xi1>
          tpu.vector_store_idx %arg13[%add3A_246, %broadcast_in_dim3A_299], %gather3A_300 masked %lt3A_238 : memref<128x128xf32, #tpu.memory_space<vmem>>[vector<16xi32>, vector<16xi32>], vector<16xf32>, vector<16xi1>
          %broadcast_in_dim3A_301 = arith.constant 18 : i32
          %broadcast_in_dim3A_302 = vector.broadcast %broadcast_in_dim3A_301 : i32 to vector<16xi32>
          %gather3A_303 = tpu.vector_load_idx %arg12[%broadcast_in_dim3A_302, %min3A_244] masked %lt3A_238 : memref<64x512xf32, #tpu.memory_space<vmem>>[vector<16xi32>, vector<16xi32>], vector<16xf32>, vector<16xi1>
          tpu.vector_store_idx %arg13[%add3A_246, %broadcast_in_dim3A_302], %gather3A_303 masked %lt3A_238 : memref<128x128xf32, #tpu.memory_space<vmem>>[vector<16xi32>, vector<16xi32>], vector<16xf32>, vector<16xi1>
          %broadcast_in_dim3A_304 = arith.constant 19 : i32
          %broadcast_in_dim3A_305 = vector.broadcast %broadcast_in_dim3A_304 : i32 to vector<16xi32>
          %gather3A_306 = tpu.vector_load_idx %arg12[%broadcast_in_dim3A_305, %min3A_244] masked %lt3A_238 : memref<64x512xf32, #tpu.memory_space<vmem>>[vector<16xi32>, vector<16xi32>], vector<16xf32>, vector<16xi1>
          tpu.vector_store_idx %arg13[%add3A_246, %broadcast_in_dim3A_305], %gather3A_306 masked %lt3A_238 : memref<128x128xf32, #tpu.memory_space<vmem>>[vector<16xi32>, vector<16xi32>], vector<16xf32>, vector<16xi1>
          %broadcast_in_dim3A_307 = arith.constant 20 : i32
          %broadcast_in_dim3A_308 = vector.broadcast %broadcast_in_dim3A_307 : i32 to vector<16xi32>
          %gather3A_309 = tpu.vector_load_idx %arg12[%broadcast_in_dim3A_308, %min3A_244] masked %lt3A_238 : memref<64x512xf32, #tpu.memory_space<vmem>>[vector<16xi32>, vector<16xi32>], vector<16xf32>, vector<16xi1>
          tpu.vector_store_idx %arg13[%add3A_246, %broadcast_in_dim3A_308], %gather3A_309 masked %lt3A_238 : memref<128x128xf32, #tpu.memory_space<vmem>>[vector<16xi32>, vector<16xi32>], vector<16xf32>, vector<16xi1>
          %broadcast_in_dim3A_310 = arith.constant 21 : i32
          %broadcast_in_dim3A_311 = vector.broadcast %broadcast_in_dim3A_310 : i32 to vector<16xi32>
          %gather3A_312 = tpu.vector_load_idx %arg12[%broadcast_in_dim3A_311, %min3A_244] masked %lt3A_238 : memref<64x512xf32, #tpu.memory_space<vmem>>[vector<16xi32>, vector<16xi32>], vector<16xf32>, vector<16xi1>
          tpu.vector_store_idx %arg13[%add3A_246, %broadcast_in_dim3A_311], %gather3A_312 masked %lt3A_238 : memref<128x128xf32, #tpu.memory_space<vmem>>[vector<16xi32>, vector<16xi32>], vector<16xf32>, vector<16xi1>
          %broadcast_in_dim3A_313 = arith.constant 22 : i32
          %broadcast_in_dim3A_314 = vector.broadcast %broadcast_in_dim3A_313 : i32 to vector<16xi32>
          %gather3A_315 = tpu.vector_load_idx %arg12[%broadcast_in_dim3A_314, %min3A_244] masked %lt3A_238 : memref<64x512xf32, #tpu.memory_space<vmem>>[vector<16xi32>, vector<16xi32>], vector<16xf32>, vector<16xi1>
          tpu.vector_store_idx %arg13[%add3A_246, %broadcast_in_dim3A_314], %gather3A_315 masked %lt3A_238 : memref<128x128xf32, #tpu.memory_space<vmem>>[vector<16xi32>, vector<16xi32>], vector<16xf32>, vector<16xi1>
          %broadcast_in_dim3A_316 = arith.constant 23 : i32
          %broadcast_in_dim3A_317 = vector.broadcast %broadcast_in_dim3A_316 : i32 to vector<16xi32>
          %gather3A_318 = tpu.vector_load_idx %arg12[%broadcast_in_dim3A_317, %min3A_244] masked %lt3A_238 : memref<64x512xf32, #tpu.memory_space<vmem>>[vector<16xi32>, vector<16xi32>], vector<16xf32>, vector<16xi1>
          tpu.vector_store_idx %arg13[%add3A_246, %broadcast_in_dim3A_317], %gather3A_318 masked %lt3A_238 : memref<128x128xf32, #tpu.memory_space<vmem>>[vector<16xi32>, vector<16xi32>], vector<16xf32>, vector<16xi1>
          %broadcast_in_dim3A_319 = arith.constant 24 : i32
          %broadcast_in_dim3A_320 = vector.broadcast %broadcast_in_dim3A_319 : i32 to vector<16xi32>
          %gather3A_321 = tpu.vector_load_idx %arg12[%broadcast_in_dim3A_320, %min3A_244] masked %lt3A_238 : memref<64x512xf32, #tpu.memory_space<vmem>>[vector<16xi32>, vector<16xi32>], vector<16xf32>, vector<16xi1>
          tpu.vector_store_idx %arg13[%add3A_246, %broadcast_in_dim3A_320], %gather3A_321 masked %lt3A_238 : memref<128x128xf32, #tpu.memory_space<vmem>>[vector<16xi32>, vector<16xi32>], vector<16xf32>, vector<16xi1>
          %broadcast_in_dim3A_322 = arith.constant 25 : i32
          %broadcast_in_dim3A_323 = vector.broadcast %broadcast_in_dim3A_322 : i32 to vector<16xi32>
          %gather3A_324 = tpu.vector_load_idx %arg12[%broadcast_in_dim3A_323, %min3A_244] masked %lt3A_238 : memref<64x512xf32, #tpu.memory_space<vmem>>[vector<16xi32>, vector<16xi32>], vector<16xf32>, vector<16xi1>
          tpu.vector_store_idx %arg13[%add3A_246, %broadcast_in_dim3A_323], %gather3A_324 masked %lt3A_238 : memref<128x128xf32, #tpu.memory_space<vmem>>[vector<16xi32>, vector<16xi32>], vector<16xf32>, vector<16xi1>
          %broadcast_in_dim3A_325 = arith.constant 26 : i32
          %broadcast_in_dim3A_326 = vector.broadcast %broadcast_in_dim3A_325 : i32 to vector<16xi32>
          %gather3A_327 = tpu.vector_load_idx %arg12[%broadcast_in_dim3A_326, %min3A_244] masked %lt3A_238 : memref<64x512xf32, #tpu.memory_space<vmem>>[vector<16xi32>, vector<16xi32>], vector<16xf32>, vector<16xi1>
          tpu.vector_store_idx %arg13[%add3A_246, %broadcast_in_dim3A_326], %gather3A_327 masked %lt3A_238 : memref<128x128xf32, #tpu.memory_space<vmem>>[vector<16xi32>, vector<16xi32>], vector<16xf32>, vector<16xi1>
          %broadcast_in_dim3A_328 = arith.constant 27 : i32
          %broadcast_in_dim3A_329 = vector.broadcast %broadcast_in_dim3A_328 : i32 to vector<16xi32>
          %gather3A_330 = tpu.vector_load_idx %arg12[%broadcast_in_dim3A_329, %min3A_244] masked %lt3A_238 : memref<64x512xf32, #tpu.memory_space<vmem>>[vector<16xi32>, vector<16xi32>], vector<16xf32>, vector<16xi1>
          tpu.vector_store_idx %arg13[%add3A_246, %broadcast_in_dim3A_329], %gather3A_330 masked %lt3A_238 : memref<128x128xf32, #tpu.memory_space<vmem>>[vector<16xi32>, vector<16xi32>], vector<16xf32>, vector<16xi1>
          %broadcast_in_dim3A_331 = arith.constant 28 : i32
          %broadcast_in_dim3A_332 = vector.broadcast %broadcast_in_dim3A_331 : i32 to vector<16xi32>
          %gather3A_333 = tpu.vector_load_idx %arg12[%broadcast_in_dim3A_332, %min3A_244] masked %lt3A_238 : memref<64x512xf32, #tpu.memory_space<vmem>>[vector<16xi32>, vector<16xi32>], vector<16xf32>, vector<16xi1>
          tpu.vector_store_idx %arg13[%add3A_246, %broadcast_in_dim3A_332], %gather3A_333 masked %lt3A_238 : memref<128x128xf32, #tpu.memory_space<vmem>>[vector<16xi32>, vector<16xi32>], vector<16xf32>, vector<16xi1>
          %broadcast_in_dim3A_334 = arith.constant 29 : i32
          %broadcast_in_dim3A_335 = vector.broadcast %broadcast_in_dim3A_334 : i32 to vector<16xi32>
          %gather3A_336 = tpu.vector_load_idx %arg12[%broadcast_in_dim3A_335, %min3A_244] masked %lt3A_238 : memref<64x512xf32, #tpu.memory_space<vmem>>[vector<16xi32>, vector<16xi32>], vector<16xf32>, vector<16xi1>
          tpu.vector_store_idx %arg13[%add3A_246, %broadcast_in_dim3A_335], %gather3A_336 masked %lt3A_238 : memref<128x128xf32, #tpu.memory_space<vmem>>[vector<16xi32>, vector<16xi32>], vector<16xf32>, vector<16xi1>
          %broadcast_in_dim3A_337 = arith.constant 30 : i32
          %broadcast_in_dim3A_338 = vector.broadcast %broadcast_in_dim3A_337 : i32 to vector<16xi32>
          %gather3A_339 = tpu.vector_load_idx %arg12[%broadcast_in_dim3A_338, %min3A_244] masked %lt3A_238 : memref<64x512xf32, #tpu.memory_space<vmem>>[vector<16xi32>, vector<16xi32>], vector<16xf32>, vector<16xi1>
          tpu.vector_store_idx %arg13[%add3A_246, %broadcast_in_dim3A_338], %gather3A_339 masked %lt3A_238 : memref<128x128xf32, #tpu.memory_space<vmem>>[vector<16xi32>, vector<16xi32>], vector<16xf32>, vector<16xi1>
          %broadcast_in_dim3A_340 = arith.constant 31 : i32
          %broadcast_in_dim3A_341 = vector.broadcast %broadcast_in_dim3A_340 : i32 to vector<16xi32>
          %gather3A_342 = tpu.vector_load_idx %arg12[%broadcast_in_dim3A_341, %min3A_244] masked %lt3A_238 : memref<64x512xf32, #tpu.memory_space<vmem>>[vector<16xi32>, vector<16xi32>], vector<16xf32>, vector<16xi1>
          tpu.vector_store_idx %arg13[%add3A_246, %broadcast_in_dim3A_341], %gather3A_342 masked %lt3A_238 : memref<128x128xf32, #tpu.memory_space<vmem>>[vector<16xi32>, vector<16xi32>], vector<16xf32>, vector<16xi1>
          %broadcast_in_dim3A_343 = arith.constant 32 : i32
          %broadcast_in_dim3A_344 = vector.broadcast %broadcast_in_dim3A_343 : i32 to vector<16xi32>
          %gather3A_345 = tpu.vector_load_idx %arg12[%broadcast_in_dim3A_344, %min3A_244] masked %lt3A_238 : memref<64x512xf32, #tpu.memory_space<vmem>>[vector<16xi32>, vector<16xi32>], vector<16xf32>, vector<16xi1>
          tpu.vector_store_idx %arg13[%add3A_246, %broadcast_in_dim3A_344], %gather3A_345 masked %lt3A_238 : memref<128x128xf32, #tpu.memory_space<vmem>>[vector<16xi32>, vector<16xi32>], vector<16xf32>, vector<16xi1>
          %broadcast_in_dim3A_346 = arith.constant 33 : i32
          %broadcast_in_dim3A_347 = vector.broadcast %broadcast_in_dim3A_346 : i32 to vector<16xi32>
          %gather3A_348 = tpu.vector_load_idx %arg12[%broadcast_in_dim3A_347, %min3A_244] masked %lt3A_238 : memref<64x512xf32, #tpu.memory_space<vmem>>[vector<16xi32>, vector<16xi32>], vector<16xf32>, vector<16xi1>
          tpu.vector_store_idx %arg13[%add3A_246, %broadcast_in_dim3A_347], %gather3A_348 masked %lt3A_238 : memref<128x128xf32, #tpu.memory_space<vmem>>[vector<16xi32>, vector<16xi32>], vector<16xf32>, vector<16xi1>
          %broadcast_in_dim3A_349 = arith.constant 34 : i32
          %broadcast_in_dim3A_350 = vector.broadcast %broadcast_in_dim3A_349 : i32 to vector<16xi32>
          %gather3A_351 = tpu.vector_load_idx %arg12[%broadcast_in_dim3A_350, %min3A_244] masked %lt3A_238 : memref<64x512xf32, #tpu.memory_space<vmem>>[vector<16xi32>, vector<16xi32>], vector<16xf32>, vector<16xi1>
          tpu.vector_store_idx %arg13[%add3A_246, %broadcast_in_dim3A_350], %gather3A_351 masked %lt3A_238 : memref<128x128xf32, #tpu.memory_space<vmem>>[vector<16xi32>, vector<16xi32>], vector<16xf32>, vector<16xi1>
          %broadcast_in_dim3A_352 = arith.constant 35 : i32
          %broadcast_in_dim3A_353 = vector.broadcast %broadcast_in_dim3A_352 : i32 to vector<16xi32>
          %gather3A_354 = tpu.vector_load_idx %arg12[%broadcast_in_dim3A_353, %min3A_244] masked %lt3A_238 : memref<64x512xf32, #tpu.memory_space<vmem>>[vector<16xi32>, vector<16xi32>], vector<16xf32>, vector<16xi1>
          tpu.vector_store_idx %arg13[%add3A_246, %broadcast_in_dim3A_353], %gather3A_354 masked %lt3A_238 : memref<128x128xf32, #tpu.memory_space<vmem>>[vector<16xi32>, vector<16xi32>], vector<16xf32>, vector<16xi1>
          %broadcast_in_dim3A_355 = arith.constant 36 : i32
          %broadcast_in_dim3A_356 = vector.broadcast %broadcast_in_dim3A_355 : i32 to vector<16xi32>
          %gather3A_357 = tpu.vector_load_idx %arg12[%broadcast_in_dim3A_356, %min3A_244] masked %lt3A_238 : memref<64x512xf32, #tpu.memory_space<vmem>>[vector<16xi32>, vector<16xi32>], vector<16xf32>, vector<16xi1>
          tpu.vector_store_idx %arg13[%add3A_246, %broadcast_in_dim3A_356], %gather3A_357 masked %lt3A_238 : memref<128x128xf32, #tpu.memory_space<vmem>>[vector<16xi32>, vector<16xi32>], vector<16xf32>, vector<16xi1>
          %broadcast_in_dim3A_358 = arith.constant 37 : i32
          %broadcast_in_dim3A_359 = vector.broadcast %broadcast_in_dim3A_358 : i32 to vector<16xi32>
          %gather3A_360 = tpu.vector_load_idx %arg12[%broadcast_in_dim3A_359, %min3A_244] masked %lt3A_238 : memref<64x512xf32, #tpu.memory_space<vmem>>[vector<16xi32>, vector<16xi32>], vector<16xf32>, vector<16xi1>
          tpu.vector_store_idx %arg13[%add3A_246, %broadcast_in_dim3A_359], %gather3A_360 masked %lt3A_238 : memref<128x128xf32, #tpu.memory_space<vmem>>[vector<16xi32>, vector<16xi32>], vector<16xf32>, vector<16xi1>
          %broadcast_in_dim3A_361 = arith.constant 38 : i32
          %broadcast_in_dim3A_362 = vector.broadcast %broadcast_in_dim3A_361 : i32 to vector<16xi32>
          %gather3A_363 = tpu.vector_load_idx %arg12[%broadcast_in_dim3A_362, %min3A_244] masked %lt3A_238 : memref<64x512xf32, #tpu.memory_space<vmem>>[vector<16xi32>, vector<16xi32>], vector<16xf32>, vector<16xi1>
          tpu.vector_store_idx %arg13[%add3A_246, %broadcast_in_dim3A_362], %gather3A_363 masked %lt3A_238 : memref<128x128xf32, #tpu.memory_space<vmem>>[vector<16xi32>, vector<16xi32>], vector<16xf32>, vector<16xi1>
          %broadcast_in_dim3A_364 = arith.constant 39 : i32
          %broadcast_in_dim3A_365 = vector.broadcast %broadcast_in_dim3A_364 : i32 to vector<16xi32>
          %gather3A_366 = tpu.vector_load_idx %arg12[%broadcast_in_dim3A_365, %min3A_244] masked %lt3A_238 : memref<64x512xf32, #tpu.memory_space<vmem>>[vector<16xi32>, vector<16xi32>], vector<16xf32>, vector<16xi1>
          tpu.vector_store_idx %arg13[%add3A_246, %broadcast_in_dim3A_365], %gather3A_366 masked %lt3A_238 : memref<128x128xf32, #tpu.memory_space<vmem>>[vector<16xi32>, vector<16xi32>], vector<16xf32>, vector<16xi1>
          %broadcast_in_dim3A_367 = arith.constant 40 : i32
          %broadcast_in_dim3A_368 = vector.broadcast %broadcast_in_dim3A_367 : i32 to vector<16xi32>
          %gather3A_369 = tpu.vector_load_idx %arg12[%broadcast_in_dim3A_368, %min3A_244] masked %lt3A_238 : memref<64x512xf32, #tpu.memory_space<vmem>>[vector<16xi32>, vector<16xi32>], vector<16xf32>, vector<16xi1>
          tpu.vector_store_idx %arg13[%add3A_246, %broadcast_in_dim3A_368], %gather3A_369 masked %lt3A_238 : memref<128x128xf32, #tpu.memory_space<vmem>>[vector<16xi32>, vector<16xi32>], vector<16xf32>, vector<16xi1>
          %broadcast_in_dim3A_370 = arith.constant 41 : i32
          %broadcast_in_dim3A_371 = vector.broadcast %broadcast_in_dim3A_370 : i32 to vector<16xi32>
          %gather3A_372 = tpu.vector_load_idx %arg12[%broadcast_in_dim3A_371, %min3A_244] masked %lt3A_238 : memref<64x512xf32, #tpu.memory_space<vmem>>[vector<16xi32>, vector<16xi32>], vector<16xf32>, vector<16xi1>
          tpu.vector_store_idx %arg13[%add3A_246, %broadcast_in_dim3A_371], %gather3A_372 masked %lt3A_238 : memref<128x128xf32, #tpu.memory_space<vmem>>[vector<16xi32>, vector<16xi32>], vector<16xf32>, vector<16xi1>
          %broadcast_in_dim3A_373 = arith.constant 42 : i32
          %broadcast_in_dim3A_374 = vector.broadcast %broadcast_in_dim3A_373 : i32 to vector<16xi32>
          %gather3A_375 = tpu.vector_load_idx %arg12[%broadcast_in_dim3A_374, %min3A_244] masked %lt3A_238 : memref<64x512xf32, #tpu.memory_space<vmem>>[vector<16xi32>, vector<16xi32>], vector<16xf32>, vector<16xi1>
          tpu.vector_store_idx %arg13[%add3A_246, %broadcast_in_dim3A_374], %gather3A_375 masked %lt3A_238 : memref<128x128xf32, #tpu.memory_space<vmem>>[vector<16xi32>, vector<16xi32>], vector<16xf32>, vector<16xi1>
          %broadcast_in_dim3A_376 = arith.constant 43 : i32
          %broadcast_in_dim3A_377 = vector.broadcast %broadcast_in_dim3A_376 : i32 to vector<16xi32>
          %gather3A_378 = tpu.vector_load_idx %arg12[%broadcast_in_dim3A_377, %min3A_244] masked %lt3A_238 : memref<64x512xf32, #tpu.memory_space<vmem>>[vector<16xi32>, vector<16xi32>], vector<16xf32>, vector<16xi1>
          tpu.vector_store_idx %arg13[%add3A_246, %broadcast_in_dim3A_377], %gather3A_378 masked %lt3A_238 : memref<128x128xf32, #tpu.memory_space<vmem>>[vector<16xi32>, vector<16xi32>], vector<16xf32>, vector<16xi1>
          %broadcast_in_dim3A_379 = arith.constant 44 : i32
          %broadcast_in_dim3A_380 = vector.broadcast %broadcast_in_dim3A_379 : i32 to vector<16xi32>
          %gather3A_381 = tpu.vector_load_idx %arg12[%broadcast_in_dim3A_380, %min3A_244] masked %lt3A_238 : memref<64x512xf32, #tpu.memory_space<vmem>>[vector<16xi32>, vector<16xi32>], vector<16xf32>, vector<16xi1>
          tpu.vector_store_idx %arg13[%add3A_246, %broadcast_in_dim3A_380], %gather3A_381 masked %lt3A_238 : memref<128x128xf32, #tpu.memory_space<vmem>>[vector<16xi32>, vector<16xi32>], vector<16xf32>, vector<16xi1>
          %broadcast_in_dim3A_382 = arith.constant 45 : i32
          %broadcast_in_dim3A_383 = vector.broadcast %broadcast_in_dim3A_382 : i32 to vector<16xi32>
          %gather3A_384 = tpu.vector_load_idx %arg12[%broadcast_in_dim3A_383, %min3A_244] masked %lt3A_238 : memref<64x512xf32, #tpu.memory_space<vmem>>[vector<16xi32>, vector<16xi32>], vector<16xf32>, vector<16xi1>
          tpu.vector_store_idx %arg13[%add3A_246, %broadcast_in_dim3A_383], %gather3A_384 masked %lt3A_238 : memref<128x128xf32, #tpu.memory_space<vmem>>[vector<16xi32>, vector<16xi32>], vector<16xf32>, vector<16xi1>
          %broadcast_in_dim3A_385 = arith.constant 46 : i32
          %broadcast_in_dim3A_386 = vector.broadcast %broadcast_in_dim3A_385 : i32 to vector<16xi32>
          %gather3A_387 = tpu.vector_load_idx %arg12[%broadcast_in_dim3A_386, %min3A_244] masked %lt3A_238 : memref<64x512xf32, #tpu.memory_space<vmem>>[vector<16xi32>, vector<16xi32>], vector<16xf32>, vector<16xi1>
          tpu.vector_store_idx %arg13[%add3A_246, %broadcast_in_dim3A_386], %gather3A_387 masked %lt3A_238 : memref<128x128xf32, #tpu.memory_space<vmem>>[vector<16xi32>, vector<16xi32>], vector<16xf32>, vector<16xi1>
          %broadcast_in_dim3A_388 = arith.constant 47 : i32
          %broadcast_in_dim3A_389 = vector.broadcast %broadcast_in_dim3A_388 : i32 to vector<16xi32>
          %gather3A_390 = tpu.vector_load_idx %arg12[%broadcast_in_dim3A_389, %min3A_244] masked %lt3A_238 : memref<64x512xf32, #tpu.memory_space<vmem>>[vector<16xi32>, vector<16xi32>], vector<16xf32>, vector<16xi1>
          tpu.vector_store_idx %arg13[%add3A_246, %broadcast_in_dim3A_389], %gather3A_390 masked %lt3A_238 : memref<128x128xf32, #tpu.memory_space<vmem>>[vector<16xi32>, vector<16xi32>], vector<16xf32>, vector<16xi1>
          %broadcast_in_dim3A_391 = arith.constant 48 : i32
          %broadcast_in_dim3A_392 = vector.broadcast %broadcast_in_dim3A_391 : i32 to vector<16xi32>
          %gather3A_393 = tpu.vector_load_idx %arg12[%broadcast_in_dim3A_392, %min3A_244] masked %lt3A_238 : memref<64x512xf32, #tpu.memory_space<vmem>>[vector<16xi32>, vector<16xi32>], vector<16xf32>, vector<16xi1>
          tpu.vector_store_idx %arg13[%add3A_246, %broadcast_in_dim3A_392], %gather3A_393 masked %lt3A_238 : memref<128x128xf32, #tpu.memory_space<vmem>>[vector<16xi32>, vector<16xi32>], vector<16xf32>, vector<16xi1>
          %broadcast_in_dim3A_394 = arith.constant 49 : i32
          %broadcast_in_dim3A_395 = vector.broadcast %broadcast_in_dim3A_394 : i32 to vector<16xi32>
          %gather3A_396 = tpu.vector_load_idx %arg12[%broadcast_in_dim3A_395, %min3A_244] masked %lt3A_238 : memref<64x512xf32, #tpu.memory_space<vmem>>[vector<16xi32>, vector<16xi32>], vector<16xf32>, vector<16xi1>
          tpu.vector_store_idx %arg13[%add3A_246, %broadcast_in_dim3A_395], %gather3A_396 masked %lt3A_238 : memref<128x128xf32, #tpu.memory_space<vmem>>[vector<16xi32>, vector<16xi32>], vector<16xf32>, vector<16xi1>
          %broadcast_in_dim3A_397 = arith.constant 50 : i32
          %broadcast_in_dim3A_398 = vector.broadcast %broadcast_in_dim3A_397 : i32 to vector<16xi32>
          %gather3A_399 = tpu.vector_load_idx %arg12[%broadcast_in_dim3A_398, %min3A_244] masked %lt3A_238 : memref<64x512xf32, #tpu.memory_space<vmem>>[vector<16xi32>, vector<16xi32>], vector<16xf32>, vector<16xi1>
          tpu.vector_store_idx %arg13[%add3A_246, %broadcast_in_dim3A_398], %gather3A_399 masked %lt3A_238 : memref<128x128xf32, #tpu.memory_space<vmem>>[vector<16xi32>, vector<16xi32>], vector<16xf32>, vector<16xi1>
          %broadcast_in_dim3A_400 = arith.constant 51 : i32
          %broadcast_in_dim3A_401 = vector.broadcast %broadcast_in_dim3A_400 : i32 to vector<16xi32>
          %gather3A_402 = tpu.vector_load_idx %arg12[%broadcast_in_dim3A_401, %min3A_244] masked %lt3A_238 : memref<64x512xf32, #tpu.memory_space<vmem>>[vector<16xi32>, vector<16xi32>], vector<16xf32>, vector<16xi1>
          tpu.vector_store_idx %arg13[%add3A_246, %broadcast_in_dim3A_401], %gather3A_402 masked %lt3A_238 : memref<128x128xf32, #tpu.memory_space<vmem>>[vector<16xi32>, vector<16xi32>], vector<16xf32>, vector<16xi1>
          %broadcast_in_dim3A_403 = arith.constant 52 : i32
          %broadcast_in_dim3A_404 = vector.broadcast %broadcast_in_dim3A_403 : i32 to vector<16xi32>
          %gather3A_405 = tpu.vector_load_idx %arg12[%broadcast_in_dim3A_404, %min3A_244] masked %lt3A_238 : memref<64x512xf32, #tpu.memory_space<vmem>>[vector<16xi32>, vector<16xi32>], vector<16xf32>, vector<16xi1>
          tpu.vector_store_idx %arg13[%add3A_246, %broadcast_in_dim3A_404], %gather3A_405 masked %lt3A_238 : memref<128x128xf32, #tpu.memory_space<vmem>>[vector<16xi32>, vector<16xi32>], vector<16xf32>, vector<16xi1>
          %broadcast_in_dim3A_406 = arith.constant 53 : i32
          %broadcast_in_dim3A_407 = vector.broadcast %broadcast_in_dim3A_406 : i32 to vector<16xi32>
          %gather3A_408 = tpu.vector_load_idx %arg12[%broadcast_in_dim3A_407, %min3A_244] masked %lt3A_238 : memref<64x512xf32, #tpu.memory_space<vmem>>[vector<16xi32>, vector<16xi32>], vector<16xf32>, vector<16xi1>
          tpu.vector_store_idx %arg13[%add3A_246, %broadcast_in_dim3A_407], %gather3A_408 masked %lt3A_238 : memref<128x128xf32, #tpu.memory_space<vmem>>[vector<16xi32>, vector<16xi32>], vector<16xf32>, vector<16xi1>
          %broadcast_in_dim3A_409 = arith.constant 54 : i32
          %broadcast_in_dim3A_410 = vector.broadcast %broadcast_in_dim3A_409 : i32 to vector<16xi32>
          %gather3A_411 = tpu.vector_load_idx %arg12[%broadcast_in_dim3A_410, %min3A_244] masked %lt3A_238 : memref<64x512xf32, #tpu.memory_space<vmem>>[vector<16xi32>, vector<16xi32>], vector<16xf32>, vector<16xi1>
          tpu.vector_store_idx %arg13[%add3A_246, %broadcast_in_dim3A_410], %gather3A_411 masked %lt3A_238 : memref<128x128xf32, #tpu.memory_space<vmem>>[vector<16xi32>, vector<16xi32>], vector<16xf32>, vector<16xi1>
          %broadcast_in_dim3A_412 = arith.constant 55 : i32
          %broadcast_in_dim3A_413 = vector.broadcast %broadcast_in_dim3A_412 : i32 to vector<16xi32>
          %gather3A_414 = tpu.vector_load_idx %arg12[%broadcast_in_dim3A_413, %min3A_244] masked %lt3A_238 : memref<64x512xf32, #tpu.memory_space<vmem>>[vector<16xi32>, vector<16xi32>], vector<16xf32>, vector<16xi1>
          tpu.vector_store_idx %arg13[%add3A_246, %broadcast_in_dim3A_413], %gather3A_414 masked %lt3A_238 : memref<128x128xf32, #tpu.memory_space<vmem>>[vector<16xi32>, vector<16xi32>], vector<16xf32>, vector<16xi1>
          %broadcast_in_dim3A_415 = arith.constant 56 : i32
          %broadcast_in_dim3A_416 = vector.broadcast %broadcast_in_dim3A_415 : i32 to vector<16xi32>
          %gather3A_417 = tpu.vector_load_idx %arg12[%broadcast_in_dim3A_416, %min3A_244] masked %lt3A_238 : memref<64x512xf32, #tpu.memory_space<vmem>>[vector<16xi32>, vector<16xi32>], vector<16xf32>, vector<16xi1>
          tpu.vector_store_idx %arg13[%add3A_246, %broadcast_in_dim3A_416], %gather3A_417 masked %lt3A_238 : memref<128x128xf32, #tpu.memory_space<vmem>>[vector<16xi32>, vector<16xi32>], vector<16xf32>, vector<16xi1>
          %broadcast_in_dim3A_418 = arith.constant 57 : i32
          %broadcast_in_dim3A_419 = vector.broadcast %broadcast_in_dim3A_418 : i32 to vector<16xi32>
          %gather3A_420 = tpu.vector_load_idx %arg12[%broadcast_in_dim3A_419, %min3A_244] masked %lt3A_238 : memref<64x512xf32, #tpu.memory_space<vmem>>[vector<16xi32>, vector<16xi32>], vector<16xf32>, vector<16xi1>
          tpu.vector_store_idx %arg13[%add3A_246, %broadcast_in_dim3A_419], %gather3A_420 masked %lt3A_238 : memref<128x128xf32, #tpu.memory_space<vmem>>[vector<16xi32>, vector<16xi32>], vector<16xf32>, vector<16xi1>
          %broadcast_in_dim3A_421 = arith.constant 58 : i32
          %broadcast_in_dim3A_422 = vector.broadcast %broadcast_in_dim3A_421 : i32 to vector<16xi32>
          %gather3A_423 = tpu.vector_load_idx %arg12[%broadcast_in_dim3A_422, %min3A_244] masked %lt3A_238 : memref<64x512xf32, #tpu.memory_space<vmem>>[vector<16xi32>, vector<16xi32>], vector<16xf32>, vector<16xi1>
          tpu.vector_store_idx %arg13[%add3A_246, %broadcast_in_dim3A_422], %gather3A_423 masked %lt3A_238 : memref<128x128xf32, #tpu.memory_space<vmem>>[vector<16xi32>, vector<16xi32>], vector<16xf32>, vector<16xi1>
          %broadcast_in_dim3A_424 = arith.constant 59 : i32
          %broadcast_in_dim3A_425 = vector.broadcast %broadcast_in_dim3A_424 : i32 to vector<16xi32>
          %gather3A_426 = tpu.vector_load_idx %arg12[%broadcast_in_dim3A_425, %min3A_244] masked %lt3A_238 : memref<64x512xf32, #tpu.memory_space<vmem>>[vector<16xi32>, vector<16xi32>], vector<16xf32>, vector<16xi1>
          tpu.vector_store_idx %arg13[%add3A_246, %broadcast_in_dim3A_425], %gather3A_426 masked %lt3A_238 : memref<128x128xf32, #tpu.memory_space<vmem>>[vector<16xi32>, vector<16xi32>], vector<16xf32>, vector<16xi1>
          %broadcast_in_dim3A_427 = arith.constant 60 : i32
          %broadcast_in_dim3A_428 = vector.broadcast %broadcast_in_dim3A_427 : i32 to vector<16xi32>
          %gather3A_429 = tpu.vector_load_idx %arg12[%broadcast_in_dim3A_428, %min3A_244] masked %lt3A_238 : memref<64x512xf32, #tpu.memory_space<vmem>>[vector<16xi32>, vector<16xi32>], vector<16xf32>, vector<16xi1>
          tpu.vector_store_idx %arg13[%add3A_246, %broadcast_in_dim3A_428], %gather3A_429 masked %lt3A_238 : memref<128x128xf32, #tpu.memory_space<vmem>>[vector<16xi32>, vector<16xi32>], vector<16xf32>, vector<16xi1>
          %broadcast_in_dim3A_430 = arith.constant 61 : i32
          %broadcast_in_dim3A_431 = vector.broadcast %broadcast_in_dim3A_430 : i32 to vector<16xi32>
          %gather3A_432 = tpu.vector_load_idx %arg12[%broadcast_in_dim3A_431, %min3A_244] masked %lt3A_238 : memref<64x512xf32, #tpu.memory_space<vmem>>[vector<16xi32>, vector<16xi32>], vector<16xf32>, vector<16xi1>
          tpu.vector_store_idx %arg13[%add3A_246, %broadcast_in_dim3A_431], %gather3A_432 masked %lt3A_238 : memref<128x128xf32, #tpu.memory_space<vmem>>[vector<16xi32>, vector<16xi32>], vector<16xf32>, vector<16xi1>
          %broadcast_in_dim3A_433 = arith.constant 62 : i32
          %broadcast_in_dim3A_434 = vector.broadcast %broadcast_in_dim3A_433 : i32 to vector<16xi32>
          %gather3A_435 = tpu.vector_load_idx %arg12[%broadcast_in_dim3A_434, %min3A_244] masked %lt3A_238 : memref<64x512xf32, #tpu.memory_space<vmem>>[vector<16xi32>, vector<16xi32>], vector<16xf32>, vector<16xi1>
          tpu.vector_store_idx %arg13[%add3A_246, %broadcast_in_dim3A_434], %gather3A_435 masked %lt3A_238 : memref<128x128xf32, #tpu.memory_space<vmem>>[vector<16xi32>, vector<16xi32>], vector<16xf32>, vector<16xi1>
          %broadcast_in_dim3A_436 = arith.constant 63 : i32
          %broadcast_in_dim3A_437 = vector.broadcast %broadcast_in_dim3A_436 : i32 to vector<16xi32>
          %gather3A_438 = tpu.vector_load_idx %arg12[%broadcast_in_dim3A_437, %min3A_244] masked %lt3A_238 : memref<64x512xf32, #tpu.memory_space<vmem>>[vector<16xi32>, vector<16xi32>], vector<16xf32>, vector<16xi1>
          tpu.vector_store_idx %arg13[%add3A_246, %broadcast_in_dim3A_437], %gather3A_438 masked %lt3A_238 : memref<128x128xf32, #tpu.memory_space<vmem>>[vector<16xi32>, vector<16xi32>], vector<16xf32>, vector<16xi1>
          %all_reduce_population_count3A = tpu.all_reduce %lt3A_238 {dim = 0 : i64, kind = #tpu.reduction_kind<sum>} : vector<16xi1> -> vector<16xi32>
          %slice3A = vector.extract_strided_slice %all_reduce_population_count3A {offsets = [0], sizes = [1], strides = [1]} : vector<16xi32> to vector<1xi32>
          %squeeze3A = vector.extract %slice3A[0] : i32 from vector<1xi32>
          %add3A_439 = arith.addi %cond3A_227, %squeeze3A : i32
          scf.yield %add3A_439 : i32
        }
        %while3A_217 = arith.constant 1 : i32
        %while3A_218 = scf.for %while3A_219 = %while3A_214 to %while3A_210 step %while3A_217 iter_args(%while3A_220 = %while3A_216) -> (i32)  : i32 {
          %add3A_221 = arith.constant 16 : i32
          %add3A_222 = arith.addi %while3A_220, %add3A_221 : i32
          %gt3A = arith.constant 128 : i32
          %gt3A_223 = arith.cmpi sgt, %add3A_222, %gt3A : i32
          %convert_element_type3A_224 = arith.extui %gt3A_223 : i1 to i32
          %cond3A_225 = arith.constant 0 : i32
          %cond3A_226 = arith.cmpi ne, %convert_element_type3A_224, %cond3A_225 : i32
          %cond3A_227 = scf.if %cond3A_226 -> (i32) {
            %dma_start3A_440 = arith.constant 0 : i32
            %dma_start3A_441 = arith.constant 0 : i32
            %dma_start3A_442 = tpu.memref_slice %arg5[%dma_start3A_440, %dma_start3A_441] : memref<32896x128xf32, #tpu.memory_space<hbm>> -> memref<32896x128xf32, #tpu.memory_space<hbm>>
            tpu.enqueue_indirect_dma source(%arg13 : memref<128x128xf32, #tpu.memory_space<vmem>>) target(%dma_start3A_442 : memref<32896x128xf32, #tpu.memory_space<hbm>>) offsets(%arg14 : memref<128xi32, #tpu.memory_space<vmem>>) semaphore(%arg17 : memref<!tpu.dma_semaphore, #tpu.memory_space<semaphore_mem>>)
            %dma_wait3A_443 = arith.constant 0 : i32
            %dma_wait3A_444 = arith.constant 0 : i32
            %dma_wait3A_445 = tpu.memref_slice %arg5[%dma_wait3A_443, %dma_wait3A_444] : memref<32896x128xf32, #tpu.memory_space<hbm>> -> memref<32896x128xf32, #tpu.memory_space<hbm>>
            tpu.wait_indirect_dma semaphore(%arg17 : memref<!tpu.dma_semaphore, #tpu.memory_space<semaphore_mem>>) src(%arg13 : memref<128x128xf32, #tpu.memory_space<vmem>>) dst(%dma_wait3A_445 : memref<32896x128xf32, #tpu.memory_space<hbm>>)
            %add3A_446 = arith.constant 32768 : i32
            %add3A_447 = vector.broadcast %add3A_446 : i32 to vector<16xi32>
            %add3A_448 = arith.addi %iota3A, %add3A_447 : vector<16xi32>
            %swap3A_449 = arith.constant 0 : index
            %swap3A_450 = tpu.vector_load %arg14[%swap3A_449] {strides = array<i32>} : memref<128xi32, #tpu.memory_space<vmem>>, vector<16xi32>,
            tpu.vector_store %arg14[%swap3A_449], %add3A_448 {strides = array<i32>} : memref<128xi32, #tpu.memory_space<vmem>>, vector<16xi32>,
            %add3A_451 = arith.constant 32784 : i32
            %add3A_452 = vector.broadcast %add3A_451 : i32 to vector<16xi32>
            %add3A_453 = arith.addi %iota3A, %add3A_452 : vector<16xi32>
            %swap3A_454 = arith.constant 16 : index
            %swap3A_455 = tpu.vector_load %arg14[%swap3A_454] {strides = array<i32>} : memref<128xi32, #tpu.memory_space<vmem>>, vector<16xi32>,
            tpu.vector_store %arg14[%swap3A_454], %add3A_453 {strides = array<i32>} : memref<128xi32, #tpu.memory_space<vmem>>, vector<16xi32>,
            %add3A_456 = arith.constant 32800 : i32
            %add3A_457 = vector.broadcast %add3A_456 : i32 to vector<16xi32>
            %add3A_458 = arith.addi %iota3A, %add3A_457 : vector<16xi32>
            %swap3A_459 = arith.constant 32 : index
            %swap3A_460 = tpu.vector_load %arg14[%swap3A_459] {strides = array<i32>} : memref<128xi32, #tpu.memory_space<vmem>>, vector<16xi32>,
            tpu.vector_store %arg14[%swap3A_459], %add3A_458 {strides = array<i32>} : memref<128xi32, #tpu.memory_space<vmem>>, vector<16xi32>,
            %add3A_461 = arith.constant 32816 : i32
            %add3A_462 = vector.broadcast %add3A_461 : i32 to vector<16xi32>
            %add3A_463 = arith.addi %iota3A, %add3A_462 : vector<16xi32>
            %swap3A_464 = arith.constant 48 : index
            %swap3A_465 = tpu.vector_load %arg14[%swap3A_464] {strides = array<i32>} : memref<128xi32, #tpu.memory_space<vmem>>, vector<16xi32>,
            tpu.vector_store %arg14[%swap3A_464], %add3A_463 {strides = array<i32>} : memref<128xi32, #tpu.memory_space<vmem>>, vector<16xi32>,
            %add3A_466 = arith.constant 32832 : i32
            %add3A_467 = vector.broadcast %add3A_466 : i32 to vector<16xi32>
            %add3A_468 = arith.addi %iota3A, %add3A_467 : vector<16xi32>
            %swap3A_469 = arith.constant 64 : index
            %swap3A_470 = tpu.vector_load %arg14[%swap3A_469] {strides = array<i32>} : memref<128xi32, #tpu.memory_space<vmem>>, vector<16xi32>,
            tpu.vector_store %arg14[%swap3A_469], %add3A_468 {strides = array<i32>} : memref<128xi32, #tpu.memory_space<vmem>>, vector<16xi32>,
            %add3A_471 = arith.constant 32848 : i32
            %add3A_472 = vector.broadcast %add3A_471 : i32 to vector<16xi32>
            %add3A_473 = arith.addi %iota3A, %add3A_472 : vector<16xi32>
            %swap3A_474 = arith.constant 80 : index
            %swap3A_475 = tpu.vector_load %arg14[%swap3A_474] {strides = array<i32>} : memref<128xi32, #tpu.memory_space<vmem>>, vector<16xi32>,
            tpu.vector_store %arg14[%swap3A_474], %add3A_473 {strides = array<i32>} : memref<128xi32, #tpu.memory_space<vmem>>, vector<16xi32>,
            %add3A_476 = arith.constant 32864 : i32
            %add3A_477 = vector.broadcast %add3A_476 : i32 to vector<16xi32>
            %add3A_478 = arith.addi %iota3A, %add3A_477 : vector<16xi32>
            %swap3A_479 = arith.constant 96 : index
            %swap3A_480 = tpu.vector_load %arg14[%swap3A_479] {strides = array<i32>} : memref<128xi32, #tpu.memory_space<vmem>>, vector<16xi32>,
            tpu.vector_store %arg14[%swap3A_479], %add3A_478 {strides = array<i32>} : memref<128xi32, #tpu.memory_space<vmem>>, vector<16xi32>,
            %add3A_481 = arith.constant 32880 : i32
            %add3A_482 = vector.broadcast %add3A_481 : i32 to vector<16xi32>
            %add3A_483 = arith.addi %iota3A, %add3A_482 : vector<16xi32>
            %swap3A_484 = arith.constant 112 : index
            %swap3A_485 = tpu.vector_load %arg14[%swap3A_484] {strides = array<i32>} : memref<128xi32, #tpu.memory_space<vmem>>, vector<16xi32>,
            tpu.vector_store %arg14[%swap3A_484], %add3A_483 {strides = array<i32>} : memref<128xi32, #tpu.memory_space<vmem>>, vector<16xi32>,
            %cond3A_486 = arith.constant 0 : i32
            scf.yield %cond3A_486 : i32
          } else {
            scf.yield %while3A_220 : i32
          }
          %mul3A_228 = arith.constant 16 : i32
          %mul3A_229 = arith.muli %while3A_219, %mul3A_228 : i32
          %multiple_of3A_230 = tpu.assume_multiple %mul3A_229, 16 : i32
          %get3A = arith.index_cast %multiple_of3A_230 : i32 to index
          %get3A_231 = tpu.vector_load %arg9[%get3A] {strides = array<i32>} : memref<4096xi32, #tpu.memory_space<vmem>>, vector<16xi32>,
          %get3A_232 = arith.index_cast %multiple_of3A_230 : i32 to index
          %get3A_233 = tpu.vector_load %arg10[%get3A_232] {strides = array<i32>} : memref<4096xi32, #tpu.memory_space<vmem>>, vector<16xi32>,
          %mul3A_234 = arith.constant 16 : i32
          %mul3A_235 = arith.muli %while3A_219, %mul3A_234 : i32
          %add3A_236 = vector.broadcast %mul3A_235 : i32 to vector<16xi32>
          %add3A_237 = arith.addi %iota3A, %add3A_236 : vector<16xi32>
          %lt3A = vector.broadcast %min3A_203 : i32 to vector<16xi32>
          %lt3A_238 = arith.cmpi slt, %add3A_237, %lt3A : vector<16xi32>
          %sub3A = vector.broadcast %select_n3A_178 : i32 to vector<16xi32>
          %sub3A_239 = arith.subi %get3A_231, %sub3A : vector<16xi32>
          %jit3A_240 = arith.constant 0 : i32
          %jit3A_241 = arith.constant 511 : i32
          %max3A = vector.broadcast %jit3A_240 : i32 to vector<16xi32>
          %max3A_242 = arith.maxsi %max3A, %sub3A_239 : vector<16xi32>
          %min3A_243 = vector.broadcast %jit3A_241 : i32 to vector<16xi32>
          %min3A_244 = arith.minsi %min3A_243, %max3A_242 : vector<16xi32>
          %add3A_245 = vector.broadcast %cond3A_227 : i32 to vector<16xi32>
          %add3A_246 = arith.addi %add3A_245, %iota3A : vector<16xi32>
          %swap3A_247 = arith.index_cast %cond3A_227 : i32 to index
          %swap3A_248 = tpu.vector_load %arg14[%swap3A_247] masked %lt3A_238 {strides = array<i32>} : memref<128xi32, #tpu.memory_space<vmem>>, vector<16xi32>, vector<16xi1>
          tpu.vector_store %arg14[%swap3A_247], %get3A_233 masked %lt3A_238 {strides = array<i32>} : memref<128xi32, #tpu.memory_space<vmem>>, vector<16xi32>, vector<16xi1>
          %broadcast_in_dim3A = arith.constant 0 : i32
          %broadcast_in_dim3A_249 = vector.broadcast %broadcast_in_dim3A : i32 to vector<16xi32>
          %gather3A = tpu.vector_load_idx %arg12[%broadcast_in_dim3A_249, %min3A_244] masked %lt3A_238 : memref<64x512xf32, #tpu.memory_space<vmem>>[vector<16xi32>, vector<16xi32>], vector<16xf32>, vector<16xi1>
          tpu.vector_store_idx %arg13[%add3A_246, %broadcast_in_dim3A_249], %gather3A masked %lt3A_238 : memref<128x128xf32, #tpu.memory_space<vmem>>[vector<16xi32>, vector<16xi32>], vector<16xf32>, vector<16xi1>
          %broadcast_in_dim3A_250 = arith.constant 1 : i32
          %broadcast_in_dim3A_251 = vector.broadcast %broadcast_in_dim3A_250 : i32 to vector<16xi32>
          %gather3A_252 = tpu.vector_load_idx %arg12[%broadcast_in_dim3A_251, %min3A_244] masked %lt3A_238 : memref<64x512xf32, #tpu.memory_space<vmem>>[vector<16xi32>, vector<16xi32>], vector<16xf32>, vector<16xi1>
          tpu.vector_store_idx %arg13[%add3A_246, %broadcast_in_dim3A_251], %gather3A_252 masked %lt3A_238 : memref<128x128xf32, #tpu.memory_space<vmem>>[vector<16xi32>, vector<16xi32>], vector<16xf32>, vector<16xi1>
          %broadcast_in_dim3A_253 = arith.constant 2 : i32
          %broadcast_in_dim3A_254 = vector.broadcast %broadcast_in_dim3A_253 : i32 to vector<16xi32>
          %gather3A_255 = tpu.vector_load_idx %arg12[%broadcast_in_dim3A_254, %min3A_244] masked %lt3A_238 : memref<64x512xf32, #tpu.memory_space<vmem>>[vector<16xi32>, vector<16xi32>], vector<16xf32>, vector<16xi1>
          tpu.vector_store_idx %arg13[%add3A_246, %broadcast_in_dim3A_254], %gather3A_255 masked %lt3A_238 : memref<128x128xf32, #tpu.memory_space<vmem>>[vector<16xi32>, vector<16xi32>], vector<16xf32>, vector<16xi1>
          %broadcast_in_dim3A_256 = arith.constant 3 : i32
          %broadcast_in_dim3A_257 = vector.broadcast %broadcast_in_dim3A_256 : i32 to vector<16xi32>
          %gather3A_258 = tpu.vector_load_idx %arg12[%broadcast_in_dim3A_257, %min3A_244] masked %lt3A_238 : memref<64x512xf32, #tpu.memory_space<vmem>>[vector<16xi32>, vector<16xi32>], vector<16xf32>, vector<16xi1>
          tpu.vector_store_idx %arg13[%add3A_246, %broadcast_in_dim3A_257], %gather3A_258 masked %lt3A_238 : memref<128x128xf32, #tpu.memory_space<vmem>>[vector<16xi32>, vector<16xi32>], vector<16xf32>, vector<16xi1>
          %broadcast_in_dim3A_259 = arith.constant 4 : i32
          %broadcast_in_dim3A_260 = vector.broadcast %broadcast_in_dim3A_259 : i32 to vector<16xi32>
          %gather3A_261 = tpu.vector_load_idx %arg12[%broadcast_in_dim3A_260, %min3A_244] masked %lt3A_238 : memref<64x512xf32, #tpu.memory_space<vmem>>[vector<16xi32>, vector<16xi32>], vector<16xf32>, vector<16xi1>
          tpu.vector_store_idx %arg13[%add3A_246, %broadcast_in_dim3A_260], %gather3A_261 masked %lt3A_238 : memref<128x128xf32, #tpu.memory_space<vmem>>[vector<16xi32>, vector<16xi32>], vector<16xf32>, vector<16xi1>
          %broadcast_in_dim3A_262 = arith.constant 5 : i32
          %broadcast_in_dim3A_263 = vector.broadcast %broadcast_in_dim3A_262 : i32 to vector<16xi32>
          %gather3A_264 = tpu.vector_load_idx %arg12[%broadcast_in_dim3A_263, %min3A_244] masked %lt3A_238 : memref<64x512xf32, #tpu.memory_space<vmem>>[vector<16xi32>, vector<16xi32>], vector<16xf32>, vector<16xi1>
          tpu.vector_store_idx %arg13[%add3A_246, %broadcast_in_dim3A_263], %gather3A_264 masked %lt3A_238 : memref<128x128xf32, #tpu.memory_space<vmem>>[vector<16xi32>, vector<16xi32>], vector<16xf32>, vector<16xi1>
          %broadcast_in_dim3A_265 = arith.constant 6 : i32
          %broadcast_in_dim3A_266 = vector.broadcast %broadcast_in_dim3A_265 : i32 to vector<16xi32>
          %gather3A_267 = tpu.vector_load_idx %arg12[%broadcast_in_dim3A_266, %min3A_244] masked %lt3A_238 : memref<64x512xf32, #tpu.memory_space<vmem>>[vector<16xi32>, vector<16xi32>], vector<16xf32>, vector<16xi1>
          tpu.vector_store_idx %arg13[%add3A_246, %broadcast_in_dim3A_266], %gather3A_267 masked %lt3A_238 : memref<128x128xf32, #tpu.memory_space<vmem>>[vector<16xi32>, vector<16xi32>], vector<16xf32>, vector<16xi1>
          %broadcast_in_dim3A_268 = arith.constant 7 : i32
          %broadcast_in_dim3A_269 = vector.broadcast %broadcast_in_dim3A_268 : i32 to vector<16xi32>
          %gather3A_270 = tpu.vector_load_idx %arg12[%broadcast_in_dim3A_269, %min3A_244] masked %lt3A_238 : memref<64x512xf32, #tpu.memory_space<vmem>>[vector<16xi32>, vector<16xi32>], vector<16xf32>, vector<16xi1>
          tpu.vector_store_idx %arg13[%add3A_246, %broadcast_in_dim3A_269], %gather3A_270 masked %lt3A_238 : memref<128x128xf32, #tpu.memory_space<vmem>>[vector<16xi32>, vector<16xi32>], vector<16xf32>, vector<16xi1>
          %broadcast_in_dim3A_271 = arith.constant 8 : i32
          %broadcast_in_dim3A_272 = vector.broadcast %broadcast_in_dim3A_271 : i32 to vector<16xi32>
          %gather3A_273 = tpu.vector_load_idx %arg12[%broadcast_in_dim3A_272, %min3A_244] masked %lt3A_238 : memref<64x512xf32, #tpu.memory_space<vmem>>[vector<16xi32>, vector<16xi32>], vector<16xf32>, vector<16xi1>
          tpu.vector_store_idx %arg13[%add3A_246, %broadcast_in_dim3A_272], %gather3A_273 masked %lt3A_238 : memref<128x128xf32, #tpu.memory_space<vmem>>[vector<16xi32>, vector<16xi32>], vector<16xf32>, vector<16xi1>
          %broadcast_in_dim3A_274 = arith.constant 9 : i32
          %broadcast_in_dim3A_275 = vector.broadcast %broadcast_in_dim3A_274 : i32 to vector<16xi32>
          %gather3A_276 = tpu.vector_load_idx %arg12[%broadcast_in_dim3A_275, %min3A_244] masked %lt3A_238 : memref<64x512xf32, #tpu.memory_space<vmem>>[vector<16xi32>, vector<16xi32>], vector<16xf32>, vector<16xi1>
          tpu.vector_store_idx %arg13[%add3A_246, %broadcast_in_dim3A_275], %gather3A_276 masked %lt3A_238 : memref<128x128xf32, #tpu.memory_space<vmem>>[vector<16xi32>, vector<16xi32>], vector<16xf32>, vector<16xi1>
          %broadcast_in_dim3A_277 = arith.constant 10 : i32
          %broadcast_in_dim3A_278 = vector.broadcast %broadcast_in_dim3A_277 : i32 to vector<16xi32>
          %gather3A_279 = tpu.vector_load_idx %arg12[%broadcast_in_dim3A_278, %min3A_244] masked %lt3A_238 : memref<64x512xf32, #tpu.memory_space<vmem>>[vector<16xi32>, vector<16xi32>], vector<16xf32>, vector<16xi1>
          tpu.vector_store_idx %arg13[%add3A_246, %broadcast_in_dim3A_278], %gather3A_279 masked %lt3A_238 : memref<128x128xf32, #tpu.memory_space<vmem>>[vector<16xi32>, vector<16xi32>], vector<16xf32>, vector<16xi1>
          %broadcast_in_dim3A_280 = arith.constant 11 : i32
          %broadcast_in_dim3A_281 = vector.broadcast %broadcast_in_dim3A_280 : i32 to vector<16xi32>
          %gather3A_282 = tpu.vector_load_idx %arg12[%broadcast_in_dim3A_281, %min3A_244] masked %lt3A_238 : memref<64x512xf32, #tpu.memory_space<vmem>>[vector<16xi32>, vector<16xi32>], vector<16xf32>, vector<16xi1>
          tpu.vector_store_idx %arg13[%add3A_246, %broadcast_in_dim3A_281], %gather3A_282 masked %lt3A_238 : memref<128x128xf32, #tpu.memory_space<vmem>>[vector<16xi32>, vector<16xi32>], vector<16xf32>, vector<16xi1>
          %broadcast_in_dim3A_283 = arith.constant 12 : i32
          %broadcast_in_dim3A_284 = vector.broadcast %broadcast_in_dim3A_283 : i32 to vector<16xi32>
          %gather3A_285 = tpu.vector_load_idx %arg12[%broadcast_in_dim3A_284, %min3A_244] masked %lt3A_238 : memref<64x512xf32, #tpu.memory_space<vmem>>[vector<16xi32>, vector<16xi32>], vector<16xf32>, vector<16xi1>
          tpu.vector_store_idx %arg13[%add3A_246, %broadcast_in_dim3A_284], %gather3A_285 masked %lt3A_238 : memref<128x128xf32, #tpu.memory_space<vmem>>[vector<16xi32>, vector<16xi32>], vector<16xf32>, vector<16xi1>
          %broadcast_in_dim3A_286 = arith.constant 13 : i32
          %broadcast_in_dim3A_287 = vector.broadcast %broadcast_in_dim3A_286 : i32 to vector<16xi32>
          %gather3A_288 = tpu.vector_load_idx %arg12[%broadcast_in_dim3A_287, %min3A_244] masked %lt3A_238 : memref<64x512xf32, #tpu.memory_space<vmem>>[vector<16xi32>, vector<16xi32>], vector<16xf32>, vector<16xi1>
          tpu.vector_store_idx %arg13[%add3A_246, %broadcast_in_dim3A_287], %gather3A_288 masked %lt3A_238 : memref<128x128xf32, #tpu.memory_space<vmem>>[vector<16xi32>, vector<16xi32>], vector<16xf32>, vector<16xi1>
          %broadcast_in_dim3A_289 = arith.constant 14 : i32
          %broadcast_in_dim3A_290 = vector.broadcast %broadcast_in_dim3A_289 : i32 to vector<16xi32>
          %gather3A_291 = tpu.vector_load_idx %arg12[%broadcast_in_dim3A_290, %min3A_244] masked %lt3A_238 : memref<64x512xf32, #tpu.memory_space<vmem>>[vector<16xi32>, vector<16xi32>], vector<16xf32>, vector<16xi1>
          tpu.vector_store_idx %arg13[%add3A_246, %broadcast_in_dim3A_290], %gather3A_291 masked %lt3A_238 : memref<128x128xf32, #tpu.memory_space<vmem>>[vector<16xi32>, vector<16xi32>], vector<16xf32>, vector<16xi1>
          %broadcast_in_dim3A_292 = arith.constant 15 : i32
          %broadcast_in_dim3A_293 = vector.broadcast %broadcast_in_dim3A_292 : i32 to vector<16xi32>
          %gather3A_294 = tpu.vector_load_idx %arg12[%broadcast_in_dim3A_293, %min3A_244] masked %lt3A_238 : memref<64x512xf32, #tpu.memory_space<vmem>>[vector<16xi32>, vector<16xi32>], vector<16xf32>, vector<16xi1>
          tpu.vector_store_idx %arg13[%add3A_246, %broadcast_in_dim3A_293], %gather3A_294 masked %lt3A_238 : memref<128x128xf32, #tpu.memory_space<vmem>>[vector<16xi32>, vector<16xi32>], vector<16xf32>, vector<16xi1>
          %broadcast_in_dim3A_295 = arith.constant 16 : i32
          %broadcast_in_dim3A_296 = vector.broadcast %broadcast_in_dim3A_295 : i32 to vector<16xi32>
          %gather3A_297 = tpu.vector_load_idx %arg12[%broadcast_in_dim3A_296, %min3A_244] masked %lt3A_238 : memref<64x512xf32, #tpu.memory_space<vmem>>[vector<16xi32>, vector<16xi32>], vector<16xf32>, vector<16xi1>
          tpu.vector_store_idx %arg13[%add3A_246, %broadcast_in_dim3A_296], %gather3A_297 masked %lt3A_238 : memref<128x128xf32, #tpu.memory_space<vmem>>[vector<16xi32>, vector<16xi32>], vector<16xf32>, vector<16xi1>
          %broadcast_in_dim3A_298 = arith.constant 17 : i32
          %broadcast_in_dim3A_299 = vector.broadcast %broadcast_in_dim3A_298 : i32 to vector<16xi32>
          %gather3A_300 = tpu.vector_load_idx %arg12[%broadcast_in_dim3A_299, %min3A_244] masked %lt3A_238 : memref<64x512xf32, #tpu.memory_space<vmem>>[vector<16xi32>, vector<16xi32>], vector<16xf32>, vector<16xi1>
          tpu.vector_store_idx %arg13[%add3A_246, %broadcast_in_dim3A_299], %gather3A_300 masked %lt3A_238 : memref<128x128xf32, #tpu.memory_space<vmem>>[vector<16xi32>, vector<16xi32>], vector<16xf32>, vector<16xi1>
          %broadcast_in_dim3A_301 = arith.constant 18 : i32
          %broadcast_in_dim3A_302 = vector.broadcast %broadcast_in_dim3A_301 : i32 to vector<16xi32>
          %gather3A_303 = tpu.vector_load_idx %arg12[%broadcast_in_dim3A_302, %min3A_244] masked %lt3A_238 : memref<64x512xf32, #tpu.memory_space<vmem>>[vector<16xi32>, vector<16xi32>], vector<16xf32>, vector<16xi1>
          tpu.vector_store_idx %arg13[%add3A_246, %broadcast_in_dim3A_302], %gather3A_303 masked %lt3A_238 : memref<128x128xf32, #tpu.memory_space<vmem>>[vector<16xi32>, vector<16xi32>], vector<16xf32>, vector<16xi1>
          %broadcast_in_dim3A_304 = arith.constant 19 : i32
          %broadcast_in_dim3A_305 = vector.broadcast %broadcast_in_dim3A_304 : i32 to vector<16xi32>
          %gather3A_306 = tpu.vector_load_idx %arg12[%broadcast_in_dim3A_305, %min3A_244] masked %lt3A_238 : memref<64x512xf32, #tpu.memory_space<vmem>>[vector<16xi32>, vector<16xi32>], vector<16xf32>, vector<16xi1>
          tpu.vector_store_idx %arg13[%add3A_246, %broadcast_in_dim3A_305], %gather3A_306 masked %lt3A_238 : memref<128x128xf32, #tpu.memory_space<vmem>>[vector<16xi32>, vector<16xi32>], vector<16xf32>, vector<16xi1>
          %broadcast_in_dim3A_307 = arith.constant 20 : i32
          %broadcast_in_dim3A_308 = vector.broadcast %broadcast_in_dim3A_307 : i32 to vector<16xi32>
          %gather3A_309 = tpu.vector_load_idx %arg12[%broadcast_in_dim3A_308, %min3A_244] masked %lt3A_238 : memref<64x512xf32, #tpu.memory_space<vmem>>[vector<16xi32>, vector<16xi32>], vector<16xf32>, vector<16xi1>
          tpu.vector_store_idx %arg13[%add3A_246, %broadcast_in_dim3A_308], %gather3A_309 masked %lt3A_238 : memref<128x128xf32, #tpu.memory_space<vmem>>[vector<16xi32>, vector<16xi32>], vector<16xf32>, vector<16xi1>
          %broadcast_in_dim3A_310 = arith.constant 21 : i32
          %broadcast_in_dim3A_311 = vector.broadcast %broadcast_in_dim3A_310 : i32 to vector<16xi32>
          %gather3A_312 = tpu.vector_load_idx %arg12[%broadcast_in_dim3A_311, %min3A_244] masked %lt3A_238 : memref<64x512xf32, #tpu.memory_space<vmem>>[vector<16xi32>, vector<16xi32>], vector<16xf32>, vector<16xi1>
          tpu.vector_store_idx %arg13[%add3A_246, %broadcast_in_dim3A_311], %gather3A_312 masked %lt3A_238 : memref<128x128xf32, #tpu.memory_space<vmem>>[vector<16xi32>, vector<16xi32>], vector<16xf32>, vector<16xi1>
          %broadcast_in_dim3A_313 = arith.constant 22 : i32
          %broadcast_in_dim3A_314 = vector.broadcast %broadcast_in_dim3A_313 : i32 to vector<16xi32>
          %gather3A_315 = tpu.vector_load_idx %arg12[%broadcast_in_dim3A_314, %min3A_244] masked %lt3A_238 : memref<64x512xf32, #tpu.memory_space<vmem>>[vector<16xi32>, vector<16xi32>], vector<16xf32>, vector<16xi1>
          tpu.vector_store_idx %arg13[%add3A_246, %broadcast_in_dim3A_314], %gather3A_315 masked %lt3A_238 : memref<128x128xf32, #tpu.memory_space<vmem>>[vector<16xi32>, vector<16xi32>], vector<16xf32>, vector<16xi1>
          %broadcast_in_dim3A_316 = arith.constant 23 : i32
          %broadcast_in_dim3A_317 = vector.broadcast %broadcast_in_dim3A_316 : i32 to vector<16xi32>
          %gather3A_318 = tpu.vector_load_idx %arg12[%broadcast_in_dim3A_317, %min3A_244] masked %lt3A_238 : memref<64x512xf32, #tpu.memory_space<vmem>>[vector<16xi32>, vector<16xi32>], vector<16xf32>, vector<16xi1>
          tpu.vector_store_idx %arg13[%add3A_246, %broadcast_in_dim3A_317], %gather3A_318 masked %lt3A_238 : memref<128x128xf32, #tpu.memory_space<vmem>>[vector<16xi32>, vector<16xi32>], vector<16xf32>, vector<16xi1>
          %broadcast_in_dim3A_319 = arith.constant 24 : i32
          %broadcast_in_dim3A_320 = vector.broadcast %broadcast_in_dim3A_319 : i32 to vector<16xi32>
          %gather3A_321 = tpu.vector_load_idx %arg12[%broadcast_in_dim3A_320, %min3A_244] masked %lt3A_238 : memref<64x512xf32, #tpu.memory_space<vmem>>[vector<16xi32>, vector<16xi32>], vector<16xf32>, vector<16xi1>
          tpu.vector_store_idx %arg13[%add3A_246, %broadcast_in_dim3A_320], %gather3A_321 masked %lt3A_238 : memref<128x128xf32, #tpu.memory_space<vmem>>[vector<16xi32>, vector<16xi32>], vector<16xf32>, vector<16xi1>
          %broadcast_in_dim3A_322 = arith.constant 25 : i32
          %broadcast_in_dim3A_323 = vector.broadcast %broadcast_in_dim3A_322 : i32 to vector<16xi32>
          %gather3A_324 = tpu.vector_load_idx %arg12[%broadcast_in_dim3A_323, %min3A_244] masked %lt3A_238 : memref<64x512xf32, #tpu.memory_space<vmem>>[vector<16xi32>, vector<16xi32>], vector<16xf32>, vector<16xi1>
          tpu.vector_store_idx %arg13[%add3A_246, %broadcast_in_dim3A_323], %gather3A_324 masked %lt3A_238 : memref<128x128xf32, #tpu.memory_space<vmem>>[vector<16xi32>, vector<16xi32>], vector<16xf32>, vector<16xi1>
          %broadcast_in_dim3A_325 = arith.constant 26 : i32
          %broadcast_in_dim3A_326 = vector.broadcast %broadcast_in_dim3A_325 : i32 to vector<16xi32>
          %gather3A_327 = tpu.vector_load_idx %arg12[%broadcast_in_dim3A_326, %min3A_244] masked %lt3A_238 : memref<64x512xf32, #tpu.memory_space<vmem>>[vector<16xi32>, vector<16xi32>], vector<16xf32>, vector<16xi1>
          tpu.vector_store_idx %arg13[%add3A_246, %broadcast_in_dim3A_326], %gather3A_327 masked %lt3A_238 : memref<128x128xf32, #tpu.memory_space<vmem>>[vector<16xi32>, vector<16xi32>], vector<16xf32>, vector<16xi1>
          %broadcast_in_dim3A_328 = arith.constant 27 : i32
          %broadcast_in_dim3A_329 = vector.broadcast %broadcast_in_dim3A_328 : i32 to vector<16xi32>
          %gather3A_330 = tpu.vector_load_idx %arg12[%broadcast_in_dim3A_329, %min3A_244] masked %lt3A_238 : memref<64x512xf32, #tpu.memory_space<vmem>>[vector<16xi32>, vector<16xi32>], vector<16xf32>, vector<16xi1>
          tpu.vector_store_idx %arg13[%add3A_246, %broadcast_in_dim3A_329], %gather3A_330 masked %lt3A_238 : memref<128x128xf32, #tpu.memory_space<vmem>>[vector<16xi32>, vector<16xi32>], vector<16xf32>, vector<16xi1>
          %broadcast_in_dim3A_331 = arith.constant 28 : i32
          %broadcast_in_dim3A_332 = vector.broadcast %broadcast_in_dim3A_331 : i32 to vector<16xi32>
          %gather3A_333 = tpu.vector_load_idx %arg12[%broadcast_in_dim3A_332, %min3A_244] masked %lt3A_238 : memref<64x512xf32, #tpu.memory_space<vmem>>[vector<16xi32>, vector<16xi32>], vector<16xf32>, vector<16xi1>
          tpu.vector_store_idx %arg13[%add3A_246, %broadcast_in_dim3A_332], %gather3A_333 masked %lt3A_238 : memref<128x128xf32, #tpu.memory_space<vmem>>[vector<16xi32>, vector<16xi32>], vector<16xf32>, vector<16xi1>
          %broadcast_in_dim3A_334 = arith.constant 29 : i32
          %broadcast_in_dim3A_335 = vector.broadcast %broadcast_in_dim3A_334 : i32 to vector<16xi32>
          %gather3A_336 = tpu.vector_load_idx %arg12[%broadcast_in_dim3A_335, %min3A_244] masked %lt3A_238 : memref<64x512xf32, #tpu.memory_space<vmem>>[vector<16xi32>, vector<16xi32>], vector<16xf32>, vector<16xi1>
          tpu.vector_store_idx %arg13[%add3A_246, %broadcast_in_dim3A_335], %gather3A_336 masked %lt3A_238 : memref<128x128xf32, #tpu.memory_space<vmem>>[vector<16xi32>, vector<16xi32>], vector<16xf32>, vector<16xi1>
          %broadcast_in_dim3A_337 = arith.constant 30 : i32
          %broadcast_in_dim3A_338 = vector.broadcast %broadcast_in_dim3A_337 : i32 to vector<16xi32>
          %gather3A_339 = tpu.vector_load_idx %arg12[%broadcast_in_dim3A_338, %min3A_244] masked %lt3A_238 : memref<64x512xf32, #tpu.memory_space<vmem>>[vector<16xi32>, vector<16xi32>], vector<16xf32>, vector<16xi1>
          tpu.vector_store_idx %arg13[%add3A_246, %broadcast_in_dim3A_338], %gather3A_339 masked %lt3A_238 : memref<128x128xf32, #tpu.memory_space<vmem>>[vector<16xi32>, vector<16xi32>], vector<16xf32>, vector<16xi1>
          %broadcast_in_dim3A_340 = arith.constant 31 : i32
          %broadcast_in_dim3A_341 = vector.broadcast %broadcast_in_dim3A_340 : i32 to vector<16xi32>
          %gather3A_342 = tpu.vector_load_idx %arg12[%broadcast_in_dim3A_341, %min3A_244] masked %lt3A_238 : memref<64x512xf32, #tpu.memory_space<vmem>>[vector<16xi32>, vector<16xi32>], vector<16xf32>, vector<16xi1>
          tpu.vector_store_idx %arg13[%add3A_246, %broadcast_in_dim3A_341], %gather3A_342 masked %lt3A_238 : memref<128x128xf32, #tpu.memory_space<vmem>>[vector<16xi32>, vector<16xi32>], vector<16xf32>, vector<16xi1>
          %broadcast_in_dim3A_343 = arith.constant 32 : i32
          %broadcast_in_dim3A_344 = vector.broadcast %broadcast_in_dim3A_343 : i32 to vector<16xi32>
          %gather3A_345 = tpu.vector_load_idx %arg12[%broadcast_in_dim3A_344, %min3A_244] masked %lt3A_238 : memref<64x512xf32, #tpu.memory_space<vmem>>[vector<16xi32>, vector<16xi32>], vector<16xf32>, vector<16xi1>
          tpu.vector_store_idx %arg13[%add3A_246, %broadcast_in_dim3A_344], %gather3A_345 masked %lt3A_238 : memref<128x128xf32, #tpu.memory_space<vmem>>[vector<16xi32>, vector<16xi32>], vector<16xf32>, vector<16xi1>
          %broadcast_in_dim3A_346 = arith.constant 33 : i32
          %broadcast_in_dim3A_347 = vector.broadcast %broadcast_in_dim3A_346 : i32 to vector<16xi32>
          %gather3A_348 = tpu.vector_load_idx %arg12[%broadcast_in_dim3A_347, %min3A_244] masked %lt3A_238 : memref<64x512xf32, #tpu.memory_space<vmem>>[vector<16xi32>, vector<16xi32>], vector<16xf32>, vector<16xi1>
          tpu.vector_store_idx %arg13[%add3A_246, %broadcast_in_dim3A_347], %gather3A_348 masked %lt3A_238 : memref<128x128xf32, #tpu.memory_space<vmem>>[vector<16xi32>, vector<16xi32>], vector<16xf32>, vector<16xi1>
          %broadcast_in_dim3A_349 = arith.constant 34 : i32
          %broadcast_in_dim3A_350 = vector.broadcast %broadcast_in_dim3A_349 : i32 to vector<16xi32>
          %gather3A_351 = tpu.vector_load_idx %arg12[%broadcast_in_dim3A_350, %min3A_244] masked %lt3A_238 : memref<64x512xf32, #tpu.memory_space<vmem>>[vector<16xi32>, vector<16xi32>], vector<16xf32>, vector<16xi1>
          tpu.vector_store_idx %arg13[%add3A_246, %broadcast_in_dim3A_350], %gather3A_351 masked %lt3A_238 : memref<128x128xf32, #tpu.memory_space<vmem>>[vector<16xi32>, vector<16xi32>], vector<16xf32>, vector<16xi1>
          %broadcast_in_dim3A_352 = arith.constant 35 : i32
          %broadcast_in_dim3A_353 = vector.broadcast %broadcast_in_dim3A_352 : i32 to vector<16xi32>
          %gather3A_354 = tpu.vector_load_idx %arg12[%broadcast_in_dim3A_353, %min3A_244] masked %lt3A_238 : memref<64x512xf32, #tpu.memory_space<vmem>>[vector<16xi32>, vector<16xi32>], vector<16xf32>, vector<16xi1>
          tpu.vector_store_idx %arg13[%add3A_246, %broadcast_in_dim3A_353], %gather3A_354 masked %lt3A_238 : memref<128x128xf32, #tpu.memory_space<vmem>>[vector<16xi32>, vector<16xi32>], vector<16xf32>, vector<16xi1>
          %broadcast_in_dim3A_355 = arith.constant 36 : i32
          %broadcast_in_dim3A_356 = vector.broadcast %broadcast_in_dim3A_355 : i32 to vector<16xi32>
          %gather3A_357 = tpu.vector_load_idx %arg12[%broadcast_in_dim3A_356, %min3A_244] masked %lt3A_238 : memref<64x512xf32, #tpu.memory_space<vmem>>[vector<16xi32>, vector<16xi32>], vector<16xf32>, vector<16xi1>
          tpu.vector_store_idx %arg13[%add3A_246, %broadcast_in_dim3A_356], %gather3A_357 masked %lt3A_238 : memref<128x128xf32, #tpu.memory_space<vmem>>[vector<16xi32>, vector<16xi32>], vector<16xf32>, vector<16xi1>
          %broadcast_in_dim3A_358 = arith.constant 37 : i32
          %broadcast_in_dim3A_359 = vector.broadcast %broadcast_in_dim3A_358 : i32 to vector<16xi32>
          %gather3A_360 = tpu.vector_load_idx %arg12[%broadcast_in_dim3A_359, %min3A_244] masked %lt3A_238 : memref<64x512xf32, #tpu.memory_space<vmem>>[vector<16xi32>, vector<16xi32>], vector<16xf32>, vector<16xi1>
          tpu.vector_store_idx %arg13[%add3A_246, %broadcast_in_dim3A_359], %gather3A_360 masked %lt3A_238 : memref<128x128xf32, #tpu.memory_space<vmem>>[vector<16xi32>, vector<16xi32>], vector<16xf32>, vector<16xi1>
          %broadcast_in_dim3A_361 = arith.constant 38 : i32
          %broadcast_in_dim3A_362 = vector.broadcast %broadcast_in_dim3A_361 : i32 to vector<16xi32>
          %gather3A_363 = tpu.vector_load_idx %arg12[%broadcast_in_dim3A_362, %min3A_244] masked %lt3A_238 : memref<64x512xf32, #tpu.memory_space<vmem>>[vector<16xi32>, vector<16xi32>], vector<16xf32>, vector<16xi1>
          tpu.vector_store_idx %arg13[%add3A_246, %broadcast_in_dim3A_362], %gather3A_363 masked %lt3A_238 : memref<128x128xf32, #tpu.memory_space<vmem>>[vector<16xi32>, vector<16xi32>], vector<16xf32>, vector<16xi1>
          %broadcast_in_dim3A_364 = arith.constant 39 : i32
          %broadcast_in_dim3A_365 = vector.broadcast %broadcast_in_dim3A_364 : i32 to vector<16xi32>
          %gather3A_366 = tpu.vector_load_idx %arg12[%broadcast_in_dim3A_365, %min3A_244] masked %lt3A_238 : memref<64x512xf32, #tpu.memory_space<vmem>>[vector<16xi32>, vector<16xi32>], vector<16xf32>, vector<16xi1>
          tpu.vector_store_idx %arg13[%add3A_246, %broadcast_in_dim3A_365], %gather3A_366 masked %lt3A_238 : memref<128x128xf32, #tpu.memory_space<vmem>>[vector<16xi32>, vector<16xi32>], vector<16xf32>, vector<16xi1>
          %broadcast_in_dim3A_367 = arith.constant 40 : i32
          %broadcast_in_dim3A_368 = vector.broadcast %broadcast_in_dim3A_367 : i32 to vector<16xi32>
          %gather3A_369 = tpu.vector_load_idx %arg12[%broadcast_in_dim3A_368, %min3A_244] masked %lt3A_238 : memref<64x512xf32, #tpu.memory_space<vmem>>[vector<16xi32>, vector<16xi32>], vector<16xf32>, vector<16xi1>
          tpu.vector_store_idx %arg13[%add3A_246, %broadcast_in_dim3A_368], %gather3A_369 masked %lt3A_238 : memref<128x128xf32, #tpu.memory_space<vmem>>[vector<16xi32>, vector<16xi32>], vector<16xf32>, vector<16xi1>
          %broadcast_in_dim3A_370 = arith.constant 41 : i32
          %broadcast_in_dim3A_371 = vector.broadcast %broadcast_in_dim3A_370 : i32 to vector<16xi32>
          %gather3A_372 = tpu.vector_load_idx %arg12[%broadcast_in_dim3A_371, %min3A_244] masked %lt3A_238 : memref<64x512xf32, #tpu.memory_space<vmem>>[vector<16xi32>, vector<16xi32>], vector<16xf32>, vector<16xi1>
          tpu.vector_store_idx %arg13[%add3A_246, %broadcast_in_dim3A_371], %gather3A_372 masked %lt3A_238 : memref<128x128xf32, #tpu.memory_space<vmem>>[vector<16xi32>, vector<16xi32>], vector<16xf32>, vector<16xi1>
          %broadcast_in_dim3A_373 = arith.constant 42 : i32
          %broadcast_in_dim3A_374 = vector.broadcast %broadcast_in_dim3A_373 : i32 to vector<16xi32>
          %gather3A_375 = tpu.vector_load_idx %arg12[%broadcast_in_dim3A_374, %min3A_244] masked %lt3A_238 : memref<64x512xf32, #tpu.memory_space<vmem>>[vector<16xi32>, vector<16xi32>], vector<16xf32>, vector<16xi1>
          tpu.vector_store_idx %arg13[%add3A_246, %broadcast_in_dim3A_374], %gather3A_375 masked %lt3A_238 : memref<128x128xf32, #tpu.memory_space<vmem>>[vector<16xi32>, vector<16xi32>], vector<16xf32>, vector<16xi1>
          %broadcast_in_dim3A_376 = arith.constant 43 : i32
          %broadcast_in_dim3A_377 = vector.broadcast %broadcast_in_dim3A_376 : i32 to vector<16xi32>
          %gather3A_378 = tpu.vector_load_idx %arg12[%broadcast_in_dim3A_377, %min3A_244] masked %lt3A_238 : memref<64x512xf32, #tpu.memory_space<vmem>>[vector<16xi32>, vector<16xi32>], vector<16xf32>, vector<16xi1>
          tpu.vector_store_idx %arg13[%add3A_246, %broadcast_in_dim3A_377], %gather3A_378 masked %lt3A_238 : memref<128x128xf32, #tpu.memory_space<vmem>>[vector<16xi32>, vector<16xi32>], vector<16xf32>, vector<16xi1>
          %broadcast_in_dim3A_379 = arith.constant 44 : i32
          %broadcast_in_dim3A_380 = vector.broadcast %broadcast_in_dim3A_379 : i32 to vector<16xi32>
          %gather3A_381 = tpu.vector_load_idx %arg12[%broadcast_in_dim3A_380, %min3A_244] masked %lt3A_238 : memref<64x512xf32, #tpu.memory_space<vmem>>[vector<16xi32>, vector<16xi32>], vector<16xf32>, vector<16xi1>
          tpu.vector_store_idx %arg13[%add3A_246, %broadcast_in_dim3A_380], %gather3A_381 masked %lt3A_238 : memref<128x128xf32, #tpu.memory_space<vmem>>[vector<16xi32>, vector<16xi32>], vector<16xf32>, vector<16xi1>
          %broadcast_in_dim3A_382 = arith.constant 45 : i32
          %broadcast_in_dim3A_383 = vector.broadcast %broadcast_in_dim3A_382 : i32 to vector<16xi32>
          %gather3A_384 = tpu.vector_load_idx %arg12[%broadcast_in_dim3A_383, %min3A_244] masked %lt3A_238 : memref<64x512xf32, #tpu.memory_space<vmem>>[vector<16xi32>, vector<16xi32>], vector<16xf32>, vector<16xi1>
          tpu.vector_store_idx %arg13[%add3A_246, %broadcast_in_dim3A_383], %gather3A_384 masked %lt3A_238 : memref<128x128xf32, #tpu.memory_space<vmem>>[vector<16xi32>, vector<16xi32>], vector<16xf32>, vector<16xi1>
          %broadcast_in_dim3A_385 = arith.constant 46 : i32
          %broadcast_in_dim3A_386 = vector.broadcast %broadcast_in_dim3A_385 : i32 to vector<16xi32>
          %gather3A_387 = tpu.vector_load_idx %arg12[%broadcast_in_dim3A_386, %min3A_244] masked %lt3A_238 : memref<64x512xf32, #tpu.memory_space<vmem>>[vector<16xi32>, vector<16xi32>], vector<16xf32>, vector<16xi1>
          tpu.vector_store_idx %arg13[%add3A_246, %broadcast_in_dim3A_386], %gather3A_387 masked %lt3A_238 : memref<128x128xf32, #tpu.memory_space<vmem>>[vector<16xi32>, vector<16xi32>], vector<16xf32>, vector<16xi1>
          %broadcast_in_dim3A_388 = arith.constant 47 : i32
          %broadcast_in_dim3A_389 = vector.broadcast %broadcast_in_dim3A_388 : i32 to vector<16xi32>
          %gather3A_390 = tpu.vector_load_idx %arg12[%broadcast_in_dim3A_389, %min3A_244] masked %lt3A_238 : memref<64x512xf32, #tpu.memory_space<vmem>>[vector<16xi32>, vector<16xi32>], vector<16xf32>, vector<16xi1>
          tpu.vector_store_idx %arg13[%add3A_246, %broadcast_in_dim3A_389], %gather3A_390 masked %lt3A_238 : memref<128x128xf32, #tpu.memory_space<vmem>>[vector<16xi32>, vector<16xi32>], vector<16xf32>, vector<16xi1>
          %broadcast_in_dim3A_391 = arith.constant 48 : i32
          %broadcast_in_dim3A_392 = vector.broadcast %broadcast_in_dim3A_391 : i32 to vector<16xi32>
          %gather3A_393 = tpu.vector_load_idx %arg12[%broadcast_in_dim3A_392, %min3A_244] masked %lt3A_238 : memref<64x512xf32, #tpu.memory_space<vmem>>[vector<16xi32>, vector<16xi32>], vector<16xf32>, vector<16xi1>
          tpu.vector_store_idx %arg13[%add3A_246, %broadcast_in_dim3A_392], %gather3A_393 masked %lt3A_238 : memref<128x128xf32, #tpu.memory_space<vmem>>[vector<16xi32>, vector<16xi32>], vector<16xf32>, vector<16xi1>
          %broadcast_in_dim3A_394 = arith.constant 49 : i32
          %broadcast_in_dim3A_395 = vector.broadcast %broadcast_in_dim3A_394 : i32 to vector<16xi32>
          %gather3A_396 = tpu.vector_load_idx %arg12[%broadcast_in_dim3A_395, %min3A_244] masked %lt3A_238 : memref<64x512xf32, #tpu.memory_space<vmem>>[vector<16xi32>, vector<16xi32>], vector<16xf32>, vector<16xi1>
          tpu.vector_store_idx %arg13[%add3A_246, %broadcast_in_dim3A_395], %gather3A_396 masked %lt3A_238 : memref<128x128xf32, #tpu.memory_space<vmem>>[vector<16xi32>, vector<16xi32>], vector<16xf32>, vector<16xi1>
          %broadcast_in_dim3A_397 = arith.constant 50 : i32
          %broadcast_in_dim3A_398 = vector.broadcast %broadcast_in_dim3A_397 : i32 to vector<16xi32>
          %gather3A_399 = tpu.vector_load_idx %arg12[%broadcast_in_dim3A_398, %min3A_244] masked %lt3A_238 : memref<64x512xf32, #tpu.memory_space<vmem>>[vector<16xi32>, vector<16xi32>], vector<16xf32>, vector<16xi1>
          tpu.vector_store_idx %arg13[%add3A_246, %broadcast_in_dim3A_398], %gather3A_399 masked %lt3A_238 : memref<128x128xf32, #tpu.memory_space<vmem>>[vector<16xi32>, vector<16xi32>], vector<16xf32>, vector<16xi1>
          %broadcast_in_dim3A_400 = arith.constant 51 : i32
          %broadcast_in_dim3A_401 = vector.broadcast %broadcast_in_dim3A_400 : i32 to vector<16xi32>
          %gather3A_402 = tpu.vector_load_idx %arg12[%broadcast_in_dim3A_401, %min3A_244] masked %lt3A_238 : memref<64x512xf32, #tpu.memory_space<vmem>>[vector<16xi32>, vector<16xi32>], vector<16xf32>, vector<16xi1>
          tpu.vector_store_idx %arg13[%add3A_246, %broadcast_in_dim3A_401], %gather3A_402 masked %lt3A_238 : memref<128x128xf32, #tpu.memory_space<vmem>>[vector<16xi32>, vector<16xi32>], vector<16xf32>, vector<16xi1>
          %broadcast_in_dim3A_403 = arith.constant 52 : i32
          %broadcast_in_dim3A_404 = vector.broadcast %broadcast_in_dim3A_403 : i32 to vector<16xi32>
          %gather3A_405 = tpu.vector_load_idx %arg12[%broadcast_in_dim3A_404, %min3A_244] masked %lt3A_238 : memref<64x512xf32, #tpu.memory_space<vmem>>[vector<16xi32>, vector<16xi32>], vector<16xf32>, vector<16xi1>
          tpu.vector_store_idx %arg13[%add3A_246, %broadcast_in_dim3A_404], %gather3A_405 masked %lt3A_238 : memref<128x128xf32, #tpu.memory_space<vmem>>[vector<16xi32>, vector<16xi32>], vector<16xf32>, vector<16xi1>
          %broadcast_in_dim3A_406 = arith.constant 53 : i32
          %broadcast_in_dim3A_407 = vector.broadcast %broadcast_in_dim3A_406 : i32 to vector<16xi32>
          %gather3A_408 = tpu.vector_load_idx %arg12[%broadcast_in_dim3A_407, %min3A_244] masked %lt3A_238 : memref<64x512xf32, #tpu.memory_space<vmem>>[vector<16xi32>, vector<16xi32>], vector<16xf32>, vector<16xi1>
          tpu.vector_store_idx %arg13[%add3A_246, %broadcast_in_dim3A_407], %gather3A_408 masked %lt3A_238 : memref<128x128xf32, #tpu.memory_space<vmem>>[vector<16xi32>, vector<16xi32>], vector<16xf32>, vector<16xi1>
          %broadcast_in_dim3A_409 = arith.constant 54 : i32
          %broadcast_in_dim3A_410 = vector.broadcast %broadcast_in_dim3A_409 : i32 to vector<16xi32>
          %gather3A_411 = tpu.vector_load_idx %arg12[%broadcast_in_dim3A_410, %min3A_244] masked %lt3A_238 : memref<64x512xf32, #tpu.memory_space<vmem>>[vector<16xi32>, vector<16xi32>], vector<16xf32>, vector<16xi1>
          tpu.vector_store_idx %arg13[%add3A_246, %broadcast_in_dim3A_410], %gather3A_411 masked %lt3A_238 : memref<128x128xf32, #tpu.memory_space<vmem>>[vector<16xi32>, vector<16xi32>], vector<16xf32>, vector<16xi1>
          %broadcast_in_dim3A_412 = arith.constant 55 : i32
          %broadcast_in_dim3A_413 = vector.broadcast %broadcast_in_dim3A_412 : i32 to vector<16xi32>
          %gather3A_414 = tpu.vector_load_idx %arg12[%broadcast_in_dim3A_413, %min3A_244] masked %lt3A_238 : memref<64x512xf32, #tpu.memory_space<vmem>>[vector<16xi32>, vector<16xi32>], vector<16xf32>, vector<16xi1>
          tpu.vector_store_idx %arg13[%add3A_246, %broadcast_in_dim3A_413], %gather3A_414 masked %lt3A_238 : memref<128x128xf32, #tpu.memory_space<vmem>>[vector<16xi32>, vector<16xi32>], vector<16xf32>, vector<16xi1>
          %broadcast_in_dim3A_415 = arith.constant 56 : i32
          %broadcast_in_dim3A_416 = vector.broadcast %broadcast_in_dim3A_415 : i32 to vector<16xi32>
          %gather3A_417 = tpu.vector_load_idx %arg12[%broadcast_in_dim3A_416, %min3A_244] masked %lt3A_238 : memref<64x512xf32, #tpu.memory_space<vmem>>[vector<16xi32>, vector<16xi32>], vector<16xf32>, vector<16xi1>
          tpu.vector_store_idx %arg13[%add3A_246, %broadcast_in_dim3A_416], %gather3A_417 masked %lt3A_238 : memref<128x128xf32, #tpu.memory_space<vmem>>[vector<16xi32>, vector<16xi32>], vector<16xf32>, vector<16xi1>
          %broadcast_in_dim3A_418 = arith.constant 57 : i32
          %broadcast_in_dim3A_419 = vector.broadcast %broadcast_in_dim3A_418 : i32 to vector<16xi32>
          %gather3A_420 = tpu.vector_load_idx %arg12[%broadcast_in_dim3A_419, %min3A_244] masked %lt3A_238 : memref<64x512xf32, #tpu.memory_space<vmem>>[vector<16xi32>, vector<16xi32>], vector<16xf32>, vector<16xi1>
          tpu.vector_store_idx %arg13[%add3A_246, %broadcast_in_dim3A_419], %gather3A_420 masked %lt3A_238 : memref<128x128xf32, #tpu.memory_space<vmem>>[vector<16xi32>, vector<16xi32>], vector<16xf32>, vector<16xi1>
          %broadcast_in_dim3A_421 = arith.constant 58 : i32
          %broadcast_in_dim3A_422 = vector.broadcast %broadcast_in_dim3A_421 : i32 to vector<16xi32>
          %gather3A_423 = tpu.vector_load_idx %arg12[%broadcast_in_dim3A_422, %min3A_244] masked %lt3A_238 : memref<64x512xf32, #tpu.memory_space<vmem>>[vector<16xi32>, vector<16xi32>], vector<16xf32>, vector<16xi1>
          tpu.vector_store_idx %arg13[%add3A_246, %broadcast_in_dim3A_422], %gather3A_423 masked %lt3A_238 : memref<128x128xf32, #tpu.memory_space<vmem>>[vector<16xi32>, vector<16xi32>], vector<16xf32>, vector<16xi1>
          %broadcast_in_dim3A_424 = arith.constant 59 : i32
          %broadcast_in_dim3A_425 = vector.broadcast %broadcast_in_dim3A_424 : i32 to vector<16xi32>
          %gather3A_426 = tpu.vector_load_idx %arg12[%broadcast_in_dim3A_425, %min3A_244] masked %lt3A_238 : memref<64x512xf32, #tpu.memory_space<vmem>>[vector<16xi32>, vector<16xi32>], vector<16xf32>, vector<16xi1>
          tpu.vector_store_idx %arg13[%add3A_246, %broadcast_in_dim3A_425], %gather3A_426 masked %lt3A_238 : memref<128x128xf32, #tpu.memory_space<vmem>>[vector<16xi32>, vector<16xi32>], vector<16xf32>, vector<16xi1>
          %broadcast_in_dim3A_427 = arith.constant 60 : i32
          %broadcast_in_dim3A_428 = vector.broadcast %broadcast_in_dim3A_427 : i32 to vector<16xi32>
          %gather3A_429 = tpu.vector_load_idx %arg12[%broadcast_in_dim3A_428, %min3A_244] masked %lt3A_238 : memref<64x512xf32, #tpu.memory_space<vmem>>[vector<16xi32>, vector<16xi32>], vector<16xf32>, vector<16xi1>
          tpu.vector_store_idx %arg13[%add3A_246, %broadcast_in_dim3A_428], %gather3A_429 masked %lt3A_238 : memref<128x128xf32, #tpu.memory_space<vmem>>[vector<16xi32>, vector<16xi32>], vector<16xf32>, vector<16xi1>
          %broadcast_in_dim3A_430 = arith.constant 61 : i32
          %broadcast_in_dim3A_431 = vector.broadcast %broadcast_in_dim3A_430 : i32 to vector<16xi32>
          %gather3A_432 = tpu.vector_load_idx %arg12[%broadcast_in_dim3A_431, %min3A_244] masked %lt3A_238 : memref<64x512xf32, #tpu.memory_space<vmem>>[vector<16xi32>, vector<16xi32>], vector<16xf32>, vector<16xi1>
          tpu.vector_store_idx %arg13[%add3A_246, %broadcast_in_dim3A_431], %gather3A_432 masked %lt3A_238 : memref<128x128xf32, #tpu.memory_space<vmem>>[vector<16xi32>, vector<16xi32>], vector<16xf32>, vector<16xi1>
          %broadcast_in_dim3A_433 = arith.constant 62 : i32
          %broadcast_in_dim3A_434 = vector.broadcast %broadcast_in_dim3A_433 : i32 to vector<16xi32>
          %gather3A_435 = tpu.vector_load_idx %arg12[%broadcast_in_dim3A_434, %min3A_244] masked %lt3A_238 : memref<64x512xf32, #tpu.memory_space<vmem>>[vector<16xi32>, vector<16xi32>], vector<16xf32>, vector<16xi1>
          tpu.vector_store_idx %arg13[%add3A_246, %broadcast_in_dim3A_434], %gather3A_435 masked %lt3A_238 : memref<128x128xf32, #tpu.memory_space<vmem>>[vector<16xi32>, vector<16xi32>], vector<16xf32>, vector<16xi1>
          %broadcast_in_dim3A_436 = arith.constant 63 : i32
          %broadcast_in_dim3A_437 = vector.broadcast %broadcast_in_dim3A_436 : i32 to vector<16xi32>
          %gather3A_438 = tpu.vector_load_idx %arg12[%broadcast_in_dim3A_437, %min3A_244] masked %lt3A_238 : memref<64x512xf32, #tpu.memory_space<vmem>>[vector<16xi32>, vector<16xi32>], vector<16xf32>, vector<16xi1>
          tpu.vector_store_idx %arg13[%add3A_246, %broadcast_in_dim3A_437], %gather3A_438 masked %lt3A_238 : memref<128x128xf32, #tpu.memory_space<vmem>>[vector<16xi32>, vector<16xi32>], vector<16xf32>, vector<16xi1>
          %all_reduce_population_count3A = tpu.all_reduce %lt3A_238 {dim = 0 : i64, kind = #tpu.reduction_kind<sum>} : vector<16xi1> -> vector<16xi32>
          %slice3A = vector.extract_strided_slice %all_reduce_population_count3A {offsets = [0], sizes = [1], strides = [1]} : vector<16xi32> to vector<1xi32>
          %squeeze3A = vector.extract %slice3A[0] : i32 from vector<1xi32>
          %add3A_439 = arith.addi %cond3A_227, %squeeze3A : i32
          scf.yield %add3A_439 : i32
        }
        scf.yield %while3A_218 : i32
      } else {
        scf.yield %cond3A_149 : i32
      }
      scf.yield %cond3A_190 : i32
    }
    %scan3A_61 = arith.constant 31 : i32
    %dma_wait3A = arith.constant 0 : i32
    %dma_wait3A_62 = arith.constant 0 : i32
    %dma_wait3A_63 = tpu.memref_slice %arg2[%dma_wait3A, %dma_wait3A_62] : memref<64x1000000xf32, #tpu.memory_space<hbm>> -> memref<64x512xf32, #tpu.memory_space<hbm>>
    %dma_wait3A_64 = arith.constant 0 : i32
    %dma_wait3A_65 = arith.constant 0 : i32
    %dma_wait3A_66 = tpu.memref_slice %arg2[%dma_wait3A_64, %dma_wait3A_65] : memref<64x1000000xf32, #tpu.memory_space<hbm>> -> memref<64x512xf32, #tpu.memory_space<hbm>>
    tpu.wait_dma2 semaphore(%arg15 : memref<!tpu.dma_semaphore, #tpu.memory_space<semaphore_mem>>) src(%dma_wait3A_66 : memref<64x512xf32, #tpu.memory_space<hbm>>) dst(%arg11 : memref<64x512xf32, #tpu.memory_space<vmem>>)
    %dma_start3A_67 = arith.constant 0 : i32
    %dma_start3A_68 = arith.constant 0 : i32
    %dma_start3A_69 = tpu.memref_slice %arg5[%dma_start3A_67, %dma_start3A_68] : memref<32896x128xf32, #tpu.memory_space<hbm>> -> memref<32896x128xf32, #tpu.memory_space<hbm>>
    tpu.enqueue_indirect_dma source(%arg13 : memref<128x128xf32, #tpu.memory_space<vmem>>) target(%dma_start3A_69 : memref<32896x128xf32, #tpu.memory_space<hbm>>) offsets(%arg14 : memref<128xi32, #tpu.memory_space<vmem>>) semaphore(%arg17 : memref<!tpu.dma_semaphore, #tpu.memory_space<semaphore_mem>>)
    %dma_wait3A_70 = arith.constant 0 : i32
    %dma_wait3A_71 = arith.constant 0 : i32
    %dma_wait3A_72 = tpu.memref_slice %arg5[%dma_wait3A_70, %dma_wait3A_71] : memref<32896x128xf32, #tpu.memory_space<hbm>> -> memref<32896x128xf32, #tpu.memory_space<hbm>>
    tpu.wait_indirect_dma semaphore(%arg17 : memref<!tpu.dma_semaphore, #tpu.memory_space<semaphore_mem>>) src(%arg13 : memref<128x128xf32, #tpu.memory_space<vmem>>) dst(%dma_wait3A_72 : memref<32896x128xf32, #tpu.memory_space<hbm>>)
    %add3A_73 = arith.constant 32768 : i32
    %add3A_74 = vector.broadcast %add3A_73 : i32 to vector<16xi32>
    %add3A_75 = arith.addi %iota3A, %add3A_74 : vector<16xi32>
    %swap3A_76 = arith.constant 0 : index
    %swap3A_77 = tpu.vector_load %arg14[%swap3A_76] {strides = array<i32>} : memref<128xi32, #tpu.memory_space<vmem>>, vector<16xi32>,
    tpu.vector_store %arg14[%swap3A_76], %add3A_75 {strides = array<i32>} : memref<128xi32, #tpu.memory_space<vmem>>, vector<16xi32>,
    %add3A_78 = arith.constant 32784 : i32
    %add3A_79 = vector.broadcast %add3A_78 : i32 to vector<16xi32>
    %add3A_80 = arith.addi %iota3A, %add3A_79 : vector<16xi32>
    %swap3A_81 = arith.constant 16 : index
    %swap3A_82 = tpu.vector_load %arg14[%swap3A_81] {strides = array<i32>} : memref<128xi32, #tpu.memory_space<vmem>>, vector<16xi32>,
    tpu.vector_store %arg14[%swap3A_81], %add3A_80 {strides = array<i32>} : memref<128xi32, #tpu.memory_space<vmem>>, vector<16xi32>,
    %add3A_83 = arith.constant 32800 : i32
    %add3A_84 = vector.broadcast %add3A_83 : i32 to vector<16xi32>
    %add3A_85 = arith.addi %iota3A, %add3A_84 : vector<16xi32>
    %swap3A_86 = arith.constant 32 : index
    %swap3A_87 = tpu.vector_load %arg14[%swap3A_86] {strides = array<i32>} : memref<128xi32, #tpu.memory_space<vmem>>, vector<16xi32>,
    tpu.vector_store %arg14[%swap3A_86], %add3A_85 {strides = array<i32>} : memref<128xi32, #tpu.memory_space<vmem>>, vector<16xi32>,
    %add3A_88 = arith.constant 32816 : i32
    %add3A_89 = vector.broadcast %add3A_88 : i32 to vector<16xi32>
    %add3A_90 = arith.addi %iota3A, %add3A_89 : vector<16xi32>
    %swap3A_91 = arith.constant 48 : index
    %swap3A_92 = tpu.vector_load %arg14[%swap3A_91] {strides = array<i32>} : memref<128xi32, #tpu.memory_space<vmem>>, vector<16xi32>,
    tpu.vector_store %arg14[%swap3A_91], %add3A_90 {strides = array<i32>} : memref<128xi32, #tpu.memory_space<vmem>>, vector<16xi32>,
    %add3A_93 = arith.constant 32832 : i32
    %add3A_94 = vector.broadcast %add3A_93 : i32 to vector<16xi32>
    %add3A_95 = arith.addi %iota3A, %add3A_94 : vector<16xi32>
    %swap3A_96 = arith.constant 64 : index
    %swap3A_97 = tpu.vector_load %arg14[%swap3A_96] {strides = array<i32>} : memref<128xi32, #tpu.memory_space<vmem>>, vector<16xi32>,
    tpu.vector_store %arg14[%swap3A_96], %add3A_95 {strides = array<i32>} : memref<128xi32, #tpu.memory_space<vmem>>, vector<16xi32>,
    %add3A_98 = arith.constant 32848 : i32
    %add3A_99 = vector.broadcast %add3A_98 : i32 to vector<16xi32>
    %add3A_100 = arith.addi %iota3A, %add3A_99 : vector<16xi32>
    %swap3A_101 = arith.constant 80 : index
    %swap3A_102 = tpu.vector_load %arg14[%swap3A_101] {strides = array<i32>} : memref<128xi32, #tpu.memory_space<vmem>>, vector<16xi32>,
    tpu.vector_store %arg14[%swap3A_101], %add3A_100 {strides = array<i32>} : memref<128xi32, #tpu.memory_space<vmem>>, vector<16xi32>,
    %add3A_103 = arith.constant 32864 : i32
    %add3A_104 = vector.broadcast %add3A_103 : i32 to vector<16xi32>
    %add3A_105 = arith.addi %iota3A, %add3A_104 : vector<16xi32>
    %swap3A_106 = arith.constant 96 : index
    %swap3A_107 = tpu.vector_load %arg14[%swap3A_106] {strides = array<i32>} : memref<128xi32, #tpu.memory_space<vmem>>, vector<16xi32>,
    tpu.vector_store %arg14[%swap3A_106], %add3A_105 {strides = array<i32>} : memref<128xi32, #tpu.memory_space<vmem>>, vector<16xi32>,
    %add3A_108 = arith.constant 32880 : i32
    %add3A_109 = vector.broadcast %add3A_108 : i32 to vector<16xi32>
    %add3A_110 = arith.addi %iota3A, %add3A_109 : vector<16xi32>
    %swap3A_111 = arith.constant 112 : index
    %swap3A_112 = tpu.vector_load %arg14[%swap3A_111] {strides = array<i32>} : memref<128xi32, #tpu.memory_space<vmem>>, vector<16xi32>,
    tpu.vector_store %arg14[%swap3A_111], %add3A_110 {strides = array<i32>} : memref<128xi32, #tpu.memory_space<vmem>>, vector<16xi32>,
    return
  }
}

#map = affine_map<(d0, d1) -> (0, 0)>
#map1 = affine_map<(d0, d1) -> (0)>
module attributes {stable_mosaic.version = 14 : i64} {
  func.func @_phase2_body(%arg0: i32, %arg1: i32, %arg2: memref<32896x128xf32, #tpu.memory_space<hbm>>, %arg3: memref<1000x128xf32, #tpu.memory_space<hbm>>, %arg4: memref<16384xi32, #tpu.memory_space<hbm>>, %arg5: memref<16384xf32, #tpu.memory_space<hbm>>, %arg6: memref<4x128xi32, #tpu.memory_space<vmem>>, %arg7: memref<128x128xf32, #tpu.memory_space<vmem>>, %arg8: memref<128x128xf32, #tpu.memory_space<vmem>>, %arg9: memref<128x128xf32, #tpu.memory_space<vmem>>, %arg10: memref<128x128xf32, #tpu.memory_space<vmem>>, %arg11: memref<128x128xf32, #tpu.memory_space<vmem>>, %arg12: memref<128x128xf32, #tpu.memory_space<vmem>>, %arg13: memref<512xf32, #tpu.memory_space<vmem>>, %arg14: memref<!tpu.dma_semaphore, #tpu.memory_space<semaphore_mem>>, %arg15: memref<!tpu.dma_semaphore, #tpu.memory_space<semaphore_mem>>) attributes {dimension_semantics = [#tpu.dimension_semantics<core_parallel>, #tpu.dimension_semantics<subcore_parallel>], iteration_bounds = array<i64: 2, 16>, scalar_prefetch = 0 : i64, scratch_operands = 10 : i64, tpu.core_type = #tpu.core_type<sc_vector_subcore>, window_params = [{transform_indices = #map}, {transform_indices = #map}, {transform_indices = #map1}, {transform_indices = #map1}]} {
    %mul3A = arith.constant 2 : i32
    %mul3A_0 = arith.muli %arg1, %mul3A : i32
    %add3A = arith.addi %mul3A_0, %arg0 : i32
    %mul3A_1 = arith.constant 512 : i32
    %mul3A_2 = arith.muli %add3A, %mul3A_1 : i32
    %iota3A = tpu.iota {dimensions = array<i32: 0>} : vector<16xi32>
    %add3A_3 = arith.constant 0 : i32
    %add3A_4 = arith.addi %mul3A_2, %add3A_3 : i32
    %multiple_of3A = tpu.assume_multiple %add3A_4, 128 : i32
    %run_scoped3A = arith.constant 0 : i32
    "tpu.region"() ({
      %run_scoped3A_179 = tpu.sem_alloc : memref<!tpu.dma_semaphore, #tpu.memory_space<semaphore_mem>>
      %dma_start3A_180 = arith.constant 0 : i32
      %dma_start3A_181 = tpu.memref_slice %arg6[%run_scoped3A, %dma_start3A_180] : memref<4x128xi32, #tpu.memory_space<vmem>> -> memref<1x128xi32, #tpu.memory_space<vmem>>
      %dma_start3A_182 = tpu.memref_squeeze %dma_start3A_181 : memref<1x128xi32, #tpu.memory_space<vmem>> -> memref<128xi32, #tpu.memory_space<vmem>>
      %dma_start3A_183 = tpu.memref_slice %arg4[%multiple_of3A] : memref<16384xi32, #tpu.memory_space<hbm>> -> memref<128xi32, #tpu.memory_space<hbm>>
      %dma_start3A_184 = arith.constant 0 : i32
      %dma_start3A_185 = tpu.memref_slice %arg6[%run_scoped3A, %dma_start3A_184] : memref<4x128xi32, #tpu.memory_space<vmem>> -> memref<1x128xi32, #tpu.memory_space<vmem>>
      %dma_start3A_186 = tpu.memref_squeeze %dma_start3A_185 : memref<1x128xi32, #tpu.memory_space<vmem>> -> memref<128xi32, #tpu.memory_space<vmem>>
      %dma_start3A_187 = tpu.memref_slice %arg4[%multiple_of3A] : memref<16384xi32, #tpu.memory_space<hbm>> -> memref<128xi32, #tpu.memory_space<hbm>>
      tpu.enqueue_dma source(%dma_start3A_187 : memref<128xi32, #tpu.memory_space<hbm>>) target(%dma_start3A_186 : memref<128xi32, #tpu.memory_space<vmem>>) target_semaphore(%run_scoped3A_179 : memref<!tpu.dma_semaphore, #tpu.memory_space<semaphore_mem>>)
      %dma_wait3A_188 = arith.constant 0 : i32
      %dma_wait3A_189 = tpu.memref_slice %arg6[%run_scoped3A, %dma_wait3A_188] : memref<4x128xi32, #tpu.memory_space<vmem>> -> memref<1x128xi32, #tpu.memory_space<vmem>>
      %dma_wait3A_190 = tpu.memref_squeeze %dma_wait3A_189 : memref<1x128xi32, #tpu.memory_space<vmem>> -> memref<128xi32, #tpu.memory_space<vmem>>
      %dma_wait3A_191 = tpu.memref_slice %arg4[%multiple_of3A] : memref<16384xi32, #tpu.memory_space<hbm>> -> memref<128xi32, #tpu.memory_space<hbm>>
      %dma_wait3A_192 = arith.constant 0 : i32
      %dma_wait3A_193 = tpu.memref_slice %arg6[%run_scoped3A, %dma_wait3A_192] : memref<4x128xi32, #tpu.memory_space<vmem>> -> memref<1x128xi32, #tpu.memory_space<vmem>>
      %dma_wait3A_194 = tpu.memref_squeeze %dma_wait3A_193 : memref<1x128xi32, #tpu.memory_space<vmem>> -> memref<128xi32, #tpu.memory_space<vmem>>
      %dma_wait3A_195 = tpu.memref_slice %arg4[%multiple_of3A] : memref<16384xi32, #tpu.memory_space<hbm>> -> memref<128xi32, #tpu.memory_space<hbm>>
      tpu.wait_dma2 semaphore(%run_scoped3A_179 : memref<!tpu.dma_semaphore, #tpu.memory_space<semaphore_mem>>) src(%dma_wait3A_195 : memref<128xi32, #tpu.memory_space<hbm>>) dst(%dma_wait3A_194 : memref<128xi32, #tpu.memory_space<vmem>>)
      tpu.yield
    }) : () -> ()
    %add3A_5 = arith.constant 128 : i32
    %add3A_6 = arith.addi %mul3A_2, %add3A_5 : i32
    %multiple_of3A_7 = tpu.assume_multiple %add3A_6, 128 : i32
    %run_scoped3A_8 = arith.constant 1 : i32
    "tpu.region"() ({
      %run_scoped3A_179 = tpu.sem_alloc : memref<!tpu.dma_semaphore, #tpu.memory_space<semaphore_mem>>
      %dma_start3A_180 = arith.constant 0 : i32
      %dma_start3A_181 = tpu.memref_slice %arg6[%run_scoped3A_8, %dma_start3A_180] : memref<4x128xi32, #tpu.memory_space<vmem>> -> memref<1x128xi32, #tpu.memory_space<vmem>>
      %dma_start3A_182 = tpu.memref_squeeze %dma_start3A_181 : memref<1x128xi32, #tpu.memory_space<vmem>> -> memref<128xi32, #tpu.memory_space<vmem>>
      %dma_start3A_183 = tpu.memref_slice %arg4[%multiple_of3A_7] : memref<16384xi32, #tpu.memory_space<hbm>> -> memref<128xi32, #tpu.memory_space<hbm>>
      %dma_start3A_184 = arith.constant 0 : i32
      %dma_start3A_185 = tpu.memref_slice %arg6[%run_scoped3A_8, %dma_start3A_184] : memref<4x128xi32, #tpu.memory_space<vmem>> -> memref<1x128xi32, #tpu.memory_space<vmem>>
      %dma_start3A_186 = tpu.memref_squeeze %dma_start3A_185 : memref<1x128xi32, #tpu.memory_space<vmem>> -> memref<128xi32, #tpu.memory_space<vmem>>
      %dma_start3A_187 = tpu.memref_slice %arg4[%multiple_of3A_7] : memref<16384xi32, #tpu.memory_space<hbm>> -> memref<128xi32, #tpu.memory_space<hbm>>
      tpu.enqueue_dma source(%dma_start3A_187 : memref<128xi32, #tpu.memory_space<hbm>>) target(%dma_start3A_186 : memref<128xi32, #tpu.memory_space<vmem>>) target_semaphore(%run_scoped3A_179 : memref<!tpu.dma_semaphore, #tpu.memory_space<semaphore_mem>>)
      %dma_wait3A_188 = arith.constant 0 : i32
      %dma_wait3A_189 = tpu.memref_slice %arg6[%run_scoped3A_8, %dma_wait3A_188] : memref<4x128xi32, #tpu.memory_space<vmem>> -> memref<1x128xi32, #tpu.memory_space<vmem>>
      %dma_wait3A_190 = tpu.memref_squeeze %dma_wait3A_189 : memref<1x128xi32, #tpu.memory_space<vmem>> -> memref<128xi32, #tpu.memory_space<vmem>>
      %dma_wait3A_191 = tpu.memref_slice %arg4[%multiple_of3A_7] : memref<16384xi32, #tpu.memory_space<hbm>> -> memref<128xi32, #tpu.memory_space<hbm>>
      %dma_wait3A_192 = arith.constant 0 : i32
      %dma_wait3A_193 = tpu.memref_slice %arg6[%run_scoped3A_8, %dma_wait3A_192] : memref<4x128xi32, #tpu.memory_space<vmem>> -> memref<1x128xi32, #tpu.memory_space<vmem>>
      %dma_wait3A_194 = tpu.memref_squeeze %dma_wait3A_193 : memref<1x128xi32, #tpu.memory_space<vmem>> -> memref<128xi32, #tpu.memory_space<vmem>>
      %dma_wait3A_195 = tpu.memref_slice %arg4[%multiple_of3A_7] : memref<16384xi32, #tpu.memory_space<hbm>> -> memref<128xi32, #tpu.memory_space<hbm>>
      tpu.wait_dma2 semaphore(%run_scoped3A_179 : memref<!tpu.dma_semaphore, #tpu.memory_space<semaphore_mem>>) src(%dma_wait3A_195 : memref<128xi32, #tpu.memory_space<hbm>>) dst(%dma_wait3A_194 : memref<128xi32, #tpu.memory_space<vmem>>)
      tpu.yield
    }) : () -> ()
    %add3A_9 = arith.constant 256 : i32
    %add3A_10 = arith.addi %mul3A_2, %add3A_9 : i32
    %multiple_of3A_11 = tpu.assume_multiple %add3A_10, 128 : i32
    %run_scoped3A_12 = arith.constant 2 : i32
    "tpu.region"() ({
      %run_scoped3A_179 = tpu.sem_alloc : memref<!tpu.dma_semaphore, #tpu.memory_space<semaphore_mem>>
      %dma_start3A_180 = arith.constant 0 : i32
      %dma_start3A_181 = tpu.memref_slice %arg6[%run_scoped3A_12, %dma_start3A_180] : memref<4x128xi32, #tpu.memory_space<vmem>> -> memref<1x128xi32, #tpu.memory_space<vmem>>
      %dma_start3A_182 = tpu.memref_squeeze %dma_start3A_181 : memref<1x128xi32, #tpu.memory_space<vmem>> -> memref<128xi32, #tpu.memory_space<vmem>>
      %dma_start3A_183 = tpu.memref_slice %arg4[%multiple_of3A_11] : memref<16384xi32, #tpu.memory_space<hbm>> -> memref<128xi32, #tpu.memory_space<hbm>>
      %dma_start3A_184 = arith.constant 0 : i32
      %dma_start3A_185 = tpu.memref_slice %arg6[%run_scoped3A_12, %dma_start3A_184] : memref<4x128xi32, #tpu.memory_space<vmem>> -> memref<1x128xi32, #tpu.memory_space<vmem>>
      %dma_start3A_186 = tpu.memref_squeeze %dma_start3A_185 : memref<1x128xi32, #tpu.memory_space<vmem>> -> memref<128xi32, #tpu.memory_space<vmem>>
      %dma_start3A_187 = tpu.memref_slice %arg4[%multiple_of3A_11] : memref<16384xi32, #tpu.memory_space<hbm>> -> memref<128xi32, #tpu.memory_space<hbm>>
      tpu.enqueue_dma source(%dma_start3A_187 : memref<128xi32, #tpu.memory_space<hbm>>) target(%dma_start3A_186 : memref<128xi32, #tpu.memory_space<vmem>>) target_semaphore(%run_scoped3A_179 : memref<!tpu.dma_semaphore, #tpu.memory_space<semaphore_mem>>)
      %dma_wait3A_188 = arith.constant 0 : i32
      %dma_wait3A_189 = tpu.memref_slice %arg6[%run_scoped3A_12, %dma_wait3A_188] : memref<4x128xi32, #tpu.memory_space<vmem>> -> memref<1x128xi32, #tpu.memory_space<vmem>>
      %dma_wait3A_190 = tpu.memref_squeeze %dma_wait3A_189 : memref<1x128xi32, #tpu.memory_space<vmem>> -> memref<128xi32, #tpu.memory_space<vmem>>
      %dma_wait3A_191 = tpu.memref_slice %arg4[%multiple_of3A_11] : memref<16384xi32, #tpu.memory_space<hbm>> -> memref<128xi32, #tpu.memory_space<hbm>>
      %dma_wait3A_192 = arith.constant 0 : i32
      %dma_wait3A_193 = tpu.memref_slice %arg6[%run_scoped3A_12, %dma_wait3A_192] : memref<4x128xi32, #tpu.memory_space<vmem>> -> memref<1x128xi32, #tpu.memory_space<vmem>>
      %dma_wait3A_194 = tpu.memref_squeeze %dma_wait3A_193 : memref<1x128xi32, #tpu.memory_space<vmem>> -> memref<128xi32, #tpu.memory_space<vmem>>
      %dma_wait3A_195 = tpu.memref_slice %arg4[%multiple_of3A_11] : memref<16384xi32, #tpu.memory_space<hbm>> -> memref<128xi32, #tpu.memory_space<hbm>>
      tpu.wait_dma2 semaphore(%run_scoped3A_179 : memref<!tpu.dma_semaphore, #tpu.memory_space<semaphore_mem>>) src(%dma_wait3A_195 : memref<128xi32, #tpu.memory_space<hbm>>) dst(%dma_wait3A_194 : memref<128xi32, #tpu.memory_space<vmem>>)
      tpu.yield
    }) : () -> ()
    %add3A_13 = arith.constant 384 : i32
    %add3A_14 = arith.addi %mul3A_2, %add3A_13 : i32
    %multiple_of3A_15 = tpu.assume_multiple %add3A_14, 128 : i32
    %run_scoped3A_16 = arith.constant 3 : i32
    "tpu.region"() ({
      %run_scoped3A_179 = tpu.sem_alloc : memref<!tpu.dma_semaphore, #tpu.memory_space<semaphore_mem>>
      %dma_start3A_180 = arith.constant 0 : i32
      %dma_start3A_181 = tpu.memref_slice %arg6[%run_scoped3A_16, %dma_start3A_180] : memref<4x128xi32, #tpu.memory_space<vmem>> -> memref<1x128xi32, #tpu.memory_space<vmem>>
      %dma_start3A_182 = tpu.memref_squeeze %dma_start3A_181 : memref<1x128xi32, #tpu.memory_space<vmem>> -> memref<128xi32, #tpu.memory_space<vmem>>
      %dma_start3A_183 = tpu.memref_slice %arg4[%multiple_of3A_15] : memref<16384xi32, #tpu.memory_space<hbm>> -> memref<128xi32, #tpu.memory_space<hbm>>
      %dma_start3A_184 = arith.constant 0 : i32
      %dma_start3A_185 = tpu.memref_slice %arg6[%run_scoped3A_16, %dma_start3A_184] : memref<4x128xi32, #tpu.memory_space<vmem>> -> memref<1x128xi32, #tpu.memory_space<vmem>>
      %dma_start3A_186 = tpu.memref_squeeze %dma_start3A_185 : memref<1x128xi32, #tpu.memory_space<vmem>> -> memref<128xi32, #tpu.memory_space<vmem>>
      %dma_start3A_187 = tpu.memref_slice %arg4[%multiple_of3A_15] : memref<16384xi32, #tpu.memory_space<hbm>> -> memref<128xi32, #tpu.memory_space<hbm>>
      tpu.enqueue_dma source(%dma_start3A_187 : memref<128xi32, #tpu.memory_space<hbm>>) target(%dma_start3A_186 : memref<128xi32, #tpu.memory_space<vmem>>) target_semaphore(%run_scoped3A_179 : memref<!tpu.dma_semaphore, #tpu.memory_space<semaphore_mem>>)
      %dma_wait3A_188 = arith.constant 0 : i32
      %dma_wait3A_189 = tpu.memref_slice %arg6[%run_scoped3A_16, %dma_wait3A_188] : memref<4x128xi32, #tpu.memory_space<vmem>> -> memref<1x128xi32, #tpu.memory_space<vmem>>
      %dma_wait3A_190 = tpu.memref_squeeze %dma_wait3A_189 : memref<1x128xi32, #tpu.memory_space<vmem>> -> memref<128xi32, #tpu.memory_space<vmem>>
      %dma_wait3A_191 = tpu.memref_slice %arg4[%multiple_of3A_15] : memref<16384xi32, #tpu.memory_space<hbm>> -> memref<128xi32, #tpu.memory_space<hbm>>
      %dma_wait3A_192 = arith.constant 0 : i32
      %dma_wait3A_193 = tpu.memref_slice %arg6[%run_scoped3A_16, %dma_wait3A_192] : memref<4x128xi32, #tpu.memory_space<vmem>> -> memref<1x128xi32, #tpu.memory_space<vmem>>
      %dma_wait3A_194 = tpu.memref_squeeze %dma_wait3A_193 : memref<1x128xi32, #tpu.memory_space<vmem>> -> memref<128xi32, #tpu.memory_space<vmem>>
      %dma_wait3A_195 = tpu.memref_slice %arg4[%multiple_of3A_15] : memref<16384xi32, #tpu.memory_space<hbm>> -> memref<128xi32, #tpu.memory_space<hbm>>
      tpu.wait_dma2 semaphore(%run_scoped3A_179 : memref<!tpu.dma_semaphore, #tpu.memory_space<semaphore_mem>>) src(%dma_wait3A_195 : memref<128xi32, #tpu.memory_space<hbm>>) dst(%dma_wait3A_194 : memref<128xi32, #tpu.memory_space<vmem>>)
      tpu.yield
    }) : () -> ()
    %add3A_17 = arith.constant 0 : i32
    %add3A_18 = arith.addi %mul3A_2, %add3A_17 : i32
    %multiple_of3A_19 = tpu.assume_multiple %add3A_18, 128 : i32
    %dma_start3A = arith.constant 0 : i32
    %dma_start3A_20 = tpu.memref_slice %arg2[%multiple_of3A_19, %dma_start3A] : memref<32896x128xf32, #tpu.memory_space<hbm>> -> memref<128x128xf32, #tpu.memory_space<hbm>>
    %dma_start3A_21 = arith.constant 0 : i32
    %dma_start3A_22 = tpu.memref_slice %arg2[%multiple_of3A_19, %dma_start3A_21] : memref<32896x128xf32, #tpu.memory_space<hbm>> -> memref<128x128xf32, #tpu.memory_space<hbm>>
    tpu.enqueue_dma source(%dma_start3A_22 : memref<128x128xf32, #tpu.memory_space<hbm>>) target(%arg7 : memref<128x128xf32, #tpu.memory_space<vmem>>) target_semaphore(%arg14 : memref<!tpu.dma_semaphore, #tpu.memory_space<semaphore_mem>>)
    %add3A_23 = arith.constant 16384 : i32
    %add3A_24 = arith.addi %add3A_23, %multiple_of3A_19 : i32
    %dma_start3A_25 = arith.constant 0 : i32
    %dma_start3A_26 = tpu.memref_slice %arg2[%add3A_24, %dma_start3A_25] : memref<32896x128xf32, #tpu.memory_space<hbm>> -> memref<128x128xf32, #tpu.memory_space<hbm>>
    %dma_start3A_27 = arith.constant 0 : i32
    %dma_start3A_28 = tpu.memref_slice %arg2[%add3A_24, %dma_start3A_27] : memref<32896x128xf32, #tpu.memory_space<hbm>> -> memref<128x128xf32, #tpu.memory_space<hbm>>
    tpu.enqueue_dma source(%dma_start3A_28 : memref<128x128xf32, #tpu.memory_space<hbm>>) target(%arg9 : memref<128x128xf32, #tpu.memory_space<vmem>>) target_semaphore(%arg14 : memref<!tpu.dma_semaphore, #tpu.memory_space<semaphore_mem>>)
    %dma_start3A_29 = arith.constant 0 : i32
    %dma_start3A_30 = arith.constant 0 : i32
    %dma_start3A_31 = tpu.memref_slice %arg6[%dma_start3A_29, %dma_start3A_30] : memref<4x128xi32, #tpu.memory_space<vmem>> -> memref<1x128xi32, #tpu.memory_space<vmem>>
    %dma_start3A_32 = tpu.memref_squeeze %dma_start3A_31 : memref<1x128xi32, #tpu.memory_space<vmem>> -> memref<128xi32, #tpu.memory_space<vmem>>
    %dma_start3A_33 = arith.constant 0 : i32
    %dma_start3A_34 = arith.constant 0 : i32
    %dma_start3A_35 = tpu.memref_slice %arg3[%dma_start3A_33, %dma_start3A_34] : memref<1000x128xf32, #tpu.memory_space<hbm>> -> memref<1000x128xf32, #tpu.memory_space<hbm>>
    tpu.enqueue_indirect_dma source(%dma_start3A_35 : memref<1000x128xf32, #tpu.memory_space<hbm>>) target(%arg11 : memref<128x128xf32, #tpu.memory_space<vmem>>) offsets(%dma_start3A_32 : memref<128xi32, #tpu.memory_space<vmem>>) semaphore(%arg14 : memref<!tpu.dma_semaphore, #tpu.memory_space<semaphore_mem>>)
    %add3A_36 = arith.constant 128 : i32
    %add3A_37 = arith.addi %mul3A_2, %add3A_36 : i32
    %multiple_of3A_38 = tpu.assume_multiple %add3A_37, 128 : i32
    %dma_start3A_39 = arith.constant 0 : i32
    %dma_start3A_40 = tpu.memref_slice %arg2[%multiple_of3A_38, %dma_start3A_39] : memref<32896x128xf32, #tpu.memory_space<hbm>> -> memref<128x128xf32, #tpu.memory_space<hbm>>
    %dma_start3A_41 = arith.constant 0 : i32
    %dma_start3A_42 = tpu.memref_slice %arg2[%multiple_of3A_38, %dma_start3A_41] : memref<32896x128xf32, #tpu.memory_space<hbm>> -> memref<128x128xf32, #tpu.memory_space<hbm>>
    tpu.enqueue_dma source(%dma_start3A_42 : memref<128x128xf32, #tpu.memory_space<hbm>>) target(%arg8 : memref<128x128xf32, #tpu.memory_space<vmem>>) target_semaphore(%arg15 : memref<!tpu.dma_semaphore, #tpu.memory_space<semaphore_mem>>)
    %add3A_43 = arith.constant 16384 : i32
    %add3A_44 = arith.addi %add3A_43, %multiple_of3A_38 : i32
    %dma_start3A_45 = arith.constant 0 : i32
    %dma_start3A_46 = tpu.memref_slice %arg2[%add3A_44, %dma_start3A_45] : memref<32896x128xf32, #tpu.memory_space<hbm>> -> memref<128x128xf32, #tpu.memory_space<hbm>>
    %dma_start3A_47 = arith.constant 0 : i32
    %dma_start3A_48 = tpu.memref_slice %arg2[%add3A_44, %dma_start3A_47] : memref<32896x128xf32, #tpu.memory_space<hbm>> -> memref<128x128xf32, #tpu.memory_space<hbm>>
    tpu.enqueue_dma source(%dma_start3A_48 : memref<128x128xf32, #tpu.memory_space<hbm>>) target(%arg10 : memref<128x128xf32, #tpu.memory_space<vmem>>) target_semaphore(%arg15 : memref<!tpu.dma_semaphore, #tpu.memory_space<semaphore_mem>>)
    %dma_start3A_49 = arith.constant 1 : i32
    %dma_start3A_50 = arith.constant 0 : i32
    %dma_start3A_51 = tpu.memref_slice %arg6[%dma_start3A_49, %dma_start3A_50] : memref<4x128xi32, #tpu.memory_space<vmem>> -> memref<1x128xi32, #tpu.memory_space<vmem>>
    %dma_start3A_52 = tpu.memref_squeeze %dma_start3A_51 : memref<1x128xi32, #tpu.memory_space<vmem>> -> memref<128xi32, #tpu.memory_space<vmem>>
    %dma_start3A_53 = arith.constant 0 : i32
    %dma_start3A_54 = arith.constant 0 : i32
    %dma_start3A_55 = tpu.memref_slice %arg3[%dma_start3A_53, %dma_start3A_54] : memref<1000x128xf32, #tpu.memory_space<hbm>> -> memref<1000x128xf32, #tpu.memory_space<hbm>>
    tpu.enqueue_indirect_dma source(%dma_start3A_55 : memref<1000x128xf32, #tpu.memory_space<hbm>>) target(%arg12 : memref<128x128xf32, #tpu.memory_space<vmem>>) offsets(%dma_start3A_52 : memref<128xi32, #tpu.memory_space<vmem>>) semaphore(%arg15 : memref<!tpu.dma_semaphore, #tpu.memory_space<semaphore_mem>>)
    %dma_wait3A = arith.constant 0 : i32
    %dma_wait3A_56 = tpu.memref_slice %arg2[%multiple_of3A_19, %dma_wait3A] : memref<32896x128xf32, #tpu.memory_space<hbm>> -> memref<128x128xf32, #tpu.memory_space<hbm>>
    %dma_wait3A_57 = arith.constant 0 : i32
    %dma_wait3A_58 = tpu.memref_slice %arg2[%multiple_of3A_19, %dma_wait3A_57] : memref<32896x128xf32, #tpu.memory_space<hbm>> -> memref<128x128xf32, #tpu.memory_space<hbm>>
    tpu.wait_dma2 semaphore(%arg14 : memref<!tpu.dma_semaphore, #tpu.memory_space<semaphore_mem>>) src(%dma_wait3A_58 : memref<128x128xf32, #tpu.memory_space<hbm>>) dst(%arg7 : memref<128x128xf32, #tpu.memory_space<vmem>>)
    %dma_wait3A_59 = arith.constant 0 : i32
    %dma_wait3A_60 = tpu.memref_slice %arg2[%add3A_24, %dma_wait3A_59] : memref<32896x128xf32, #tpu.memory_space<hbm>> -> memref<128x128xf32, #tpu.memory_space<hbm>>
    %dma_wait3A_61 = arith.constant 0 : i32
    %dma_wait3A_62 = tpu.memref_slice %arg2[%add3A_24, %dma_wait3A_61] : memref<32896x128xf32, #tpu.memory_space<hbm>> -> memref<128x128xf32, #tpu.memory_space<hbm>>
    tpu.wait_dma2 semaphore(%arg14 : memref<!tpu.dma_semaphore, #tpu.memory_space<semaphore_mem>>) src(%dma_wait3A_62 : memref<128x128xf32, #tpu.memory_space<hbm>>) dst(%arg9 : memref<128x128xf32, #tpu.memory_space<vmem>>)
    %dma_wait3A_63 = arith.constant 0 : i32
    %dma_wait3A_64 = arith.constant 0 : i32
    %dma_wait3A_65 = tpu.memref_slice %arg6[%dma_wait3A_63, %dma_wait3A_64] : memref<4x128xi32, #tpu.memory_space<vmem>> -> memref<1x128xi32, #tpu.memory_space<vmem>>
    %dma_wait3A_66 = tpu.memref_squeeze %dma_wait3A_65 : memref<1x128xi32, #tpu.memory_space<vmem>> -> memref<128xi32, #tpu.memory_space<vmem>>
    %dma_wait3A_67 = arith.constant 0 : i32
    %dma_wait3A_68 = arith.constant 0 : i32
    %dma_wait3A_69 = tpu.memref_slice %arg3[%dma_wait3A_67, %dma_wait3A_68] : memref<1000x128xf32, #tpu.memory_space<hbm>> -> memref<1000x128xf32, #tpu.memory_space<hbm>>
    tpu.wait_indirect_dma semaphore(%arg14 : memref<!tpu.dma_semaphore, #tpu.memory_space<semaphore_mem>>) src(%dma_wait3A_69 : memref<1000x128xf32, #tpu.memory_space<hbm>>) dst(%arg11 : memref<128x128xf32, #tpu.memory_space<vmem>>)
    %scan3A = arith.constant 0 : i32
    %scan3A_70 = arith.constant 0 : i32
    %scan3A_71 = arith.constant 128 : i32
    %scan3A_72 = arith.addi %scan3A_70, %scan3A_71 : i32
    %scan3A_73 = arith.constant 1 : i32
    scf.for %scan3A_179 = %scan3A_70 to %scan3A_72 step %scan3A_73  : i32 {
      %broadcast_in_dim3A = arith.constant 0.000000e+00 : f32
      %broadcast_in_dim3A_180 = vector.broadcast %broadcast_in_dim3A : f32 to vector<16xf32>
      %multiple_of3A_181 = arith.constant 0 : i32
      %multiple_of3A_182 = tpu.assume_multiple %multiple_of3A_181, 16 : i32
      %multiple_of3A_183 = arith.constant 64 : i32
      %multiple_of3A_184 = tpu.assume_multiple %multiple_of3A_183, 16 : i32
      %get3A = arith.index_cast %scan3A_179 : i32 to index
      %get3A_185 = arith.index_cast %multiple_of3A_182 : i32 to index
      %get3A_186 = tpu.vector_load %arg7[%get3A, %get3A_185] {strides = array<i32>} : memref<128x128xf32, #tpu.memory_space<vmem>>, vector<16xf32>,
      %get3A_187 = arith.index_cast %scan3A_179 : i32 to index
      %get3A_188 = arith.index_cast %multiple_of3A_182 : i32 to index
      %get3A_189 = tpu.vector_load %arg9[%get3A_187, %get3A_188] {strides = array<i32>} : memref<128x128xf32, #tpu.memory_space<vmem>>, vector<16xf32>,
      %get3A_190 = arith.index_cast %scan3A_179 : i32 to index
      %get3A_191 = arith.index_cast %multiple_of3A_182 : i32 to index
      %get3A_192 = tpu.vector_load %arg11[%get3A_190, %get3A_191] {strides = array<i32>} : memref<128x128xf32, #tpu.memory_space<vmem>>, vector<16xf32>,
      %get3A_193 = arith.index_cast %scan3A_179 : i32 to index
      %get3A_194 = arith.index_cast %multiple_of3A_184 : i32 to index
      %get3A_195 = tpu.vector_load %arg11[%get3A_193, %get3A_194] {strides = array<i32>} : memref<128x128xf32, #tpu.memory_space<vmem>>, vector<16xf32>,
      %mul3A_196 = arith.mulf %get3A_186, %get3A_192 : vector<16xf32>
      %add3A_197 = arith.addf %mul3A_196, %get3A_195 : vector<16xf32>
      %sub3A = arith.subf %add3A_197, %get3A_189 : vector<16xf32>
      %mul3A_198 = arith.mulf %sub3A, %sub3A : vector<16xf32>
      %add3A_199 = arith.addf %broadcast_in_dim3A_180, %mul3A_198 : vector<16xf32>
      %multiple_of3A_200 = arith.constant 16 : i32
      %multiple_of3A_201 = tpu.assume_multiple %multiple_of3A_200, 16 : i32
      %multiple_of3A_202 = arith.constant 80 : i32
      %multiple_of3A_203 = tpu.assume_multiple %multiple_of3A_202, 16 : i32
      %get3A_204 = arith.index_cast %scan3A_179 : i32 to index
      %get3A_205 = arith.index_cast %multiple_of3A_201 : i32 to index
      %get3A_206 = tpu.vector_load %arg7[%get3A_204, %get3A_205] {strides = array<i32>} : memref<128x128xf32, #tpu.memory_space<vmem>>, vector<16xf32>,
      %get3A_207 = arith.index_cast %scan3A_179 : i32 to index
      %get3A_208 = arith.index_cast %multiple_of3A_201 : i32 to index
      %get3A_209 = tpu.vector_load %arg9[%get3A_207, %get3A_208] {strides = array<i32>} : memref<128x128xf32, #tpu.memory_space<vmem>>, vector<16xf32>,
      %get3A_210 = arith.index_cast %scan3A_179 : i32 to index
      %get3A_211 = arith.index_cast %multiple_of3A_201 : i32 to index
      %get3A_212 = tpu.vector_load %arg11[%get3A_210, %get3A_211] {strides = array<i32>} : memref<128x128xf32, #tpu.memory_space<vmem>>, vector<16xf32>,
      %get3A_213 = arith.index_cast %scan3A_179 : i32 to index
      %get3A_214 = arith.index_cast %multiple_of3A_203 : i32 to index
      %get3A_215 = tpu.vector_load %arg11[%get3A_213, %get3A_214] {strides = array<i32>} : memref<128x128xf32, #tpu.memory_space<vmem>>, vector<16xf32>,
      %mul3A_216 = arith.mulf %get3A_206, %get3A_212 : vector<16xf32>
      %add3A_217 = arith.addf %mul3A_216, %get3A_215 : vector<16xf32>
      %sub3A_218 = arith.subf %add3A_217, %get3A_209 : vector<16xf32>
      %mul3A_219 = arith.mulf %sub3A_218, %sub3A_218 : vector<16xf32>
      %add3A_220 = arith.addf %add3A_199, %mul3A_219 : vector<16xf32>
      %multiple_of3A_221 = arith.constant 32 : i32
      %multiple_of3A_222 = tpu.assume_multiple %multiple_of3A_221, 16 : i32
      %multiple_of3A_223 = arith.constant 96 : i32
      %multiple_of3A_224 = tpu.assume_multiple %multiple_of3A_223, 16 : i32
      %get3A_225 = arith.index_cast %scan3A_179 : i32 to index
      %get3A_226 = arith.index_cast %multiple_of3A_222 : i32 to index
      %get3A_227 = tpu.vector_load %arg7[%get3A_225, %get3A_226] {strides = array<i32>} : memref<128x128xf32, #tpu.memory_space<vmem>>, vector<16xf32>,
      %get3A_228 = arith.index_cast %scan3A_179 : i32 to index
      %get3A_229 = arith.index_cast %multiple_of3A_222 : i32 to index
      %get3A_230 = tpu.vector_load %arg9[%get3A_228, %get3A_229] {strides = array<i32>} : memref<128x128xf32, #tpu.memory_space<vmem>>, vector<16xf32>,
      %get3A_231 = arith.index_cast %scan3A_179 : i32 to index
      %get3A_232 = arith.index_cast %multiple_of3A_222 : i32 to index
      %get3A_233 = tpu.vector_load %arg11[%get3A_231, %get3A_232] {strides = array<i32>} : memref<128x128xf32, #tpu.memory_space<vmem>>, vector<16xf32>,
      %get3A_234 = arith.index_cast %scan3A_179 : i32 to index
      %get3A_235 = arith.index_cast %multiple_of3A_224 : i32 to index
      %get3A_236 = tpu.vector_load %arg11[%get3A_234, %get3A_235] {strides = array<i32>} : memref<128x128xf32, #tpu.memory_space<vmem>>, vector<16xf32>,
      %mul3A_237 = arith.mulf %get3A_227, %get3A_233 : vector<16xf32>
      %add3A_238 = arith.addf %mul3A_237, %get3A_236 : vector<16xf32>
      %sub3A_239 = arith.subf %add3A_238, %get3A_230 : vector<16xf32>
      %mul3A_240 = arith.mulf %sub3A_239, %sub3A_239 : vector<16xf32>
      %add3A_241 = arith.addf %add3A_220, %mul3A_240 : vector<16xf32>
      %multiple_of3A_242 = arith.constant 48 : i32
      %multiple_of3A_243 = tpu.assume_multiple %multiple_of3A_242, 16 : i32
      %multiple_of3A_244 = arith.constant 112 : i32
      %multiple_of3A_245 = tpu.assume_multiple %multiple_of3A_244, 16 : i32
      %get3A_246 = arith.index_cast %scan3A_179 : i32 to index
      %get3A_247 = arith.index_cast %multiple_of3A_243 : i32 to index
      %get3A_248 = tpu.vector_load %arg7[%get3A_246, %get3A_247] {strides = array<i32>} : memref<128x128xf32, #tpu.memory_space<vmem>>, vector<16xf32>,
      %get3A_249 = arith.index_cast %scan3A_179 : i32 to index
      %get3A_250 = arith.index_cast %multiple_of3A_243 : i32 to index
      %get3A_251 = tpu.vector_load %arg9[%get3A_249, %get3A_250] {strides = array<i32>} : memref<128x128xf32, #tpu.memory_space<vmem>>, vector<16xf32>,
      %get3A_252 = arith.index_cast %scan3A_179 : i32 to index
      %get3A_253 = arith.index_cast %multiple_of3A_243 : i32 to index
      %get3A_254 = tpu.vector_load %arg11[%get3A_252, %get3A_253] {strides = array<i32>} : memref<128x128xf32, #tpu.memory_space<vmem>>, vector<16xf32>,
      %get3A_255 = arith.index_cast %scan3A_179 : i32 to index
      %get3A_256 = arith.index_cast %multiple_of3A_245 : i32 to index
      %get3A_257 = tpu.vector_load %arg11[%get3A_255, %get3A_256] {strides = array<i32>} : memref<128x128xf32, #tpu.memory_space<vmem>>, vector<16xf32>,
      %mul3A_258 = arith.mulf %get3A_248, %get3A_254 : vector<16xf32>
      %add3A_259 = arith.addf %mul3A_258, %get3A_257 : vector<16xf32>
      %sub3A_260 = arith.subf %add3A_259, %get3A_251 : vector<16xf32>
      %mul3A_261 = arith.mulf %sub3A_260, %sub3A_260 : vector<16xf32>
      %add3A_262 = arith.addf %add3A_241, %mul3A_261 : vector<16xf32>
      %xor3A = arith.constant 1 : i32
      %xor3A_263 = vector.broadcast %xor3A : i32 to vector<16xi32>
      %xor3A_264 = arith.xori %iota3A, %xor3A_263 : vector<16xi32>
      %lt3A = arith.constant 0 : i32
      %lt3A_265 = vector.broadcast %lt3A : i32 to vector<16xi32>
      %lt3A_266 = arith.cmpi slt, %xor3A_264, %lt3A_265 : vector<16xi32>
      %add3A_267 = arith.constant 16 : i32
      %add3A_268 = vector.broadcast %add3A_267 : i32 to vector<16xi32>
      %add3A_269 = arith.addi %xor3A_264, %add3A_268 : vector<16xi32>
      %select_n3A = arith.select %lt3A_266, %add3A_269, %xor3A_264 : vector<16xi1>, vector<16xi32>
      %broadcast_in_dim3A_270 = vector.shape_cast %select_n3A : vector<16xi32> to vector<16x1xi32>
      %gather3A = vector.shape_cast %broadcast_in_dim3A_270 : vector<16x1xi32> to vector<16xi32>
      %gather3A_271 = tpu.dynamic_gather %add3A_262[%gather3A] in [0] : vector<16xf32>, vector<16xi32> -> vector<16xf32>
      %add3A_272 = arith.addf %add3A_262, %gather3A_271 : vector<16xf32>
      %xor3A_273 = arith.constant 2 : i32
      %xor3A_274 = vector.broadcast %xor3A_273 : i32 to vector<16xi32>
      %xor3A_275 = arith.xori %iota3A, %xor3A_274 : vector<16xi32>
      %lt3A_276 = arith.constant 0 : i32
      %lt3A_277 = vector.broadcast %lt3A_276 : i32 to vector<16xi32>
      %lt3A_278 = arith.cmpi slt, %xor3A_275, %lt3A_277 : vector<16xi32>
      %add3A_279 = arith.constant 16 : i32
      %add3A_280 = vector.broadcast %add3A_279 : i32 to vector<16xi32>
      %add3A_281 = arith.addi %xor3A_275, %add3A_280 : vector<16xi32>
      %select_n3A_282 = arith.select %lt3A_278, %add3A_281, %xor3A_275 : vector<16xi1>, vector<16xi32>
      %broadcast_in_dim3A_283 = vector.shape_cast %select_n3A_282 : vector<16xi32> to vector<16x1xi32>
      %gather3A_284 = vector.shape_cast %broadcast_in_dim3A_283 : vector<16x1xi32> to vector<16xi32>
      %gather3A_285 = tpu.dynamic_gather %add3A_272[%gather3A_284] in [0] : vector<16xf32>, vector<16xi32> -> vector<16xf32>
      %add3A_286 = arith.addf %add3A_272, %gather3A_285 : vector<16xf32>
      %xor3A_287 = arith.constant 4 : i32
      %xor3A_288 = vector.broadcast %xor3A_287 : i32 to vector<16xi32>
      %xor3A_289 = arith.xori %iota3A, %xor3A_288 : vector<16xi32>
      %lt3A_290 = arith.constant 0 : i32
      %lt3A_291 = vector.broadcast %lt3A_290 : i32 to vector<16xi32>
      %lt3A_292 = arith.cmpi slt, %xor3A_289, %lt3A_291 : vector<16xi32>
      %add3A_293 = arith.constant 16 : i32
      %add3A_294 = vector.broadcast %add3A_293 : i32 to vector<16xi32>
      %add3A_295 = arith.addi %xor3A_289, %add3A_294 : vector<16xi32>
      %select_n3A_296 = arith.select %lt3A_292, %add3A_295, %xor3A_289 : vector<16xi1>, vector<16xi32>
      %broadcast_in_dim3A_297 = vector.shape_cast %select_n3A_296 : vector<16xi32> to vector<16x1xi32>
      %gather3A_298 = vector.shape_cast %broadcast_in_dim3A_297 : vector<16x1xi32> to vector<16xi32>
      %gather3A_299 = tpu.dynamic_gather %add3A_286[%gather3A_298] in [0] : vector<16xf32>, vector<16xi32> -> vector<16xf32>
      %add3A_300 = arith.addf %add3A_286, %gather3A_299 : vector<16xf32>
      %xor3A_301 = arith.constant 8 : i32
      %xor3A_302 = vector.broadcast %xor3A_301 : i32 to vector<16xi32>
      %xor3A_303 = arith.xori %iota3A, %xor3A_302 : vector<16xi32>
      %lt3A_304 = arith.constant 0 : i32
      %lt3A_305 = vector.broadcast %lt3A_304 : i32 to vector<16xi32>
      %lt3A_306 = arith.cmpi slt, %xor3A_303, %lt3A_305 : vector<16xi32>
      %add3A_307 = arith.constant 16 : i32
      %add3A_308 = vector.broadcast %add3A_307 : i32 to vector<16xi32>
      %add3A_309 = arith.addi %xor3A_303, %add3A_308 : vector<16xi32>
      %select_n3A_310 = arith.select %lt3A_306, %add3A_309, %xor3A_303 : vector<16xi1>, vector<16xi32>
      %broadcast_in_dim3A_311 = vector.shape_cast %select_n3A_310 : vector<16xi32> to vector<16x1xi32>
      %gather3A_312 = vector.shape_cast %broadcast_in_dim3A_311 : vector<16x1xi32> to vector<16xi32>
      %gather3A_313 = tpu.dynamic_gather %add3A_300[%gather3A_312] in [0] : vector<16xf32>, vector<16xi32> -> vector<16xf32>
      %add3A_314 = arith.addf %add3A_300, %gather3A_313 : vector<16xf32>
      %and3A = arith.constant 15 : i32
      %and3A_315 = arith.andi %scan3A_179, %and3A : i32
      %eq3A = vector.broadcast %and3A_315 : i32 to vector<16xi32>
      %eq3A_316 = arith.cmpi eq, %iota3A, %eq3A : vector<16xi32>
      %broadcast_in_dim3A_317 = arith.constant 0 : i32
      %broadcast_in_dim3A_318 = vector.broadcast %broadcast_in_dim3A_317 : i32 to vector<16xi32>
      %add3A_319 = vector.broadcast %scan3A_179 : i32 to vector<16xi32>
      %add3A_320 = arith.addi %broadcast_in_dim3A_318, %add3A_319 : vector<16xi32>
      %max3A = arith.constant 1.000000e-35 : f32
      %max3A_321 = vector.broadcast %max3A : f32 to vector<16xf32>
      %max3A_322 = arith.maximumf %add3A_314, %max3A_321 : vector<16xf32>
      %bitcast3A = vector.bitcast %max3A_322 : vector<16xf32> to vector<16xi32>
      %shift_right_logical3A = arith.constant 1 : i32
      %shift_right_logical3A_323 = vector.broadcast %shift_right_logical3A : i32 to vector<16xi32>
      %shift_right_logical3A_324 = arith.shrui %bitcast3A, %shift_right_logical3A_323 : vector<16xi32>
      %sub3A_325 = arith.constant 1597463007 : i32
      %sub3A_326 = vector.broadcast %sub3A_325 : i32 to vector<16xi32>
      %sub3A_327 = arith.subi %sub3A_326, %shift_right_logical3A_324 : vector<16xi32>
      %bitcast3A_328 = vector.bitcast %sub3A_327 : vector<16xi32> to vector<16xf32>
      %mul3A_329 = arith.constant 5.000000e-01 : f32
      %mul3A_330 = vector.broadcast %mul3A_329 : f32 to vector<16xf32>
      %mul3A_331 = arith.mulf %mul3A_330, %max3A_322 : vector<16xf32>
      %mul3A_332 = arith.mulf %mul3A_331, %bitcast3A_328 : vector<16xf32>
      %mul3A_333 = arith.mulf %mul3A_332, %bitcast3A_328 : vector<16xf32>
      %sub3A_334 = arith.constant 1.500000e+00 : f32
      %sub3A_335 = vector.broadcast %sub3A_334 : f32 to vector<16xf32>
      %sub3A_336 = arith.subf %sub3A_335, %mul3A_333 : vector<16xf32>
      %mul3A_337 = arith.mulf %bitcast3A_328, %sub3A_336 : vector<16xf32>
      %mul3A_338 = arith.mulf %mul3A_331, %mul3A_337 : vector<16xf32>
      %mul3A_339 = arith.mulf %mul3A_338, %mul3A_337 : vector<16xf32>
      %sub3A_340 = arith.constant 1.500000e+00 : f32
      %sub3A_341 = vector.broadcast %sub3A_340 : f32 to vector<16xf32>
      %sub3A_342 = arith.subf %sub3A_341, %mul3A_339 : vector<16xf32>
      %mul3A_343 = arith.mulf %mul3A_337, %sub3A_342 : vector<16xf32>
      %mul3A_344 = arith.mulf %mul3A_331, %mul3A_343 : vector<16xf32>
      %mul3A_345 = arith.mulf %mul3A_344, %mul3A_343 : vector<16xf32>
      %sub3A_346 = arith.constant 1.500000e+00 : f32
      %sub3A_347 = vector.broadcast %sub3A_346 : f32 to vector<16xf32>
      %sub3A_348 = arith.subf %sub3A_347, %mul3A_345 : vector<16xf32>
      %mul3A_349 = arith.mulf %mul3A_343, %sub3A_348 : vector<16xf32>
      %mul3A_350 = arith.mulf %max3A_322, %mul3A_349 : vector<16xf32>
      tpu.vector_store_idx %arg13[%add3A_320], %mul3A_350 masked %eq3A_316 : memref<512xf32, #tpu.memory_space<vmem>>[vector<16xi32>], vector<16xf32>, vector<16xi1>
    }
    %scan3A_74 = arith.constant 128 : i32
    %add3A_75 = arith.constant 256 : i32
    %add3A_76 = arith.addi %mul3A_2, %add3A_75 : i32
    %multiple_of3A_77 = tpu.assume_multiple %add3A_76, 128 : i32
    %dma_start3A_78 = arith.constant 0 : i32
    %dma_start3A_79 = tpu.memref_slice %arg2[%multiple_of3A_77, %dma_start3A_78] : memref<32896x128xf32, #tpu.memory_space<hbm>> -> memref<128x128xf32, #tpu.memory_space<hbm>>
    %dma_start3A_80 = arith.constant 0 : i32
    %dma_start3A_81 = tpu.memref_slice %arg2[%multiple_of3A_77, %dma_start3A_80] : memref<32896x128xf32, #tpu.memory_space<hbm>> -> memref<128x128xf32, #tpu.memory_space<hbm>>
    tpu.enqueue_dma source(%dma_start3A_81 : memref<128x128xf32, #tpu.memory_space<hbm>>) target(%arg7 : memref<128x128xf32, #tpu.memory_space<vmem>>) target_semaphore(%arg14 : memref<!tpu.dma_semaphore, #tpu.memory_space<semaphore_mem>>)
    %add3A_82 = arith.constant 16384 : i32
    %add3A_83 = arith.addi %add3A_82, %multiple_of3A_77 : i32
    %dma_start3A_84 = arith.constant 0 : i32
    %dma_start3A_85 = tpu.memref_slice %arg2[%add3A_83, %dma_start3A_84] : memref<32896x128xf32, #tpu.memory_space<hbm>> -> memref<128x128xf32, #tpu.memory_space<hbm>>
    %dma_start3A_86 = arith.constant 0 : i32
    %dma_start3A_87 = tpu.memref_slice %arg2[%add3A_83, %dma_start3A_86] : memref<32896x128xf32, #tpu.memory_space<hbm>> -> memref<128x128xf32, #tpu.memory_space<hbm>>
    tpu.enqueue_dma source(%dma_start3A_87 : memref<128x128xf32, #tpu.memory_space<hbm>>) target(%arg9 : memref<128x128xf32, #tpu.memory_space<vmem>>) target_semaphore(%arg14 : memref<!tpu.dma_semaphore, #tpu.memory_space<semaphore_mem>>)
    %dma_start3A_88 = arith.constant 2 : i32
    %dma_start3A_89 = arith.constant 0 : i32
    %dma_start3A_90 = tpu.memref_slice %arg6[%dma_start3A_88, %dma_start3A_89] : memref<4x128xi32, #tpu.memory_space<vmem>> -> memref<1x128xi32, #tpu.memory_space<vmem>>
    %dma_start3A_91 = tpu.memref_squeeze %dma_start3A_90 : memref<1x128xi32, #tpu.memory_space<vmem>> -> memref<128xi32, #tpu.memory_space<vmem>>
    %dma_start3A_92 = arith.constant 0 : i32
    %dma_start3A_93 = arith.constant 0 : i32
    %dma_start3A_94 = tpu.memref_slice %arg3[%dma_start3A_92, %dma_start3A_93] : memref<1000x128xf32, #tpu.memory_space<hbm>> -> memref<1000x128xf32, #tpu.memory_space<hbm>>
    tpu.enqueue_indirect_dma source(%dma_start3A_94 : memref<1000x128xf32, #tpu.memory_space<hbm>>) target(%arg11 : memref<128x128xf32, #tpu.memory_space<vmem>>) offsets(%dma_start3A_91 : memref<128xi32, #tpu.memory_space<vmem>>) semaphore(%arg14 : memref<!tpu.dma_semaphore, #tpu.memory_space<semaphore_mem>>)
    %dma_wait3A_95 = arith.constant 0 : i32
    %dma_wait3A_96 = tpu.memref_slice %arg2[%multiple_of3A_38, %dma_wait3A_95] : memref<32896x128xf32, #tpu.memory_space<hbm>> -> memref<128x128xf32, #tpu.memory_space<hbm>>
    %dma_wait3A_97 = arith.constant 0 : i32
    %dma_wait3A_98 = tpu.memref_slice %arg2[%multiple_of3A_38, %dma_wait3A_97] : memref<32896x128xf32, #tpu.memory_space<hbm>> -> memref<128x128xf32, #tpu.memory_space<hbm>>
    tpu.wait_dma2 semaphore(%arg15 : memref<!tpu.dma_semaphore, #tpu.memory_space<semaphore_mem>>) src(%dma_wait3A_98 : memref<128x128xf32, #tpu.memory_space<hbm>>) dst(%arg8 : memref<128x128xf32, #tpu.memory_space<vmem>>)
    %dma_wait3A_99 = arith.constant 0 : i32
    %dma_wait3A_100 = tpu.memref_slice %arg2[%add3A_44, %dma_wait3A_99] : memref<32896x128xf32, #tpu.memory_space<hbm>> -> memref<128x128xf32, #tpu.memory_space<hbm>>
    %dma_wait3A_101 = arith.constant 0 : i32
    %dma_wait3A_102 = tpu.memref_slice %arg2[%add3A_44, %dma_wait3A_101] : memref<32896x128xf32, #tpu.memory_space<hbm>> -> memref<128x128xf32, #tpu.memory_space<hbm>>
    tpu.wait_dma2 semaphore(%arg15 : memref<!tpu.dma_semaphore, #tpu.memory_space<semaphore_mem>>) src(%dma_wait3A_102 : memref<128x128xf32, #tpu.memory_space<hbm>>) dst(%arg10 : memref<128x128xf32, #tpu.memory_space<vmem>>)
    %dma_wait3A_103 = arith.constant 1 : i32
    %dma_wait3A_104 = arith.constant 0 : i32
    %dma_wait3A_105 = tpu.memref_slice %arg6[%dma_wait3A_103, %dma_wait3A_104] : memref<4x128xi32, #tpu.memory_space<vmem>> -> memref<1x128xi32, #tpu.memory_space<vmem>>
    %dma_wait3A_106 = tpu.memref_squeeze %dma_wait3A_105 : memref<1x128xi32, #tpu.memory_space<vmem>> -> memref<128xi32, #tpu.memory_space<vmem>>
    %dma_wait3A_107 = arith.constant 0 : i32
    %dma_wait3A_108 = arith.constant 0 : i32
    %dma_wait3A_109 = tpu.memref_slice %arg3[%dma_wait3A_107, %dma_wait3A_108] : memref<1000x128xf32, #tpu.memory_space<hbm>> -> memref<1000x128xf32, #tpu.memory_space<hbm>>
    tpu.wait_indirect_dma semaphore(%arg15 : memref<!tpu.dma_semaphore, #tpu.memory_space<semaphore_mem>>) src(%dma_wait3A_109 : memref<1000x128xf32, #tpu.memory_space<hbm>>) dst(%arg12 : memref<128x128xf32, #tpu.memory_space<vmem>>)
    %scan3A_110 = arith.constant 0 : i32
    %scan3A_111 = arith.constant 0 : i32
    %scan3A_112 = arith.constant 128 : i32
    %scan3A_113 = arith.addi %scan3A_111, %scan3A_112 : i32
    %scan3A_114 = arith.constant 1 : i32
    scf.for %scan3A_179 = %scan3A_111 to %scan3A_113 step %scan3A_114  : i32 {
      %broadcast_in_dim3A = arith.constant 0.000000e+00 : f32
      %broadcast_in_dim3A_180 = vector.broadcast %broadcast_in_dim3A : f32 to vector<16xf32>
      %multiple_of3A_181 = arith.constant 0 : i32
      %multiple_of3A_182 = tpu.assume_multiple %multiple_of3A_181, 16 : i32
      %multiple_of3A_183 = arith.constant 64 : i32
      %multiple_of3A_184 = tpu.assume_multiple %multiple_of3A_183, 16 : i32
      %get3A = arith.index_cast %scan3A_179 : i32 to index
      %get3A_185 = arith.index_cast %multiple_of3A_182 : i32 to index
      %get3A_186 = tpu.vector_load %arg8[%get3A, %get3A_185] {strides = array<i32>} : memref<128x128xf32, #tpu.memory_space<vmem>>, vector<16xf32>,
      %get3A_187 = arith.index_cast %scan3A_179 : i32 to index
      %get3A_188 = arith.index_cast %multiple_of3A_182 : i32 to index
      %get3A_189 = tpu.vector_load %arg10[%get3A_187, %get3A_188] {strides = array<i32>} : memref<128x128xf32, #tpu.memory_space<vmem>>, vector<16xf32>,
      %get3A_190 = arith.index_cast %scan3A_179 : i32 to index
      %get3A_191 = arith.index_cast %multiple_of3A_182 : i32 to index
      %get3A_192 = tpu.vector_load %arg12[%get3A_190, %get3A_191] {strides = array<i32>} : memref<128x128xf32, #tpu.memory_space<vmem>>, vector<16xf32>,
      %get3A_193 = arith.index_cast %scan3A_179 : i32 to index
      %get3A_194 = arith.index_cast %multiple_of3A_184 : i32 to index
      %get3A_195 = tpu.vector_load %arg12[%get3A_193, %get3A_194] {strides = array<i32>} : memref<128x128xf32, #tpu.memory_space<vmem>>, vector<16xf32>,
      %mul3A_196 = arith.mulf %get3A_186, %get3A_192 : vector<16xf32>
      %add3A_197 = arith.addf %mul3A_196, %get3A_195 : vector<16xf32>
      %sub3A = arith.subf %add3A_197, %get3A_189 : vector<16xf32>
      %mul3A_198 = arith.mulf %sub3A, %sub3A : vector<16xf32>
      %add3A_199 = arith.addf %broadcast_in_dim3A_180, %mul3A_198 : vector<16xf32>
      %multiple_of3A_200 = arith.constant 16 : i32
      %multiple_of3A_201 = tpu.assume_multiple %multiple_of3A_200, 16 : i32
      %multiple_of3A_202 = arith.constant 80 : i32
      %multiple_of3A_203 = tpu.assume_multiple %multiple_of3A_202, 16 : i32
      %get3A_204 = arith.index_cast %scan3A_179 : i32 to index
      %get3A_205 = arith.index_cast %multiple_of3A_201 : i32 to index
      %get3A_206 = tpu.vector_load %arg8[%get3A_204, %get3A_205] {strides = array<i32>} : memref<128x128xf32, #tpu.memory_space<vmem>>, vector<16xf32>,
      %get3A_207 = arith.index_cast %scan3A_179 : i32 to index
      %get3A_208 = arith.index_cast %multiple_of3A_201 : i32 to index
      %get3A_209 = tpu.vector_load %arg10[%get3A_207, %get3A_208] {strides = array<i32>} : memref<128x128xf32, #tpu.memory_space<vmem>>, vector<16xf32>,
      %get3A_210 = arith.index_cast %scan3A_179 : i32 to index
      %get3A_211 = arith.index_cast %multiple_of3A_201 : i32 to index
      %get3A_212 = tpu.vector_load %arg12[%get3A_210, %get3A_211] {strides = array<i32>} : memref<128x128xf32, #tpu.memory_space<vmem>>, vector<16xf32>,
      %get3A_213 = arith.index_cast %scan3A_179 : i32 to index
      %get3A_214 = arith.index_cast %multiple_of3A_203 : i32 to index
      %get3A_215 = tpu.vector_load %arg12[%get3A_213, %get3A_214] {strides = array<i32>} : memref<128x128xf32, #tpu.memory_space<vmem>>, vector<16xf32>,
      %mul3A_216 = arith.mulf %get3A_206, %get3A_212 : vector<16xf32>
      %add3A_217 = arith.addf %mul3A_216, %get3A_215 : vector<16xf32>
      %sub3A_218 = arith.subf %add3A_217, %get3A_209 : vector<16xf32>
      %mul3A_219 = arith.mulf %sub3A_218, %sub3A_218 : vector<16xf32>
      %add3A_220 = arith.addf %add3A_199, %mul3A_219 : vector<16xf32>
      %multiple_of3A_221 = arith.constant 32 : i32
      %multiple_of3A_222 = tpu.assume_multiple %multiple_of3A_221, 16 : i32
      %multiple_of3A_223 = arith.constant 96 : i32
      %multiple_of3A_224 = tpu.assume_multiple %multiple_of3A_223, 16 : i32
      %get3A_225 = arith.index_cast %scan3A_179 : i32 to index
      %get3A_226 = arith.index_cast %multiple_of3A_222 : i32 to index
      %get3A_227 = tpu.vector_load %arg8[%get3A_225, %get3A_226] {strides = array<i32>} : memref<128x128xf32, #tpu.memory_space<vmem>>, vector<16xf32>,
      %get3A_228 = arith.index_cast %scan3A_179 : i32 to index
      %get3A_229 = arith.index_cast %multiple_of3A_222 : i32 to index
      %get3A_230 = tpu.vector_load %arg10[%get3A_228, %get3A_229] {strides = array<i32>} : memref<128x128xf32, #tpu.memory_space<vmem>>, vector<16xf32>,
      %get3A_231 = arith.index_cast %scan3A_179 : i32 to index
      %get3A_232 = arith.index_cast %multiple_of3A_222 : i32 to index
      %get3A_233 = tpu.vector_load %arg12[%get3A_231, %get3A_232] {strides = array<i32>} : memref<128x128xf32, #tpu.memory_space<vmem>>, vector<16xf32>,
      %get3A_234 = arith.index_cast %scan3A_179 : i32 to index
      %get3A_235 = arith.index_cast %multiple_of3A_224 : i32 to index
      %get3A_236 = tpu.vector_load %arg12[%get3A_234, %get3A_235] {strides = array<i32>} : memref<128x128xf32, #tpu.memory_space<vmem>>, vector<16xf32>,
      %mul3A_237 = arith.mulf %get3A_227, %get3A_233 : vector<16xf32>
      %add3A_238 = arith.addf %mul3A_237, %get3A_236 : vector<16xf32>
      %sub3A_239 = arith.subf %add3A_238, %get3A_230 : vector<16xf32>
      %mul3A_240 = arith.mulf %sub3A_239, %sub3A_239 : vector<16xf32>
      %add3A_241 = arith.addf %add3A_220, %mul3A_240 : vector<16xf32>
      %multiple_of3A_242 = arith.constant 48 : i32
      %multiple_of3A_243 = tpu.assume_multiple %multiple_of3A_242, 16 : i32
      %multiple_of3A_244 = arith.constant 112 : i32
      %multiple_of3A_245 = tpu.assume_multiple %multiple_of3A_244, 16 : i32
      %get3A_246 = arith.index_cast %scan3A_179 : i32 to index
      %get3A_247 = arith.index_cast %multiple_of3A_243 : i32 to index
      %get3A_248 = tpu.vector_load %arg8[%get3A_246, %get3A_247] {strides = array<i32>} : memref<128x128xf32, #tpu.memory_space<vmem>>, vector<16xf32>,
      %get3A_249 = arith.index_cast %scan3A_179 : i32 to index
      %get3A_250 = arith.index_cast %multiple_of3A_243 : i32 to index
      %get3A_251 = tpu.vector_load %arg10[%get3A_249, %get3A_250] {strides = array<i32>} : memref<128x128xf32, #tpu.memory_space<vmem>>, vector<16xf32>,
      %get3A_252 = arith.index_cast %scan3A_179 : i32 to index
      %get3A_253 = arith.index_cast %multiple_of3A_243 : i32 to index
      %get3A_254 = tpu.vector_load %arg12[%get3A_252, %get3A_253] {strides = array<i32>} : memref<128x128xf32, #tpu.memory_space<vmem>>, vector<16xf32>,
      %get3A_255 = arith.index_cast %scan3A_179 : i32 to index
      %get3A_256 = arith.index_cast %multiple_of3A_245 : i32 to index
      %get3A_257 = tpu.vector_load %arg12[%get3A_255, %get3A_256] {strides = array<i32>} : memref<128x128xf32, #tpu.memory_space<vmem>>, vector<16xf32>,
      %mul3A_258 = arith.mulf %get3A_248, %get3A_254 : vector<16xf32>
      %add3A_259 = arith.addf %mul3A_258, %get3A_257 : vector<16xf32>
      %sub3A_260 = arith.subf %add3A_259, %get3A_251 : vector<16xf32>
      %mul3A_261 = arith.mulf %sub3A_260, %sub3A_260 : vector<16xf32>
      %add3A_262 = arith.addf %add3A_241, %mul3A_261 : vector<16xf32>
      %xor3A = arith.constant 1 : i32
      %xor3A_263 = vector.broadcast %xor3A : i32 to vector<16xi32>
      %xor3A_264 = arith.xori %iota3A, %xor3A_263 : vector<16xi32>
      %lt3A = arith.constant 0 : i32
      %lt3A_265 = vector.broadcast %lt3A : i32 to vector<16xi32>
      %lt3A_266 = arith.cmpi slt, %xor3A_264, %lt3A_265 : vector<16xi32>
      %add3A_267 = arith.constant 16 : i32
      %add3A_268 = vector.broadcast %add3A_267 : i32 to vector<16xi32>
      %add3A_269 = arith.addi %xor3A_264, %add3A_268 : vector<16xi32>
      %select_n3A = arith.select %lt3A_266, %add3A_269, %xor3A_264 : vector<16xi1>, vector<16xi32>
      %broadcast_in_dim3A_270 = vector.shape_cast %select_n3A : vector<16xi32> to vector<16x1xi32>
      %gather3A = vector.shape_cast %broadcast_in_dim3A_270 : vector<16x1xi32> to vector<16xi32>
      %gather3A_271 = tpu.dynamic_gather %add3A_262[%gather3A] in [0] : vector<16xf32>, vector<16xi32> -> vector<16xf32>
      %add3A_272 = arith.addf %add3A_262, %gather3A_271 : vector<16xf32>
      %xor3A_273 = arith.constant 2 : i32
      %xor3A_274 = vector.broadcast %xor3A_273 : i32 to vector<16xi32>
      %xor3A_275 = arith.xori %iota3A, %xor3A_274 : vector<16xi32>
      %lt3A_276 = arith.constant 0 : i32
      %lt3A_277 = vector.broadcast %lt3A_276 : i32 to vector<16xi32>
      %lt3A_278 = arith.cmpi slt, %xor3A_275, %lt3A_277 : vector<16xi32>
      %add3A_279 = arith.constant 16 : i32
      %add3A_280 = vector.broadcast %add3A_279 : i32 to vector<16xi32>
      %add3A_281 = arith.addi %xor3A_275, %add3A_280 : vector<16xi32>
      %select_n3A_282 = arith.select %lt3A_278, %add3A_281, %xor3A_275 : vector<16xi1>, vector<16xi32>
      %broadcast_in_dim3A_283 = vector.shape_cast %select_n3A_282 : vector<16xi32> to vector<16x1xi32>
      %gather3A_284 = vector.shape_cast %broadcast_in_dim3A_283 : vector<16x1xi32> to vector<16xi32>
      %gather3A_285 = tpu.dynamic_gather %add3A_272[%gather3A_284] in [0] : vector<16xf32>, vector<16xi32> -> vector<16xf32>
      %add3A_286 = arith.addf %add3A_272, %gather3A_285 : vector<16xf32>
      %xor3A_287 = arith.constant 4 : i32
      %xor3A_288 = vector.broadcast %xor3A_287 : i32 to vector<16xi32>
      %xor3A_289 = arith.xori %iota3A, %xor3A_288 : vector<16xi32>
      %lt3A_290 = arith.constant 0 : i32
      %lt3A_291 = vector.broadcast %lt3A_290 : i32 to vector<16xi32>
      %lt3A_292 = arith.cmpi slt, %xor3A_289, %lt3A_291 : vector<16xi32>
      %add3A_293 = arith.constant 16 : i32
      %add3A_294 = vector.broadcast %add3A_293 : i32 to vector<16xi32>
      %add3A_295 = arith.addi %xor3A_289, %add3A_294 : vector<16xi32>
      %select_n3A_296 = arith.select %lt3A_292, %add3A_295, %xor3A_289 : vector<16xi1>, vector<16xi32>
      %broadcast_in_dim3A_297 = vector.shape_cast %select_n3A_296 : vector<16xi32> to vector<16x1xi32>
      %gather3A_298 = vector.shape_cast %broadcast_in_dim3A_297 : vector<16x1xi32> to vector<16xi32>
      %gather3A_299 = tpu.dynamic_gather %add3A_286[%gather3A_298] in [0] : vector<16xf32>, vector<16xi32> -> vector<16xf32>
      %add3A_300 = arith.addf %add3A_286, %gather3A_299 : vector<16xf32>
      %xor3A_301 = arith.constant 8 : i32
      %xor3A_302 = vector.broadcast %xor3A_301 : i32 to vector<16xi32>
      %xor3A_303 = arith.xori %iota3A, %xor3A_302 : vector<16xi32>
      %lt3A_304 = arith.constant 0 : i32
      %lt3A_305 = vector.broadcast %lt3A_304 : i32 to vector<16xi32>
      %lt3A_306 = arith.cmpi slt, %xor3A_303, %lt3A_305 : vector<16xi32>
      %add3A_307 = arith.constant 16 : i32
      %add3A_308 = vector.broadcast %add3A_307 : i32 to vector<16xi32>
      %add3A_309 = arith.addi %xor3A_303, %add3A_308 : vector<16xi32>
      %select_n3A_310 = arith.select %lt3A_306, %add3A_309, %xor3A_303 : vector<16xi1>, vector<16xi32>
      %broadcast_in_dim3A_311 = vector.shape_cast %select_n3A_310 : vector<16xi32> to vector<16x1xi32>
      %gather3A_312 = vector.shape_cast %broadcast_in_dim3A_311 : vector<16x1xi32> to vector<16xi32>
      %gather3A_313 = tpu.dynamic_gather %add3A_300[%gather3A_312] in [0] : vector<16xf32>, vector<16xi32> -> vector<16xf32>
      %add3A_314 = arith.addf %add3A_300, %gather3A_313 : vector<16xf32>
      %and3A = arith.constant 15 : i32
      %and3A_315 = arith.andi %scan3A_179, %and3A : i32
      %eq3A = vector.broadcast %and3A_315 : i32 to vector<16xi32>
      %eq3A_316 = arith.cmpi eq, %iota3A, %eq3A : vector<16xi32>
      %broadcast_in_dim3A_317 = arith.constant 128 : i32
      %broadcast_in_dim3A_318 = vector.broadcast %broadcast_in_dim3A_317 : i32 to vector<16xi32>
      %add3A_319 = vector.broadcast %scan3A_179 : i32 to vector<16xi32>
      %add3A_320 = arith.addi %broadcast_in_dim3A_318, %add3A_319 : vector<16xi32>
      %max3A = arith.constant 1.000000e-35 : f32
      %max3A_321 = vector.broadcast %max3A : f32 to vector<16xf32>
      %max3A_322 = arith.maximumf %add3A_314, %max3A_321 : vector<16xf32>
      %bitcast3A = vector.bitcast %max3A_322 : vector<16xf32> to vector<16xi32>
      %shift_right_logical3A = arith.constant 1 : i32
      %shift_right_logical3A_323 = vector.broadcast %shift_right_logical3A : i32 to vector<16xi32>
      %shift_right_logical3A_324 = arith.shrui %bitcast3A, %shift_right_logical3A_323 : vector<16xi32>
      %sub3A_325 = arith.constant 1597463007 : i32
      %sub3A_326 = vector.broadcast %sub3A_325 : i32 to vector<16xi32>
      %sub3A_327 = arith.subi %sub3A_326, %shift_right_logical3A_324 : vector<16xi32>
      %bitcast3A_328 = vector.bitcast %sub3A_327 : vector<16xi32> to vector<16xf32>
      %mul3A_329 = arith.constant 5.000000e-01 : f32
      %mul3A_330 = vector.broadcast %mul3A_329 : f32 to vector<16xf32>
      %mul3A_331 = arith.mulf %mul3A_330, %max3A_322 : vector<16xf32>
      %mul3A_332 = arith.mulf %mul3A_331, %bitcast3A_328 : vector<16xf32>
      %mul3A_333 = arith.mulf %mul3A_332, %bitcast3A_328 : vector<16xf32>
      %sub3A_334 = arith.constant 1.500000e+00 : f32
      %sub3A_335 = vector.broadcast %sub3A_334 : f32 to vector<16xf32>
      %sub3A_336 = arith.subf %sub3A_335, %mul3A_333 : vector<16xf32>
      %mul3A_337 = arith.mulf %bitcast3A_328, %sub3A_336 : vector<16xf32>
      %mul3A_338 = arith.mulf %mul3A_331, %mul3A_337 : vector<16xf32>
      %mul3A_339 = arith.mulf %mul3A_338, %mul3A_337 : vector<16xf32>
      %sub3A_340 = arith.constant 1.500000e+00 : f32
      %sub3A_341 = vector.broadcast %sub3A_340 : f32 to vector<16xf32>
      %sub3A_342 = arith.subf %sub3A_341, %mul3A_339 : vector<16xf32>
      %mul3A_343 = arith.mulf %mul3A_337, %sub3A_342 : vector<16xf32>
      %mul3A_344 = arith.mulf %mul3A_331, %mul3A_343 : vector<16xf32>
      %mul3A_345 = arith.mulf %mul3A_344, %mul3A_343 : vector<16xf32>
      %sub3A_346 = arith.constant 1.500000e+00 : f32
      %sub3A_347 = vector.broadcast %sub3A_346 : f32 to vector<16xf32>
      %sub3A_348 = arith.subf %sub3A_347, %mul3A_345 : vector<16xf32>
      %mul3A_349 = arith.mulf %mul3A_343, %sub3A_348 : vector<16xf32>
      %mul3A_350 = arith.mulf %max3A_322, %mul3A_349 : vector<16xf32>
      tpu.vector_store_idx %arg13[%add3A_320], %mul3A_350 masked %eq3A_316 : memref<512xf32, #tpu.memory_space<vmem>>[vector<16xi32>], vector<16xf32>, vector<16xi1>
    }
    %scan3A_115 = arith.constant 128 : i32
    %add3A_116 = arith.constant 384 : i32
    %add3A_117 = arith.addi %mul3A_2, %add3A_116 : i32
    %multiple_of3A_118 = tpu.assume_multiple %add3A_117, 128 : i32
    %dma_start3A_119 = arith.constant 0 : i32
    %dma_start3A_120 = tpu.memref_slice %arg2[%multiple_of3A_118, %dma_start3A_119] : memref<32896x128xf32, #tpu.memory_space<hbm>> -> memref<128x128xf32, #tpu.memory_space<hbm>>
    %dma_start3A_121 = arith.constant 0 : i32
    %dma_start3A_122 = tpu.memref_slice %arg2[%multiple_of3A_118, %dma_start3A_121] : memref<32896x128xf32, #tpu.memory_space<hbm>> -> memref<128x128xf32, #tpu.memory_space<hbm>>
    tpu.enqueue_dma source(%dma_start3A_122 : memref<128x128xf32, #tpu.memory_space<hbm>>) target(%arg8 : memref<128x128xf32, #tpu.memory_space<vmem>>) target_semaphore(%arg15 : memref<!tpu.dma_semaphore, #tpu.memory_space<semaphore_mem>>)
    %add3A_123 = arith.constant 16384 : i32
    %add3A_124 = arith.addi %add3A_123, %multiple_of3A_118 : i32
    %dma_start3A_125 = arith.constant 0 : i32
    %dma_start3A_126 = tpu.memref_slice %arg2[%add3A_124, %dma_start3A_125] : memref<32896x128xf32, #tpu.memory_space<hbm>> -> memref<128x128xf32, #tpu.memory_space<hbm>>
    %dma_start3A_127 = arith.constant 0 : i32
    %dma_start3A_128 = tpu.memref_slice %arg2[%add3A_124, %dma_start3A_127] : memref<32896x128xf32, #tpu.memory_space<hbm>> -> memref<128x128xf32, #tpu.memory_space<hbm>>
    tpu.enqueue_dma source(%dma_start3A_128 : memref<128x128xf32, #tpu.memory_space<hbm>>) target(%arg10 : memref<128x128xf32, #tpu.memory_space<vmem>>) target_semaphore(%arg15 : memref<!tpu.dma_semaphore, #tpu.memory_space<semaphore_mem>>)
    %dma_start3A_129 = arith.constant 3 : i32
    %dma_start3A_130 = arith.constant 0 : i32
    %dma_start3A_131 = tpu.memref_slice %arg6[%dma_start3A_129, %dma_start3A_130] : memref<4x128xi32, #tpu.memory_space<vmem>> -> memref<1x128xi32, #tpu.memory_space<vmem>>
    %dma_start3A_132 = tpu.memref_squeeze %dma_start3A_131 : memref<1x128xi32, #tpu.memory_space<vmem>> -> memref<128xi32, #tpu.memory_space<vmem>>
    %dma_start3A_133 = arith.constant 0 : i32
    %dma_start3A_134 = arith.constant 0 : i32
    %dma_start3A_135 = tpu.memref_slice %arg3[%dma_start3A_133, %dma_start3A_134] : memref<1000x128xf32, #tpu.memory_space<hbm>> -> memref<1000x128xf32, #tpu.memory_space<hbm>>
    tpu.enqueue_indirect_dma source(%dma_start3A_135 : memref<1000x128xf32, #tpu.memory_space<hbm>>) target(%arg12 : memref<128x128xf32, #tpu.memory_space<vmem>>) offsets(%dma_start3A_132 : memref<128xi32, #tpu.memory_space<vmem>>) semaphore(%arg15 : memref<!tpu.dma_semaphore, #tpu.memory_space<semaphore_mem>>)
    %dma_wait3A_136 = arith.constant 0 : i32
    %dma_wait3A_137 = tpu.memref_slice %arg2[%multiple_of3A_77, %dma_wait3A_136] : memref<32896x128xf32, #tpu.memory_space<hbm>> -> memref<128x128xf32, #tpu.memory_space<hbm>>
    %dma_wait3A_138 = arith.constant 0 : i32
    %dma_wait3A_139 = tpu.memref_slice %arg2[%multiple_of3A_77, %dma_wait3A_138] : memref<32896x128xf32, #tpu.memory_space<hbm>> -> memref<128x128xf32, #tpu.memory_space<hbm>>
    tpu.wait_dma2 semaphore(%arg14 : memref<!tpu.dma_semaphore, #tpu.memory_space<semaphore_mem>>) src(%dma_wait3A_139 : memref<128x128xf32, #tpu.memory_space<hbm>>) dst(%arg7 : memref<128x128xf32, #tpu.memory_space<vmem>>)
    %dma_wait3A_140 = arith.constant 0 : i32
    %dma_wait3A_141 = tpu.memref_slice %arg2[%add3A_83, %dma_wait3A_140] : memref<32896x128xf32, #tpu.memory_space<hbm>> -> memref<128x128xf32, #tpu.memory_space<hbm>>
    %dma_wait3A_142 = arith.constant 0 : i32
    %dma_wait3A_143 = tpu.memref_slice %arg2[%add3A_83, %dma_wait3A_142] : memref<32896x128xf32, #tpu.memory_space<hbm>> -> memref<128x128xf32, #tpu.memory_space<hbm>>
    tpu.wait_dma2 semaphore(%arg14 : memref<!tpu.dma_semaphore, #tpu.memory_space<semaphore_mem>>) src(%dma_wait3A_143 : memref<128x128xf32, #tpu.memory_space<hbm>>) dst(%arg9 : memref<128x128xf32, #tpu.memory_space<vmem>>)
    %dma_wait3A_144 = arith.constant 2 : i32
    %dma_wait3A_145 = arith.constant 0 : i32
    %dma_wait3A_146 = tpu.memref_slice %arg6[%dma_wait3A_144, %dma_wait3A_145] : memref<4x128xi32, #tpu.memory_space<vmem>> -> memref<1x128xi32, #tpu.memory_space<vmem>>
    %dma_wait3A_147 = tpu.memref_squeeze %dma_wait3A_146 : memref<1x128xi32, #tpu.memory_space<vmem>> -> memref<128xi32, #tpu.memory_space<vmem>>
    %dma_wait3A_148 = arith.constant 0 : i32
    %dma_wait3A_149 = arith.constant 0 : i32
    %dma_wait3A_150 = tpu.memref_slice %arg3[%dma_wait3A_148, %dma_wait3A_149] : memref<1000x128xf32, #tpu.memory_space<hbm>> -> memref<1000x128xf32, #tpu.memory_space<hbm>>
    tpu.wait_indirect_dma semaphore(%arg14 : memref<!tpu.dma_semaphore, #tpu.memory_space<semaphore_mem>>) src(%dma_wait3A_150 : memref<1000x128xf32, #tpu.memory_space<hbm>>) dst(%arg11 : memref<128x128xf32, #tpu.memory_space<vmem>>)
    %scan3A_151 = arith.constant 0 : i32
    %scan3A_152 = arith.constant 0 : i32
    %scan3A_153 = arith.constant 128 : i32
    %scan3A_154 = arith.addi %scan3A_152, %scan3A_153 : i32
    %scan3A_155 = arith.constant 1 : i32
    scf.for %scan3A_179 = %scan3A_152 to %scan3A_154 step %scan3A_155  : i32 {
      %broadcast_in_dim3A = arith.constant 0.000000e+00 : f32
      %broadcast_in_dim3A_180 = vector.broadcast %broadcast_in_dim3A : f32 to vector<16xf32>
      %multiple_of3A_181 = arith.constant 0 : i32
      %multiple_of3A_182 = tpu.assume_multiple %multiple_of3A_181, 16 : i32
      %multiple_of3A_183 = arith.constant 64 : i32
      %multiple_of3A_184 = tpu.assume_multiple %multiple_of3A_183, 16 : i32
      %get3A = arith.index_cast %scan3A_179 : i32 to index
      %get3A_185 = arith.index_cast %multiple_of3A_182 : i32 to index
      %get3A_186 = tpu.vector_load %arg7[%get3A, %get3A_185] {strides = array<i32>} : memref<128x128xf32, #tpu.memory_space<vmem>>, vector<16xf32>,
      %get3A_187 = arith.index_cast %scan3A_179 : i32 to index
      %get3A_188 = arith.index_cast %multiple_of3A_182 : i32 to index
      %get3A_189 = tpu.vector_load %arg9[%get3A_187, %get3A_188] {strides = array<i32>} : memref<128x128xf32, #tpu.memory_space<vmem>>, vector<16xf32>,
      %get3A_190 = arith.index_cast %scan3A_179 : i32 to index
      %get3A_191 = arith.index_cast %multiple_of3A_182 : i32 to index
      %get3A_192 = tpu.vector_load %arg11[%get3A_190, %get3A_191] {strides = array<i32>} : memref<128x128xf32, #tpu.memory_space<vmem>>, vector<16xf32>,
      %get3A_193 = arith.index_cast %scan3A_179 : i32 to index
      %get3A_194 = arith.index_cast %multiple_of3A_184 : i32 to index
      %get3A_195 = tpu.vector_load %arg11[%get3A_193, %get3A_194] {strides = array<i32>} : memref<128x128xf32, #tpu.memory_space<vmem>>, vector<16xf32>,
      %mul3A_196 = arith.mulf %get3A_186, %get3A_192 : vector<16xf32>
      %add3A_197 = arith.addf %mul3A_196, %get3A_195 : vector<16xf32>
      %sub3A = arith.subf %add3A_197, %get3A_189 : vector<16xf32>
      %mul3A_198 = arith.mulf %sub3A, %sub3A : vector<16xf32>
      %add3A_199 = arith.addf %broadcast_in_dim3A_180, %mul3A_198 : vector<16xf32>
      %multiple_of3A_200 = arith.constant 16 : i32
      %multiple_of3A_201 = tpu.assume_multiple %multiple_of3A_200, 16 : i32
      %multiple_of3A_202 = arith.constant 80 : i32
      %multiple_of3A_203 = tpu.assume_multiple %multiple_of3A_202, 16 : i32
      %get3A_204 = arith.index_cast %scan3A_179 : i32 to index
      %get3A_205 = arith.index_cast %multiple_of3A_201 : i32 to index
      %get3A_206 = tpu.vector_load %arg7[%get3A_204, %get3A_205] {strides = array<i32>} : memref<128x128xf32, #tpu.memory_space<vmem>>, vector<16xf32>,
      %get3A_207 = arith.index_cast %scan3A_179 : i32 to index
      %get3A_208 = arith.index_cast %multiple_of3A_201 : i32 to index
      %get3A_209 = tpu.vector_load %arg9[%get3A_207, %get3A_208] {strides = array<i32>} : memref<128x128xf32, #tpu.memory_space<vmem>>, vector<16xf32>,
      %get3A_210 = arith.index_cast %scan3A_179 : i32 to index
      %get3A_211 = arith.index_cast %multiple_of3A_201 : i32 to index
      %get3A_212 = tpu.vector_load %arg11[%get3A_210, %get3A_211] {strides = array<i32>} : memref<128x128xf32, #tpu.memory_space<vmem>>, vector<16xf32>,
      %get3A_213 = arith.index_cast %scan3A_179 : i32 to index
      %get3A_214 = arith.index_cast %multiple_of3A_203 : i32 to index
      %get3A_215 = tpu.vector_load %arg11[%get3A_213, %get3A_214] {strides = array<i32>} : memref<128x128xf32, #tpu.memory_space<vmem>>, vector<16xf32>,
      %mul3A_216 = arith.mulf %get3A_206, %get3A_212 : vector<16xf32>
      %add3A_217 = arith.addf %mul3A_216, %get3A_215 : vector<16xf32>
      %sub3A_218 = arith.subf %add3A_217, %get3A_209 : vector<16xf32>
      %mul3A_219 = arith.mulf %sub3A_218, %sub3A_218 : vector<16xf32>
      %add3A_220 = arith.addf %add3A_199, %mul3A_219 : vector<16xf32>
      %multiple_of3A_221 = arith.constant 32 : i32
      %multiple_of3A_222 = tpu.assume_multiple %multiple_of3A_221, 16 : i32
      %multiple_of3A_223 = arith.constant 96 : i32
      %multiple_of3A_224 = tpu.assume_multiple %multiple_of3A_223, 16 : i32
      %get3A_225 = arith.index_cast %scan3A_179 : i32 to index
      %get3A_226 = arith.index_cast %multiple_of3A_222 : i32 to index
      %get3A_227 = tpu.vector_load %arg7[%get3A_225, %get3A_226] {strides = array<i32>} : memref<128x128xf32, #tpu.memory_space<vmem>>, vector<16xf32>,
      %get3A_228 = arith.index_cast %scan3A_179 : i32 to index
      %get3A_229 = arith.index_cast %multiple_of3A_222 : i32 to index
      %get3A_230 = tpu.vector_load %arg9[%get3A_228, %get3A_229] {strides = array<i32>} : memref<128x128xf32, #tpu.memory_space<vmem>>, vector<16xf32>,
      %get3A_231 = arith.index_cast %scan3A_179 : i32 to index
      %get3A_232 = arith.index_cast %multiple_of3A_222 : i32 to index
      %get3A_233 = tpu.vector_load %arg11[%get3A_231, %get3A_232] {strides = array<i32>} : memref<128x128xf32, #tpu.memory_space<vmem>>, vector<16xf32>,
      %get3A_234 = arith.index_cast %scan3A_179 : i32 to index
      %get3A_235 = arith.index_cast %multiple_of3A_224 : i32 to index
      %get3A_236 = tpu.vector_load %arg11[%get3A_234, %get3A_235] {strides = array<i32>} : memref<128x128xf32, #tpu.memory_space<vmem>>, vector<16xf32>,
      %mul3A_237 = arith.mulf %get3A_227, %get3A_233 : vector<16xf32>
      %add3A_238 = arith.addf %mul3A_237, %get3A_236 : vector<16xf32>
      %sub3A_239 = arith.subf %add3A_238, %get3A_230 : vector<16xf32>
      %mul3A_240 = arith.mulf %sub3A_239, %sub3A_239 : vector<16xf32>
      %add3A_241 = arith.addf %add3A_220, %mul3A_240 : vector<16xf32>
      %multiple_of3A_242 = arith.constant 48 : i32
      %multiple_of3A_243 = tpu.assume_multiple %multiple_of3A_242, 16 : i32
      %multiple_of3A_244 = arith.constant 112 : i32
      %multiple_of3A_245 = tpu.assume_multiple %multiple_of3A_244, 16 : i32
      %get3A_246 = arith.index_cast %scan3A_179 : i32 to index
      %get3A_247 = arith.index_cast %multiple_of3A_243 : i32 to index
      %get3A_248 = tpu.vector_load %arg7[%get3A_246, %get3A_247] {strides = array<i32>} : memref<128x128xf32, #tpu.memory_space<vmem>>, vector<16xf32>,
      %get3A_249 = arith.index_cast %scan3A_179 : i32 to index
      %get3A_250 = arith.index_cast %multiple_of3A_243 : i32 to index
      %get3A_251 = tpu.vector_load %arg9[%get3A_249, %get3A_250] {strides = array<i32>} : memref<128x128xf32, #tpu.memory_space<vmem>>, vector<16xf32>,
      %get3A_252 = arith.index_cast %scan3A_179 : i32 to index
      %get3A_253 = arith.index_cast %multiple_of3A_243 : i32 to index
      %get3A_254 = tpu.vector_load %arg11[%get3A_252, %get3A_253] {strides = array<i32>} : memref<128x128xf32, #tpu.memory_space<vmem>>, vector<16xf32>,
      %get3A_255 = arith.index_cast %scan3A_179 : i32 to index
      %get3A_256 = arith.index_cast %multiple_of3A_245 : i32 to index
      %get3A_257 = tpu.vector_load %arg11[%get3A_255, %get3A_256] {strides = array<i32>} : memref<128x128xf32, #tpu.memory_space<vmem>>, vector<16xf32>,
      %mul3A_258 = arith.mulf %get3A_248, %get3A_254 : vector<16xf32>
      %add3A_259 = arith.addf %mul3A_258, %get3A_257 : vector<16xf32>
      %sub3A_260 = arith.subf %add3A_259, %get3A_251 : vector<16xf32>
      %mul3A_261 = arith.mulf %sub3A_260, %sub3A_260 : vector<16xf32>
      %add3A_262 = arith.addf %add3A_241, %mul3A_261 : vector<16xf32>
      %xor3A = arith.constant 1 : i32
      %xor3A_263 = vector.broadcast %xor3A : i32 to vector<16xi32>
      %xor3A_264 = arith.xori %iota3A, %xor3A_263 : vector<16xi32>
      %lt3A = arith.constant 0 : i32
      %lt3A_265 = vector.broadcast %lt3A : i32 to vector<16xi32>
      %lt3A_266 = arith.cmpi slt, %xor3A_264, %lt3A_265 : vector<16xi32>
      %add3A_267 = arith.constant 16 : i32
      %add3A_268 = vector.broadcast %add3A_267 : i32 to vector<16xi32>
      %add3A_269 = arith.addi %xor3A_264, %add3A_268 : vector<16xi32>
      %select_n3A = arith.select %lt3A_266, %add3A_269, %xor3A_264 : vector<16xi1>, vector<16xi32>
      %broadcast_in_dim3A_270 = vector.shape_cast %select_n3A : vector<16xi32> to vector<16x1xi32>
      %gather3A = vector.shape_cast %broadcast_in_dim3A_270 : vector<16x1xi32> to vector<16xi32>
      %gather3A_271 = tpu.dynamic_gather %add3A_262[%gather3A] in [0] : vector<16xf32>, vector<16xi32> -> vector<16xf32>
      %add3A_272 = arith.addf %add3A_262, %gather3A_271 : vector<16xf32>
      %xor3A_273 = arith.constant 2 : i32
      %xor3A_274 = vector.broadcast %xor3A_273 : i32 to vector<16xi32>
      %xor3A_275 = arith.xori %iota3A, %xor3A_274 : vector<16xi32>
      %lt3A_276 = arith.constant 0 : i32
      %lt3A_277 = vector.broadcast %lt3A_276 : i32 to vector<16xi32>
      %lt3A_278 = arith.cmpi slt, %xor3A_275, %lt3A_277 : vector<16xi32>
      %add3A_279 = arith.constant 16 : i32
      %add3A_280 = vector.broadcast %add3A_279 : i32 to vector<16xi32>
      %add3A_281 = arith.addi %xor3A_275, %add3A_280 : vector<16xi32>
      %select_n3A_282 = arith.select %lt3A_278, %add3A_281, %xor3A_275 : vector<16xi1>, vector<16xi32>
      %broadcast_in_dim3A_283 = vector.shape_cast %select_n3A_282 : vector<16xi32> to vector<16x1xi32>
      %gather3A_284 = vector.shape_cast %broadcast_in_dim3A_283 : vector<16x1xi32> to vector<16xi32>
      %gather3A_285 = tpu.dynamic_gather %add3A_272[%gather3A_284] in [0] : vector<16xf32>, vector<16xi32> -> vector<16xf32>
      %add3A_286 = arith.addf %add3A_272, %gather3A_285 : vector<16xf32>
      %xor3A_287 = arith.constant 4 : i32
      %xor3A_288 = vector.broadcast %xor3A_287 : i32 to vector<16xi32>
      %xor3A_289 = arith.xori %iota3A, %xor3A_288 : vector<16xi32>
      %lt3A_290 = arith.constant 0 : i32
      %lt3A_291 = vector.broadcast %lt3A_290 : i32 to vector<16xi32>
      %lt3A_292 = arith.cmpi slt, %xor3A_289, %lt3A_291 : vector<16xi32>
      %add3A_293 = arith.constant 16 : i32
      %add3A_294 = vector.broadcast %add3A_293 : i32 to vector<16xi32>
      %add3A_295 = arith.addi %xor3A_289, %add3A_294 : vector<16xi32>
      %select_n3A_296 = arith.select %lt3A_292, %add3A_295, %xor3A_289 : vector<16xi1>, vector<16xi32>
      %broadcast_in_dim3A_297 = vector.shape_cast %select_n3A_296 : vector<16xi32> to vector<16x1xi32>
      %gather3A_298 = vector.shape_cast %broadcast_in_dim3A_297 : vector<16x1xi32> to vector<16xi32>
      %gather3A_299 = tpu.dynamic_gather %add3A_286[%gather3A_298] in [0] : vector<16xf32>, vector<16xi32> -> vector<16xf32>
      %add3A_300 = arith.addf %add3A_286, %gather3A_299 : vector<16xf32>
      %xor3A_301 = arith.constant 8 : i32
      %xor3A_302 = vector.broadcast %xor3A_301 : i32 to vector<16xi32>
      %xor3A_303 = arith.xori %iota3A, %xor3A_302 : vector<16xi32>
      %lt3A_304 = arith.constant 0 : i32
      %lt3A_305 = vector.broadcast %lt3A_304 : i32 to vector<16xi32>
      %lt3A_306 = arith.cmpi slt, %xor3A_303, %lt3A_305 : vector<16xi32>
      %add3A_307 = arith.constant 16 : i32
      %add3A_308 = vector.broadcast %add3A_307 : i32 to vector<16xi32>
      %add3A_309 = arith.addi %xor3A_303, %add3A_308 : vector<16xi32>
      %select_n3A_310 = arith.select %lt3A_306, %add3A_309, %xor3A_303 : vector<16xi1>, vector<16xi32>
      %broadcast_in_dim3A_311 = vector.shape_cast %select_n3A_310 : vector<16xi32> to vector<16x1xi32>
      %gather3A_312 = vector.shape_cast %broadcast_in_dim3A_311 : vector<16x1xi32> to vector<16xi32>
      %gather3A_313 = tpu.dynamic_gather %add3A_300[%gather3A_312] in [0] : vector<16xf32>, vector<16xi32> -> vector<16xf32>
      %add3A_314 = arith.addf %add3A_300, %gather3A_313 : vector<16xf32>
      %and3A = arith.constant 15 : i32
      %and3A_315 = arith.andi %scan3A_179, %and3A : i32
      %eq3A = vector.broadcast %and3A_315 : i32 to vector<16xi32>
      %eq3A_316 = arith.cmpi eq, %iota3A, %eq3A : vector<16xi32>
      %broadcast_in_dim3A_317 = arith.constant 256 : i32
      %broadcast_in_dim3A_318 = vector.broadcast %broadcast_in_dim3A_317 : i32 to vector<16xi32>
      %add3A_319 = vector.broadcast %scan3A_179 : i32 to vector<16xi32>
      %add3A_320 = arith.addi %broadcast_in_dim3A_318, %add3A_319 : vector<16xi32>
      %max3A = arith.constant 1.000000e-35 : f32
      %max3A_321 = vector.broadcast %max3A : f32 to vector<16xf32>
      %max3A_322 = arith.maximumf %add3A_314, %max3A_321 : vector<16xf32>
      %bitcast3A = vector.bitcast %max3A_322 : vector<16xf32> to vector<16xi32>
      %shift_right_logical3A = arith.constant 1 : i32
      %shift_right_logical3A_323 = vector.broadcast %shift_right_logical3A : i32 to vector<16xi32>
      %shift_right_logical3A_324 = arith.shrui %bitcast3A, %shift_right_logical3A_323 : vector<16xi32>
      %sub3A_325 = arith.constant 1597463007 : i32
      %sub3A_326 = vector.broadcast %sub3A_325 : i32 to vector<16xi32>
      %sub3A_327 = arith.subi %sub3A_326, %shift_right_logical3A_324 : vector<16xi32>
      %bitcast3A_328 = vector.bitcast %sub3A_327 : vector<16xi32> to vector<16xf32>
      %mul3A_329 = arith.constant 5.000000e-01 : f32
      %mul3A_330 = vector.broadcast %mul3A_329 : f32 to vector<16xf32>
      %mul3A_331 = arith.mulf %mul3A_330, %max3A_322 : vector<16xf32>
      %mul3A_332 = arith.mulf %mul3A_331, %bitcast3A_328 : vector<16xf32>
      %mul3A_333 = arith.mulf %mul3A_332, %bitcast3A_328 : vector<16xf32>
      %sub3A_334 = arith.constant 1.500000e+00 : f32
      %sub3A_335 = vector.broadcast %sub3A_334 : f32 to vector<16xf32>
      %sub3A_336 = arith.subf %sub3A_335, %mul3A_333 : vector<16xf32>
      %mul3A_337 = arith.mulf %bitcast3A_328, %sub3A_336 : vector<16xf32>
      %mul3A_338 = arith.mulf %mul3A_331, %mul3A_337 : vector<16xf32>
      %mul3A_339 = arith.mulf %mul3A_338, %mul3A_337 : vector<16xf32>
      %sub3A_340 = arith.constant 1.500000e+00 : f32
      %sub3A_341 = vector.broadcast %sub3A_340 : f32 to vector<16xf32>
      %sub3A_342 = arith.subf %sub3A_341, %mul3A_339 : vector<16xf32>
      %mul3A_343 = arith.mulf %mul3A_337, %sub3A_342 : vector<16xf32>
      %mul3A_344 = arith.mulf %mul3A_331, %mul3A_343 : vector<16xf32>
      %mul3A_345 = arith.mulf %mul3A_344, %mul3A_343 : vector<16xf32>
      %sub3A_346 = arith.constant 1.500000e+00 : f32
      %sub3A_347 = vector.broadcast %sub3A_346 : f32 to vector<16xf32>
      %sub3A_348 = arith.subf %sub3A_347, %mul3A_345 : vector<16xf32>
      %mul3A_349 = arith.mulf %mul3A_343, %sub3A_348 : vector<16xf32>
      %mul3A_350 = arith.mulf %max3A_322, %mul3A_349 : vector<16xf32>
      tpu.vector_store_idx %arg13[%add3A_320], %mul3A_350 masked %eq3A_316 : memref<512xf32, #tpu.memory_space<vmem>>[vector<16xi32>], vector<16xf32>, vector<16xi1>
    }
    %scan3A_156 = arith.constant 128 : i32
    %dma_wait3A_157 = arith.constant 0 : i32
    %dma_wait3A_158 = tpu.memref_slice %arg2[%multiple_of3A_118, %dma_wait3A_157] : memref<32896x128xf32, #tpu.memory_space<hbm>> -> memref<128x128xf32, #tpu.memory_space<hbm>>
    %dma_wait3A_159 = arith.constant 0 : i32
    %dma_wait3A_160 = tpu.memref_slice %arg2[%multiple_of3A_118, %dma_wait3A_159] : memref<32896x128xf32, #tpu.memory_space<hbm>> -> memref<128x128xf32, #tpu.memory_space<hbm>>
    tpu.wait_dma2 semaphore(%arg15 : memref<!tpu.dma_semaphore, #tpu.memory_space<semaphore_mem>>) src(%dma_wait3A_160 : memref<128x128xf32, #tpu.memory_space<hbm>>) dst(%arg8 : memref<128x128xf32, #tpu.memory_space<vmem>>)
    %dma_wait3A_161 = arith.constant 0 : i32
    %dma_wait3A_162 = tpu.memref_slice %arg2[%add3A_124, %dma_wait3A_161] : memref<32896x128xf32, #tpu.memory_space<hbm>> -> memref<128x128xf32, #tpu.memory_space<hbm>>
    %dma_wait3A_163 = arith.constant 0 : i32
    %dma_wait3A_164 = tpu.memref_slice %arg2[%add3A_124, %dma_wait3A_163] : memref<32896x128xf32, #tpu.memory_space<hbm>> -> memref<128x128xf32, #tpu.memory_space<hbm>>
    tpu.wait_dma2 semaphore(%arg15 : memref<!tpu.dma_semaphore, #tpu.memory_space<semaphore_mem>>) src(%dma_wait3A_164 : memref<128x128xf32, #tpu.memory_space<hbm>>) dst(%arg10 : memref<128x128xf32, #tpu.memory_space<vmem>>)
    %dma_wait3A_165 = arith.constant 3 : i32
    %dma_wait3A_166 = arith.constant 0 : i32
    %dma_wait3A_167 = tpu.memref_slice %arg6[%dma_wait3A_165, %dma_wait3A_166] : memref<4x128xi32, #tpu.memory_space<vmem>> -> memref<1x128xi32, #tpu.memory_space<vmem>>
    %dma_wait3A_168 = tpu.memref_squeeze %dma_wait3A_167 : memref<1x128xi32, #tpu.memory_space<vmem>> -> memref<128xi32, #tpu.memory_space<vmem>>
    %dma_wait3A_169 = arith.constant 0 : i32
    %dma_wait3A_170 = arith.constant 0 : i32
    %dma_wait3A_171 = tpu.memref_slice %arg3[%dma_wait3A_169, %dma_wait3A_170] : memref<1000x128xf32, #tpu.memory_space<hbm>> -> memref<1000x128xf32, #tpu.memory_space<hbm>>
    tpu.wait_indirect_dma semaphore(%arg15 : memref<!tpu.dma_semaphore, #tpu.memory_space<semaphore_mem>>) src(%dma_wait3A_171 : memref<1000x128xf32, #tpu.memory_space<hbm>>) dst(%arg12 : memref<128x128xf32, #tpu.memory_space<vmem>>)
    %scan3A_172 = arith.constant 0 : i32
    %scan3A_173 = arith.constant 0 : i32
    %scan3A_174 = arith.constant 128 : i32
    %scan3A_175 = arith.addi %scan3A_173, %scan3A_174 : i32
    %scan3A_176 = arith.constant 1 : i32
    scf.for %scan3A_179 = %scan3A_173 to %scan3A_175 step %scan3A_176  : i32 {
      %broadcast_in_dim3A = arith.constant 0.000000e+00 : f32
      %broadcast_in_dim3A_180 = vector.broadcast %broadcast_in_dim3A : f32 to vector<16xf32>
      %multiple_of3A_181 = arith.constant 0 : i32
      %multiple_of3A_182 = tpu.assume_multiple %multiple_of3A_181, 16 : i32
      %multiple_of3A_183 = arith.constant 64 : i32
      %multiple_of3A_184 = tpu.assume_multiple %multiple_of3A_183, 16 : i32
      %get3A = arith.index_cast %scan3A_179 : i32 to index
      %get3A_185 = arith.index_cast %multiple_of3A_182 : i32 to index
      %get3A_186 = tpu.vector_load %arg8[%get3A, %get3A_185] {strides = array<i32>} : memref<128x128xf32, #tpu.memory_space<vmem>>, vector<16xf32>,
      %get3A_187 = arith.index_cast %scan3A_179 : i32 to index
      %get3A_188 = arith.index_cast %multiple_of3A_182 : i32 to index
      %get3A_189 = tpu.vector_load %arg10[%get3A_187, %get3A_188] {strides = array<i32>} : memref<128x128xf32, #tpu.memory_space<vmem>>, vector<16xf32>,
      %get3A_190 = arith.index_cast %scan3A_179 : i32 to index
      %get3A_191 = arith.index_cast %multiple_of3A_182 : i32 to index
      %get3A_192 = tpu.vector_load %arg12[%get3A_190, %get3A_191] {strides = array<i32>} : memref<128x128xf32, #tpu.memory_space<vmem>>, vector<16xf32>,
      %get3A_193 = arith.index_cast %scan3A_179 : i32 to index
      %get3A_194 = arith.index_cast %multiple_of3A_184 : i32 to index
      %get3A_195 = tpu.vector_load %arg12[%get3A_193, %get3A_194] {strides = array<i32>} : memref<128x128xf32, #tpu.memory_space<vmem>>, vector<16xf32>,
      %mul3A_196 = arith.mulf %get3A_186, %get3A_192 : vector<16xf32>
      %add3A_197 = arith.addf %mul3A_196, %get3A_195 : vector<16xf32>
      %sub3A = arith.subf %add3A_197, %get3A_189 : vector<16xf32>
      %mul3A_198 = arith.mulf %sub3A, %sub3A : vector<16xf32>
      %add3A_199 = arith.addf %broadcast_in_dim3A_180, %mul3A_198 : vector<16xf32>
      %multiple_of3A_200 = arith.constant 16 : i32
      %multiple_of3A_201 = tpu.assume_multiple %multiple_of3A_200, 16 : i32
      %multiple_of3A_202 = arith.constant 80 : i32
      %multiple_of3A_203 = tpu.assume_multiple %multiple_of3A_202, 16 : i32
      %get3A_204 = arith.index_cast %scan3A_179 : i32 to index
      %get3A_205 = arith.index_cast %multiple_of3A_201 : i32 to index
      %get3A_206 = tpu.vector_load %arg8[%get3A_204, %get3A_205] {strides = array<i32>} : memref<128x128xf32, #tpu.memory_space<vmem>>, vector<16xf32>,
      %get3A_207 = arith.index_cast %scan3A_179 : i32 to index
      %get3A_208 = arith.index_cast %multiple_of3A_201 : i32 to index
      %get3A_209 = tpu.vector_load %arg10[%get3A_207, %get3A_208] {strides = array<i32>} : memref<128x128xf32, #tpu.memory_space<vmem>>, vector<16xf32>,
      %get3A_210 = arith.index_cast %scan3A_179 : i32 to index
      %get3A_211 = arith.index_cast %multiple_of3A_201 : i32 to index
      %get3A_212 = tpu.vector_load %arg12[%get3A_210, %get3A_211] {strides = array<i32>} : memref<128x128xf32, #tpu.memory_space<vmem>>, vector<16xf32>,
      %get3A_213 = arith.index_cast %scan3A_179 : i32 to index
      %get3A_214 = arith.index_cast %multiple_of3A_203 : i32 to index
      %get3A_215 = tpu.vector_load %arg12[%get3A_213, %get3A_214] {strides = array<i32>} : memref<128x128xf32, #tpu.memory_space<vmem>>, vector<16xf32>,
      %mul3A_216 = arith.mulf %get3A_206, %get3A_212 : vector<16xf32>
      %add3A_217 = arith.addf %mul3A_216, %get3A_215 : vector<16xf32>
      %sub3A_218 = arith.subf %add3A_217, %get3A_209 : vector<16xf32>
      %mul3A_219 = arith.mulf %sub3A_218, %sub3A_218 : vector<16xf32>
      %add3A_220 = arith.addf %add3A_199, %mul3A_219 : vector<16xf32>
      %multiple_of3A_221 = arith.constant 32 : i32
      %multiple_of3A_222 = tpu.assume_multiple %multiple_of3A_221, 16 : i32
      %multiple_of3A_223 = arith.constant 96 : i32
      %multiple_of3A_224 = tpu.assume_multiple %multiple_of3A_223, 16 : i32
      %get3A_225 = arith.index_cast %scan3A_179 : i32 to index
      %get3A_226 = arith.index_cast %multiple_of3A_222 : i32 to index
      %get3A_227 = tpu.vector_load %arg8[%get3A_225, %get3A_226] {strides = array<i32>} : memref<128x128xf32, #tpu.memory_space<vmem>>, vector<16xf32>,
      %get3A_228 = arith.index_cast %scan3A_179 : i32 to index
      %get3A_229 = arith.index_cast %multiple_of3A_222 : i32 to index
      %get3A_230 = tpu.vector_load %arg10[%get3A_228, %get3A_229] {strides = array<i32>} : memref<128x128xf32, #tpu.memory_space<vmem>>, vector<16xf32>,
      %get3A_231 = arith.index_cast %scan3A_179 : i32 to index
      %get3A_232 = arith.index_cast %multiple_of3A_222 : i32 to index
      %get3A_233 = tpu.vector_load %arg12[%get3A_231, %get3A_232] {strides = array<i32>} : memref<128x128xf32, #tpu.memory_space<vmem>>, vector<16xf32>,
      %get3A_234 = arith.index_cast %scan3A_179 : i32 to index
      %get3A_235 = arith.index_cast %multiple_of3A_224 : i32 to index
      %get3A_236 = tpu.vector_load %arg12[%get3A_234, %get3A_235] {strides = array<i32>} : memref<128x128xf32, #tpu.memory_space<vmem>>, vector<16xf32>,
      %mul3A_237 = arith.mulf %get3A_227, %get3A_233 : vector<16xf32>
      %add3A_238 = arith.addf %mul3A_237, %get3A_236 : vector<16xf32>
      %sub3A_239 = arith.subf %add3A_238, %get3A_230 : vector<16xf32>
      %mul3A_240 = arith.mulf %sub3A_239, %sub3A_239 : vector<16xf32>
      %add3A_241 = arith.addf %add3A_220, %mul3A_240 : vector<16xf32>
      %multiple_of3A_242 = arith.constant 48 : i32
      %multiple_of3A_243 = tpu.assume_multiple %multiple_of3A_242, 16 : i32
      %multiple_of3A_244 = arith.constant 112 : i32
      %multiple_of3A_245 = tpu.assume_multiple %multiple_of3A_244, 16 : i32
      %get3A_246 = arith.index_cast %scan3A_179 : i32 to index
      %get3A_247 = arith.index_cast %multiple_of3A_243 : i32 to index
      %get3A_248 = tpu.vector_load %arg8[%get3A_246, %get3A_247] {strides = array<i32>} : memref<128x128xf32, #tpu.memory_space<vmem>>, vector<16xf32>,
      %get3A_249 = arith.index_cast %scan3A_179 : i32 to index
      %get3A_250 = arith.index_cast %multiple_of3A_243 : i32 to index
      %get3A_251 = tpu.vector_load %arg10[%get3A_249, %get3A_250] {strides = array<i32>} : memref<128x128xf32, #tpu.memory_space<vmem>>, vector<16xf32>,
      %get3A_252 = arith.index_cast %scan3A_179 : i32 to index
      %get3A_253 = arith.index_cast %multiple_of3A_243 : i32 to index
      %get3A_254 = tpu.vector_load %arg12[%get3A_252, %get3A_253] {strides = array<i32>} : memref<128x128xf32, #tpu.memory_space<vmem>>, vector<16xf32>,
      %get3A_255 = arith.index_cast %scan3A_179 : i32 to index
      %get3A_256 = arith.index_cast %multiple_of3A_245 : i32 to index
      %get3A_257 = tpu.vector_load %arg12[%get3A_255, %get3A_256] {strides = array<i32>} : memref<128x128xf32, #tpu.memory_space<vmem>>, vector<16xf32>,
      %mul3A_258 = arith.mulf %get3A_248, %get3A_254 : vector<16xf32>
      %add3A_259 = arith.addf %mul3A_258, %get3A_257 : vector<16xf32>
      %sub3A_260 = arith.subf %add3A_259, %get3A_251 : vector<16xf32>
      %mul3A_261 = arith.mulf %sub3A_260, %sub3A_260 : vector<16xf32>
      %add3A_262 = arith.addf %add3A_241, %mul3A_261 : vector<16xf32>
      %xor3A = arith.constant 1 : i32
      %xor3A_263 = vector.broadcast %xor3A : i32 to vector<16xi32>
      %xor3A_264 = arith.xori %iota3A, %xor3A_263 : vector<16xi32>
      %lt3A = arith.constant 0 : i32
      %lt3A_265 = vector.broadcast %lt3A : i32 to vector<16xi32>
      %lt3A_266 = arith.cmpi slt, %xor3A_264, %lt3A_265 : vector<16xi32>
      %add3A_267 = arith.constant 16 : i32
      %add3A_268 = vector.broadcast %add3A_267 : i32 to vector<16xi32>
      %add3A_269 = arith.addi %xor3A_264, %add3A_268 : vector<16xi32>
      %select_n3A = arith.select %lt3A_266, %add3A_269, %xor3A_264 : vector<16xi1>, vector<16xi32>
      %broadcast_in_dim3A_270 = vector.shape_cast %select_n3A : vector<16xi32> to vector<16x1xi32>
      %gather3A = vector.shape_cast %broadcast_in_dim3A_270 : vector<16x1xi32> to vector<16xi32>
      %gather3A_271 = tpu.dynamic_gather %add3A_262[%gather3A] in [0] : vector<16xf32>, vector<16xi32> -> vector<16xf32>
      %add3A_272 = arith.addf %add3A_262, %gather3A_271 : vector<16xf32>
      %xor3A_273 = arith.constant 2 : i32
      %xor3A_274 = vector.broadcast %xor3A_273 : i32 to vector<16xi32>
      %xor3A_275 = arith.xori %iota3A, %xor3A_274 : vector<16xi32>
      %lt3A_276 = arith.constant 0 : i32
      %lt3A_277 = vector.broadcast %lt3A_276 : i32 to vector<16xi32>
      %lt3A_278 = arith.cmpi slt, %xor3A_275, %lt3A_277 : vector<16xi32>
      %add3A_279 = arith.constant 16 : i32
      %add3A_280 = vector.broadcast %add3A_279 : i32 to vector<16xi32>
      %add3A_281 = arith.addi %xor3A_275, %add3A_280 : vector<16xi32>
      %select_n3A_282 = arith.select %lt3A_278, %add3A_281, %xor3A_275 : vector<16xi1>, vector<16xi32>
      %broadcast_in_dim3A_283 = vector.shape_cast %select_n3A_282 : vector<16xi32> to vector<16x1xi32>
      %gather3A_284 = vector.shape_cast %broadcast_in_dim3A_283 : vector<16x1xi32> to vector<16xi32>
      %gather3A_285 = tpu.dynamic_gather %add3A_272[%gather3A_284] in [0] : vector<16xf32>, vector<16xi32> -> vector<16xf32>
      %add3A_286 = arith.addf %add3A_272, %gather3A_285 : vector<16xf32>
      %xor3A_287 = arith.constant 4 : i32
      %xor3A_288 = vector.broadcast %xor3A_287 : i32 to vector<16xi32>
      %xor3A_289 = arith.xori %iota3A, %xor3A_288 : vector<16xi32>
      %lt3A_290 = arith.constant 0 : i32
      %lt3A_291 = vector.broadcast %lt3A_290 : i32 to vector<16xi32>
      %lt3A_292 = arith.cmpi slt, %xor3A_289, %lt3A_291 : vector<16xi32>
      %add3A_293 = arith.constant 16 : i32
      %add3A_294 = vector.broadcast %add3A_293 : i32 to vector<16xi32>
      %add3A_295 = arith.addi %xor3A_289, %add3A_294 : vector<16xi32>
      %select_n3A_296 = arith.select %lt3A_292, %add3A_295, %xor3A_289 : vector<16xi1>, vector<16xi32>
      %broadcast_in_dim3A_297 = vector.shape_cast %select_n3A_296 : vector<16xi32> to vector<16x1xi32>
      %gather3A_298 = vector.shape_cast %broadcast_in_dim3A_297 : vector<16x1xi32> to vector<16xi32>
      %gather3A_299 = tpu.dynamic_gather %add3A_286[%gather3A_298] in [0] : vector<16xf32>, vector<16xi32> -> vector<16xf32>
      %add3A_300 = arith.addf %add3A_286, %gather3A_299 : vector<16xf32>
      %xor3A_301 = arith.constant 8 : i32
      %xor3A_302 = vector.broadcast %xor3A_301 : i32 to vector<16xi32>
      %xor3A_303 = arith.xori %iota3A, %xor3A_302 : vector<16xi32>
      %lt3A_304 = arith.constant 0 : i32
      %lt3A_305 = vector.broadcast %lt3A_304 : i32 to vector<16xi32>
      %lt3A_306 = arith.cmpi slt, %xor3A_303, %lt3A_305 : vector<16xi32>
      %add3A_307 = arith.constant 16 : i32
      %add3A_308 = vector.broadcast %add3A_307 : i32 to vector<16xi32>
      %add3A_309 = arith.addi %xor3A_303, %add3A_308 : vector<16xi32>
      %select_n3A_310 = arith.select %lt3A_306, %add3A_309, %xor3A_303 : vector<16xi1>, vector<16xi32>
      %broadcast_in_dim3A_311 = vector.shape_cast %select_n3A_310 : vector<16xi32> to vector<16x1xi32>
      %gather3A_312 = vector.shape_cast %broadcast_in_dim3A_311 : vector<16x1xi32> to vector<16xi32>
      %gather3A_313 = tpu.dynamic_gather %add3A_300[%gather3A_312] in [0] : vector<16xf32>, vector<16xi32> -> vector<16xf32>
      %add3A_314 = arith.addf %add3A_300, %gather3A_313 : vector<16xf32>
      %and3A = arith.constant 15 : i32
      %and3A_315 = arith.andi %scan3A_179, %and3A : i32
      %eq3A = vector.broadcast %and3A_315 : i32 to vector<16xi32>
      %eq3A_316 = arith.cmpi eq, %iota3A, %eq3A : vector<16xi32>
      %broadcast_in_dim3A_317 = arith.constant 384 : i32
      %broadcast_in_dim3A_318 = vector.broadcast %broadcast_in_dim3A_317 : i32 to vector<16xi32>
      %add3A_319 = vector.broadcast %scan3A_179 : i32 to vector<16xi32>
      %add3A_320 = arith.addi %broadcast_in_dim3A_318, %add3A_319 : vector<16xi32>
      %max3A = arith.constant 1.000000e-35 : f32
      %max3A_321 = vector.broadcast %max3A : f32 to vector<16xf32>
      %max3A_322 = arith.maximumf %add3A_314, %max3A_321 : vector<16xf32>
      %bitcast3A = vector.bitcast %max3A_322 : vector<16xf32> to vector<16xi32>
      %shift_right_logical3A = arith.constant 1 : i32
      %shift_right_logical3A_323 = vector.broadcast %shift_right_logical3A : i32 to vector<16xi32>
      %shift_right_logical3A_324 = arith.shrui %bitcast3A, %shift_right_logical3A_323 : vector<16xi32>
      %sub3A_325 = arith.constant 1597463007 : i32
      %sub3A_326 = vector.broadcast %sub3A_325 : i32 to vector<16xi32>
      %sub3A_327 = arith.subi %sub3A_326, %shift_right_logical3A_324 : vector<16xi32>
      %bitcast3A_328 = vector.bitcast %sub3A_327 : vector<16xi32> to vector<16xf32>
      %mul3A_329 = arith.constant 5.000000e-01 : f32
      %mul3A_330 = vector.broadcast %mul3A_329 : f32 to vector<16xf32>
      %mul3A_331 = arith.mulf %mul3A_330, %max3A_322 : vector<16xf32>
      %mul3A_332 = arith.mulf %mul3A_331, %bitcast3A_328 : vector<16xf32>
      %mul3A_333 = arith.mulf %mul3A_332, %bitcast3A_328 : vector<16xf32>
      %sub3A_334 = arith.constant 1.500000e+00 : f32
      %sub3A_335 = vector.broadcast %sub3A_334 : f32 to vector<16xf32>
      %sub3A_336 = arith.subf %sub3A_335, %mul3A_333 : vector<16xf32>
      %mul3A_337 = arith.mulf %bitcast3A_328, %sub3A_336 : vector<16xf32>
      %mul3A_338 = arith.mulf %mul3A_331, %mul3A_337 : vector<16xf32>
      %mul3A_339 = arith.mulf %mul3A_338, %mul3A_337 : vector<16xf32>
      %sub3A_340 = arith.constant 1.500000e+00 : f32
      %sub3A_341 = vector.broadcast %sub3A_340 : f32 to vector<16xf32>
      %sub3A_342 = arith.subf %sub3A_341, %mul3A_339 : vector<16xf32>
      %mul3A_343 = arith.mulf %mul3A_337, %sub3A_342 : vector<16xf32>
      %mul3A_344 = arith.mulf %mul3A_331, %mul3A_343 : vector<16xf32>
      %mul3A_345 = arith.mulf %mul3A_344, %mul3A_343 : vector<16xf32>
      %sub3A_346 = arith.constant 1.500000e+00 : f32
      %sub3A_347 = vector.broadcast %sub3A_346 : f32 to vector<16xf32>
      %sub3A_348 = arith.subf %sub3A_347, %mul3A_345 : vector<16xf32>
      %mul3A_349 = arith.mulf %mul3A_343, %sub3A_348 : vector<16xf32>
      %mul3A_350 = arith.mulf %max3A_322, %mul3A_349 : vector<16xf32>
      tpu.vector_store_idx %arg13[%add3A_320], %mul3A_350 masked %eq3A_316 : memref<512xf32, #tpu.memory_space<vmem>>[vector<16xi32>], vector<16xf32>, vector<16xi1>
    }
    %scan3A_177 = arith.constant 128 : i32
    %multiple_of3A_178 = tpu.assume_multiple %mul3A_2, 512 : i32
    "tpu.region"() ({
      %run_scoped3A_179 = tpu.sem_alloc : memref<!tpu.dma_semaphore, #tpu.memory_space<semaphore_mem>>
      %dma_start3A_180 = tpu.memref_slice %arg5[%multiple_of3A_178] : memref<16384xf32, #tpu.memory_space<hbm>> -> memref<512xf32, #tpu.memory_space<hbm>>
      %dma_start3A_181 = tpu.memref_slice %arg5[%multiple_of3A_178] : memref<16384xf32, #tpu.memory_space<hbm>> -> memref<512xf32, #tpu.memory_space<hbm>>
      tpu.enqueue_dma source(%arg13 : memref<512xf32, #tpu.memory_space<vmem>>) target(%dma_start3A_181 : memref<512xf32, #tpu.memory_space<hbm>>) target_semaphore(%run_scoped3A_179 : memref<!tpu.dma_semaphore, #tpu.memory_space<semaphore_mem>>)
      %dma_wait3A_182 = tpu.memref_slice %arg5[%multiple_of3A_178] : memref<16384xf32, #tpu.memory_space<hbm>> -> memref<512xf32, #tpu.memory_space<hbm>>
      %dma_wait3A_183 = tpu.memref_slice %arg5[%multiple_of3A_178] : memref<16384xf32, #tpu.memory_space<hbm>> -> memref<512xf32, #tpu.memory_space<hbm>>
      tpu.wait_dma2 semaphore(%run_scoped3A_179 : memref<!tpu.dma_semaphore, #tpu.memory_space<semaphore_mem>>) src(%arg13 : memref<512xf32, #tpu.memory_space<vmem>>) dst(%dma_wait3A_183 : memref<512xf32, #tpu.memory_space<hbm>>)
      tpu.yield
    }) : () -> ()
    return
  }
}

module attributes {stable_mosaic.version = 14 : i64} {
  func.func @_cs_tc_body(%arg0: memref<1000x64xf32, #tpu.memory_space<vmem>>, %arg1: memref<1000x128xf32, #tpu.memory_space<vmem>>) attributes {dimension_semantics = [], scalar_prefetch = 0 : i64, scratch_operands = 0 : i64, tpu.core_type = #tpu.core_type<tc>} {
    %get3A = arith.constant 0 : index
    %get3A_0 = arith.constant 0 : index
    %get3A_1 = vector.load %arg0[%get3A, %get3A_0] : memref<1000x64xf32, #tpu.memory_space<vmem>>, vector<1000x64xf32>
    %cos3A = math.cos %get3A_1 : vector<1000x64xf32>
    %sin3A = math.sin %get3A_1 : vector<1000x64xf32>
    %add3A = arith.addf %cos3A, %sin3A : vector<1000x64xf32>
    %swap3A = arith.constant 0 : index
    %swap3A_2 = arith.constant 0 : index
    %swap3A_3 = vector.load %arg1[%swap3A, %swap3A_2] : memref<1000x128xf32, #tpu.memory_space<vmem>>, vector<1000x64xf32>
    tpu.vector_store %arg1[%swap3A, %swap3A_2], %add3A {strides = array<i32>} : memref<1000x128xf32, #tpu.memory_space<vmem>>, vector<1000x64xf32>,
    %swap3A_4 = arith.constant 0 : index
    %swap3A_5 = arith.constant 64 : index
    %swap3A_6 = vector.load %arg1[%swap3A_4, %swap3A_5] : memref<1000x128xf32, #tpu.memory_space<vmem>>, vector<1000x64xf32>
    tpu.vector_store %arg1[%swap3A_4, %swap3A_5], %get3A_1 {strides = array<i32>} : memref<1000x128xf32, #tpu.memory_space<vmem>>, vector<1000x64xf32>,
    return
  }
}

</mosaic_0001>

<sc_bundles>
// kernel: kernel.5.cloned.1.call-start
scs
__scs_entry_jumppad:
0x0: {  	(pc) =	sbr.rel $0x88, $3  }
0x1: {  	(tag) =	ssettag $0x0;
	lr =	simm.s32 $0x1  }
0x2: {  	[smem:$0x3F9C] =	sst lr;
	_ =	strace $0xD0000000  }
0x3: {  	_ = 	snop  }
0x4: {  	_ = 	snop  }
0x5: {  	_ = 	snop  }
0x6: {  	_ = 	snop  }
0x7: {  	_ = 	snop  }
__scs_overlays_trampoline_lowered:
0x8: {  	[smem:$0x3FAB] =	sst s0  }
0x9: {  	[smem:$0x3FAC] =	sst s1  }
0xa: {  	[smem:$0x3FAD] =	sst s2  }
0xb: {  	[smem:$0x3FAE] =	sst s3  }
0xc: {  	[smem:$0x3FAF] =	sst s4  }
0xd: {  	[smem:$0x3FB0] =	sst s5  }
0xe: {  	[smem:$0x3FB1] =	sst s6  }
0xf: {  	[smem:$0x3FB2] =	sst s7  }
0x10: {  	[smem:$0x3FB3] =	sst s8  }
0x11: {  	[smem:$0x3FB4] =	sst s9;
	s0 =	simm.s32 @!p0 $0x0  }
0x12: {  	s1 =	sld [smem:$0x3F9A];
	s0 =	simm.s32 @p0 $0x1  }
0x13: {  	[smem:$0x3FB5] =	sst s0;
	s0 =	simm.s32 @!p1 $0x0  }
0x14: {  	s2 =	sld [smem:$0x3F99];
	s0 =	simm.s32 @p1 $0x1  }
0x15: {  	[smem:$0x3FB6] =	sst s0;
	s0 =	simm.s32 @!p2 $0x0  }
0x16: {  	s3 =	sld [smem:$0x3FDB];
	s0 =	simm.s32 @p2 $0x1  }
0x17: {  	s4 =	simm.s32 $0x1BF5;
	[smem:$0x3FB8] =	sst s0  }
0x18: {  	s0 =	sld [smem:$0x3F9B];
	_ =	swait.ge [sflag:s4], $0x0  }
0x19: {  	s7 =	sld [smem:$0x3F9C]  }
0x1a: {  	s8 =	sadd.s32 $0xFFFFE003, lr  }
0x1b: {  	s9 =	sadd.s32 $0xFFFFFEF7, lr;
	s5 =	simm.s32 $0xFFFFFFFF;
	p2 =	slt.u32 s8, $0xFFFFF086  }
0x1c: {  	p1 =	slt.u32 s9, $0xF7A;
	s5 =	simm.s32 @!p2 $0x0  }
0x1d: {  	s5 =	simm.s32 @p1 $0x1;
	p0 =	seq.s32 s7, s2  }
0x1e: {  	s7 =	smul.u32 @!p0 $0xF7A, s2;
	p2 =	seq.s32 @!p0 s5, $0x0  }
0x1f: {  	s9 =	smul.u32 $0xF7A, s1;
	s8 =	simm.s32 @!p0 $0x1BF5;
	p2 =	por !p2, p0  }
0x20: {  	[sflag:s8] =	ssyncset.s32 @!p0 $0xFFFFF086;
	s6 =	sadd.s32 @!p0 s3, s7;
	s7 =	simm.s32 @!p0 $0x108  }
0x21: {  	s3 =	sadd.s32 s3, s9;
	s6 =	sadd.s32 @!p0 $0x88, s6;
	s7 =	simm.s32 @p2 $0x1082  }
0x22: {  	[simem:s7], [sflag:s8] =	dma.local @!p0 [hbm:s6], $0xF7A  }
0x23: {  	s9 =	sor.u32 $0xD0000000, s2;
	s6 =	simm.s32 $0x108;
	_ =	swait.ge @!p0 [sflag:s8], $0x0  }
0x24: {  	s3 =	sadd.s32 $0x88, s3;
	s6 =	simm.s32 @!p1 $0x1082;
	[sflag:s4] =	ssyncset.s32 $0xFFFFF086  }
0x25: {  	[simem:s6], [sflag:s4] =	dma.local [hbm:s3], $0xF7A  }
0x26: {  	[smem:$0x3F9C] =	sst s1;
	(tag) =	ssettag s2;
	_ =	strace s9  }
0x27: {  	s1 =	sld [smem:$0x3FAC]  }
0x28: {  	s2 =	sld [smem:$0x3FAD]  }
0x29: {  	s4 =	sld [smem:$0x3FAF]  }
0x2a: {  	p0 =	seq.s32 s5, $0x0;
	s5 =	sld [smem:$0x3FB0]  }
0x2b: {  	s6 =	sld [smem:$0x3FB1]  }
0x2c: {  	s7 =	sld [smem:$0x3FB2]  }
0x2d: {  	s3 =	simm.s32 $0x108;
	s8 =	sld [smem:$0x3FB3]  }
0x2e: {  	s3 =	simm.s32 @!p0 $0x1082;
	s9 =	sld [smem:$0x3FB4]  }
0x2f: {  	lr =	sadd.s32 s0, s3;
	s0 =	sld [smem:$0x3FAB]  }
0x30: {  	s3 =	sld [smem:$0x3FAE]  }
0x31: {  	[smem:$0x3FB7] =	sst s10  }
0x32: {  	s10 =	sld [smem:$0x3FB5];
	_ =	sdelay $0x3  }
0x33: {  	p0 =	seq.s32 s10, $0x1;
	s10 =	sld [smem:$0x3FB7];
	_ =	sdelay $0x3  }
0x34: {  	[smem:$0x3FB7] =	sst s10  }
0x35: {  	s10 =	sld [smem:$0x3FB6];
	_ =	sdelay $0x3  }
0x36: {  	p1 =	seq.s32 s10, $0x1;
	s10 =	sld [smem:$0x3FB7];
	_ =	sdelay $0x3  }
0x37: {  	[smem:$0x3FB7] =	sst s10  }
0x38: {  	s10 =	sld [smem:$0x3FB8]  }
0x39: {  	_ = 	snop;
	(pc) =	sbr.ind lr, $3  }
0x3a: {  	_ = 	snop  }
0x3b: {  	_ = 	snop  }
0x3c: {  	p2 =	seq.s32 s10, $0x1;
	s10 =	sld [smem:$0x3FB7]  }
0x3d: {  	_ =	shalt  }
0x3e: {  	_ =	shalt  }
0x3f: {  	_ =	shalt  }
0x40: {  	_ =	shalt  }
0x41: {  	_ =	shalt  }
0x42: {  	_ =	shalt  }
0x43: {  	_ =	shalt  }
0x44: {  	_ =	shalt  }
0x45: {  	_ =	shalt  }
0x46: {  	_ =	shalt  }
0x47: {  	_ =	shalt  }
0x48: {  	_ =	shalt  }
0x49: {  	_ =	shalt  }
0x4a: {  	_ =	shalt  }
0x4b: {  	_ =	shalt  }
0x4c: {  	_ =	shalt  }
0x4d: {  	_ =	shalt  }
0x4e: {  	_ =	shalt  }
0x4f: {  	_ =	shalt  }
0x50: {  	_ =	shalt  }
0x51: {  	_ =	shalt  }
0x52: {  	_ =	shalt  }
0x53: {  	_ =	shalt  }
0x54: {  	_ =	shalt  }
0x55: {  	_ =	shalt  }
0x56: {  	_ =	shalt  }
0x57: {  	_ =	shalt  }
0x58: {  	_ =	shalt  }
0x59: {  	_ =	shalt  }
0x5a: {  	_ =	shalt  }
0x5b: {  	_ =	shalt  }
0x5c: {  	_ =	shalt  }
0x5d: {  	_ =	shalt  }
0x5e: {  	_ =	shalt  }
0x5f: {  	_ =	shalt  }
0x60: {  	_ =	shalt  }
0x61: {  	_ =	shalt  }
0x62: {  	_ =	shalt  }
0x63: {  	_ =	shalt  }
0x64: {  	_ =	shalt  }
0x65: {  	_ =	shalt  }
0x66: {  	_ =	shalt  }
0x67: {  	_ =	shalt  }
0x68: {  	_ =	shalt  }
0x69: {  	_ =	shalt  }
0x6a: {  	_ =	shalt  }
0x6b: {  	_ =	shalt  }
0x6c: {  	_ =	shalt  }
0x6d: {  	_ =	shalt  }
0x6e: {  	_ =	shalt  }
0x6f: {  	_ =	shalt  }
0x70: {  	_ =	shalt  }
0x71: {  	_ =	shalt  }
0x72: {  	_ =	shalt  }
0x73: {  	_ =	shalt  }
0x74: {  	_ =	shalt  }
0x75: {  	_ =	shalt  }
0x76: {  	_ =	shalt  }
0x77: {  	_ =	shalt  }
0x78: {  	_ =	shalt  }
0x79: {  	_ =	shalt  }
0x7a: {  	_ =	shalt  }
0x7b: {  	_ =	shalt  }
0x7c: {  	_ =	shalt  }
0x7d: {  	_ =	shalt  }
0x7e: {  	_ =	shalt  }
0x7f: {  	_ =	shalt  }
0x80: {  	_ =	shalt  }
0x81: {  	_ =	shalt  }
0x82: {  	_ =	shalt  }
0x83: {  	_ =	shalt  }
0x84: {  	_ =	shalt  }
0x85: {  	_ =	shalt  }
0x86: {  	_ =	shalt  }
0x87: {  	_ =	shalt  }
.Lfunc_end0:
.L_simem_size_0:
called_computation_lowered:
.L_overlay_start_0:
0x88: {  	s2 =	sld [smem:$0x3FD9]  }
0x89: {  	s3 =	sld [smem:$0x3FFE];
	_ =	sdelay $0x1  }
0x8a: {  	s1 =	srdreg.scid  }
0x8b: {  	s0 =	sand.u32 $0x1, s1  }
0x8c: {  	s17 =	sshll.u32 s0, $0xA;
	s2 =	sadd.s32 s3, s2  }
0x8d: {  	s2 =	sadd.s32 s2, s17  }
0x8e: {  	[smem:$0x3FC3] =	sst s2  }
0x8f: {  	_ = 	snop  }
0x90: {  	s2 =	sld [smem:$0x3FC9];
	(tm) =	ssettm $0x1  }
0x91: {  	s18 =	sld [smem:$0x3FFB];
	_ =	sdelay $0x3  }
0x92: {  	_ =	strace s18  }
0x93: {  	s3 =	sld [smem:$0x3FFC];
	_ =	sdelay $0x3  }
0x94: {  	_ =	strace s3  }
0x95: {  	s3 =	sld [smem:$0x3FFD];
	_ =	sdelay $0x3  }
0x96: {  	_ =	strace s3  }
0x97: {  	_ =	strace $0x8FFFFFFF  }
0x98: {  	s19 =	sld [smem:$0x3FDB];
	_ =	sdelay $0x1  }
0x99: {  	s4 =	simm.s32 $_scs_section_size  }
0x9a: {  	s5 =	simm.s32 $_size__tile_overlayer_lowered;
	s6 =	simm.s32 $_tile_overlayer_lowered  }
0x9b: {  	s22 =	simm.s32 $0x1BFF;
	s21 =	sshll.u32 s6, $0x1;
	s3 =	sadd.s32 s4, s19  }
0x9c: {  	s7 =	simm.s32 $0x0;
	s20 =	sshll.u32 s5, $0x1;
	s5 =	sadd.s32 s21, s3  }
0x9d: {  	[timem:s7], [sflag:s22] =	dma.local [hbm:s5], s20  }
0x9e: {  	_ =	swait.ge [sflag:s22], s20  }
0x9f: {  	s4 =	ssub.s32 $0x0, s20;
	[sflag:s22] =	ssyncset.done $0x0  }
0xa0: {  	[sflag:s22] =	ssyncadd.s32 s4;
	_ =	sdelay $0x1  }
0xa1: {  	s23 =	simm.s32 $0x1B8B  }
0xa2: {  	_ =	swait.ge [sflag:s23], $0x1  }
0xa3: {  	[sflag:s23] =	ssyncset.done $0x0  }
0xa4: {  	s25 =	simm.s32 $0x1B8E;
	s24 =	sld [smem:$0x3FFE];
	[sflag:s23] =	ssyncadd.s32 $0xFFFFFFFF  }
0xa5: {  	s26 =	simm.s32 $execute0_lowered;
	[smem:$0x3FD2] =	sst s25  }
0xa6: {  	s5 =	sshll.u32 s26, $0x1;
	_ =	strace $0x80000046;
	[dreg:$0x1] =	wrdreg $0xFFFFFFFF  }
0xa7: {  	s28 =	simm.s32 $_size_execute0_lowered;
	s3 =	sadd.s32 s3, s5;
	[dreg:$0x0] =	wrdreg $0x0  }
0xa8: {  	s5 =	sshll.u32 s28, $0x1;
	[dreg:$0x2] =	wrdreg s3  }
0xa9: {  	[dreg:$0x3] =	wrdreg s5  }
0xaa: {  	[dreg:$0x4] =	wrdreg $0xC0  }
0xab: {  	_ =	task [dreg:s7], $0x5FFFF  }
0xac: {  	[dreg:$0x1] =	wrdreg $0xFFFFFFFF  }
0xad: {  	[dreg:$0x0] =	wrdreg $0x60  }
0xae: {  	[dreg:$0x2] =	wrdreg s2  }
0xaf: {  	[dreg:$0x3] =	wrdreg s24  }
0xb0: {  	[dreg:$0x4] =	wrdreg $0x9  }
0xb1: {  	_ =	task.clear_ibuf [dreg:s7], $0x5FFFF;
	_ =	strace $0x90000046  }
0xb2: {  	s29 =	simm.s32 $0x9;
	_ =	strace $0x80000048  }
0xb3: {  	_ =	swait.ge [sflag:s29], $0x1  }
0xb4: {  	[sflag:s29] =	ssyncadd.s32 $0xFFFFFFFF  }
0xb5: {  	_ =	strace $0x90000048  }
0xb6: {  	_ =	sfence  }
0xb7: {  	s30 =	sld [smem:$0x0];
	_ =	sdelay $0x2  }
0xb8: {  	s31 =	sshll.u32 s1, $0xD;
	s1 =	sshrl.u32 s1, $0x2  }
0xb9: {  	s3 =	sand.u32 $0x4000, s31;
	s1 =	sadd.s32 s1, s30  }
0xba: {  	s0 =	sor.u32 s3, s0;
	s1 =	sshll.u32 s1, $0x11  }
0xbb: {  	s0 =	sor.u32 s1, s0  }
0xbc: {  	s0 =	sadd.s32 $0x8F2B, s0  }
0xbd: {  	[sflag:s0] =	ssyncadd.remote.s32 $0x1  }
0xbe: {  	_ =	sfence.sel $0xFFFF  }
0xbf: {  	[dreg:$0x0] =	wrdreg $0xFFFFFFFF;
	(pc) =	sbr.abs _section_cstart, $3  }
0xc0: {  	[dreg:$0x1] =	wrdreg $0xFFFFFFFF  }
0xc1: {  	_ =	task.clear_ibuf [dreg:s7], $0x2FFFF;
	_ =	strace $0x9FFFFFFF  }
0xc2: {  	(tm) =	ssettm $0x7FFFFFFF  }
0xc3: {  	_ =	shalt  }
tec
execute0_lowered:
.L_overlay_start_1:
0x0: {  	(tag) =	ssettag $0x1  }
0x1: {  	s1 =	rddreg [dreg:$0x0]  }
0x2: {  	s0 =	rddreg [dreg:$0x1];
	s3 =	simm.s32 $0x0  }
0x3: {  	s2 =	srdreg.scid;
	s5 =	stileid.u32;
	s11 =	simm.s32 $0x1000  }
0x4: {  	s12 =	simm.s32 $0x7A1400;
	s13 =	simm.s32 $0x5000;
	s14 =	simm.s32 $0x4  }
0x5: {  	s15 =	simm.s32 $0x1;
	s16 =	simm.s32 $0x2;
	s19 =	simm.s32 $0x15000  }
0x6: {  	s20 =	simm.s32 $0x3;
	s21 =	simm.s32 $0xD000;
	[smem:$0x7FF] =	sst s3  }
.Ltmp0:
0x7: {  	v1 =	vlaneseq.u32;
	s4 =	sadd.s32 $0xC00, s0;
	s2 =	sand.u32 $0x1, s2;
	(pc) =	sbr.rel .LBB2_1-.Ltmp0, $4  }
0x8: {  	s6 =	sshll.u32 s5, $0x1;
	s5 =	sadd.s32 $0x1C00, s0;
	v2 =	vor.u32 $0x8000, v1;
	s8 =	ssub.s32 $0x2, s2  }
0x9: {  	s7 =	sadd.s32 $0x2C00, s0;
	v3 =	vor.u32 $0x8010, v1;
	v4 =	vor.u32 $0x8020, v1;
	v5 =	vor.u32 $0x8030, v1;
	s6 =	sor.u32 s2, s6;
	s31 =	sshrl.u32 s8, $0x1  }
0xa: {  	v6 =	vor.u32 $0x8040, v1;
	v7 =	vor.u32 $0x8050, v1;
	v8 =	vor.u32 $0x8060, v1;
	_ =	strace $0x80000047;
	s2 =	sshll.u32 s6, $0x9;
	s0 =	ssub.s32 s8, s31  }
0xb: {  	v9 =	vor.u32 $0x8070, v1;
	v10 =	vmul.u32 $0x80, v1;
	s9 =	sor.u32 $0x40, s6;
	v0 =	vmov s6;
	s8 =	sadd.s32 s1, s2;
	s10 =	smax.u32 s0, $0x1  }
.LBB2_26:
0xc: {  	_ =	swait.ge [sflag:s15], $0x8000  }
0xd: {  	[sflag:s15] =	ssyncset.done $0x0  }
0xe: {  	s0 =	simm.s32 $0x80;
	s2 =	simm.s32 $0x19000;
	[sflag:s15] =	ssyncadd.s32 $0xFFFF8000  }
0xf: {  	[hbm4b:s7+s0] =	stream.indirect.scatter [tilespmem:s19], [sflag:$0x3], $0x80, s2, s0, $0xb8;
	[tilespmem:$0x19080] =	vst v63  }
0x10: {  	_ =	swait.ge [sflag:s20], $0x4000  }
0x11: {  	[sflag:s20] =	ssyncset.done $0x0  }
0x12: {  	[sflag:s20] =	ssyncadd.s32 $0xFFFFC000  }
0x13: {  	[tilespmem:$0x19000] =	vst v2  }
0x14: {  	s3 =	sadd.s32 $0x1, s3;
	[tilespmem:$0x19010] =	vst v3  }
0x15: {  	p0 =	sne.s32 s3, s10;
	[tilespmem:$0x19020] =	vst v4  }
.Ltmp1:
0x16: {  	[tilespmem:$0x19030] =	vst v5;
	(pc) =	sbr.rel @!p0 .LBB2_27-.Ltmp1, $4  }
0x17: {  	[tilespmem:$0x19040] =	vst v6  }
0x18: {  	[tilespmem:$0x19050] =	vst v7  }
0x19: {  	[tilespmem:$0x19060] =	vst v8  }
0x1a: {  	[tilespmem:$0x19070] =	vst v9  }
.LBB2_1:
0x1b: {  	[tilespmem:s13], [sflag:$0x1] =	stream.strided.gather [hbm4b:s8+s11], $0x8000, s12, s11, $0x38;
	[tilespmem:$0x19080] =	vst v63  }
0x1c: {  	s23 =	simm.s32 $0x0;
	s22 =	simm.s32 $0x0  }
.LBB2_2:
0x1d: {  	s0 =	sshll.u32 s22, $0x9  }
0x1e: {  	s2 =	simm.s32 $0x0;
	s0 =	sadd.s32 s5, s0  }
0x1f: {  	[tilespmem:s2], [sflag:$0x4] =	stream.linear.gather [hbm4b:s0+s2], $0x1000, $0x38;
	[tilespmem:$0x19080] =	vst v63  }
0x20: {  	_ =	swait.ge [sflag:s14], $0x1000  }
0x21: {  	[sflag:s14] =	ssyncset.done $0x0  }
0x22: {  	[sflag:s14] =	ssyncadd.s32 $0xFFFFF000  }
0x23: {  	v11 =	vld [tilespmem:s2+$0x0];
	_ =	sdelay $0x4  }
0x24: {  	v12 =	vshrl.u32 v11, $0x9  }
0x25: {  	v12 =	vsub.s32 v12, v0  }
0x26: {  	v12 =	vand.u32 $0x1F, v12  }
0x27: {  	vm0 =	veq.s32 v12, $0x0  }
0x28: {  	v12 =	vmpcnt.ones.xlane vm0;
	_ =	sdelay $0x1  }
0x29: {  	(v2sf) =	vpush v12, $0x0  }
0x2a: {  	s24 =	sshll.u32 s22, $0xC;
	p0 =	slt.s32 s23, $0xFF0;
	s17 =	smov.u32 s23  }
0x2b: {  	s31 =	sor.u32 s24, s2;
	s17 =	simm.s32 @!p0 $0xFF0  }
0x2c: {  	[tilespmem:s17+$0x1000] =	vst.msk vm0, v11;
	v11 =	vor.u32 s31, v1  }
0x2d: {  	s0 =	simm.s32 $0x10;
	[tilespmem:s17+$0x2000] =	vst.msk vm0, v11  }
0x2e: {  	s2 =	simm.s32 $0x20;
	s17 =	simm.s32 $0x10;
	v11 =	vld [tilespmem:s0+$0x0]  }
.LBB2_3:
0x2f: {  	p0 =	sne.s32 s2, $0xFF0;
	_ =	sdelay $0x3  }
0x30: {  	v12 =	vshrl.u32 v11, $0x9  }
0x31: {  	v12 =	vsub.s32 v12, v0  }
0x32: {  	v12 =	vand.u32 $0x1F, v12  }
0x33: {  	vm0 =	veq.s32 v12, $0x0  }
0x34: {  	v12 =	vmpcnt.ones.xlane vm0  }
0x35: {  	s25 =	spop (v2sf)  }
0x36: {  	(v2sf) =	vpush v12, $0x0;
	s23 =	sadd.s32 s23, s25  }
.Ltmp2:
0x37: {  	p1 =	slt.s32 s23, $0xFF0;
	s26 =	smov.u32 s23;
	(pc) =	sbr.rel @p0 .LBB2_3-.Ltmp2, $4  }
0x38: {  	s25 =	sor.u32 s24, s0;
	s0 =	smov.u32 s2;
	s26 =	simm.s32 @!p1 $0xFF0  }
0x39: {  	v12 =	vor.u32 s25, v1;
	[tilespmem:s26+$0x1000] =	vst.msk vm0, v11  }
0x3a: {  	s17 =	sadd.s32 $0x10, s17;
	[tilespmem:s26+$0x2000] =	vst.msk vm0, v12  }
0x3b: {  	s2 =	sadd.s32 $0x10, s2;
	v11 =	vld [tilespmem:s17+$0x0]  }
0x3c: {  	_ =	sdelay $0x3  }
0x3d: {  	v12 =	vshrl.u32 v11, $0x9  }
0x3e: {  	v12 =	vsub.s32 v12, v0  }
0x3f: {  	v12 =	vand.u32 $0x1F, v12  }
0x40: {  	vm0 =	veq.s32 v12, $0x0  }
0x41: {  	v12 =	vmpcnt.ones.xlane vm0;
	_ =	sdelay $0x1  }
0x42: {  	(v2sf) =	vpush v12, $0x0;
	_ =	sdelay $0x7  }
0x43: {  	s2 =	spop (v2sf)  }
0x44: {  	s2 =	sadd.s32 s23, s2  }
0x45: {  	s22 =	sadd.s32 $0x1, s22;
	p0 =	slt.s32 s2, $0xFF0;
	s17 =	smov.u32 s2  }
0x46: {  	s17 =	simm.s32 @!p0 $0xFF0;
	p0 =	sne.s32 s22, $0x8  }
.Ltmp3:
0x47: {  	_ = 	snop;
	(pc) =	sbr.rel @p0 .LBB2_2-.Ltmp3, $4  }
0x48: {  	_ = 	snop  }
0x49: {  	s0 =	sor.u32 s24, s0  }
0x4a: {  	v63 =	vor.u32 s0, v1;
	[tilespmem:s17+$0x1000] =	vst.msk vm0, v11;
	s31 =	spop (v2sf)  }
0x4b: {  	[tilespmem:s17+$0x2000] =	vst.msk vm0, v63;
	s23 =	sadd.s32 s2, s31  }
0x4c: {  	[tilespmem:$0x19000] =	vst v2  }
0x4d: {  	[tilespmem:$0x19010] =	vst v3  }
0x4e: {  	[tilespmem:$0x19020] =	vst v4  }
.Ltmp4:
0x4f: {  	p0 =	slt.s32 s23, $0xFF0;
	[tilespmem:$0x19030] =	vst v5;
	(pc) =	sbr.rel .LBB2_6-.Ltmp4, $4  }
0x50: {  	[tilespmem:$0x19040] =	vst v6;
	s23 =	simm.s32 @!p0 $0xFF0  }
0x51: {  	[tilespmem:$0x19050] =	vst v7;
	s0 =	sadd.s32 $0xF, s23  }
0x52: {  	[tilespmem:$0x19060] =	vst v8;
	s22 =	sshrl.u32 s0, $0x4  }
0x53: {  	[tilespmem:$0x19070] =	vst v9;
	s24 =	simm.s32 $0x0;
	v11 =	vmov s23;
	s23 =	simm.s32 $0x0;
	p0 =	seq.s32 s22, $0x0  }
.LBB2_16:
0x54: {  	s23 =	smov.u32 @p1 s23  }
.LBB2_25:
0x55: {  	s24 =	sadd.s32 $0x1, s24  }
0x56: {  	p1 =	sne.s32 s24, $0x1F  }
.Ltmp5:
0x57: {  	_ = 	snop;
	(pc) =	sbr.rel @!p1 .LBB2_26-.Ltmp5, $1  }
0x58: {  	_ =	sdelay $0x3  }
.LBB2_6:
0x59: {  	s26 =	sshll.u32 s24, $0x6  }
0x5a: {  	s0 =	sor.u32 s26, s6  }
0x5b: {  	s25 =	sor.u32 $0x20, s0  }
0x5c: {  	p1 =	sgt.u32 s25, $0x7A1;
	s2 =	smov.u32 s25  }
0x5d: {  	s2 =	simm.s32 @p1 $0x0  }
0x5e: {  	p2 =	sne.s32 s2, $0x7A1  }
0x5f: {  	s2 =	sshll.u32 @p2 s2, $0x9  }
0x60: {  	s17 =	simm.s32 @p2 $0x1000;
	s2 =	sand.u32 @p2 $0x1FFFFE00, s2  }
0x61: {  	s28 =	simm.s32 @p2 $0x7A1400;
	s29 =	simm.s32 @p2 $0xD000;
	s2 =	sadd.s32 @p2 s1, s2  }
0x62: {  	[tilespmem:s29], [sflag:$0x2] =	stream.strided.gather @p2 [hbm4b:s2+s17], $0x8000, s28, s17, $0x38;
	[tilespmem:$0x19080] =	vst v63  }
.Ltmp6:
0x63: {  	s2 =	simm.s32 @!p2 $0x0;
	s17 =	simm.s32 @!p2 $0xD000;
	(pc) =	sbr.rel @p0 .LBB2_15-.Ltmp6, $4  }
0x64: {  	[tilespmem:s17], [sflag:$0x2] =	stream.linear.gather @!p2 [hbm4b:s4+s2], $0x8000, $0x38;
	[tilespmem:$0x19080] =	vst v63  }
0x65: {  	_ =	swait.ge [sflag:s15], $0x8000  }
0x66: {  	[sflag:s15] =	ssyncset.done $0x0  }
0x67: {  	[sflag:s15] =	ssyncadd.s32 $0xFFFF8000  }
0x68: {  	p3 =	sne.s32 s22, $0x1  }
.Ltmp7:
0x69: {  	_ = 	snop;
	(pc) =	sbr.rel @!p3 .LBB2_8-.Ltmp7, $4  }
0x6a: {  	_ = 	snop  }
0x6b: {  	s0 =	sshll.u32 s0, $0x9  }
0x6c: {  	s17 =	simm.s32 $0x1000;
	s28 =	simm.s32 $0x2000;
	s2 =	sadd.s32 $0x200, s0  }
0x6d: {  	s29 =	simm.s32 $0x0;
	p2 =	por $0x0, $0x0;
	v12 =	vmov s0;
	v13 =	vld [tilespmem:s17+$0x0];
	s0 =	sadd.s32 $0xFFFFFFFF, s22;
	v14 =	vmov s2  }
0x6e: {  	_ =	sdelay $0x2  }
0x6f: {  	v15 =	vor.u32 s29, v1  }
0x70: {  	vm0 =	vlt.s32 v15, v11;
	vm1 =	vlt.s32 v13, v14  }
0x71: {  	vm15 =	vge.s32 v13, v12;
	vm0 =	vmand vm0, vm1  }
0x72: {  	vm0 =	vmand vm0, vm15  }
0x73: {  	v15 =	vmpcnt.ones.xlane vm0;
	_ =	sdelay $0x1  }
0x74: {  	v16 =	vld [tilespmem:s28+$0x0];
	(v2sf) =	vpush v15, $0x0  }
0x75: {  	p3 =	sne.s32 s0, $0x1  }
.Ltmp8:
0x76: {  	p2 =	por $0x1, $0x1;
	s2 =	simm.s32 $0x0;
	(pc) =	sbr.rel @!p3 .LBB2_10-.Ltmp8, $4  }
0x77: {  	s2 =	simm.s32 @!p2 $0xFF0  }
0x78: {  	[tilespmem:s2+$0x3000] =	vst.msk vm0, v13  }
0x79: {  	s17 =	sadd.s32 $0xFFFFFFFF, s0;
	s0 =	simm.s32 $0x0;
	[tilespmem:s2+$0x4000] =	vst.msk vm0, v16;
	s2 =	simm.s32 $0x1010  }
0x7a: {  	s30 =	simm.s32 $0x2000;
	s31 =	simm.s32 $0x0;
	p2 =	por $0x1, $0x1;
	v13 =	vld [tilespmem:s2+$0x0]  }
.LBB2_11:
0x7b: {  	p3 =	sne.s32 s17, $0x1;
	_ =	sdelay $0x1  }
0x7c: {  	s0 =	sadd.s32 $0x10, s0  }
0x7d: {  	v15 =	vor.u32 s0, v1  }
0x7e: {  	vm0 =	vlt.s32 v15, v11;
	vm1 =	vlt.s32 v13, v14  }
0x7f: {  	vm2 =	vge.s32 v13, v12;
	vm0 =	vmand vm0, vm1  }
0x80: {  	vm0 =	vmand vm0, vm2  }
0x81: {  	s30 =	sadd.s32 $0x10, s30;
	v15 =	vmpcnt.ones.xlane vm0  }
0x82: {  	v16 =	vld [tilespmem:s30+$0x0];
	s18 =	spop (v2sf)  }
0x83: {  	(v2sf) =	vpush v15, $0x0;
	s31 =	sadd.s32 s31, s18  }
0x84: {  	p4 =	slt.s32 s31, $0xFF0;
	s18 =	smov.u32 s31  }
.Ltmp9:
0x85: {  	s18 =	simm.s32 @!p4 $0xFF0;
	(pc) =	sbr.rel @p3 .LBB2_11-.Ltmp9, $4  }
0x86: {  	[tilespmem:s18+$0x3000] =	vst.msk vm0, v13  }
0x87: {  	[tilespmem:s18+$0x4000] =	vst.msk vm0, v16  }
0x88: {  	s2 =	sadd.s32 $0x10, s2  }
0x89: {  	s17 =	sadd.s32 $0xFFFFFFFF, s17;
	v13 =	vld [tilespmem:s2+$0x0]  }
.LBB2_12:
0x8a: {  	_ = 	snop  }
0x8b: {  	s0 =	sadd.s32 @p2 $0x10, s0;
	s2 =	simm.s32 $0x0  }
0x8c: {  	s2 =	smov.u32 @p2 s0  }
0x8d: {  	v15 =	vor.u32 s2, v1  }
0x8e: {  	vm0 =	vlt.s32 v15, v11;
	vm1 =	vlt.s32 v13, v14  }
0x8f: {  	vm2 =	vge.s32 v13, v12;
	vm0 =	vmand vm0, vm1  }
0x90: {  	vm0 =	vmand vm0, vm2  }
0x91: {  	v14 =	vmpcnt.ones.xlane vm0;
	_ =	sdelay $0x1  }
0x92: {  	(v2sf) =	vpush v14, $0x0;
	_ =	sdelay $0xc  }
0x93: {  	s0 =	spop @p2 (v2sf)  }
0x94: {  	s0 =	sadd.s32 @p2 s31, s0  }
0x95: {  	s2 =	sadd.s32 @p2 $0x10, s30;
	s29 =	smov.u32 @p2 s0;
	s30 =	spop (v2sf)  }
0x96: {  	s0 =	sadd.s32 s29, s30  }
0x97: {  	s28 =	smov.u32 @p2 s2;
	p2 =	slt.s32 s0, $0xFF0  }
0x98: {  	s0 =	simm.s32 @!p2 $0xFF0  }
0x99: {  	s31 =	sadd.s32 $0xF, s0  }
0x9a: {  	v14 =	vld [tilespmem:s28+$0x0];
	p2 =	slt.s32 s29, $0xFF0;
	s28 =	sshrl.u32 s31, $0x4  }
0x9b: {  	s29 =	simm.s32 @!p2 $0xFF0;
	p2 =	seq.s32 s28, $0x0  }
.Ltmp10:
0x9c: {  	_ = 	snop;
	(pc) =	sbr.rel @p2 .LBB2_15-.Ltmp10, $3  }
0x9d: {  	_ =	sdelay $0x1  }
0x9e: {  	[tilespmem:s29+$0x3000] =	vst.msk vm0, v13  }
0x9f: {  	[tilespmem:s29+$0x4000] =	vst.msk vm0, v14  }
0xa0: {  	v13 =	vmov s0;
	s29 =	simm.s32 $0x3000;
	s30 =	simm.s32 $0x4000;
	s31 =	simm.s32 $0x0  }
.LBB2_14:
0xa1: {  	s0 =	sadd.s32 $0x10, s23  }
0xa2: {  	p2 =	slt.s32 s0, $0x81  }
0xa3: {  	s2 =	simm.s32 @!p2 $0x80;
	s17 =	simm.s32 @!p2 $0x19000;
	s18 =	simm.s32 @!p2 $0x15000  }
0xa4: {  	[hbm4b:s7+s2] =	stream.indirect.scatter @!p2 [tilespmem:s18], [sflag:$0x3], $0x80, s17, s2, $0xb8;
	[tilespmem:$0x19080] =	vst v63  }
0xa5: {  	s2 =	simm.s32 @!p2 $0x3  }
0xa6: {  	_ =	swait.ge @!p2 [sflag:s2], $0x4000  }
0xa7: {  	v14 =	vlaneseq.u32 @!p2;
	[sflag:s2] =	ssyncset.done @!p2 $0x0  }
0xa8: {  	v15 =	vor.u32 @!p2 $0x8000, v14;
	[sflag:s2] =	ssyncadd.s32 @!p2 $0xFFFFC000  }
0xa9: {  	[tilespmem:$0x19000] =	vst @!p2 v15;
	v15 =	vor.u32 @!p2 $0x8010, v14  }
0xaa: {  	[tilespmem:$0x19010] =	vst @!p2 v15;
	v15 =	vor.u32 @!p2 $0x8020, v14  }
0xab: {  	[tilespmem:$0x19020] =	vst @!p2 v15;
	v15 =	vor.u32 @!p2 $0x8030, v14  }
0xac: {  	[tilespmem:$0x19030] =	vst @!p2 v15;
	v15 =	vor.u32 @!p2 $0x8040, v14  }
0xad: {  	[tilespmem:$0x19040] =	vst @!p2 v15;
	v15 =	vor.u32 @!p2 $0x8050, v14  }
0xae: {  	[tilespmem:$0x19050] =	vst @!p2 v15;
	v15 =	vor.u32 @!p2 $0x8060, v14  }
0xaf: {  	v14 =	vor.u32 @!p2 $0x8070, v14;
	[tilespmem:$0x19060] =	vst @!p2 v15  }
0xb0: {  	[tilespmem:$0x19070] =	vst @!p2 v14  }
0xb1: {  	v14 =	vld [tilespmem:s29+$0x0];
	_ =	sdelay $0x4  }
0xb2: {  	v14 =	vsub.s32 v14, v12  }
0xb3: {  	vm0 =	vgt.s32 v14, $0x0  }
0xb4: {  	v14 =	vnsel vm0, $0x0, v14  }
0xb5: {  	v16 =	vmin.u32 v14, $0x1FF  }
0xb6: {  	v14 =	vor.u32 s31, v1;
	v15 =	vshll.u32 v16, $0x3  }
0xb7: {  	v17 =	vld [tilespmem:s30+$0x0];
	vm15 =	vlt.s32 v14, v13;
	v14 =	vand.u32 $0x7F, v16;
	v18 =	vand.u32 $0xC00, v15  }
0xb8: {  	v14 =	vor.u32 v14, v18  }
0xb9: {  	p2 =	sgt.s32 s0, $0x80  }
0xba: {  	s23 =	simm.s32 @p2 $0x0  }
0xbb: {  	v15 =	vmov s23  }
0xbc: {  	[tilespmem:s23+$0x19000] =	vst.msk vm15, v17;
	v15 =	vshll.u32 v15, $0x7  }
0xbd: {  	v15 =	vadd.s32 v10, v15;
	v17 =	vld.idx.msk [tilespmem:v14+s13+$0x0], vm15  }
0xbe: {  	v19 =	vor.u32 $0x80, v14;
	_ =	sdelay $0x3  }
0xbf: {  	[tilespmem:v15+s19+$0x0] =	vst.idx.msk vm15, v17  }
0xc0: {  	v29 =	vor.u32 $0x1, v15;
	v17 =	vld.idx.msk [tilespmem:v19+s13+$0x0], vm15  }
0xc1: {  	v20 =	vor.u32 $0x100, v14;
	_ =	sdelay $0x3  }
0xc2: {  	[tilespmem:v29+s19+$0x0] =	vst.idx.msk vm15, v17  }
0xc3: {  	v16 =	vor.u32 v16, v18;
	v30 =	vor.u32 $0x2, v15;
	v17 =	vld.idx.msk [tilespmem:v20+s13+$0x0], vm15  }
0xc4: {  	v18 =	vor.u32 $0x180, v16;
	_ =	sdelay $0x3  }
0xc5: {  	[tilespmem:v30+s19+$0x0] =	vst.idx.msk vm15, v17  }
0xc6: {  	v31 =	vor.u32 $0x3, v15;
	v17 =	vld.idx.msk [tilespmem:v18+s13+$0x0], vm15  }
0xc7: {  	v32 =	vor.u32 $0x200, v14;
	_ =	sdelay $0x3  }
0xc8: {  	[tilespmem:v31+s19+$0x0] =	vst.idx.msk vm15, v17  }
0xc9: {  	v33 =	vor.u32 $0x4, v15;
	v17 =	vld.idx.msk [tilespmem:v32+s13+$0x0], vm15  }
0xca: {  	v34 =	vor.u32 $0x280, v14;
	_ =	sdelay $0x3  }
0xcb: {  	[tilespmem:v33+s19+$0x0] =	vst.idx.msk vm15, v17  }
0xcc: {  	v35 =	vor.u32 $0x5, v15;
	v17 =	vld.idx.msk [tilespmem:v34+s13+$0x0], vm15  }
0xcd: {  	v36 =	vor.u32 $0x300, v14;
	_ =	sdelay $0x3  }
0xce: {  	[tilespmem:v35+s19+$0x0] =	vst.idx.msk vm15, v17  }
0xcf: {  	v37 =	vor.u32 $0x6, v15;
	v17 =	vld.idx.msk [tilespmem:v36+s13+$0x0], vm15  }
0xd0: {  	v38 =	vor.u32 $0x380, v16;
	_ =	sdelay $0x3  }
0xd1: {  	[tilespmem:v37+s19+$0x0] =	vst.idx.msk vm15, v17  }
0xd2: {  	v39 =	vor.u32 $0x7, v15;
	v17 =	vld.idx.msk [tilespmem:v38+s13+$0x0], vm15  }
0xd3: {  	v40 =	vor.u32 $0x1000, v14;
	_ =	sdelay $0x3  }
0xd4: {  	[tilespmem:v39+s19+$0x0] =	vst.idx.msk vm15, v17  }
0xd5: {  	v41 =	vor.u32 $0x8, v15;
	v17 =	vld.idx.msk [tilespmem:v40+s13+$0x0], vm15  }
0xd6: {  	v42 =	vor.u32 $0x1080, v14;
	_ =	sdelay $0x3  }
0xd7: {  	[tilespmem:v41+s19+$0x0] =	vst.idx.msk vm15, v17  }
0xd8: {  	v43 =	vor.u32 $0x9, v15;
	v17 =	vld.idx.msk [tilespmem:v42+s13+$0x0], vm15  }
0xd9: {  	v44 =	vor.u32 $0x1100, v14;
	_ =	sdelay $0x3  }
0xda: {  	[tilespmem:v43+s19+$0x0] =	vst.idx.msk vm15, v17  }
0xdb: {  	v45 =	vor.u32 $0xA, v15;
	v17 =	vld.idx.msk [tilespmem:v44+s13+$0x0], vm15  }
0xdc: {  	v46 =	vor.u32 $0x1180, v16;
	_ =	sdelay $0x3  }
0xdd: {  	[tilespmem:v45+s19+$0x0] =	vst.idx.msk vm15, v17  }
0xde: {  	v47 =	vor.u32 $0xB, v15;
	v17 =	vld.idx.msk [tilespmem:v46+s13+$0x0], vm15  }
0xdf: {  	v48 =	vor.u32 $0x1200, v14;
	_ =	sdelay $0x3  }
0xe0: {  	[tilespmem:v47+s19+$0x0] =	vst.idx.msk vm15, v17  }
0xe1: {  	v49 =	vor.u32 $0xC, v15;
	v17 =	vld.idx.msk [tilespmem:v48+s13+$0x0], vm15  }
0xe2: {  	v50 =	vor.u32 $0x1280, v14;
	_ =	sdelay $0x3  }
0xe3: {  	[tilespmem:v49+s19+$0x0] =	vst.idx.msk vm15, v17  }
0xe4: {  	v51 =	vor.u32 $0xD, v15;
	v17 =	vld.idx.msk [tilespmem:v50+s13+$0x0], vm15  }
0xe5: {  	v52 =	vor.u32 $0x1300, v14;
	_ =	sdelay $0x3  }
0xe6: {  	[tilespmem:v51+s19+$0x0] =	vst.idx.msk vm15, v17  }
0xe7: {  	v53 =	vor.u32 $0xE, v15;
	v17 =	vld.idx.msk [tilespmem:v52+s13+$0x0], vm15  }
0xe8: {  	v54 =	vor.u32 $0x1380, v16;
	_ =	sdelay $0x3  }
0xe9: {  	[tilespmem:v53+s19+$0x0] =	vst.idx.msk vm15, v17  }
0xea: {  	v55 =	vor.u32 $0xF, v15;
	v17 =	vld.idx.msk [tilespmem:v54+s13+$0x0], vm15  }
0xeb: {  	v56 =	vor.u32 $0x2000, v14;
	_ =	sdelay $0x3  }
0xec: {  	[tilespmem:v55+s19+$0x0] =	vst.idx.msk vm15, v17  }
0xed: {  	v57 =	vor.u32 $0x10, v15;
	v17 =	vld.idx.msk [tilespmem:v56+s13+$0x0], vm15  }
0xee: {  	v58 =	vor.u32 $0x2080, v14;
	_ =	sdelay $0x3  }
0xef: {  	[tilespmem:v57+s19+$0x0] =	vst.idx.msk vm15, v17  }
0xf0: {  	v59 =	vor.u32 $0x11, v15;
	v17 =	vld.idx.msk [tilespmem:v58+s13+$0x0], vm15  }
0xf1: {  	v60 =	vor.u32 $0x2100, v14;
	_ =	sdelay $0x3  }
0xf2: {  	[tilespmem:v59+s19+$0x0] =	vst.idx.msk vm15, v17  }
0xf3: {  	v61 =	vor.u32 $0x12, v15;
	v17 =	vld.idx.msk [tilespmem:v60+s13+$0x0], vm15  }
0xf4: {  	v62 =	vor.u32 $0x2180, v16;
	_ =	sdelay $0x3  }
0xf5: {  	[tilespmem:v61+s19+$0x0] =	vst.idx.msk vm15, v17  }
0xf6: {  	v63 =	vor.u32 $0x13, v15;
	v17 =	vld.idx.msk [tilespmem:v62+s13+$0x0], vm15  }
0xf7: {  	v21 =	vor.u32 $0x2200, v14;
	_ =	sdelay $0x3  }
0xf8: {  	[tilespmem:v63+s19+$0x0] =	vst.idx.msk vm15, v17  }
0xf9: {  	v22 =	vor.u32 $0x14, v15;
	v17 =	vld.idx.msk [tilespmem:v21+s13+$0x0], vm15  }
0xfa: {  	v23 =	vor.u32 $0x2280, v14;
	_ =	sdelay $0x3  }
0xfb: {  	[tilespmem:v22+s19+$0x0] =	vst.idx.msk vm15, v17  }
0xfc: {  	v24 =	vor.u32 $0x15, v15;
	v17 =	vld.idx.msk [tilespmem:v23+s13+$0x0], vm15  }
0xfd: {  	v25 =	vor.u32 $0x2300, v14;
	_ =	sdelay $0x3  }
0xfe: {  	[tilespmem:v24+s19+$0x0] =	vst.idx.msk vm15, v17  }
0xff: {  	v26 =	vor.u32 $0x16, v15;
	v17 =	vld.idx.msk [tilespmem:v25+s13+$0x0], vm15  }
0x100: {  	v27 =	vor.u32 $0x2380, v16;
	_ =	sdelay $0x3  }
0x101: {  	[tilespmem:v26+s19+$0x0] =	vst.idx.msk vm15, v17  }
0x102: {  	v28 =	vor.u32 $0x17, v15;
	v17 =	vld.idx.msk [tilespmem:v27+s13+$0x0], vm15  }
0x103: {  	v29 =	vor.u32 $0x3000, v14;
	_ =	sdelay $0x3  }
0x104: {  	[tilespmem:v28+s19+$0x0] =	vst.idx.msk vm15, v17  }
0x105: {  	v30 =	vor.u32 $0x18, v15;
	v17 =	vld.idx.msk [tilespmem:v29+s13+$0x0], vm15  }
0x106: {  	v31 =	vor.u32 $0x3080, v14;
	_ =	sdelay $0x3  }
0x107: {  	[tilespmem:v30+s19+$0x0] =	vst.idx.msk vm15, v17  }
0x108: {  	v32 =	vor.u32 $0x19, v15;
	v17 =	vld.idx.msk [tilespmem:v31+s13+$0x0], vm15  }
0x109: {  	v33 =	vor.u32 $0x3100, v14;
	_ =	sdelay $0x3  }
0x10a: {  	[tilespmem:v32+s19+$0x0] =	vst.idx.msk vm15, v17  }
0x10b: {  	v34 =	vor.u32 $0x1A, v15;
	v17 =	vld.idx.msk [tilespmem:v33+s13+$0x0], vm15  }
0x10c: {  	v35 =	vor.u32 $0x3180, v16;
	_ =	sdelay $0x3  }
0x10d: {  	[tilespmem:v34+s19+$0x0] =	vst.idx.msk vm15, v17  }
0x10e: {  	v36 =	vor.u32 $0x1B, v15;
	v17 =	vld.idx.msk [tilespmem:v35+s13+$0x0], vm15  }
0x10f: {  	v37 =	vor.u32 $0x3200, v14;
	_ =	sdelay $0x3  }
0x110: {  	[tilespmem:v36+s19+$0x0] =	vst.idx.msk vm15, v17  }
0x111: {  	v38 =	vor.u32 $0x1C, v15;
	v17 =	vld.idx.msk [tilespmem:v37+s13+$0x0], vm15  }
0x112: {  	v39 =	vor.u32 $0x3280, v14;
	_ =	sdelay $0x3  }
0x113: {  	[tilespmem:v38+s19+$0x0] =	vst.idx.msk vm15, v17  }
0x114: {  	v40 =	vor.u32 $0x1D, v15;
	v17 =	vld.idx.msk [tilespmem:v39+s13+$0x0], vm15  }
0x115: {  	v41 =	vor.u32 $0x3300, v14;
	_ =	sdelay $0x3  }
0x116: {  	[tilespmem:v40+s19+$0x0] =	vst.idx.msk vm15, v17  }
0x117: {  	v42 =	vor.u32 $0x1E, v15;
	v17 =	vld.idx.msk [tilespmem:v41+s13+$0x0], vm15  }
0x118: {  	v43 =	vor.u32 $0x3380, v16;
	_ =	sdelay $0x3  }
0x119: {  	[tilespmem:v42+s19+$0x0] =	vst.idx.msk vm15, v17  }
0x11a: {  	v44 =	vor.u32 $0x1F, v15;
	v17 =	vld.idx.msk [tilespmem:v43+s13+$0x0], vm15  }
0x11b: {  	v45 =	vor.u32 $0x4000, v14;
	_ =	sdelay $0x3  }
0x11c: {  	[tilespmem:v44+s19+$0x0] =	vst.idx.msk vm15, v17  }
0x11d: {  	v46 =	vor.u32 $0x20, v15;
	v17 =	vld.idx.msk [tilespmem:v45+s13+$0x0], vm15  }
0x11e: {  	v47 =	vor.u32 $0x4080, v14;
	_ =	sdelay $0x3  }
0x11f: {  	[tilespmem:v46+s19+$0x0] =	vst.idx.msk vm15, v17  }
0x120: {  	v48 =	vor.u32 $0x21, v15;
	v17 =	vld.idx.msk [tilespmem:v47+s13+$0x0], vm15  }
0x121: {  	v49 =	vor.u32 $0x4100, v14;
	_ =	sdelay $0x3  }
0x122: {  	[tilespmem:v48+s19+$0x0] =	vst.idx.msk vm15, v17  }
0x123: {  	v50 =	vor.u32 $0x22, v15;
	v17 =	vld.idx.msk [tilespmem:v49+s13+$0x0], vm15  }
0x124: {  	v51 =	vor.u32 $0x4180, v16;
	_ =	sdelay $0x3  }
0x125: {  	[tilespmem:v50+s19+$0x0] =	vst.idx.msk vm15, v17  }
0x126: {  	v52 =	vor.u32 $0x23, v15;
	v17 =	vld.idx.msk [tilespmem:v51+s13+$0x0], vm15  }
0x127: {  	v53 =	vor.u32 $0x4200, v14;
	_ =	sdelay $0x3  }
0x128: {  	[tilespmem:v52+s19+$0x0] =	vst.idx.msk vm15, v17  }
0x129: {  	v54 =	vor.u32 $0x24, v15;
	v17 =	vld.idx.msk [tilespmem:v53+s13+$0x0], vm15  }
0x12a: {  	v55 =	vor.u32 $0x4280, v14;
	_ =	sdelay $0x3  }
0x12b: {  	[tilespmem:v54+s19+$0x0] =	vst.idx.msk vm15, v17  }
0x12c: {  	v56 =	vor.u32 $0x25, v15;
	v17 =	vld.idx.msk [tilespmem:v55+s13+$0x0], vm15  }
0x12d: {  	v57 =	vor.u32 $0x4300, v14;
	_ =	sdelay $0x3  }
0x12e: {  	[tilespmem:v56+s19+$0x0] =	vst.idx.msk vm15, v17  }
0x12f: {  	v58 =	vor.u32 $0x26, v15;
	v17 =	vld.idx.msk [tilespmem:v57+s13+$0x0], vm15  }
0x130: {  	v59 =	vor.u32 $0x4380, v16;
	_ =	sdelay $0x3  }
0x131: {  	[tilespmem:v58+s19+$0x0] =	vst.idx.msk vm15, v17  }
0x132: {  	v60 =	vor.u32 $0x27, v15;
	v17 =	vld.idx.msk [tilespmem:v59+s13+$0x0], vm15  }
0x133: {  	v61 =	vor.u32 $0x5000, v14;
	_ =	sdelay $0x3  }
0x134: {  	[tilespmem:v60+s19+$0x0] =	vst.idx.msk vm15, v17  }
0x135: {  	v62 =	vor.u32 $0x28, v15;
	v17 =	vld.idx.msk [tilespmem:v61+s13+$0x0], vm15  }
0x136: {  	v63 =	vor.u32 $0x5080, v14;
	_ =	sdelay $0x3  }
0x137: {  	[tilespmem:v62+s19+$0x0] =	vst.idx.msk vm15, v17  }
0x138: {  	v21 =	vor.u32 $0x29, v15;
	v17 =	vld.idx.msk [tilespmem:v63+s13+$0x0], vm15  }
0x139: {  	v22 =	vor.u32 $0x5100, v14;
	_ =	sdelay $0x3  }
0x13a: {  	[tilespmem:v21+s19+$0x0] =	vst.idx.msk vm15, v17  }
0x13b: {  	v23 =	vor.u32 $0x2A, v15;
	v17 =	vld.idx.msk [tilespmem:v22+s13+$0x0], vm15  }
0x13c: {  	v24 =	vor.u32 $0x5180, v16;
	_ =	sdelay $0x3  }
0x13d: {  	[tilespmem:v23+s19+$0x0] =	vst.idx.msk vm15, v17  }
0x13e: {  	v25 =	vor.u32 $0x2B, v15;
	v17 =	vld.idx.msk [tilespmem:v24+s13+$0x0], vm15  }
0x13f: {  	v26 =	vor.u32 $0x5200, v14;
	_ =	sdelay $0x3  }
0x140: {  	[tilespmem:v25+s19+$0x0] =	vst.idx.msk vm15, v17  }
0x141: {  	v27 =	vor.u32 $0x2C, v15;
	v17 =	vld.idx.msk [tilespmem:v26+s13+$0x0], vm15  }
0x142: {  	v28 =	vor.u32 $0x5280, v14;
	_ =	sdelay $0x3  }
0x143: {  	[tilespmem:v27+s19+$0x0] =	vst.idx.msk vm15, v17  }
0x144: {  	v29 =	vor.u32 $0x2D, v15;
	v17 =	vld.idx.msk [tilespmem:v28+s13+$0x0], vm15  }
0x145: {  	v30 =	vor.u32 $0x5300, v14;
	_ =	sdelay $0x3  }
0x146: {  	[tilespmem:v29+s19+$0x0] =	vst.idx.msk vm15, v17  }
0x147: {  	v31 =	vor.u32 $0x2E, v15;
	v17 =	vld.idx.msk [tilespmem:v30+s13+$0x0], vm15  }
0x148: {  	v32 =	vor.u32 $0x5380, v16;
	_ =	sdelay $0x3  }
0x149: {  	[tilespmem:v31+s19+$0x0] =	vst.idx.msk vm15, v17  }
0x14a: {  	v33 =	vor.u32 $0x2F, v15;
	v17 =	vld.idx.msk [tilespmem:v32+s13+$0x0], vm15  }
0x14b: {  	v34 =	vor.u32 $0x6000, v14;
	_ =	sdelay $0x3  }
0x14c: {  	[tilespmem:v33+s19+$0x0] =	vst.idx.msk vm15, v17  }
0x14d: {  	v35 =	vor.u32 $0x30, v15;
	v17 =	vld.idx.msk [tilespmem:v34+s13+$0x0], vm15  }
0x14e: {  	v36 =	vor.u32 $0x6080, v14;
	_ =	sdelay $0x3  }
0x14f: {  	[tilespmem:v35+s19+$0x0] =	vst.idx.msk vm15, v17  }
0x150: {  	v37 =	vor.u32 $0x31, v15;
	v17 =	vld.idx.msk [tilespmem:v36+s13+$0x0], vm15  }
0x151: {  	v38 =	vor.u32 $0x6100, v14;
	_ =	sdelay $0x3  }
0x152: {  	[tilespmem:v37+s19+$0x0] =	vst.idx.msk vm15, v17  }
0x153: {  	v39 =	vor.u32 $0x32, v15;
	v17 =	vld.idx.msk [tilespmem:v38+s13+$0x0], vm15  }
0x154: {  	v40 =	vor.u32 $0x6180, v16;
	_ =	sdelay $0x3  }
0x155: {  	[tilespmem:v39+s19+$0x0] =	vst.idx.msk vm15, v17  }
0x156: {  	v41 =	vor.u32 $0x33, v15;
	v17 =	vld.idx.msk [tilespmem:v40+s13+$0x0], vm15  }
0x157: {  	v42 =	vor.u32 $0x6200, v14;
	_ =	sdelay $0x3  }
0x158: {  	[tilespmem:v41+s19+$0x0] =	vst.idx.msk vm15, v17  }
0x159: {  	v43 =	vor.u32 $0x34, v15;
	v17 =	vld.idx.msk [tilespmem:v42+s13+$0x0], vm15  }
0x15a: {  	v44 =	vor.u32 $0x6280, v14;
	_ =	sdelay $0x3  }
0x15b: {  	[tilespmem:v43+s19+$0x0] =	vst.idx.msk vm15, v17  }
0x15c: {  	v45 =	vor.u32 $0x35, v15;
	v17 =	vld.idx.msk [tilespmem:v44+s13+$0x0], vm15  }
0x15d: {  	v46 =	vor.u32 $0x6300, v14;
	_ =	sdelay $0x3  }
0x15e: {  	[tilespmem:v45+s19+$0x0] =	vst.idx.msk vm15, v17  }
0x15f: {  	v47 =	vor.u32 $0x36, v15;
	v17 =	vld.idx.msk [tilespmem:v46+s13+$0x0], vm15  }
0x160: {  	v48 =	vor.u32 $0x6380, v16;
	_ =	sdelay $0x3  }
0x161: {  	[tilespmem:v47+s19+$0x0] =	vst.idx.msk vm15, v17  }
0x162: {  	v49 =	vor.u32 $0x37, v15;
	v17 =	vld.idx.msk [tilespmem:v48+s13+$0x0], vm15  }
0x163: {  	v50 =	vor.u32 $0x7000, v14;
	_ =	sdelay $0x3  }
0x164: {  	[tilespmem:v49+s19+$0x0] =	vst.idx.msk vm15, v17  }
0x165: {  	v51 =	vor.u32 $0x38, v15;
	v17 =	vld.idx.msk [tilespmem:v50+s13+$0x0], vm15  }
0x166: {  	v52 =	vor.u32 $0x7080, v14;
	_ =	sdelay $0x3  }
0x167: {  	[tilespmem:v51+s19+$0x0] =	vst.idx.msk vm15, v17  }
0x168: {  	v53 =	vor.u32 $0x39, v15;
	v17 =	vld.idx.msk [tilespmem:v52+s13+$0x0], vm15  }
0x169: {  	v54 =	vor.u32 $0x7100, v14;
	_ =	sdelay $0x3  }
0x16a: {  	[tilespmem:v53+s19+$0x0] =	vst.idx.msk vm15, v17  }
0x16b: {  	v55 =	vor.u32 $0x3A, v15;
	v17 =	vld.idx.msk [tilespmem:v54+s13+$0x0], vm15  }
0x16c: {  	v56 =	vor.u32 $0x7180, v16;
	_ =	sdelay $0x3  }
0x16d: {  	[tilespmem:v55+s19+$0x0] =	vst.idx.msk vm15, v17  }
0x16e: {  	v57 =	vor.u32 $0x3B, v15;
	v17 =	vld.idx.msk [tilespmem:v56+s13+$0x0], vm15  }
0x16f: {  	v58 =	vor.u32 $0x7200, v14;
	_ =	sdelay $0x3  }
0x170: {  	[tilespmem:v57+s19+$0x0] =	vst.idx.msk vm15, v17  }
0x171: {  	v59 =	vor.u32 $0x3C, v15;
	v17 =	vld.idx.msk [tilespmem:v58+s13+$0x0], vm15  }
0x172: {  	v60 =	vor.u32 $0x7280, v14;
	_ =	sdelay $0x3  }
0x173: {  	v61 =	vmpcnt.ones.xlane vm15;
	[tilespmem:v59+s19+$0x0] =	vst.idx.msk vm15, v17  }
0x174: {  	v62 =	vor.u32 $0x3D, v15;
	v17 =	vld.idx.msk [tilespmem:v60+s13+$0x0], vm15  }
0x175: {  	v14 =	vor.u32 $0x7300, v14;
	(v2sf) =	vpush v61, $0x0;
	_ =	sdelay $0x3  }
0x176: {  	[tilespmem:v62+s19+$0x0] =	vst.idx.msk vm15, v17  }
0x177: {  	v63 =	vor.u32 $0x3E, v15;
	v14 =	vld.idx.msk [tilespmem:v14+s13+$0x0], vm15  }
0x178: {  	v16 =	vor.u32 $0x7380, v16;
	_ =	sdelay $0x3  }
0x179: {  	s28 =	sadd.s32 $0xFFFFFFFF, s28;
	[tilespmem:v63+s19+$0x0] =	vst.idx.msk vm15, v14  }
0x17a: {  	p2 =	sne.s32 s28, $0x0;
	v15 =	vor.u32 $0x3F, v15;
	v14 =	vld.idx.msk [tilespmem:v16+s13+$0x0], vm15  }
.Ltmp11:
0x17b: {  	_ = 	snop;
	(pc) =	sbr.rel @p2 .LBB2_14-.Ltmp11, $3  }
0x17c: {  	_ =	sdelay $0x1  }
0x17d: {  	s29 =	sadd.s32 $0x10, s29;
	s18 =	spop (v2sf)  }
0x17e: {  	s30 =	sadd.s32 $0x10, s30;
	s31 =	sadd.s32 $0x10, s31;
	s23 =	sadd.s32 s23, s18;
	[tilespmem:v15+s19+$0x0] =	vst.idx.msk vm15, v14  }
.LBB2_15:
0x17f: {  	s0 =	sadd.s32 s9, s26  }
0x180: {  	p2 =	slt.u32 s0, $0x7A2;
	s0 =	sshll.u32 s0, $0x9  }
0x181: {  	s0 =	simm.s32 @!p2 $0x0;
	p2 =	seq.s32 @!p1 s22, $0x0  }
0x182: {  	p2 =	por p1, p2  }
.Ltmp12:
0x183: {  	s0 =	sadd.s32 s1, s0;
	(pc) =	sbr.rel @p2 .LBB2_16-.Ltmp12, $4  }
0x184: {  	[tilespmem:s13], [sflag:$0x1] =	stream.strided.gather [hbm4b:s0+s11], $0x8000, s12, s11, $0x38;
	[tilespmem:$0x19080] =	vst v63  }
0x185: {  	_ =	swait.ge [sflag:s16], $0x8000  }
0x186: {  	[sflag:s16] =	ssyncset.done $0x0  }
0x187: {  	[sflag:s16] =	ssyncadd.s32 $0xFFFF8000  }
0x188: {  	p2 =	sne.s32 s22, $0x1  }
.Ltmp13:
0x189: {  	_ = 	snop;
	(pc) =	sbr.rel @!p2 .LBB2_18-.Ltmp13, $4  }
0x18a: {  	_ = 	snop  }
0x18b: {  	s0 =	sshll.u32 s25, $0x9  }
0x18c: {  	s17 =	simm.s32 $0x1000;
	s25 =	simm.s32 $0x2000;
	s2 =	sadd.s32 $0x200, s0  }
0x18d: {  	s26 =	simm.s32 $0x0;
	p1 =	por $0x0, $0x0;
	v12 =	vmov s0;
	v13 =	vld [tilespmem:s17+$0x0];
	s0 =	sadd.s32 $0xFFFFFFFF, s22;
	v14 =	vmov s2  }
0x18e: {  	_ =	sdelay $0x2  }
0x18f: {  	v15 =	vor.u32 s26, v1  }
0x190: {  	vm0 =	vlt.s32 v15, v11;
	vm1 =	vlt.s32 v13, v14  }
0x191: {  	vm15 =	vge.s32 v13, v12;
	vm0 =	vmand vm0, vm1  }
0x192: {  	vm0 =	vmand vm0, vm15  }
0x193: {  	v15 =	vmpcnt.ones.xlane vm0;
	_ =	sdelay $0x1  }
0x194: {  	v16 =	vld [tilespmem:s25+$0x0];
	(v2sf) =	vpush v15, $0x0  }
0x195: {  	p2 =	sne.s32 s0, $0x1  }
.Ltmp14:
0x196: {  	p1 =	por $0x1, $0x1;
	s2 =	simm.s32 $0x0;
	(pc) =	sbr.rel @!p2 .LBB2_20-.Ltmp14, $4  }
0x197: {  	s2 =	simm.s32 @!p1 $0xFF0  }
0x198: {  	[tilespmem:s2+$0x3000] =	vst.msk vm0, v13  }
0x199: {  	s17 =	sadd.s32 $0xFFFFFFFF, s0;
	s0 =	simm.s32 $0x0;
	[tilespmem:s2+$0x4000] =	vst.msk vm0, v16;
	s2 =	simm.s32 $0x1010  }
0x19a: {  	s28 =	simm.s32 $0x2000;
	s29 =	simm.s32 $0x0;
	p1 =	por $0x1, $0x1;
	v13 =	vld [tilespmem:s2+$0x0]  }
.LBB2_21:
0x19b: {  	p2 =	sne.s32 s17, $0x1;
	_ =	sdelay $0x1  }
0x19c: {  	s0 =	sadd.s32 $0x10, s0  }
0x19d: {  	v15 =	vor.u32 s0, v1  }
0x19e: {  	vm0 =	vlt.s32 v15, v11;
	vm1 =	vlt.s32 v13, v14  }
0x19f: {  	vm2 =	vge.s32 v13, v12;
	vm0 =	vmand vm0, vm1  }
0x1a0: {  	vm0 =	vmand vm0, vm2  }
0x1a1: {  	s28 =	sadd.s32 $0x10, s28;
	v15 =	vmpcnt.ones.xlane vm0  }
0x1a2: {  	v16 =	vld [tilespmem:s28+$0x0];
	s18 =	spop (v2sf)  }
0x1a3: {  	(v2sf) =	vpush v15, $0x0;
	s29 =	sadd.s32 s29, s18  }
0x1a4: {  	p3 =	slt.s32 s29, $0xFF0;
	s18 =	smov.u32 s29  }
.Ltmp15:
0x1a5: {  	s18 =	simm.s32 @!p3 $0xFF0;
	(pc) =	sbr.rel @p2 .LBB2_21-.Ltmp15, $4  }
0x1a6: {  	[tilespmem:s18+$0x3000] =	vst.msk vm0, v13  }
0x1a7: {  	[tilespmem:s18+$0x4000] =	vst.msk vm0, v16  }
0x1a8: {  	s2 =	sadd.s32 $0x10, s2  }
0x1a9: {  	s17 =	sadd.s32 $0xFFFFFFFF, s17;
	v13 =	vld [tilespmem:s2+$0x0]  }
.LBB2_22:
0x1aa: {  	_ = 	snop  }
0x1ab: {  	s0 =	sadd.s32 @p1 $0x10, s0;
	s2 =	simm.s32 $0x0  }
0x1ac: {  	s2 =	smov.u32 @p1 s0  }
0x1ad: {  	v15 =	vor.u32 s2, v1  }
0x1ae: {  	vm0 =	vlt.s32 v15, v11;
	vm1 =	vlt.s32 v13, v14  }
0x1af: {  	vm2 =	vge.s32 v13, v12;
	vm0 =	vmand vm0, vm1  }
0x1b0: {  	vm0 =	vmand vm0, vm2  }
0x1b1: {  	v14 =	vmpcnt.ones.xlane vm0;
	_ =	sdelay $0x1  }
0x1b2: {  	(v2sf) =	vpush v14, $0x0;
	_ =	sdelay $0xc  }
0x1b3: {  	s0 =	spop @p1 (v2sf)  }
0x1b4: {  	s0 =	sadd.s32 @p1 s29, s0  }
0x1b5: {  	s26 =	smov.u32 @p1 s0;
	s30 =	spop (v2sf)  }
0x1b6: {  	s2 =	sadd.s32 @p1 $0x10, s28;
	s0 =	sadd.s32 s26, s30  }
0x1b7: {  	s25 =	smov.u32 @p1 s2;
	p1 =	slt.s32 s0, $0xFF0  }
0x1b8: {  	s0 =	simm.s32 @!p1 $0xFF0  }
0x1b9: {  	s31 =	sadd.s32 $0xF, s0  }
0x1ba: {  	v14 =	vld [tilespmem:s25+$0x0];
	p1 =	slt.s32 s26, $0xFF0;
	s25 =	sshrl.u32 s31, $0x4  }
0x1bb: {  	s26 =	simm.s32 @!p1 $0xFF0;
	p1 =	seq.s32 s25, $0x0  }
.Ltmp16:
0x1bc: {  	_ = 	snop;
	(pc) =	sbr.rel @p1 .LBB2_25-.Ltmp16, $3  }
0x1bd: {  	_ =	sdelay $0x1  }
0x1be: {  	[tilespmem:s26+$0x3000] =	vst.msk vm0, v13  }
0x1bf: {  	[tilespmem:s26+$0x4000] =	vst.msk vm0, v14  }
0x1c0: {  	v13 =	vmov s0;
	s26 =	simm.s32 $0x3000;
	s28 =	simm.s32 $0x4000;
	s29 =	simm.s32 $0x0  }
.LBB2_24:
0x1c1: {  	s0 =	sadd.s32 $0x10, s23  }
0x1c2: {  	p1 =	slt.s32 s0, $0x81  }
0x1c3: {  	s2 =	simm.s32 @!p1 $0x80;
	s17 =	simm.s32 @!p1 $0x19000;
	s18 =	simm.s32 @!p1 $0x15000  }
0x1c4: {  	[hbm4b:s7+s2] =	stream.indirect.scatter @!p1 [tilespmem:s18], [sflag:$0x3], $0x80, s17, s2, $0xb8;
	[tilespmem:$0x19080] =	vst v63  }
0x1c5: {  	s2 =	simm.s32 @!p1 $0x3  }
0x1c6: {  	_ =	swait.ge @!p1 [sflag:s2], $0x4000  }
0x1c7: {  	v14 =	vlaneseq.u32 @!p1;
	[sflag:s2] =	ssyncset.done @!p1 $0x0  }
0x1c8: {  	v15 =	vor.u32 @!p1 $0x8000, v14;
	[sflag:s2] =	ssyncadd.s32 @!p1 $0xFFFFC000  }
0x1c9: {  	[tilespmem:$0x19000] =	vst @!p1 v15;
	v15 =	vor.u32 @!p1 $0x8010, v14  }
0x1ca: {  	[tilespmem:$0x19010] =	vst @!p1 v15;
	v15 =	vor.u32 @!p1 $0x8020, v14  }
0x1cb: {  	[tilespmem:$0x19020] =	vst @!p1 v15;
	v15 =	vor.u32 @!p1 $0x8030, v14  }
0x1cc: {  	[tilespmem:$0x19030] =	vst @!p1 v15;
	v15 =	vor.u32 @!p1 $0x8040, v14  }
0x1cd: {  	[tilespmem:$0x19040] =	vst @!p1 v15;
	v15 =	vor.u32 @!p1 $0x8050, v14  }
0x1ce: {  	[tilespmem:$0x19050] =	vst @!p1 v15;
	v15 =	vor.u32 @!p1 $0x8060, v14  }
0x1cf: {  	v14 =	vor.u32 @!p1 $0x8070, v14;
	[tilespmem:$0x19060] =	vst @!p1 v15  }
0x1d0: {  	[tilespmem:$0x19070] =	vst @!p1 v14  }
0x1d1: {  	v14 =	vld [tilespmem:s26+$0x0];
	_ =	sdelay $0x4  }
0x1d2: {  	v14 =	vsub.s32 v14, v12  }
0x1d3: {  	vm0 =	vgt.s32 v14, $0x0  }
0x1d4: {  	v14 =	vnsel vm0, $0x0, v14  }
0x1d5: {  	v16 =	vmin.u32 v14, $0x1FF  }
0x1d6: {  	v14 =	vor.u32 s29, v1;
	v15 =	vshll.u32 v16, $0x3  }
0x1d7: {  	v17 =	vld [tilespmem:s28+$0x0];
	vm15 =	vlt.s32 v14, v13;
	v14 =	vand.u32 $0x7F, v16;
	v18 =	vand.u32 $0xC00, v15  }
0x1d8: {  	v14 =	vor.u32 v14, v18  }
0x1d9: {  	p1 =	sgt.s32 s0, $0x80  }
0x1da: {  	s23 =	simm.s32 @p1 $0x0  }
0x1db: {  	v15 =	vmov s23  }
0x1dc: {  	[tilespmem:s23+$0x19000] =	vst.msk vm15, v17;
	v15 =	vshll.u32 v15, $0x7  }
0x1dd: {  	v15 =	vadd.s32 v10, v15;
	v17 =	vld.idx.msk [tilespmem:v14+s21+$0x0], vm15  }
0x1de: {  	v19 =	vor.u32 $0x80, v14;
	_ =	sdelay $0x3  }
0x1df: {  	[tilespmem:v15+s19+$0x0] =	vst.idx.msk vm15, v17  }
0x1e0: {  	v29 =	vor.u32 $0x1, v15;
	v17 =	vld.idx.msk [tilespmem:v19+s21+$0x0], vm15  }
0x1e1: {  	v20 =	vor.u32 $0x100, v14;
	_ =	sdelay $0x3  }
0x1e2: {  	[tilespmem:v29+s19+$0x0] =	vst.idx.msk vm15, v17  }
0x1e3: {  	v16 =	vor.u32 v16, v18;
	v30 =	vor.u32 $0x2, v15;
	v17 =	vld.idx.msk [tilespmem:v20+s21+$0x0], vm15  }
0x1e4: {  	v18 =	vor.u32 $0x180, v16;
	_ =	sdelay $0x3  }
0x1e5: {  	[tilespmem:v30+s19+$0x0] =	vst.idx.msk vm15, v17  }
0x1e6: {  	v31 =	vor.u32 $0x3, v15;
	v17 =	vld.idx.msk [tilespmem:v18+s21+$0x0], vm15  }
0x1e7: {  	v32 =	vor.u32 $0x200, v14;
	_ =	sdelay $0x3  }
0x1e8: {  	[tilespmem:v31+s19+$0x0] =	vst.idx.msk vm15, v17  }
0x1e9: {  	v33 =	vor.u32 $0x4, v15;
	v17 =	vld.idx.msk [tilespmem:v32+s21+$0x0], vm15  }
0x1ea: {  	v34 =	vor.u32 $0x280, v14;
	_ =	sdelay $0x3  }
0x1eb: {  	[tilespmem:v33+s19+$0x0] =	vst.idx.msk vm15, v17  }
0x1ec: {  	v35 =	vor.u32 $0x5, v15;
	v17 =	vld.idx.msk [tilespmem:v34+s21+$0x0], vm15  }
0x1ed: {  	v36 =	vor.u32 $0x300, v14;
	_ =	sdelay $0x3  }
0x1ee: {  	[tilespmem:v35+s19+$0x0] =	vst.idx.msk vm15, v17  }
0x1ef: {  	v37 =	vor.u32 $0x6, v15;
	v17 =	vld.idx.msk [tilespmem:v36+s21+$0x0], vm15  }
0x1f0: {  	v38 =	vor.u32 $0x380, v16;
	_ =	sdelay $0x3  }
0x1f1: {  	[tilespmem:v37+s19+$0x0] =	vst.idx.msk vm15, v17  }
0x1f2: {  	v39 =	vor.u32 $0x7, v15;
	v17 =	vld.idx.msk [tilespmem:v38+s21+$0x0], vm15  }
0x1f3: {  	v40 =	vor.u32 $0x1000, v14;
	_ =	sdelay $0x3  }
0x1f4: {  	[tilespmem:v39+s19+$0x0] =	vst.idx.msk vm15, v17  }
0x1f5: {  	v41 =	vor.u32 $0x8, v15;
	v17 =	vld.idx.msk [tilespmem:v40+s21+$0x0], vm15  }
0x1f6: {  	v42 =	vor.u32 $0x1080, v14;
	_ =	sdelay $0x3  }
0x1f7: {  	[tilespmem:v41+s19+$0x0] =	vst.idx.msk vm15, v17  }
0x1f8: {  	v43 =	vor.u32 $0x9, v15;
	v17 =	vld.idx.msk [tilespmem:v42+s21+$0x0], vm15  }
0x1f9: {  	v44 =	vor.u32 $0x1100, v14;
	_ =	sdelay $0x3  }
0x1fa: {  	[tilespmem:v43+s19+$0x0] =	vst.idx.msk vm15, v17  }
0x1fb: {  	v45 =	vor.u32 $0xA, v15;
	v17 =	vld.idx.msk [tilespmem:v44+s21+$0x0], vm15  }
0x1fc: {  	v46 =	vor.u32 $0x1180, v16;
	_ =	sdelay $0x3  }
0x1fd: {  	[tilespmem:v45+s19+$0x0] =	vst.idx.msk vm15, v17  }
0x1fe: {  	v47 =	vor.u32 $0xB, v15;
	v17 =	vld.idx.msk [tilespmem:v46+s21+$0x0], vm15  }
0x1ff: {  	v48 =	vor.u32 $0x1200, v14;
	_ =	sdelay $0x3  }
0x200: {  	[tilespmem:v47+s19+$0x0] =	vst.idx.msk vm15, v17  }
0x201: {  	v49 =	vor.u32 $0xC, v15;
	v17 =	vld.idx.msk [tilespmem:v48+s21+$0x0], vm15  }
0x202: {  	v50 =	vor.u32 $0x1280, v14;
	_ =	sdelay $0x3  }
0x203: {  	[tilespmem:v49+s19+$0x0] =	vst.idx.msk vm15, v17  }
0x204: {  	v51 =	vor.u32 $0xD, v15;
	v17 =	vld.idx.msk [tilespmem:v50+s21+$0x0], vm15  }
0x205: {  	v52 =	vor.u32 $0x1300, v14;
	_ =	sdelay $0x3  }
0x206: {  	[tilespmem:v51+s19+$0x0] =	vst.idx.msk vm15, v17  }
0x207: {  	v53 =	vor.u32 $0xE, v15;
	v17 =	vld.idx.msk [tilespmem:v52+s21+$0x0], vm15  }
0x208: {  	v54 =	vor.u32 $0x1380, v16;
	_ =	sdelay $0x3  }
0x209: {  	[tilespmem:v53+s19+$0x0] =	vst.idx.msk vm15, v17  }
0x20a: {  	v55 =	vor.u32 $0xF, v15;
	v17 =	vld.idx.msk [tilespmem:v54+s21+$0x0], vm15  }
0x20b: {  	v56 =	vor.u32 $0x2000, v14;
	_ =	sdelay $0x3  }
0x20c: {  	[tilespmem:v55+s19+$0x0] =	vst.idx.msk vm15, v17  }
0x20d: {  	v57 =	vor.u32 $0x10, v15;
	v17 =	vld.idx.msk [tilespmem:v56+s21+$0x0], vm15  }
0x20e: {  	v58 =	vor.u32 $0x2080, v14;
	_ =	sdelay $0x3  }
0x20f: {  	[tilespmem:v57+s19+$0x0] =	vst.idx.msk vm15, v17  }
0x210: {  	v59 =	vor.u32 $0x11, v15;
	v17 =	vld.idx.msk [tilespmem:v58+s21+$0x0], vm15  }
0x211: {  	v60 =	vor.u32 $0x2100, v14;
	_ =	sdelay $0x3  }
0x212: {  	[tilespmem:v59+s19+$0x0] =	vst.idx.msk vm15, v17  }
0x213: {  	v61 =	vor.u32 $0x12, v15;
	v17 =	vld.idx.msk [tilespmem:v60+s21+$0x0], vm15  }
0x214: {  	v62 =	vor.u32 $0x2180, v16;
	_ =	sdelay $0x3  }
0x215: {  	[tilespmem:v61+s19+$0x0] =	vst.idx.msk vm15, v17  }
0x216: {  	v63 =	vor.u32 $0x13, v15;
	v17 =	vld.idx.msk [tilespmem:v62+s21+$0x0], vm15  }
0x217: {  	v21 =	vor.u32 $0x2200, v14;
	_ =	sdelay $0x3  }
0x218: {  	[tilespmem:v63+s19+$0x0] =	vst.idx.msk vm15, v17  }
0x219: {  	v22 =	vor.u32 $0x14, v15;
	v17 =	vld.idx.msk [tilespmem:v21+s21+$0x0], vm15  }
0x21a: {  	v23 =	vor.u32 $0x2280, v14;
	_ =	sdelay $0x3  }
0x21b: {  	[tilespmem:v22+s19+$0x0] =	vst.idx.msk vm15, v17  }
0x21c: {  	v24 =	vor.u32 $0x15, v15;
	v17 =	vld.idx.msk [tilespmem:v23+s21+$0x0], vm15  }
0x21d: {  	v25 =	vor.u32 $0x2300, v14;
	_ =	sdelay $0x3  }
0x21e: {  	[tilespmem:v24+s19+$0x0] =	vst.idx.msk vm15, v17  }
0x21f: {  	v26 =	vor.u32 $0x16, v15;
	v17 =	vld.idx.msk [tilespmem:v25+s21+$0x0], vm15  }
0x220: {  	v27 =	vor.u32 $0x2380, v16;
	_ =	sdelay $0x3  }
0x221: {  	[tilespmem:v26+s19+$0x0] =	vst.idx.msk vm15, v17  }
0x222: {  	v28 =	vor.u32 $0x17, v15;
	v17 =	vld.idx.msk [tilespmem:v27+s21+$0x0], vm15  }
0x223: {  	v29 =	vor.u32 $0x3000, v14;
	_ =	sdelay $0x3  }
0x224: {  	[tilespmem:v28+s19+$0x0] =	vst.idx.msk vm15, v17  }
0x225: {  	v30 =	vor.u32 $0x18, v15;
	v17 =	vld.idx.msk [tilespmem:v29+s21+$0x0], vm15  }
0x226: {  	v31 =	vor.u32 $0x3080, v14;
	_ =	sdelay $0x3  }
0x227: {  	[tilespmem:v30+s19+$0x0] =	vst.idx.msk vm15, v17  }
0x228: {  	v32 =	vor.u32 $0x19, v15;
	v17 =	vld.idx.msk [tilespmem:v31+s21+$0x0], vm15  }
0x229: {  	v33 =	vor.u32 $0x3100, v14;
	_ =	sdelay $0x3  }
0x22a: {  	[tilespmem:v32+s19+$0x0] =	vst.idx.msk vm15, v17  }
0x22b: {  	v34 =	vor.u32 $0x1A, v15;
	v17 =	vld.idx.msk [tilespmem:v33+s21+$0x0], vm15  }
0x22c: {  	v35 =	vor.u32 $0x3180, v16;
	_ =	sdelay $0x3  }
0x22d: {  	[tilespmem:v34+s19+$0x0] =	vst.idx.msk vm15, v17  }
0x22e: {  	v36 =	vor.u32 $0x1B, v15;
	v17 =	vld.idx.msk [tilespmem:v35+s21+$0x0], vm15  }
0x22f: {  	v37 =	vor.u32 $0x3200, v14;
	_ =	sdelay $0x3  }
0x230: {  	[tilespmem:v36+s19+$0x0] =	vst.idx.msk vm15, v17  }
0x231: {  	v38 =	vor.u32 $0x1C, v15;
	v17 =	vld.idx.msk [tilespmem:v37+s21+$0x0], vm15  }
0x232: {  	v39 =	vor.u32 $0x3280, v14;
	_ =	sdelay $0x3  }
0x233: {  	[tilespmem:v38+s19+$0x0] =	vst.idx.msk vm15, v17  }
0x234: {  	v40 =	vor.u32 $0x1D, v15;
	v17 =	vld.idx.msk [tilespmem:v39+s21+$0x0], vm15  }
0x235: {  	v41 =	vor.u32 $0x3300, v14;
	_ =	sdelay $0x3  }
0x236: {  	[tilespmem:v40+s19+$0x0] =	vst.idx.msk vm15, v17  }
0x237: {  	v42 =	vor.u32 $0x1E, v15;
	v17 =	vld.idx.msk [tilespmem:v41+s21+$0x0], vm15  }
0x238: {  	v43 =	vor.u32 $0x3380, v16;
	_ =	sdelay $0x3  }
0x239: {  	[tilespmem:v42+s19+$0x0] =	vst.idx.msk vm15, v17  }
0x23a: {  	v44 =	vor.u32 $0x1F, v15;
	v17 =	vld.idx.msk [tilespmem:v43+s21+$0x0], vm15  }
0x23b: {  	v45 =	vor.u32 $0x4000, v14;
	_ =	sdelay $0x3  }
0x23c: {  	[tilespmem:v44+s19+$0x0] =	vst.idx.msk vm15, v17  }
0x23d: {  	v46 =	vor.u32 $0x20, v15;
	v17 =	vld.idx.msk [tilespmem:v45+s21+$0x0], vm15  }
0x23e: {  	v47 =	vor.u32 $0x4080, v14;
	_ =	sdelay $0x3  }
0x23f: {  	[tilespmem:v46+s19+$0x0] =	vst.idx.msk vm15, v17  }
0x240: {  	v48 =	vor.u32 $0x21, v15;
	v17 =	vld.idx.msk [tilespmem:v47+s21+$0x0], vm15  }
0x241: {  	v49 =	vor.u32 $0x4100, v14;
	_ =	sdelay $0x3  }
0x242: {  	[tilespmem:v48+s19+$0x0] =	vst.idx.msk vm15, v17  }
0x243: {  	v50 =	vor.u32 $0x22, v15;
	v17 =	vld.idx.msk [tilespmem:v49+s21+$0x0], vm15  }
0x244: {  	v51 =	vor.u32 $0x4180, v16;
	_ =	sdelay $0x3  }
0x245: {  	[tilespmem:v50+s19+$0x0] =	vst.idx.msk vm15, v17  }
0x246: {  	v52 =	vor.u32 $0x23, v15;
	v17 =	vld.idx.msk [tilespmem:v51+s21+$0x0], vm15  }
0x247: {  	v53 =	vor.u32 $0x4200, v14;
	_ =	sdelay $0x3  }
0x248: {  	[tilespmem:v52+s19+$0x0] =	vst.idx.msk vm15, v17  }
0x249: {  	v54 =	vor.u32 $0x24, v15;
	v17 =	vld.idx.msk [tilespmem:v53+s21+$0x0], vm15  }
0x24a: {  	v55 =	vor.u32 $0x4280, v14;
	_ =	sdelay $0x3  }
0x24b: {  	[tilespmem:v54+s19+$0x0] =	vst.idx.msk vm15, v17  }
0x24c: {  	v56 =	vor.u32 $0x25, v15;
	v17 =	vld.idx.msk [tilespmem:v55+s21+$0x0], vm15  }
0x24d: {  	v57 =	vor.u32 $0x4300, v14;
	_ =	sdelay $0x3  }
0x24e: {  	[tilespmem:v56+s19+$0x0] =	vst.idx.msk vm15, v17  }
0x24f: {  	v58 =	vor.u32 $0x26, v15;
	v17 =	vld.idx.msk [tilespmem:v57+s21+$0x0], vm15  }
0x250: {  	v59 =	vor.u32 $0x4380, v16;
	_ =	sdelay $0x3  }
0x251: {  	[tilespmem:v58+s19+$0x0] =	vst.idx.msk vm15, v17  }
0x252: {  	v60 =	vor.u32 $0x27, v15;
	v17 =	vld.idx.msk [tilespmem:v59+s21+$0x0], vm15  }
0x253: {  	v61 =	vor.u32 $0x5000, v14;
	_ =	sdelay $0x3  }
0x254: {  	[tilespmem:v60+s19+$0x0] =	vst.idx.msk vm15, v17  }
0x255: {  	v62 =	vor.u32 $0x28, v15;
	v17 =	vld.idx.msk [tilespmem:v61+s21+$0x0], vm15  }
0x256: {  	v63 =	vor.u32 $0x5080, v14;
	_ =	sdelay $0x3  }
0x257: {  	[tilespmem:v62+s19+$0x0] =	vst.idx.msk vm15, v17  }
0x258: {  	v21 =	vor.u32 $0x29, v15;
	v17 =	vld.idx.msk [tilespmem:v63+s21+$0x0], vm15  }
0x259: {  	v22 =	vor.u32 $0x5100, v14;
	_ =	sdelay $0x3  }
0x25a: {  	[tilespmem:v21+s19+$0x0] =	vst.idx.msk vm15, v17  }
0x25b: {  	v23 =	vor.u32 $0x2A, v15;
	v17 =	vld.idx.msk [tilespmem:v22+s21+$0x0], vm15  }
0x25c: {  	v24 =	vor.u32 $0x5180, v16;
	_ =	sdelay $0x3  }
0x25d: {  	[tilespmem:v23+s19+$0x0] =	vst.idx.msk vm15, v17  }
0x25e: {  	v25 =	vor.u32 $0x2B, v15;
	v17 =	vld.idx.msk [tilespmem:v24+s21+$0x0], vm15  }
0x25f: {  	v26 =	vor.u32 $0x5200, v14;
	_ =	sdelay $0x3  }
0x260: {  	[tilespmem:v25+s19+$0x0] =	vst.idx.msk vm15, v17  }
0x261: {  	v27 =	vor.u32 $0x2C, v15;
	v17 =	vld.idx.msk [tilespmem:v26+s21+$0x0], vm15  }
0x262: {  	v28 =	vor.u32 $0x5280, v14;
	_ =	sdelay $0x3  }
0x263: {  	[tilespmem:v27+s19+$0x0] =	vst.idx.msk vm15, v17  }
0x264: {  	v29 =	vor.u32 $0x2D, v15;
	v17 =	vld.idx.msk [tilespmem:v28+s21+$0x0], vm15  }
0x265: {  	v30 =	vor.u32 $0x5300, v14;
	_ =	sdelay $0x3  }
0x266: {  	[tilespmem:v29+s19+$0x0] =	vst.idx.msk vm15, v17  }
0x267: {  	v31 =	vor.u32 $0x2E, v15;
	v17 =	vld.idx.msk [tilespmem:v30+s21+$0x0], vm15  }
0x268: {  	v32 =	vor.u32 $0x5380, v16;
	_ =	sdelay $0x3  }
0x269: {  	[tilespmem:v31+s19+$0x0] =	vst.idx.msk vm15, v17  }
0x26a: {  	v33 =	vor.u32 $0x2F, v15;
	v17 =	vld.idx.msk [tilespmem:v32+s21+$0x0], vm15  }
0x26b: {  	v34 =	vor.u32 $0x6000, v14;
	_ =	sdelay $0x3  }
0x26c: {  	[tilespmem:v33+s19+$0x0] =	vst.idx.msk vm15, v17  }
0x26d: {  	v35 =	vor.u32 $0x30, v15;
	v17 =	vld.idx.msk [tilespmem:v34+s21+$0x0], vm15  }
0x26e: {  	v36 =	vor.u32 $0x6080, v14;
	_ =	sdelay $0x3  }
0x26f: {  	[tilespmem:v35+s19+$0x0] =	vst.idx.msk vm15, v17  }
0x270: {  	v37 =	vor.u32 $0x31, v15;
	v17 =	vld.idx.msk [tilespmem:v36+s21+$0x0], vm15  }
0x271: {  	v38 =	vor.u32 $0x6100, v14;
	_ =	sdelay $0x3  }
0x272: {  	[tilespmem:v37+s19+$0x0] =	vst.idx.msk vm15, v17  }
0x273: {  	v39 =	vor.u32 $0x32, v15;
	v17 =	vld.idx.msk [tilespmem:v38+s21+$0x0], vm15  }
0x274: {  	v40 =	vor.u32 $0x6180, v16;
	_ =	sdelay $0x3  }
0x275: {  	[tilespmem:v39+s19+$0x0] =	vst.idx.msk vm15, v17  }
0x276: {  	v41 =	vor.u32 $0x33, v15;
	v17 =	vld.idx.msk [tilespmem:v40+s21+$0x0], vm15  }
0x277: {  	v42 =	vor.u32 $0x6200, v14;
	_ =	sdelay $0x3  }
0x278: {  	[tilespmem:v41+s19+$0x0] =	vst.idx.msk vm15, v17  }
0x279: {  	v43 =	vor.u32 $0x34, v15;
	v17 =	vld.idx.msk [tilespmem:v42+s21+$0x0], vm15  }
0x27a: {  	v44 =	vor.u32 $0x6280, v14;
	_ =	sdelay $0x3  }
0x27b: {  	[tilespmem:v43+s19+$0x0] =	vst.idx.msk vm15, v17  }
0x27c: {  	v45 =	vor.u32 $0x35, v15;
	v17 =	vld.idx.msk [tilespmem:v44+s21+$0x0], vm15  }
0x27d: {  	v46 =	vor.u32 $0x6300, v14;
	_ =	sdelay $0x3  }
0x27e: {  	[tilespmem:v45+s19+$0x0] =	vst.idx.msk vm15, v17  }
0x27f: {  	v47 =	vor.u32 $0x36, v15;
	v17 =	vld.idx.msk [tilespmem:v46+s21+$0x0], vm15  }
0x280: {  	v48 =	vor.u32 $0x6380, v16;
	_ =	sdelay $0x3  }
0x281: {  	[tilespmem:v47+s19+$0x0] =	vst.idx.msk vm15, v17  }
0x282: {  	v49 =	vor.u32 $0x37, v15;
	v17 =	vld.idx.msk [tilespmem:v48+s21+$0x0], vm15  }
0x283: {  	v50 =	vor.u32 $0x7000, v14;
	_ =	sdelay $0x3  }
0x284: {  	[tilespmem:v49+s19+$0x0] =	vst.idx.msk vm15, v17  }
0x285: {  	v51 =	vor.u32 $0x38, v15;
	v17 =	vld.idx.msk [tilespmem:v50+s21+$0x0], vm15  }
0x286: {  	v52 =	vor.u32 $0x7080, v14;
	_ =	sdelay $0x3  }
0x287: {  	[tilespmem:v51+s19+$0x0] =	vst.idx.msk vm15, v17  }
0x288: {  	v53 =	vor.u32 $0x39, v15;
	v17 =	vld.idx.msk [tilespmem:v52+s21+$0x0], vm15  }
0x289: {  	v54 =	vor.u32 $0x7100, v14;
	_ =	sdelay $0x3  }
0x28a: {  	[tilespmem:v53+s19+$0x0] =	vst.idx.msk vm15, v17  }
0x28b: {  	v55 =	vor.u32 $0x3A, v15;
	v17 =	vld.idx.msk [tilespmem:v54+s21+$0x0], vm15  }
0x28c: {  	v56 =	vor.u32 $0x7180, v16;
	_ =	sdelay $0x3  }
0x28d: {  	[tilespmem:v55+s19+$0x0] =	vst.idx.msk vm15, v17  }
0x28e: {  	v57 =	vor.u32 $0x3B, v15;
	v17 =	vld.idx.msk [tilespmem:v56+s21+$0x0], vm15  }
0x28f: {  	v58 =	vor.u32 $0x7200, v14;
	_ =	sdelay $0x3  }
0x290: {  	[tilespmem:v57+s19+$0x0] =	vst.idx.msk vm15, v17  }
0x291: {  	v59 =	vor.u32 $0x3C, v15;
	v17 =	vld.idx.msk [tilespmem:v58+s21+$0x0], vm15  }
0x292: {  	v60 =	vor.u32 $0x7280, v14;
	_ =	sdelay $0x3  }
0x293: {  	v61 =	vmpcnt.ones.xlane vm15;
	[tilespmem:v59+s19+$0x0] =	vst.idx.msk vm15, v17  }
0x294: {  	v62 =	vor.u32 $0x3D, v15;
	v17 =	vld.idx.msk [tilespmem:v60+s21+$0x0], vm15  }
0x295: {  	v14 =	vor.u32 $0x7300, v14;
	(v2sf) =	vpush v61, $0x0;
	_ =	sdelay $0x3  }
0x296: {  	[tilespmem:v62+s19+$0x0] =	vst.idx.msk vm15, v17  }
0x297: {  	v63 =	vor.u32 $0x3E, v15;
	v14 =	vld.idx.msk [tilespmem:v14+s21+$0x0], vm15  }
0x298: {  	v16 =	vor.u32 $0x7380, v16;
	_ =	sdelay $0x3  }
0x299: {  	s25 =	sadd.s32 $0xFFFFFFFF, s25;
	[tilespmem:v63+s19+$0x0] =	vst.idx.msk vm15, v14  }
0x29a: {  	p1 =	sne.s32 s25, $0x0;
	v15 =	vor.u32 $0x3F, v15;
	v14 =	vld.idx.msk [tilespmem:v16+s21+$0x0], vm15  }
.Ltmp17:
0x29b: {  	_ = 	snop;
	(pc) =	sbr.rel @p1 .LBB2_24-.Ltmp17, $3  }
0x29c: {  	_ =	sdelay $0x1  }
0x29d: {  	s26 =	sadd.s32 $0x10, s26;
	s31 =	spop (v2sf)  }
0x29e: {  	s28 =	sadd.s32 $0x10, s28;
	s29 =	sadd.s32 $0x10, s29;
	s23 =	sadd.s32 s23, s31;
	[tilespmem:v15+s19+$0x0] =	vst.idx.msk vm15, v14  }
.Ltmp18:
0x29f: {  	_ = 	snop;
	(pc) =	sbr.rel .LBB2_25-.Ltmp18, $1  }
0x2a0: {  	_ =	sdelay $0x3  }
.LBB2_18:
.Ltmp19:
0x2a1: {  	(pc) =	sbr.rel .LBB2_22-.Ltmp19, $2  }
0x2a2: {  	_ =	sdelay $0x2  }
0x2a3: {  	s0 =	simm.s32 $0x0;
	s28 =	simm.s32 $0x2000;
	s29 =	simm.s32 $0x0  }
.LBB2_20:
.Ltmp20:
0x2a4: {  	(pc) =	sbr.rel .LBB2_22-.Ltmp20, $2  }
0x2a5: {  	_ =	sdelay $0x2  }
0x2a6: {  	s0 =	simm.s32 $0x0;
	s28 =	simm.s32 $0x2000;
	s29 =	simm.s32 $0x0  }
.LBB2_8:
.Ltmp21:
0x2a7: {  	(pc) =	sbr.rel .LBB2_12-.Ltmp21, $2  }
0x2a8: {  	_ =	sdelay $0x2  }
0x2a9: {  	s0 =	simm.s32 $0x0;
	s30 =	simm.s32 $0x2000;
	s31 =	simm.s32 $0x0  }
.LBB2_10:
.Ltmp22:
0x2aa: {  	(pc) =	sbr.rel .LBB2_12-.Ltmp22, $2  }
0x2ab: {  	_ =	sdelay $0x2  }
0x2ac: {  	s0 =	simm.s32 $0x0;
	s30 =	simm.s32 $0x2000;
	s31 =	simm.s32 $0x0  }
.LBB2_27:
0x2ad: {  	_ =	sfence.sel $0x180000  }
0x2ae: {  	[bflag:$0x0] =	sbarrier.arrive $0xFFFF  }
0x2af: {  	_ =	strace $0x90000047  }
0x2b0: {  	s0 =	stileid.u32;
	[bflag:$0x2] =	sbarrier.arrive $0xFFFF  }
0x2b1: {  	p0 =	sne.s32 s0, $0x0;
	s0 =	rddreg [dreg:$0x2]  }
0x2b2: {  	s0 =	sadd.s32 @!p0 $0x100000, s0  }
0x2b3: {  	[sflag:s0] =	ssyncadd.tile.s32 @!p0 $0x1;
	_ =	shalt  }
.Lfunc_end2:
_tile_overlayer_lowered:
.L_overlay_start_2:
0x2b4: {  	(tag) =	ssettag $0x2  }
0x2b5: {  	s0 =	rddreg [dreg:$0x0];
	s2 =	stileid.u32  }
0x2b6: {  	s1 =	rddreg [dreg:$0x1];
	p0 =	sne.s32 s2, $0x0  }
0x2b7: {  	s3 =	rddreg [dreg:$0x2];
	[bflag:$0x3] =	sbarrier.arrive $0xFFFF;
	s2 =	simm.s32 @!p0 $0x1C04  }
0x2b8: {  	[timem:s3], [sflag:s2] =	dma.local @!p0 [hbm:s0], s1  }
0x2b9: {  	s0 =	simm.s32 @!p0 $0x4  }
0x2ba: {  	_ =	swait.ge @!p0 [sflag:s0], s1  }
0x2bb: {  	s1 =	ssub.s32 @!p0 $0x0, s1;
	[sflag:s0] =	ssyncset.done @!p0 $0x0  }
0x2bc: {  	[sflag:s0] =	ssyncadd.s32 @!p0 s1  }
0x2bd: {  	[bflag:$0x3] =	sbarrier.arrive $0xFFFF  }
0x2be: {  	_ =	shalt  }

// kernel: kernel.8.cloned.1.call-start
scs
__scs_entry_jumppad:
0x0: {  	(pc) =	sbr.rel $0x88, $3  }
0x1: {  	(tag) =	ssettag $0x0;
	lr =	simm.s32 $0x1  }
0x2: {  	[smem:$0x3F9C] =	sst lr;
	_ =	strace $0xD0000000  }
0x3: {  	_ = 	snop  }
0x4: {  	_ = 	snop  }
0x5: {  	_ = 	snop  }
0x6: {  	_ = 	snop  }
0x7: {  	_ = 	snop  }
__scs_overlays_trampoline_lowered:
0x8: {  	[smem:$0x3FAB] =	sst s0  }
0x9: {  	[smem:$0x3FAC] =	sst s1  }
0xa: {  	[smem:$0x3FAD] =	sst s2  }
0xb: {  	[smem:$0x3FAE] =	sst s3  }
0xc: {  	[smem:$0x3FAF] =	sst s4  }
0xd: {  	[smem:$0x3FB0] =	sst s5  }
0xe: {  	[smem:$0x3FB1] =	sst s6  }
0xf: {  	[smem:$0x3FB2] =	sst s7  }
0x10: {  	[smem:$0x3FB3] =	sst s8  }
0x11: {  	[smem:$0x3FB4] =	sst s9;
	s0 =	simm.s32 @!p0 $0x0  }
0x12: {  	s1 =	sld [smem:$0x3F9A];
	s0 =	simm.s32 @p0 $0x1  }
0x13: {  	[smem:$0x3FB5] =	sst s0;
	s0 =	simm.s32 @!p1 $0x0  }
0x14: {  	s2 =	sld [smem:$0x3F99];
	s0 =	simm.s32 @p1 $0x1  }
0x15: {  	[smem:$0x3FB6] =	sst s0;
	s0 =	simm.s32 @!p2 $0x0  }
0x16: {  	s3 =	sld [smem:$0x3FDB];
	s0 =	simm.s32 @p2 $0x1  }
0x17: {  	s4 =	simm.s32 $0x1BF5;
	[smem:$0x3FB8] =	sst s0  }
0x18: {  	s0 =	sld [smem:$0x3F9B];
	_ =	swait.ge [sflag:s4], $0x0  }
0x19: {  	s7 =	sld [smem:$0x3F9C]  }
0x1a: {  	s8 =	sadd.s32 $0xFFFFE003, lr  }
0x1b: {  	s9 =	sadd.s32 $0xFFFFFEF7, lr;
	s5 =	simm.s32 $0xFFFFFFFF;
	p2 =	slt.u32 s8, $0xFFFFF086  }
0x1c: {  	p1 =	slt.u32 s9, $0xF7A;
	s5 =	simm.s32 @!p2 $0x0  }
0x1d: {  	s5 =	simm.s32 @p1 $0x1;
	p0 =	seq.s32 s7, s2  }
0x1e: {  	s7 =	smul.u32 @!p0 $0xF7A, s2;
	p2 =	seq.s32 @!p0 s5, $0x0  }
0x1f: {  	s9 =	smul.u32 $0xF7A, s1;
	s8 =	simm.s32 @!p0 $0x1BF5;
	p2 =	por !p2, p0  }
0x20: {  	[sflag:s8] =	ssyncset.s32 @!p0 $0xFFFFF086;
	s6 =	sadd.s32 @!p0 s3, s7;
	s7 =	simm.s32 @!p0 $0x108  }
0x21: {  	s3 =	sadd.s32 s3, s9;
	s6 =	sadd.s32 @!p0 $0x88, s6;
	s7 =	simm.s32 @p2 $0x1082  }
0x22: {  	[simem:s7], [sflag:s8] =	dma.local @!p0 [hbm:s6], $0xF7A  }
0x23: {  	s9 =	sor.u32 $0xD0000000, s2;
	s6 =	simm.s32 $0x108;
	_ =	swait.ge @!p0 [sflag:s8], $0x0  }
0x24: {  	s3 =	sadd.s32 $0x88, s3;
	s6 =	simm.s32 @!p1 $0x1082;
	[sflag:s4] =	ssyncset.s32 $0xFFFFF086  }
0x25: {  	[simem:s6], [sflag:s4] =	dma.local [hbm:s3], $0xF7A  }
0x26: {  	[smem:$0x3F9C] =	sst s1;
	(tag) =	ssettag s2;
	_ =	strace s9  }
0x27: {  	s1 =	sld [smem:$0x3FAC]  }
0x28: {  	s2 =	sld [smem:$0x3FAD]  }
0x29: {  	s4 =	sld [smem:$0x3FAF]  }
0x2a: {  	p0 =	seq.s32 s5, $0x0;
	s5 =	sld [smem:$0x3FB0]  }
0x2b: {  	s6 =	sld [smem:$0x3FB1]  }
0x2c: {  	s7 =	sld [smem:$0x3FB2]  }
0x2d: {  	s3 =	simm.s32 $0x108;
	s8 =	sld [smem:$0x3FB3]  }
0x2e: {  	s3 =	simm.s32 @!p0 $0x1082;
	s9 =	sld [smem:$0x3FB4]  }
0x2f: {  	lr =	sadd.s32 s0, s3;
	s0 =	sld [smem:$0x3FAB]  }
0x30: {  	s3 =	sld [smem:$0x3FAE]  }
0x31: {  	[smem:$0x3FB7] =	sst s10  }
0x32: {  	s10 =	sld [smem:$0x3FB5];
	_ =	sdelay $0x3  }
0x33: {  	p0 =	seq.s32 s10, $0x1;
	s10 =	sld [smem:$0x3FB7];
	_ =	sdelay $0x3  }
0x34: {  	[smem:$0x3FB7] =	sst s10  }
0x35: {  	s10 =	sld [smem:$0x3FB6];
	_ =	sdelay $0x3  }
0x36: {  	p1 =	seq.s32 s10, $0x1;
	s10 =	sld [smem:$0x3FB7];
	_ =	sdelay $0x3  }
0x37: {  	[smem:$0x3FB7] =	sst s10  }
0x38: {  	s10 =	sld [smem:$0x3FB8]  }
0x39: {  	_ = 	snop;
	(pc) =	sbr.ind lr, $3  }
0x3a: {  	_ = 	snop  }
0x3b: {  	_ = 	snop  }
0x3c: {  	p2 =	seq.s32 s10, $0x1;
	s10 =	sld [smem:$0x3FB7]  }
0x3d: {  	_ =	shalt  }
0x3e: {  	_ =	shalt  }
0x3f: {  	_ =	shalt  }
0x40: {  	_ =	shalt  }
0x41: {  	_ =	shalt  }
0x42: {  	_ =	shalt  }
0x43: {  	_ =	shalt  }
0x44: {  	_ =	shalt  }
0x45: {  	_ =	shalt  }
0x46: {  	_ =	shalt  }
0x47: {  	_ =	shalt  }
0x48: {  	_ =	shalt  }
0x49: {  	_ =	shalt  }
0x4a: {  	_ =	shalt  }
0x4b: {  	_ =	shalt  }
0x4c: {  	_ =	shalt  }
0x4d: {  	_ =	shalt  }
0x4e: {  	_ =	shalt  }
0x4f: {  	_ =	shalt  }
0x50: {  	_ =	shalt  }
0x51: {  	_ =	shalt  }
0x52: {  	_ =	shalt  }
0x53: {  	_ =	shalt  }
0x54: {  	_ =	shalt  }
0x55: {  	_ =	shalt  }
0x56: {  	_ =	shalt  }
0x57: {  	_ =	shalt  }
0x58: {  	_ =	shalt  }
0x59: {  	_ =	shalt  }
0x5a: {  	_ =	shalt  }
0x5b: {  	_ =	shalt  }
0x5c: {  	_ =	shalt  }
0x5d: {  	_ =	shalt  }
0x5e: {  	_ =	shalt  }
0x5f: {  	_ =	shalt  }
0x60: {  	_ =	shalt  }
0x61: {  	_ =	shalt  }
0x62: {  	_ =	shalt  }
0x63: {  	_ =	shalt  }
0x64: {  	_ =	shalt  }
0x65: {  	_ =	shalt  }
0x66: {  	_ =	shalt  }
0x67: {  	_ =	shalt  }
0x68: {  	_ =	shalt  }
0x69: {  	_ =	shalt  }
0x6a: {  	_ =	shalt  }
0x6b: {  	_ =	shalt  }
0x6c: {  	_ =	shalt  }
0x6d: {  	_ =	shalt  }
0x6e: {  	_ =	shalt  }
0x6f: {  	_ =	shalt  }
0x70: {  	_ =	shalt  }
0x71: {  	_ =	shalt  }
0x72: {  	_ =	shalt  }
0x73: {  	_ =	shalt  }
0x74: {  	_ =	shalt  }
0x75: {  	_ =	shalt  }
0x76: {  	_ =	shalt  }
0x77: {  	_ =	shalt  }
0x78: {  	_ =	shalt  }
0x79: {  	_ =	shalt  }
0x7a: {  	_ =	shalt  }
0x7b: {  	_ =	shalt  }
0x7c: {  	_ =	shalt  }
0x7d: {  	_ =	shalt  }
0x7e: {  	_ =	shalt  }
0x7f: {  	_ =	shalt  }
0x80: {  	_ =	shalt  }
0x81: {  	_ =	shalt  }
0x82: {  	_ =	shalt  }
0x83: {  	_ =	shalt  }
0x84: {  	_ =	shalt  }
0x85: {  	_ =	shalt  }
0x86: {  	_ =	shalt  }
0x87: {  	_ =	shalt  }
.Lfunc_end0:
.L_simem_size_0:
called_computation.1_lowered:
.L_overlay_start_0:
0x88: {  	s2 =	sld [smem:$0x3FD9]  }
0x89: {  	s3 =	sld [smem:$0x3FFE];
	_ =	sdelay $0x1  }
0x8a: {  	s1 =	srdreg.scid  }
0x8b: {  	s0 =	sand.u32 $0x1, s1  }
0x8c: {  	s17 =	sshll.u32 s0, $0xA;
	s2 =	sadd.s32 s3, s2  }
0x8d: {  	s2 =	sadd.s32 s2, s17  }
0x8e: {  	[smem:$0x3FC3] =	sst s2  }
0x8f: {  	_ = 	snop  }
0x90: {  	s2 =	sld [smem:$0x3FC6]  }
0x91: {  	s18 =	sld [smem:$0x3FD0];
	(tm) =	ssettm $0x1  }
0x92: {  	s4 =	sld [smem:$0x3FFB];
	_ =	sdelay $0x3  }
0x93: {  	_ =	strace s4  }
0x94: {  	s4 =	sld [smem:$0x3FFC];
	_ =	sdelay $0x3  }
0x95: {  	_ =	strace s4  }
0x96: {  	s4 =	sld [smem:$0x3FFD];
	_ =	sdelay $0x3  }
0x97: {  	_ =	strace s4  }
0x98: {  	_ =	strace $0x8FFFFFFF  }
0x99: {  	s19 =	sld [smem:$0x3FDB];
	_ =	sdelay $0x1  }
0x9a: {  	s5 =	simm.s32 $_scs_section_size  }
0x9b: {  	s6 =	simm.s32 $_size__tile_overlayer_lowered;
	s7 =	simm.s32 $_tile_overlayer_lowered  }
0x9c: {  	s22 =	simm.s32 $0x1BFF;
	s21 =	sshll.u32 s7, $0x1;
	s4 =	sadd.s32 s5, s19  }
0x9d: {  	s8 =	simm.s32 $0x0;
	s20 =	sshll.u32 s6, $0x1;
	s6 =	sadd.s32 s21, s4  }
0x9e: {  	[timem:s8], [sflag:s22] =	dma.local [hbm:s6], s20  }
0x9f: {  	_ =	swait.ge [sflag:s22], s20  }
0xa0: {  	s5 =	ssub.s32 $0x0, s20;
	[sflag:s22] =	ssyncset.done $0x0  }
0xa1: {  	[sflag:s22] =	ssyncadd.s32 s5;
	_ =	sdelay $0x1  }
0xa2: {  	s23 =	simm.s32 $0x1B8B  }
0xa3: {  	_ =	swait.ge [sflag:s23], $0x1  }
0xa4: {  	[sflag:s23] =	ssyncset.done $0x0  }
0xa5: {  	s25 =	simm.s32 $0x1B8E;
	s24 =	sld [smem:$0x3FFE];
	[sflag:s23] =	ssyncadd.s32 $0xFFFFFFFF  }
0xa6: {  	s26 =	simm.s32 $execute0_lowered;
	[smem:$0x3FD2] =	sst s25  }
0xa7: {  	s6 =	sshll.u32 s26, $0x1;
	_ =	strace $0x80000049;
	[dreg:$0x1] =	wrdreg $0xFFFFFFFF  }
0xa8: {  	s28 =	simm.s32 $_size_execute0_lowered;
	s4 =	sadd.s32 s4, s6;
	[dreg:$0x0] =	wrdreg $0x0  }
0xa9: {  	s6 =	sshll.u32 s28, $0x1;
	[dreg:$0x2] =	wrdreg s4  }
0xaa: {  	[dreg:$0x3] =	wrdreg s6  }
0xab: {  	[dreg:$0x4] =	wrdreg $0xC0  }
0xac: {  	_ =	task [dreg:s8], $0x5FFFF  }
0xad: {  	[dreg:$0x1] =	wrdreg $0xFFFFFFFF  }
0xae: {  	[dreg:$0x0] =	wrdreg $0x60  }
0xaf: {  	[dreg:$0x2] =	wrdreg s24  }
0xb0: {  	[dreg:$0x3] =	wrdreg s2  }
0xb1: {  	[dreg:$0x4] =	wrdreg s18  }
0xb2: {  	[dreg:$0x5] =	wrdreg $0x9  }
0xb3: {  	_ =	task.clear_ibuf [dreg:s8], $0x6FFFF;
	_ =	strace $0x90000049  }
0xb4: {  	s29 =	simm.s32 $0x9;
	_ =	strace $0x8000004B  }
0xb5: {  	_ =	swait.ge [sflag:s29], $0x1  }
0xb6: {  	[sflag:s29] =	ssyncadd.s32 $0xFFFFFFFF  }
0xb7: {  	_ =	strace $0x9000004B  }
0xb8: {  	_ =	sfence  }
0xb9: {  	s30 =	sld [smem:$0x0];
	_ =	sdelay $0x2  }
0xba: {  	s31 =	sshll.u32 s1, $0xD;
	s1 =	sshrl.u32 s1, $0x2  }
0xbb: {  	s3 =	sand.u32 $0x4000, s31;
	s1 =	sadd.s32 s1, s30  }
0xbc: {  	s0 =	sor.u32 s3, s0;
	s1 =	sshll.u32 s1, $0x11  }
0xbd: {  	s0 =	sor.u32 s1, s0  }
0xbe: {  	s0 =	sadd.s32 $0x8F2B, s0  }
0xbf: {  	[sflag:s0] =	ssyncadd.remote.s32 $0x1  }
0xc0: {  	_ =	sfence.sel $0xFFFF  }
0xc1: {  	[dreg:$0x0] =	wrdreg $0xFFFFFFFF;
	(pc) =	sbr.abs _section_cstart, $3  }
0xc2: {  	[dreg:$0x1] =	wrdreg $0xFFFFFFFF  }
0xc3: {  	_ =	task.clear_ibuf [dreg:s8], $0x2FFFF;
	_ =	strace $0x9FFFFFFF  }
0xc4: {  	(tm) =	ssettm $0x7FFFFFFF  }
0xc5: {  	_ =	shalt  }
tec
execute0_lowered:
.L_overlay_start_1:
0x0: {  	(tag) =	ssettag $0x1  }
0x1: {  	s0 =	rddreg [dreg:$0x0]  }
0x2: {  	s1 =	rddreg [dreg:$0x1]  }
0x3: {  	s4 =	rddreg [dreg:$0x2];
	s2 =	simm.s32 $0x0  }
0x4: {  	s3 =	srdreg.scid;
	s5 =	stileid.u32;
	s18 =	simm.s32 $0x3  }
0x5: {  	s28 =	simm.s32 $0x14200;
	s29 =	simm.s32 $0x1;
	s30 =	simm.s32 $0x18200  }
0x6: {  	s31 =	simm.s32 $0x2;
	[smem:$0x7FF] =	sst s2;
	s3 =	sand.u32 $0x1, s3  }
0x7: {  	s5 =	sshll.u32 s5, $0xA;
	s8 =	sadd.s32 $0x2C00, s0;
	s6 =	sshll.u32 s3, $0x9  }
0x8: {  	_ =	strace $0x8000004A;
	s7 =	ssub.s32 $0x2, s3;
	s5 =	sor.u32 s6, s5  }
0x9: {  	s3 =	sadd.s32 $0x83400, s0;
	s19 =	sshrl.u32 s7, $0x1;
	s6 =	sor.u32 $0x80, s5  }
0xa: {  	s0 =	ssub.s32 s7, s19;
	s16 =	sshrl.u32 s5, $0x3;
	s12 =	sor.u32 $0x100, s5  }
0xb: {  	s14 =	sor.u32 $0x180, s5;
	s5 =	sshll.u32 s5, $0x4;
	s19 =	simm.s32 $0x80  }
0xc: {  	s20 =	sshrl.u32 s6, $0x3;
	s9 =	sadd.s32 s1, s16;
	s21 =	sshrl.u32 s12, $0x3  }
0xd: {  	v0 =	vimm.s32 $0xEFCDAB89;
	v1 =	vimm.s32 $0x67452301;
	v2 =	vimm.s32 $0xDCFE98BA;
	s22 =	sshrl.u32 s14, $0x3;
	s24 =	sshll.u32 s6, $0x4;
	s25 =	sshll.u32 s12, $0x4  }
0xe: {  	v3 =	vimm.s32 $0x54761032;
	v4 =	vimm.s32 $0xBA98FEDC;
	v5 =	vimm.s32 $0xFEDCBA98;
	s26 =	sshll.u32 s14, $0x4;
	s16 =	sadd.s32 s4, s16;
	s17 =	smax.u32 s0, $0x1  }
0xf: {  	v6 =	vimm.s32 $0x32107654;
	v7 =	vimm.s32 $0x76543210;
	v0 =	vunpack.c.l.s4.s8 v0;
	s0 =	simm.s32 $0x0;
	[dreg:$0x4] =	wrdreg s9;
	s7 =	sadd.s32 s1, s20  }
0x10: {  	v1 =	vunpack.c.l.s4.s8 v1;
	v2 =	vunpack.c.l.s4.s8 v2;
	v3 =	vunpack.c.l.s4.s8 v3;
	s10 =	sadd.s32 s8, s24;
	s12 =	sadd.s32 s8, s25;
	s14 =	sadd.s32 s8, s26  }
0x11: {  	v5 =	vunpack.c.l.s4.s8 v5;
	v4 =	vunpack.c.l.s4.s8 v4;
	v6 =	vunpack.c.l.s4.s8 v6;
	s20 =	simm.s32 $0x100;
	s24 =	simm.s32 $0x10200;
	s25 =	simm.s32 $0x4200  }
0x12: {  	v7 =	vunpack.c.l.s4.s8 v7;
	v0 =	vunpack.c.0.s8.s32 v0;
	v1 =	vunpack.c.0.s8.s32 v1;
	s26 =	simm.s32 $0xC200;
	[dreg:$0x5] =	wrdreg s7;
	s7 =	sadd.s32 s1, s21  }
0x13: {  	v2 =	vunpack.c.0.s8.s32 v2;
	v3 =	vunpack.c.0.s8.s32 v3;
	v5 =	vunpack.c.0.s8.s32 v5;
	s1 =	sadd.s32 s1, s22;
	s21 =	simm.s32 $0x180;
	[dreg:$0x6] =	wrdreg s7  }
0x14: {  	v4 =	vunpack.c.0.s8.s32 v4;
	v6 =	vunpack.c.0.s8.s32 v6;
	v7 =	vunpack.c.0.s8.s32 v7;
	s22 =	simm.s32 $0x200;
	s7 =	sadd.s32 s8, s5;
	[dreg:$0x7] =	wrdreg s1  }
0x15: {  	v0 =	vcombine.low v1, v0;
	v1 =	vcombine.low v3, v2;
	v3 =	vand.u32 $0xF, v5;
	s23 =	sadd.s32 $0x40000, s7;
	s11 =	sadd.s32 $0x40800, s7;
	s13 =	sadd.s32 $0x41000, s7  }
0x16: {  	v2 =	vcombine.low v6, v4;
	v4 =	vlaneseq.u32;
	v3 =	vcombine.low v3, v7;
	s15 =	sadd.s32 $0x41800, s7;
	[dreg:$0x8] =	wrdreg s23;
	s23 =	simm.s32 $0x8200  }
.LBB2_1:
0x17: {  	s1 =	rddreg [dreg:$0x4]  }
0x18: {  	[tilespmem:s2], [sflag:$0x3] =	stream.linear.gather [hbm4b:s1+s2], $0x80, $0x38;
	[tilespmem:$0x18400] =	vst v63  }
0x19: {  	_ =	swait.ge [sflag:s18], $0x80  }
0x1a: {  	[sflag:s18] =	ssyncset.done $0x0  }
0x1b: {  	s9 =	rddreg [dreg:$0x5];
	[sflag:s18] =	ssyncadd.s32 $0xFFFFFF80  }
0x1c: {  	[tilespmem:s19], [sflag:$0x3] =	stream.linear.gather [hbm4b:s9+s2], $0x80, $0x38;
	[tilespmem:$0x18400] =	vst v63  }
0x1d: {  	_ =	swait.ge [sflag:s18], $0x80  }
0x1e: {  	[sflag:s18] =	ssyncset.done $0x0  }
0x1f: {  	s4 =	rddreg [dreg:$0x6];
	[sflag:s18] =	ssyncadd.s32 $0xFFFFFF80  }
0x20: {  	[tilespmem:s20], [sflag:$0x3] =	stream.linear.gather [hbm4b:s4+s2], $0x80, $0x38;
	[tilespmem:$0x18400] =	vst v63  }
0x21: {  	_ =	swait.ge [sflag:s18], $0x80  }
0x22: {  	[sflag:s18] =	ssyncset.done $0x0  }
0x23: {  	s5 =	rddreg [dreg:$0x7];
	[sflag:s18] =	ssyncadd.s32 $0xFFFFFF80  }
0x24: {  	[tilespmem:s21], [sflag:$0x3] =	stream.linear.gather [hbm4b:s5+s2], $0x80, $0x38;
	[tilespmem:$0x18400] =	vst v63  }
0x25: {  	_ =	swait.ge [sflag:s18], $0x80  }
0x26: {  	[sflag:s18] =	ssyncset.done $0x0  }
0x27: {  	[sflag:s18] =	ssyncadd.s32 $0xFFFFFF80  }
0x28: {  	[tilespmem:s22], [sflag:$0x1] =	stream.linear.gather [hbm4b:s7+s2], $0x4000, $0x38;
	[tilespmem:$0x18400] =	vst v63  }
0x29: {  	s6 =	rddreg [dreg:$0x8]  }
0x2a: {  	[tilespmem:s23], [sflag:$0x1] =	stream.linear.gather [hbm4b:s6+s2], $0x4000, $0x38;
	[tilespmem:$0x18400] =	vst v63  }
0x2b: {  	_ = 	snop  }
0x2c: {  	[tilespmem:s24], [sflag:$0x1] =	stream.indirect.gather [hbm4b:s3+s19], $0x80, s2, s19, $0xb8;
	[tilespmem:$0x18400] =	vst v63  }
0x2d: {  	_ = 	snop  }
0x2e: {  	[tilespmem:s25], [sflag:$0x2] =	stream.linear.gather [hbm4b:s10+s2], $0x4000, $0x38;
	[tilespmem:$0x18400] =	vst v63  }
0x2f: {  	_ = 	snop  }
0x30: {  	[tilespmem:s26], [sflag:$0x2] =	stream.linear.gather [hbm4b:s11+s2], $0x4000, $0x38;
	[tilespmem:$0x18400] =	vst v63  }
0x31: {  	_ = 	snop  }
0x32: {  	[tilespmem:s28], [sflag:$0x2] =	stream.indirect.gather [hbm4b:s3+s19], $0x80, s19, s19, $0xb8;
	[tilespmem:$0x18400] =	vst v63  }
0x33: {  	_ =	swait.ge [sflag:s29], $0x4000  }
0x34: {  	[sflag:s29] =	ssyncset.done $0x0  }
0x35: {  	[sflag:s29] =	ssyncadd.s32 $0xFFFFC000  }
0x36: {  	_ =	swait.ge [sflag:s29], $0x4000  }
0x37: {  	[sflag:s29] =	ssyncset.done $0x0  }
0x38: {  	[sflag:s29] =	ssyncadd.s32 $0xFFFFC000  }
0x39: {  	_ =	swait.ge [sflag:s29], $0x4000  }
0x3a: {  	[sflag:s29] =	ssyncset.done $0x0  }
0x3b: {  	s4 =	simm.s32 $0x10240;
	[sflag:s29] =	ssyncadd.s32 $0xFFFFC000  }
0x3c: {  	s8 =	simm.s32 $0x220;
	v5 =	vld [tilespmem:s4+$0xFFFFFFF0]  }
0x3d: {  	v6 =	vld [tilespmem:s8+$0x10]  }
0x3e: {  	v7 =	vld [tilespmem:s4+$0x20]  }
0x3f: {  	v8 =	vld [tilespmem:s4+$0xFFFFFFE0]  }
0x40: {  	v9 =	vld [tilespmem:s8+$0x0]  }
0x41: {  	v10 =	vld [tilespmem:s4+$0xFFFFFFD0]  }
0x42: {  	v11 =	vld [tilespmem:s8+$0xFFFFFFF0]  }
0x43: {  	v12 =	vld [tilespmem:s4+$0xFFFFFFC0]  }
0x44: {  	v13 =	vld [tilespmem:s8+$0xFFFFFFE0]  }
0x45: {  	v14 =	vld [tilespmem:s4+$0x10]  }
0x46: {  	s1 =	simm.s32 $0x8220;
	v15 =	vld [tilespmem:s4+$0x0]  }
0x47: {  	v16 =	vld [tilespmem:s1+$0xFFFFFFF0]  }
0x48: {  	v17 =	vld [tilespmem:s1+$0xFFFFFFE0]  }
0x49: {  	v12 =	vmul.f32 v12, v13;
	v10 =	vmul.f32 v10, v11;
	v11 =	vld [tilespmem:s4+$0x30]  }
0x4a: {  	v13 =	vld [tilespmem:s1+$0x0];
	v8 =	vmul.f32 v8, v9  }
0x4b: {  	v9 =	vadd.f32 v15, v12;
	v10 =	vadd.f32 v14, v10  }
0x4c: {  	v5 =	vmul.f32 v5, v6;
	v7 =	vadd.f32 v7, v8;
	v8 =	vld [tilespmem:s1+$0x10]  }
0x4d: {  	v6 =	vsub.f32 v9, v17;
	v9 =	vsub.f32 v10, v16  }
0x4e: {  	v5 =	vadd.f32 v11, v5  }
0x4f: {  	v7 =	vsub.f32 v7, v13;
	v6 =	vmul.f32 v6, v6;
	v9 =	vmul.f32 v9, v9;
	_ =	sdelay $0x1  }
0x50: {  	v7 =	vmul.f32 v7, v7;
	v5 =	vsub.f32 v5, v8;
	v6 =	vadd.f32 v9, v6;
	_ =	sdelay $0x1  }
0x51: {  	v5 =	vmul.f32 v5, v5;
	v6 =	vadd.f32 v7, v6;
	_ =	sdelay $0x1  }
0x52: {  	v5 =	vadd.f32 v5, v6;
	_ =	sdelay $0x1  }
0x53: {  	v6 =	vperm.xlane v5, v0;
	_ =	sdelay $0x1  }
0x54: {  	v5 =	vadd.f32 v5, v6;
	_ =	sdelay $0x1  }
0x55: {  	v6 =	vperm.xlane v5, v1;
	_ =	sdelay $0x1  }
0x56: {  	v5 =	vadd.f32 v5, v6;
	_ =	sdelay $0x1  }
0x57: {  	v6 =	vperm.xlane v5, v2;
	_ =	sdelay $0x1  }
0x58: {  	v5 =	vadd.f32 v5, v6;
	_ =	sdelay $0x1  }
0x59: {  	v6 =	vperm.xlane v5, v3;
	_ =	sdelay $0x1  }
0x5a: {  	v5 =	vadd.f32 v5, v6;
	_ =	sdelay $0x1  }
0x5b: {  	v5 =	vmax.f32 v5, $1.000000020e-35  }
0x5c: {  	v6 =	vshrl.u32 v5, $0x1;
	v7 =	vmul.f32 $5.000000000e-01, v5  }
0x5d: {  	v6 =	vsub.s32 $0x5F3759DF, v6  }
0x5e: {  	v8 =	vmul.f32 v6, v7;
	_ =	sdelay $0x1  }
0x5f: {  	v8 =	vmul.f32 v6, v8;
	_ =	sdelay $0x1  }
0x60: {  	v8 =	vsub.f32 $1.500000000e+00, v8;
	_ =	sdelay $0x1  }
0x61: {  	v6 =	vmul.f32 v6, v8;
	_ =	sdelay $0x1  }
0x62: {  	v8 =	vmul.f32 v6, v7;
	_ =	sdelay $0x1  }
0x63: {  	v8 =	vmul.f32 v8, v6;
	_ =	sdelay $0x1  }
0x64: {  	v8 =	vsub.f32 $1.500000000e+00, v8;
	_ =	sdelay $0x1  }
0x65: {  	v6 =	vmul.f32 v8, v6;
	_ =	sdelay $0x1  }
0x66: {  	v7 =	vmul.f32 v6, v7;
	_ =	sdelay $0x1  }
0x67: {  	s9 =	sand.u32 $0xF, s2;
	v7 =	vmul.f32 v7, v6  }
0x68: {  	v8 =	vmov s9  }
0x69: {  	vm0 =	veq.s32 v8, v4;
	v7 =	vsub.f32 $1.500000000e+00, v7  }
0x6a: {  	v8 =	vmov s2  }
0x6b: {  	v6 =	vmul.f32 v7, v6;
	_ =	sdelay $0x1  }
0x6c: {  	v5 =	vmul.f32 v6, v5;
	_ =	sdelay $0x1  }
0x6d: {  	s5 =	simm.s32 $0x102C0;
	[tilespmem:v8+s30+$0x0] =	vst.idx.msk vm0, v5  }
0x6e: {  	s6 =	simm.s32 $0x2A0;
	v5 =	vld [tilespmem:s5+$0xFFFFFFF0]  }
0x6f: {  	v6 =	vld [tilespmem:s6+$0x10]  }
0x70: {  	v7 =	vld [tilespmem:s5+$0x20]  }
0x71: {  	v8 =	vld [tilespmem:s5+$0xFFFFFFE0]  }
0x72: {  	v9 =	vld [tilespmem:s6+$0x0]  }
0x73: {  	v10 =	vld [tilespmem:s5+$0xFFFFFFD0]  }
0x74: {  	v11 =	vld [tilespmem:s6+$0xFFFFFFF0]  }
0x75: {  	v12 =	vld [tilespmem:s5+$0xFFFFFFC0]  }
0x76: {  	s8 =	simm.s32 $0x2;
	s4 =	simm.s32 $0x1;
	v13 =	vld [tilespmem:s6+$0xFFFFFFE0]  }
.LBB2_2:
0x77: {  	p0 =	sne.s32 s8, $0x7F;
	v14 =	vld [tilespmem:s5+$0x10]  }
0x78: {  	s1 =	sadd.s32 $0x80, s1;
	v15 =	vld [tilespmem:s5+$0x0]  }
0x79: {  	v16 =	vld [tilespmem:s1+$0xFFFFFFF0]  }
0x7a: {  	v17 =	vld [tilespmem:s1+$0xFFFFFFE0]  }
0x7b: {  	v10 =	vmul.f32 v10, v11;
	v12 =	vmul.f32 v12, v13;
	v11 =	vld [tilespmem:s5+$0x30]  }
0x7c: {  	v8 =	vmul.f32 v8, v9;
	v13 =	vld [tilespmem:s1+$0x0]  }
0x7d: {  	v10 =	vadd.f32 v14, v10;
	v9 =	vadd.f32 v15, v12  }
0x7e: {  	v5 =	vmul.f32 v5, v6;
	v7 =	vadd.f32 v7, v8;
	v8 =	vld [tilespmem:s1+$0x10]  }
0x7f: {  	v6 =	vsub.f32 v9, v17;
	v9 =	vsub.f32 v10, v16  }
0x80: {  	v5 =	vadd.f32 v11, v5  }
0x81: {  	v6 =	vmul.f32 v6, v6;
	v9 =	vmul.f32 v9, v9;
	v7 =	vsub.f32 v7, v13;
	_ =	sdelay $0x1  }
0x82: {  	v6 =	vadd.f32 v9, v6;
	v7 =	vmul.f32 v7, v7;
	v5 =	vsub.f32 v5, v8;
	_ =	sdelay $0x1  }
0x83: {  	v6 =	vadd.f32 v7, v6;
	v5 =	vmul.f32 v5, v5;
	_ =	sdelay $0x1  }
0x84: {  	v5 =	vadd.f32 v5, v6;
	_ =	sdelay $0x1  }
0x85: {  	v6 =	vperm.xlane v5, v0;
	_ =	sdelay $0x1  }
0x86: {  	v5 =	vadd.f32 v5, v6;
	_ =	sdelay $0x1  }
0x87: {  	v6 =	vperm.xlane v5, v1;
	_ =	sdelay $0x1  }
0x88: {  	v5 =	vadd.f32 v5, v6;
	_ =	sdelay $0x1  }
0x89: {  	v6 =	vperm.xlane v5, v2;
	_ =	sdelay $0x1  }
0x8a: {  	v5 =	vadd.f32 v5, v6;
	_ =	sdelay $0x1  }
0x8b: {  	v6 =	vperm.xlane v5, v3;
	_ =	sdelay $0x1  }
0x8c: {  	v5 =	vadd.f32 v5, v6;
	_ =	sdelay $0x1  }
0x8d: {  	v5 =	vmax.f32 v5, $1.000000020e-35  }
0x8e: {  	v6 =	vshrl.u32 v5, $0x1;
	v7 =	vmul.f32 $5.000000000e-01, v5  }
0x8f: {  	v6 =	vsub.s32 $0x5F3759DF, v6  }
0x90: {  	v8 =	vmul.f32 v6, v7;
	_ =	sdelay $0x1  }
0x91: {  	v8 =	vmul.f32 v6, v8;
	_ =	sdelay $0x1  }
0x92: {  	v8 =	vsub.f32 $1.500000000e+00, v8;
	_ =	sdelay $0x1  }
0x93: {  	v6 =	vmul.f32 v6, v8;
	_ =	sdelay $0x1  }
0x94: {  	v8 =	vmul.f32 v6, v7;
	_ =	sdelay $0x1  }
0x95: {  	v8 =	vmul.f32 v8, v6;
	_ =	sdelay $0x1  }
0x96: {  	v8 =	vsub.f32 $1.500000000e+00, v8;
	_ =	sdelay $0x1  }
0x97: {  	v6 =	vmul.f32 v8, v6;
	_ =	sdelay $0x1  }
0x98: {  	v7 =	vmul.f32 v6, v7;
	_ =	sdelay $0x1  }
0x99: {  	s9 =	sand.u32 $0xF, s4;
	v7 =	vmul.f32 v7, v6  }
0x9a: {  	v8 =	vmov s9  }
0x9b: {  	vm0 =	veq.s32 v8, v4;
	v7 =	vsub.f32 $1.500000000e+00, v7  }
0x9c: {  	v8 =	vmov s4;
	s4 =	smov.u32 s8  }
0x9d: {  	v6 =	vmul.f32 v7, v6;
	_ =	sdelay $0x1  }
0x9e: {  	v5 =	vmul.f32 v6, v5;
	_ =	sdelay $0x1  }
0x9f: {  	s5 =	sadd.s32 $0x80, s5;
	[tilespmem:v8+s30+$0x0] =	vst.idx.msk vm0, v5  }
0xa0: {  	s6 =	sadd.s32 $0x80, s6;
	v5 =	vld [tilespmem:s5+$0xFFFFFFF0]  }
0xa1: {  	v6 =	vld [tilespmem:s6+$0x10]  }
0xa2: {  	v7 =	vld [tilespmem:s5+$0x20]  }
0xa3: {  	v8 =	vld [tilespmem:s5+$0xFFFFFFE0]  }
.Ltmp0:
0xa4: {  	v9 =	vld [tilespmem:s6+$0x0];
	(pc) =	sbr.rel @p0 .LBB2_2-.Ltmp0, $4  }
0xa5: {  	v10 =	vld [tilespmem:s5+$0xFFFFFFD0]  }
0xa6: {  	v11 =	vld [tilespmem:s6+$0xFFFFFFF0]  }
0xa7: {  	v12 =	vld [tilespmem:s5+$0xFFFFFFC0]  }
0xa8: {  	s8 =	sadd.s32 $0x1, s8;
	v13 =	vld [tilespmem:s6+$0xFFFFFFE0]  }
0xa9: {  	v14 =	vld [tilespmem:s5+$0x10]  }
0xaa: {  	v15 =	vld [tilespmem:s5+$0x0];
	s1 =	sadd.s32 $0x80, s1  }
0xab: {  	v16 =	vld [tilespmem:s1+$0xFFFFFFF0]  }
0xac: {  	v17 =	vld [tilespmem:s1+$0xFFFFFFE0]  }
0xad: {  	v10 =	vmul.f32 v10, v11;
	v11 =	vld [tilespmem:s5+$0x30];
	v12 =	vmul.f32 v12, v13  }
0xae: {  	v8 =	vmul.f32 v8, v9;
	v13 =	vld [tilespmem:s1+$0x0]  }
0xaf: {  	v10 =	vadd.f32 v14, v10;
	v9 =	vadd.f32 v15, v12  }
0xb0: {  	v5 =	vmul.f32 v5, v6;
	v7 =	vadd.f32 v7, v8;
	v8 =	vld [tilespmem:s1+$0x10]  }
0xb1: {  	v6 =	vsub.f32 v9, v17;
	v9 =	vsub.f32 v10, v16  }
0xb2: {  	v5 =	vadd.f32 v11, v5  }
0xb3: {  	v7 =	vsub.f32 v7, v13;
	v6 =	vmul.f32 v6, v6;
	v9 =	vmul.f32 v9, v9;
	_ =	sdelay $0x1  }
0xb4: {  	v5 =	vsub.f32 v5, v8;
	v7 =	vmul.f32 v7, v7;
	v6 =	vadd.f32 v9, v6;
	_ =	sdelay $0x1  }
0xb5: {  	v5 =	vmul.f32 v5, v5;
	v6 =	vadd.f32 v7, v6;
	_ =	sdelay $0x1  }
0xb6: {  	v5 =	vadd.f32 v5, v6;
	_ =	sdelay $0x1  }
0xb7: {  	v6 =	vperm.xlane v5, v0;
	_ =	sdelay $0x1  }
0xb8: {  	v5 =	vadd.f32 v5, v6;
	_ =	sdelay $0x1  }
0xb9: {  	v6 =	vperm.xlane v5, v1;
	_ =	sdelay $0x1  }
0xba: {  	v5 =	vadd.f32 v5, v6;
	_ =	sdelay $0x1  }
0xbb: {  	v6 =	vperm.xlane v5, v2;
	_ =	sdelay $0x1  }
0xbc: {  	v5 =	vadd.f32 v5, v6;
	_ =	sdelay $0x1  }
0xbd: {  	v6 =	vperm.xlane v5, v3;
	_ =	sdelay $0x1  }
0xbe: {  	v5 =	vadd.f32 v5, v6;
	_ =	sdelay $0x1  }
0xbf: {  	v5 =	vmax.f32 v5, $1.000000020e-35  }
0xc0: {  	v6 =	vshrl.u32 v5, $0x1;
	v7 =	vmul.f32 $5.000000000e-01, v5  }
0xc1: {  	v6 =	vsub.s32 $0x5F3759DF, v6  }
0xc2: {  	v8 =	vmul.f32 v6, v7;
	_ =	sdelay $0x1  }
0xc3: {  	v8 =	vmul.f32 v6, v8;
	_ =	sdelay $0x1  }
0xc4: {  	v8 =	vsub.f32 $1.500000000e+00, v8;
	_ =	sdelay $0x1  }
0xc5: {  	v6 =	vmul.f32 v6, v8;
	_ =	sdelay $0x1  }
0xc6: {  	v8 =	vmul.f32 v6, v7;
	_ =	sdelay $0x1  }
0xc7: {  	v8 =	vmul.f32 v8, v6;
	_ =	sdelay $0x1  }
0xc8: {  	v8 =	vsub.f32 $1.500000000e+00, v8;
	_ =	sdelay $0x1  }
0xc9: {  	v6 =	vmul.f32 v8, v6;
	_ =	sdelay $0x1  }
0xca: {  	v7 =	vmul.f32 v6, v7;
	_ =	sdelay $0x1  }
0xcb: {  	s5 =	sand.u32 $0xF, s4;
	v7 =	vmul.f32 v7, v6  }
0xcc: {  	v8 =	vmov s5  }
0xcd: {  	vm0 =	veq.s32 v8, v4;
	v7 =	vsub.f32 $1.500000000e+00, v7  }
0xce: {  	v8 =	vmov s4  }
0xcf: {  	v6 =	vmul.f32 v7, v6;
	_ =	sdelay $0x1  }
0xd0: {  	v5 =	vmul.f32 v6, v5;
	_ =	sdelay $0x1  }
0xd1: {  	s4 =	simm.s32 $0x0;
	[tilespmem:v8+s30+$0x0] =	vst.idx.msk vm0, v5  }
0xd2: {  	[tilespmem:s22], [sflag:$0x1] =	stream.linear.gather [hbm4b:s12+s4], $0x4000, $0x38;
	[tilespmem:$0x18400] =	vst v63  }
0xd3: {  	_ = 	snop  }
0xd4: {  	[tilespmem:s23], [sflag:$0x1] =	stream.linear.gather [hbm4b:s13+s4], $0x4000, $0x38;
	[tilespmem:$0x18400] =	vst v63  }
0xd5: {  	_ = 	snop  }
0xd6: {  	[tilespmem:s24], [sflag:$0x1] =	stream.indirect.gather [hbm4b:s3+s19], $0x80, s20, s19, $0xb8;
	[tilespmem:$0x18400] =	vst v63  }
0xd7: {  	_ =	swait.ge [sflag:s31], $0x4000  }
0xd8: {  	[sflag:s31] =	ssyncset.done $0x0  }
0xd9: {  	[sflag:s31] =	ssyncadd.s32 $0xFFFFC000  }
0xda: {  	_ =	swait.ge [sflag:s31], $0x4000  }
0xdb: {  	[sflag:s31] =	ssyncset.done $0x0  }
0xdc: {  	[sflag:s31] =	ssyncadd.s32 $0xFFFFC000  }
0xdd: {  	_ =	swait.ge [sflag:s31], $0x4000  }
0xde: {  	[sflag:s31] =	ssyncset.done $0x0  }
0xdf: {  	s6 =	simm.s32 $0x14240;
	[sflag:s31] =	ssyncadd.s32 $0xFFFFC000  }
0xe0: {  	s8 =	simm.s32 $0x4220;
	v5 =	vld [tilespmem:s6+$0xFFFFFFF0]  }
0xe1: {  	v6 =	vld [tilespmem:s8+$0x10]  }
0xe2: {  	v7 =	vld [tilespmem:s6+$0x20]  }
0xe3: {  	v8 =	vld [tilespmem:s6+$0xFFFFFFE0]  }
0xe4: {  	v9 =	vld [tilespmem:s8+$0x0]  }
0xe5: {  	v10 =	vld [tilespmem:s6+$0xFFFFFFD0]  }
0xe6: {  	v11 =	vld [tilespmem:s8+$0xFFFFFFF0]  }
0xe7: {  	v12 =	vld [tilespmem:s6+$0xFFFFFFC0]  }
0xe8: {  	v13 =	vld [tilespmem:s8+$0xFFFFFFE0]  }
0xe9: {  	v14 =	vld [tilespmem:s6+$0x10]  }
0xea: {  	s1 =	simm.s32 $0xC220;
	v15 =	vld [tilespmem:s6+$0x0]  }
0xeb: {  	v62 =	vld [tilespmem:s1+$0xFFFFFFF0]  }
0xec: {  	v63 =	vld [tilespmem:s1+$0xFFFFFFE0]  }
0xed: {  	v12 =	vmul.f32 v12, v13;
	v10 =	vmul.f32 v10, v11;
	v11 =	vld [tilespmem:s6+$0x30]  }
0xee: {  	v13 =	vld [tilespmem:s1+$0x0];
	v8 =	vmul.f32 v8, v9  }
0xef: {  	v9 =	vadd.f32 v15, v12;
	v10 =	vadd.f32 v14, v10  }
0xf0: {  	v5 =	vmul.f32 v5, v6;
	v7 =	vadd.f32 v7, v8;
	v8 =	vld [tilespmem:s1+$0x10]  }
0xf1: {  	v6 =	vsub.f32 v9, v63;
	v9 =	vsub.f32 v10, v62  }
0xf2: {  	v5 =	vadd.f32 v11, v5  }
0xf3: {  	v7 =	vsub.f32 v7, v13;
	v6 =	vmul.f32 v6, v6;
	v9 =	vmul.f32 v9, v9;
	_ =	sdelay $0x1  }
0xf4: {  	v7 =	vmul.f32 v7, v7;
	v5 =	vsub.f32 v5, v8;
	v6 =	vadd.f32 v9, v6;
	_ =	sdelay $0x1  }
0xf5: {  	v5 =	vmul.f32 v5, v5;
	v6 =	vadd.f32 v7, v6;
	_ =	sdelay $0x1  }
0xf6: {  	v5 =	vadd.f32 v5, v6;
	_ =	sdelay $0x1  }
0xf7: {  	v6 =	vperm.xlane v5, v0;
	_ =	sdelay $0x1  }
0xf8: {  	v5 =	vadd.f32 v5, v6;
	_ =	sdelay $0x1  }
0xf9: {  	v6 =	vperm.xlane v5, v1;
	_ =	sdelay $0x1  }
0xfa: {  	v5 =	vadd.f32 v5, v6;
	_ =	sdelay $0x1  }
0xfb: {  	v6 =	vperm.xlane v5, v2;
	_ =	sdelay $0x1  }
0xfc: {  	v5 =	vadd.f32 v5, v6;
	_ =	sdelay $0x1  }
0xfd: {  	v6 =	vperm.xlane v5, v3;
	_ =	sdelay $0x1  }
0xfe: {  	v5 =	vadd.f32 v5, v6;
	_ =	sdelay $0x1  }
0xff: {  	v5 =	vmax.f32 v5, $1.000000020e-35  }
0x100: {  	v6 =	vshrl.u32 v5, $0x1;
	v7 =	vmul.f32 $5.000000000e-01, v5  }
0x101: {  	v6 =	vsub.s32 $0x5F3759DF, v6  }
0x102: {  	v8 =	vmul.f32 v6, v7;
	_ =	sdelay $0x1  }
0x103: {  	v8 =	vmul.f32 v6, v8;
	_ =	sdelay $0x1  }
0x104: {  	v8 =	vsub.f32 $1.500000000e+00, v8;
	_ =	sdelay $0x1  }
0x105: {  	v6 =	vmul.f32 v6, v8;
	_ =	sdelay $0x1  }
0x106: {  	v8 =	vmul.f32 v6, v7;
	_ =	sdelay $0x1  }
0x107: {  	v8 =	vmul.f32 v8, v6;
	_ =	sdelay $0x1  }
0x108: {  	v8 =	vsub.f32 $1.500000000e+00, v8;
	_ =	sdelay $0x1  }
0x109: {  	v6 =	vmul.f32 v8, v6;
	_ =	sdelay $0x1  }
0x10a: {  	v7 =	vmul.f32 v6, v7;
	_ =	sdelay $0x1  }
0x10b: {  	s9 =	sand.u32 $0xF, s4;
	v8 =	vmov s4;
	v7 =	vmul.f32 v7, v6  }
0x10c: {  	v9 =	vmov s9;
	v8 =	vadd.s32 $0x80, v8  }
0x10d: {  	vm15 =	veq.s32 v9, v4;
	v8 =	vbroadcast v8, $0x0;
	v7 =	vsub.f32 $1.500000000e+00, v7;
	_ =	sdelay $0x1  }
0x10e: {  	v6 =	vmul.f32 v7, v6;
	_ =	sdelay $0x1  }
0x10f: {  	v5 =	vmul.f32 v6, v5;
	_ =	sdelay $0x1  }
0x110: {  	s5 =	simm.s32 $0x142C0;
	[tilespmem:v8+s30+$0x0] =	vst.idx.msk vm15, v5  }
0x111: {  	s6 =	simm.s32 $0x42A0;
	v5 =	vld [tilespmem:s5+$0xFFFFFFF0]  }
0x112: {  	v6 =	vld [tilespmem:s6+$0x10]  }
0x113: {  	v7 =	vld [tilespmem:s5+$0x20]  }
0x114: {  	v8 =	vld [tilespmem:s5+$0xFFFFFFE0]  }
0x115: {  	v9 =	vld [tilespmem:s6+$0x0]  }
0x116: {  	v10 =	vld [tilespmem:s5+$0xFFFFFFD0]  }
0x117: {  	v11 =	vld [tilespmem:s6+$0xFFFFFFF0]  }
0x118: {  	v12 =	vld [tilespmem:s5+$0xFFFFFFC0]  }
0x119: {  	s8 =	simm.s32 $0x2;
	s4 =	simm.s32 $0x1;
	v13 =	vld [tilespmem:s6+$0xFFFFFFE0]  }
.LBB2_4:
0x11a: {  	p0 =	sne.s32 s8, $0x7F;
	v14 =	vld [tilespmem:s5+$0x10]  }
0x11b: {  	s1 =	sadd.s32 $0x80, s1;
	v15 =	vld [tilespmem:s5+$0x0]  }
0x11c: {  	v16 =	vld [tilespmem:s1+$0xFFFFFFF0]  }
0x11d: {  	v17 =	vld [tilespmem:s1+$0xFFFFFFE0]  }
0x11e: {  	v10 =	vmul.f32 v10, v11;
	v12 =	vmul.f32 v12, v13;
	v11 =	vld [tilespmem:s5+$0x30]  }
0x11f: {  	v8 =	vmul.f32 v8, v9;
	v13 =	vld [tilespmem:s1+$0x0]  }
0x120: {  	v10 =	vadd.f32 v14, v10;
	v9 =	vadd.f32 v15, v12  }
0x121: {  	v5 =	vmul.f32 v5, v6;
	v7 =	vadd.f32 v7, v8;
	v8 =	vld [tilespmem:s1+$0x10]  }
0x122: {  	v6 =	vsub.f32 v9, v17;
	v9 =	vsub.f32 v10, v16  }
0x123: {  	v5 =	vadd.f32 v11, v5  }
0x124: {  	v6 =	vmul.f32 v6, v6;
	v9 =	vmul.f32 v9, v9;
	v7 =	vsub.f32 v7, v13;
	_ =	sdelay $0x1  }
0x125: {  	v6 =	vadd.f32 v9, v6;
	v7 =	vmul.f32 v7, v7;
	v5 =	vsub.f32 v5, v8;
	_ =	sdelay $0x1  }
0x126: {  	v6 =	vadd.f32 v7, v6;
	v5 =	vmul.f32 v5, v5;
	_ =	sdelay $0x1  }
0x127: {  	v5 =	vadd.f32 v5, v6;
	_ =	sdelay $0x1  }
0x128: {  	v6 =	vperm.xlane v5, v0;
	_ =	sdelay $0x1  }
0x129: {  	v5 =	vadd.f32 v5, v6;
	_ =	sdelay $0x1  }
0x12a: {  	v6 =	vperm.xlane v5, v1;
	_ =	sdelay $0x1  }
0x12b: {  	v5 =	vadd.f32 v5, v6;
	_ =	sdelay $0x1  }
0x12c: {  	v6 =	vperm.xlane v5, v2;
	_ =	sdelay $0x1  }
0x12d: {  	v5 =	vadd.f32 v5, v6;
	_ =	sdelay $0x1  }
0x12e: {  	v6 =	vperm.xlane v5, v3;
	_ =	sdelay $0x1  }
0x12f: {  	v5 =	vadd.f32 v5, v6;
	_ =	sdelay $0x1  }
0x130: {  	v5 =	vmax.f32 v5, $1.000000020e-35  }
0x131: {  	v6 =	vshrl.u32 v5, $0x1;
	v7 =	vmul.f32 $5.000000000e-01, v5  }
0x132: {  	v6 =	vsub.s32 $0x5F3759DF, v6  }
0x133: {  	v8 =	vmul.f32 v6, v7;
	_ =	sdelay $0x1  }
0x134: {  	v8 =	vmul.f32 v6, v8;
	_ =	sdelay $0x1  }
0x135: {  	v8 =	vsub.f32 $1.500000000e+00, v8;
	_ =	sdelay $0x1  }
0x136: {  	v6 =	vmul.f32 v6, v8;
	_ =	sdelay $0x1  }
0x137: {  	v8 =	vmul.f32 v6, v7;
	_ =	sdelay $0x1  }
0x138: {  	v8 =	vmul.f32 v8, v6;
	_ =	sdelay $0x1  }
0x139: {  	v8 =	vsub.f32 $1.500000000e+00, v8;
	_ =	sdelay $0x1  }
0x13a: {  	v6 =	vmul.f32 v8, v6;
	_ =	sdelay $0x1  }
0x13b: {  	v7 =	vmul.f32 v6, v7;
	_ =	sdelay $0x1  }
0x13c: {  	s9 =	sand.u32 $0xF, s4;
	v8 =	vmov s4;
	s4 =	smov.u32 s8;
	v7 =	vmul.f32 v7, v6  }
0x13d: {  	v9 =	vmov s9;
	v8 =	vadd.s32 $0x80, v8  }
0x13e: {  	vm0 =	veq.s32 v9, v4;
	v8 =	vbroadcast v8, $0x0;
	v7 =	vsub.f32 $1.500000000e+00, v7;
	_ =	sdelay $0x1  }
0x13f: {  	v6 =	vmul.f32 v7, v6;
	_ =	sdelay $0x1  }
0x140: {  	v5 =	vmul.f32 v6, v5;
	_ =	sdelay $0x1  }
0x141: {  	s5 =	sadd.s32 $0x80, s5;
	[tilespmem:v8+s30+$0x0] =	vst.idx.msk vm0, v5  }
0x142: {  	s6 =	sadd.s32 $0x80, s6;
	v5 =	vld [tilespmem:s5+$0xFFFFFFF0]  }
0x143: {  	v6 =	vld [tilespmem:s6+$0x10]  }
0x144: {  	v7 =	vld [tilespmem:s5+$0x20]  }
0x145: {  	v8 =	vld [tilespmem:s5+$0xFFFFFFE0]  }
.Ltmp1:
0x146: {  	v9 =	vld [tilespmem:s6+$0x0];
	(pc) =	sbr.rel @p0 .LBB2_4-.Ltmp1, $4  }
0x147: {  	v10 =	vld [tilespmem:s5+$0xFFFFFFD0]  }
0x148: {  	v11 =	vld [tilespmem:s6+$0xFFFFFFF0]  }
0x149: {  	v12 =	vld [tilespmem:s5+$0xFFFFFFC0]  }
0x14a: {  	s8 =	sadd.s32 $0x1, s8;
	v13 =	vld [tilespmem:s6+$0xFFFFFFE0]  }
0x14b: {  	v14 =	vld [tilespmem:s5+$0x10]  }
0x14c: {  	v15 =	vld [tilespmem:s5+$0x0];
	s1 =	sadd.s32 $0x80, s1  }
0x14d: {  	v16 =	vld [tilespmem:s1+$0xFFFFFFF0]  }
0x14e: {  	v17 =	vld [tilespmem:s1+$0xFFFFFFE0]  }
0x14f: {  	v10 =	vmul.f32 v10, v11;
	v11 =	vld [tilespmem:s5+$0x30];
	v12 =	vmul.f32 v12, v13  }
0x150: {  	v8 =	vmul.f32 v8, v9;
	v13 =	vld [tilespmem:s1+$0x0]  }
0x151: {  	v10 =	vadd.f32 v14, v10;
	v9 =	vadd.f32 v15, v12  }
0x152: {  	v5 =	vmul.f32 v5, v6;
	v7 =	vadd.f32 v7, v8;
	v8 =	vld [tilespmem:s1+$0x10]  }
0x153: {  	v6 =	vsub.f32 v9, v17;
	v9 =	vsub.f32 v10, v16  }
0x154: {  	v5 =	vadd.f32 v11, v5  }
0x155: {  	v7 =	vsub.f32 v7, v13;
	v6 =	vmul.f32 v6, v6;
	v9 =	vmul.f32 v9, v9;
	_ =	sdelay $0x1  }
0x156: {  	v5 =	vsub.f32 v5, v8;
	v7 =	vmul.f32 v7, v7;
	v6 =	vadd.f32 v9, v6;
	_ =	sdelay $0x1  }
0x157: {  	v5 =	vmul.f32 v5, v5;
	v6 =	vadd.f32 v7, v6;
	_ =	sdelay $0x1  }
0x158: {  	v5 =	vadd.f32 v5, v6;
	_ =	sdelay $0x1  }
0x159: {  	v6 =	vperm.xlane v5, v0;
	_ =	sdelay $0x1  }
0x15a: {  	v5 =	vadd.f32 v5, v6;
	_ =	sdelay $0x1  }
0x15b: {  	v6 =	vperm.xlane v5, v1;
	_ =	sdelay $0x1  }
0x15c: {  	v5 =	vadd.f32 v5, v6;
	_ =	sdelay $0x1  }
0x15d: {  	v6 =	vperm.xlane v5, v2;
	_ =	sdelay $0x1  }
0x15e: {  	v5 =	vadd.f32 v5, v6;
	_ =	sdelay $0x1  }
0x15f: {  	v6 =	vperm.xlane v5, v3;
	_ =	sdelay $0x1  }
0x160: {  	v5 =	vadd.f32 v5, v6;
	_ =	sdelay $0x1  }
0x161: {  	v5 =	vmax.f32 v5, $1.000000020e-35  }
0x162: {  	v6 =	vshrl.u32 v5, $0x1;
	v7 =	vmul.f32 $5.000000000e-01, v5  }
0x163: {  	v6 =	vsub.s32 $0x5F3759DF, v6  }
0x164: {  	v8 =	vmul.f32 v6, v7;
	_ =	sdelay $0x1  }
0x165: {  	v8 =	vmul.f32 v6, v8;
	_ =	sdelay $0x1  }
0x166: {  	v8 =	vsub.f32 $1.500000000e+00, v8;
	_ =	sdelay $0x1  }
0x167: {  	v6 =	vmul.f32 v6, v8;
	_ =	sdelay $0x1  }
0x168: {  	v8 =	vmul.f32 v6, v7;
	_ =	sdelay $0x1  }
0x169: {  	v8 =	vmul.f32 v8, v6;
	_ =	sdelay $0x1  }
0x16a: {  	v8 =	vsub.f32 $1.500000000e+00, v8;
	_ =	sdelay $0x1  }
0x16b: {  	v6 =	vmul.f32 v8, v6;
	_ =	sdelay $0x1  }
0x16c: {  	v7 =	vmul.f32 v6, v7;
	_ =	sdelay $0x1  }
0x16d: {  	s5 =	sand.u32 $0xF, s4;
	v8 =	vmov s4;
	v7 =	vmul.f32 v7, v6  }
0x16e: {  	v9 =	vmov s5;
	v8 =	vadd.s32 $0x80, v8  }
0x16f: {  	vm0 =	veq.s32 v9, v4;
	v8 =	vbroadcast v8, $0x0;
	v7 =	vsub.f32 $1.500000000e+00, v7;
	_ =	sdelay $0x1  }
0x170: {  	v6 =	vmul.f32 v7, v6;
	_ =	sdelay $0x1  }
0x171: {  	v5 =	vmul.f32 v6, v5;
	_ =	sdelay $0x1  }
0x172: {  	s4 =	simm.s32 $0x0;
	[tilespmem:v8+s30+$0x0] =	vst.idx.msk vm0, v5  }
0x173: {  	[tilespmem:s25], [sflag:$0x2] =	stream.linear.gather [hbm4b:s14+s4], $0x4000, $0x38;
	[tilespmem:$0x18400] =	vst v63  }
0x174: {  	_ = 	snop  }
0x175: {  	[tilespmem:s26], [sflag:$0x2] =	stream.linear.gather [hbm4b:s15+s4], $0x4000, $0x38;
	[tilespmem:$0x18400] =	vst v63  }
0x176: {  	_ = 	snop  }
0x177: {  	[tilespmem:s28], [sflag:$0x2] =	stream.indirect.gather [hbm4b:s3+s19], $0x80, s21, s19, $0xb8;
	[tilespmem:$0x18400] =	vst v63  }
0x178: {  	_ =	swait.ge [sflag:s29], $0x4000  }
0x179: {  	[sflag:s29] =	ssyncset.done $0x0  }
0x17a: {  	[sflag:s29] =	ssyncadd.s32 $0xFFFFC000  }
0x17b: {  	_ =	swait.ge [sflag:s29], $0x4000  }
0x17c: {  	[sflag:s29] =	ssyncset.done $0x0  }
0x17d: {  	[sflag:s29] =	ssyncadd.s32 $0xFFFFC000  }
0x17e: {  	_ =	swait.ge [sflag:s29], $0x4000  }
0x17f: {  	[sflag:s29] =	ssyncset.done $0x0  }
0x180: {  	s6 =	simm.s32 $0x10240;
	[sflag:s29] =	ssyncadd.s32 $0xFFFFC000  }
0x181: {  	s8 =	simm.s32 $0x220;
	v5 =	vld [tilespmem:s6+$0xFFFFFFF0]  }
0x182: {  	v6 =	vld [tilespmem:s8+$0x10]  }
0x183: {  	v7 =	vld [tilespmem:s6+$0x20]  }
0x184: {  	v8 =	vld [tilespmem:s6+$0xFFFFFFE0]  }
0x185: {  	v9 =	vld [tilespmem:s8+$0x0]  }
0x186: {  	v10 =	vld [tilespmem:s6+$0xFFFFFFD0]  }
0x187: {  	v11 =	vld [tilespmem:s8+$0xFFFFFFF0]  }
0x188: {  	v12 =	vld [tilespmem:s6+$0xFFFFFFC0]  }
0x189: {  	v13 =	vld [tilespmem:s8+$0xFFFFFFE0]  }
0x18a: {  	v14 =	vld [tilespmem:s6+$0x10]  }
0x18b: {  	s1 =	simm.s32 $0x8220;
	v15 =	vld [tilespmem:s6+$0x0]  }
0x18c: {  	v62 =	vld [tilespmem:s1+$0xFFFFFFF0]  }
0x18d: {  	v63 =	vld [tilespmem:s1+$0xFFFFFFE0]  }
0x18e: {  	v12 =	vmul.f32 v12, v13;
	v10 =	vmul.f32 v10, v11;
	v11 =	vld [tilespmem:s6+$0x30]  }
0x18f: {  	v13 =	vld [tilespmem:s1+$0x0];
	v8 =	vmul.f32 v8, v9  }
0x190: {  	v9 =	vadd.f32 v15, v12;
	v10 =	vadd.f32 v14, v10  }
0x191: {  	v5 =	vmul.f32 v5, v6;
	v7 =	vadd.f32 v7, v8;
	v8 =	vld [tilespmem:s1+$0x10]  }
0x192: {  	v6 =	vsub.f32 v9, v63;
	v9 =	vsub.f32 v10, v62  }
0x193: {  	v5 =	vadd.f32 v11, v5  }
0x194: {  	v7 =	vsub.f32 v7, v13;
	v6 =	vmul.f32 v6, v6;
	v9 =	vmul.f32 v9, v9;
	_ =	sdelay $0x1  }
0x195: {  	v7 =	vmul.f32 v7, v7;
	v5 =	vsub.f32 v5, v8;
	v6 =	vadd.f32 v9, v6;
	_ =	sdelay $0x1  }
0x196: {  	v5 =	vmul.f32 v5, v5;
	v6 =	vadd.f32 v7, v6;
	_ =	sdelay $0x1  }
0x197: {  	v5 =	vadd.f32 v5, v6;
	_ =	sdelay $0x1  }
0x198: {  	v6 =	vperm.xlane v5, v0;
	_ =	sdelay $0x1  }
0x199: {  	v5 =	vadd.f32 v5, v6;
	_ =	sdelay $0x1  }
0x19a: {  	v6 =	vperm.xlane v5, v1;
	_ =	sdelay $0x1  }
0x19b: {  	v5 =	vadd.f32 v5, v6;
	_ =	sdelay $0x1  }
0x19c: {  	v6 =	vperm.xlane v5, v2;
	_ =	sdelay $0x1  }
0x19d: {  	v5 =	vadd.f32 v5, v6;
	_ =	sdelay $0x1  }
0x19e: {  	v6 =	vperm.xlane v5, v3;
	_ =	sdelay $0x1  }
0x19f: {  	v5 =	vadd.f32 v5, v6;
	_ =	sdelay $0x1  }
0x1a0: {  	v5 =	vmax.f32 v5, $1.000000020e-35  }
0x1a1: {  	v6 =	vshrl.u32 v5, $0x1;
	v7 =	vmul.f32 $5.000000000e-01, v5  }
0x1a2: {  	v6 =	vsub.s32 $0x5F3759DF, v6  }
0x1a3: {  	v8 =	vmul.f32 v6, v7;
	_ =	sdelay $0x1  }
0x1a4: {  	v8 =	vmul.f32 v6, v8;
	_ =	sdelay $0x1  }
0x1a5: {  	v8 =	vsub.f32 $1.500000000e+00, v8;
	_ =	sdelay $0x1  }
0x1a6: {  	v6 =	vmul.f32 v6, v8;
	_ =	sdelay $0x1  }
0x1a7: {  	v8 =	vmul.f32 v6, v7;
	_ =	sdelay $0x1  }
0x1a8: {  	v8 =	vmul.f32 v8, v6;
	_ =	sdelay $0x1  }
0x1a9: {  	v8 =	vsub.f32 $1.500000000e+00, v8;
	_ =	sdelay $0x1  }
0x1aa: {  	v6 =	vmul.f32 v8, v6;
	_ =	sdelay $0x1  }
0x1ab: {  	v7 =	vmul.f32 v6, v7;
	_ =	sdelay $0x1  }
0x1ac: {  	s9 =	sand.u32 $0xF, s4;
	v8 =	vmov s4;
	v7 =	vmul.f32 v7, v6  }
0x1ad: {  	v9 =	vmov s9;
	v8 =	vadd.s32 $0x100, v8  }
0x1ae: {  	vm15 =	veq.s32 v9, v4;
	v8 =	vbroadcast v8, $0x0;
	v7 =	vsub.f32 $1.500000000e+00, v7;
	_ =	sdelay $0x1  }
0x1af: {  	v6 =	vmul.f32 v7, v6;
	_ =	sdelay $0x1  }
0x1b0: {  	v5 =	vmul.f32 v6, v5;
	_ =	sdelay $0x1  }
0x1b1: {  	s5 =	simm.s32 $0x102C0;
	[tilespmem:v8+s30+$0x0] =	vst.idx.msk vm15, v5  }
0x1b2: {  	s6 =	simm.s32 $0x2A0;
	v5 =	vld [tilespmem:s5+$0xFFFFFFF0]  }
0x1b3: {  	v6 =	vld [tilespmem:s6+$0x10]  }
0x1b4: {  	v7 =	vld [tilespmem:s5+$0x20]  }
0x1b5: {  	v8 =	vld [tilespmem:s5+$0xFFFFFFE0]  }
0x1b6: {  	v9 =	vld [tilespmem:s6+$0x0]  }
0x1b7: {  	v10 =	vld [tilespmem:s5+$0xFFFFFFD0]  }
0x1b8: {  	v11 =	vld [tilespmem:s6+$0xFFFFFFF0]  }
0x1b9: {  	v12 =	vld [tilespmem:s5+$0xFFFFFFC0]  }
0x1ba: {  	s8 =	simm.s32 $0x2;
	s4 =	simm.s32 $0x1;
	v13 =	vld [tilespmem:s6+$0xFFFFFFE0]  }
.LBB2_6:
0x1bb: {  	p0 =	sne.s32 s8, $0x7F;
	v14 =	vld [tilespmem:s5+$0x10]  }
0x1bc: {  	s1 =	sadd.s32 $0x80, s1;
	v15 =	vld [tilespmem:s5+$0x0]  }
0x1bd: {  	v16 =	vld [tilespmem:s1+$0xFFFFFFF0]  }
0x1be: {  	v17 =	vld [tilespmem:s1+$0xFFFFFFE0]  }
0x1bf: {  	v10 =	vmul.f32 v10, v11;
	v12 =	vmul.f32 v12, v13;
	v11 =	vld [tilespmem:s5+$0x30]  }
0x1c0: {  	v8 =	vmul.f32 v8, v9;
	v13 =	vld [tilespmem:s1+$0x0]  }
0x1c1: {  	v10 =	vadd.f32 v14, v10;
	v9 =	vadd.f32 v15, v12  }
0x1c2: {  	v5 =	vmul.f32 v5, v6;
	v7 =	vadd.f32 v7, v8;
	v8 =	vld [tilespmem:s1+$0x10]  }
0x1c3: {  	v6 =	vsub.f32 v9, v17;
	v9 =	vsub.f32 v10, v16  }
0x1c4: {  	v5 =	vadd.f32 v11, v5  }
0x1c5: {  	v6 =	vmul.f32 v6, v6;
	v9 =	vmul.f32 v9, v9;
	v7 =	vsub.f32 v7, v13;
	_ =	sdelay $0x1  }
0x1c6: {  	v6 =	vadd.f32 v9, v6;
	v7 =	vmul.f32 v7, v7;
	v5 =	vsub.f32 v5, v8;
	_ =	sdelay $0x1  }
0x1c7: {  	v6 =	vadd.f32 v7, v6;
	v5 =	vmul.f32 v5, v5;
	_ =	sdelay $0x1  }
0x1c8: {  	v5 =	vadd.f32 v5, v6;
	_ =	sdelay $0x1  }
0x1c9: {  	v6 =	vperm.xlane v5, v0;
	_ =	sdelay $0x1  }
0x1ca: {  	v5 =	vadd.f32 v5, v6;
	_ =	sdelay $0x1  }
0x1cb: {  	v6 =	vperm.xlane v5, v1;
	_ =	sdelay $0x1  }
0x1cc: {  	v5 =	vadd.f32 v5, v6;
	_ =	sdelay $0x1  }
0x1cd: {  	v6 =	vperm.xlane v5, v2;
	_ =	sdelay $0x1  }
0x1ce: {  	v5 =	vadd.f32 v5, v6;
	_ =	sdelay $0x1  }
0x1cf: {  	v6 =	vperm.xlane v5, v3;
	_ =	sdelay $0x1  }
0x1d0: {  	v5 =	vadd.f32 v5, v6;
	_ =	sdelay $0x1  }
0x1d1: {  	v5 =	vmax.f32 v5, $1.000000020e-35  }
0x1d2: {  	v6 =	vshrl.u32 v5, $0x1;
	v7 =	vmul.f32 $5.000000000e-01, v5  }
0x1d3: {  	v6 =	vsub.s32 $0x5F3759DF, v6  }
0x1d4: {  	v8 =	vmul.f32 v6, v7;
	_ =	sdelay $0x1  }
0x1d5: {  	v8 =	vmul.f32 v6, v8;
	_ =	sdelay $0x1  }
0x1d6: {  	v8 =	vsub.f32 $1.500000000e+00, v8;
	_ =	sdelay $0x1  }
0x1d7: {  	v6 =	vmul.f32 v6, v8;
	_ =	sdelay $0x1  }
0x1d8: {  	v8 =	vmul.f32 v6, v7;
	_ =	sdelay $0x1  }
0x1d9: {  	v8 =	vmul.f32 v8, v6;
	_ =	sdelay $0x1  }
0x1da: {  	v8 =	vsub.f32 $1.500000000e+00, v8;
	_ =	sdelay $0x1  }
0x1db: {  	v6 =	vmul.f32 v8, v6;
	_ =	sdelay $0x1  }
0x1dc: {  	v7 =	vmul.f32 v6, v7;
	_ =	sdelay $0x1  }
0x1dd: {  	s9 =	sand.u32 $0xF, s4;
	v8 =	vmov s4;
	s4 =	smov.u32 s8;
	v7 =	vmul.f32 v7, v6  }
0x1de: {  	v9 =	vmov s9;
	v8 =	vadd.s32 $0x100, v8  }
0x1df: {  	vm0 =	veq.s32 v9, v4;
	v8 =	vbroadcast v8, $0x0;
	v7 =	vsub.f32 $1.500000000e+00, v7;
	_ =	sdelay $0x1  }
0x1e0: {  	v6 =	vmul.f32 v7, v6;
	_ =	sdelay $0x1  }
0x1e1: {  	v5 =	vmul.f32 v6, v5;
	_ =	sdelay $0x1  }
0x1e2: {  	s5 =	sadd.s32 $0x80, s5;
	[tilespmem:v8+s30+$0x0] =	vst.idx.msk vm0, v5  }
0x1e3: {  	s6 =	sadd.s32 $0x80, s6;
	v5 =	vld [tilespmem:s5+$0xFFFFFFF0]  }
0x1e4: {  	v6 =	vld [tilespmem:s6+$0x10]  }
0x1e5: {  	v7 =	vld [tilespmem:s5+$0x20]  }
0x1e6: {  	v8 =	vld [tilespmem:s5+$0xFFFFFFE0]  }
.Ltmp2:
0x1e7: {  	v9 =	vld [tilespmem:s6+$0x0];
	(pc) =	sbr.rel @p0 .LBB2_6-.Ltmp2, $4  }
0x1e8: {  	v10 =	vld [tilespmem:s5+$0xFFFFFFD0]  }
0x1e9: {  	v11 =	vld [tilespmem:s6+$0xFFFFFFF0]  }
0x1ea: {  	v12 =	vld [tilespmem:s5+$0xFFFFFFC0]  }
0x1eb: {  	s8 =	sadd.s32 $0x1, s8;
	v13 =	vld [tilespmem:s6+$0xFFFFFFE0]  }
0x1ec: {  	v14 =	vld [tilespmem:s5+$0x10]  }
0x1ed: {  	v15 =	vld [tilespmem:s5+$0x0];
	s1 =	sadd.s32 $0x80, s1  }
0x1ee: {  	v16 =	vld [tilespmem:s1+$0xFFFFFFF0]  }
0x1ef: {  	v17 =	vld [tilespmem:s1+$0xFFFFFFE0]  }
0x1f0: {  	v10 =	vmul.f32 v10, v11;
	v11 =	vld [tilespmem:s5+$0x30];
	v12 =	vmul.f32 v12, v13  }
0x1f1: {  	v8 =	vmul.f32 v8, v9;
	v13 =	vld [tilespmem:s1+$0x0]  }
0x1f2: {  	v10 =	vadd.f32 v14, v10;
	v9 =	vadd.f32 v15, v12  }
0x1f3: {  	v5 =	vmul.f32 v5, v6;
	v7 =	vadd.f32 v7, v8;
	v8 =	vld [tilespmem:s1+$0x10]  }
0x1f4: {  	v6 =	vsub.f32 v9, v17;
	v9 =	vsub.f32 v10, v16  }
0x1f5: {  	v5 =	vadd.f32 v11, v5  }
0x1f6: {  	v7 =	vsub.f32 v7, v13;
	v6 =	vmul.f32 v6, v6;
	v9 =	vmul.f32 v9, v9;
	_ =	sdelay $0x1  }
0x1f7: {  	v5 =	vsub.f32 v5, v8;
	v7 =	vmul.f32 v7, v7;
	v6 =	vadd.f32 v9, v6;
	_ =	sdelay $0x1  }
0x1f8: {  	v5 =	vmul.f32 v5, v5;
	v6 =	vadd.f32 v7, v6;
	_ =	sdelay $0x1  }
0x1f9: {  	v5 =	vadd.f32 v5, v6;
	_ =	sdelay $0x1  }
0x1fa: {  	v6 =	vperm.xlane v5, v0;
	_ =	sdelay $0x1  }
0x1fb: {  	v5 =	vadd.f32 v5, v6;
	_ =	sdelay $0x1  }
0x1fc: {  	v6 =	vperm.xlane v5, v1;
	_ =	sdelay $0x1  }
0x1fd: {  	v5 =	vadd.f32 v5, v6;
	_ =	sdelay $0x1  }
0x1fe: {  	v6 =	vperm.xlane v5, v2;
	_ =	sdelay $0x1  }
0x1ff: {  	v5 =	vadd.f32 v5, v6;
	_ =	sdelay $0x1  }
0x200: {  	v6 =	vperm.xlane v5, v3;
	_ =	sdelay $0x1  }
0x201: {  	v5 =	vadd.f32 v5, v6;
	_ =	sdelay $0x1  }
0x202: {  	v5 =	vmax.f32 v5, $1.000000020e-35  }
0x203: {  	v6 =	vshrl.u32 v5, $0x1;
	v7 =	vmul.f32 $5.000000000e-01, v5  }
0x204: {  	v6 =	vsub.s32 $0x5F3759DF, v6  }
0x205: {  	v8 =	vmul.f32 v6, v7;
	_ =	sdelay $0x1  }
0x206: {  	v8 =	vmul.f32 v6, v8;
	_ =	sdelay $0x1  }
0x207: {  	v8 =	vsub.f32 $1.500000000e+00, v8;
	_ =	sdelay $0x1  }
0x208: {  	v6 =	vmul.f32 v6, v8;
	_ =	sdelay $0x1  }
0x209: {  	v8 =	vmul.f32 v6, v7;
	_ =	sdelay $0x1  }
0x20a: {  	v8 =	vmul.f32 v8, v6;
	_ =	sdelay $0x1  }
0x20b: {  	v8 =	vsub.f32 $1.500000000e+00, v8;
	_ =	sdelay $0x1  }
0x20c: {  	v6 =	vmul.f32 v8, v6;
	_ =	sdelay $0x1  }
0x20d: {  	v7 =	vmul.f32 v6, v7;
	_ =	sdelay $0x1  }
0x20e: {  	s9 =	sand.u32 $0xF, s4;
	v8 =	vmov s4;
	v7 =	vmul.f32 v7, v6  }
0x20f: {  	v9 =	vmov s9;
	v8 =	vadd.s32 $0x100, v8  }
0x210: {  	vm0 =	veq.s32 v9, v4;
	v8 =	vbroadcast v8, $0x0;
	v7 =	vsub.f32 $1.500000000e+00, v7;
	_ =	sdelay $0x1  }
0x211: {  	v6 =	vmul.f32 v7, v6;
	_ =	sdelay $0x1  }
0x212: {  	v5 =	vmul.f32 v6, v5;
	_ =	sdelay $0x1  }
0x213: {  	[tilespmem:v8+s30+$0x0] =	vst.idx.msk vm0, v5  }
0x214: {  	_ =	swait.ge [sflag:s31], $0x4000  }
0x215: {  	[sflag:s31] =	ssyncset.done $0x0  }
0x216: {  	[sflag:s31] =	ssyncadd.s32 $0xFFFFC000  }
0x217: {  	_ =	swait.ge [sflag:s31], $0x4000  }
0x218: {  	[sflag:s31] =	ssyncset.done $0x0  }
0x219: {  	[sflag:s31] =	ssyncadd.s32 $0xFFFFC000  }
0x21a: {  	_ =	swait.ge [sflag:s31], $0x4000  }
0x21b: {  	[sflag:s31] =	ssyncset.done $0x0  }
0x21c: {  	s5 =	simm.s32 $0x14240;
	[sflag:s31] =	ssyncadd.s32 $0xFFFFC000  }
0x21d: {  	s6 =	simm.s32 $0x4220;
	v5 =	vld [tilespmem:s5+$0xFFFFFFF0]  }
0x21e: {  	v6 =	vld [tilespmem:s6+$0x10]  }
0x21f: {  	v7 =	vld [tilespmem:s5+$0x20]  }
0x220: {  	v8 =	vld [tilespmem:s5+$0xFFFFFFE0]  }
0x221: {  	v9 =	vld [tilespmem:s6+$0x0]  }
0x222: {  	v10 =	vld [tilespmem:s5+$0xFFFFFFD0]  }
0x223: {  	v11 =	vld [tilespmem:s6+$0xFFFFFFF0]  }
0x224: {  	v12 =	vld [tilespmem:s5+$0xFFFFFFC0]  }
0x225: {  	v13 =	vld [tilespmem:s6+$0xFFFFFFE0]  }
0x226: {  	v14 =	vld [tilespmem:s5+$0x10]  }
0x227: {  	s1 =	simm.s32 $0xC220;
	v15 =	vld [tilespmem:s5+$0x0]  }
0x228: {  	v62 =	vld [tilespmem:s1+$0xFFFFFFF0]  }
0x229: {  	v63 =	vld [tilespmem:s1+$0xFFFFFFE0]  }
0x22a: {  	v12 =	vmul.f32 v12, v13;
	v10 =	vmul.f32 v10, v11;
	v11 =	vld [tilespmem:s5+$0x30]  }
0x22b: {  	v13 =	vld [tilespmem:s1+$0x0];
	v8 =	vmul.f32 v8, v9  }
0x22c: {  	v9 =	vadd.f32 v15, v12;
	v10 =	vadd.f32 v14, v10  }
0x22d: {  	v5 =	vmul.f32 v5, v6;
	v7 =	vadd.f32 v7, v8;
	v8 =	vld [tilespmem:s1+$0x10]  }
0x22e: {  	v6 =	vsub.f32 v9, v63;
	v9 =	vsub.f32 v10, v62  }
0x22f: {  	v5 =	vadd.f32 v11, v5  }
0x230: {  	v7 =	vsub.f32 v7, v13;
	v6 =	vmul.f32 v6, v6;
	v9 =	vmul.f32 v9, v9;
	_ =	sdelay $0x1  }
0x231: {  	v7 =	vmul.f32 v7, v7;
	v5 =	vsub.f32 v5, v8;
	v6 =	vadd.f32 v9, v6;
	_ =	sdelay $0x1  }
0x232: {  	v5 =	vmul.f32 v5, v5;
	v6 =	vadd.f32 v7, v6;
	_ =	sdelay $0x1  }
0x233: {  	v5 =	vadd.f32 v5, v6;
	_ =	sdelay $0x1  }
0x234: {  	v6 =	vperm.xlane v5, v0;
	_ =	sdelay $0x1  }
0x235: {  	v5 =	vadd.f32 v5, v6;
	_ =	sdelay $0x1  }
0x236: {  	v6 =	vperm.xlane v5, v1;
	_ =	sdelay $0x1  }
0x237: {  	v5 =	vadd.f32 v5, v6;
	_ =	sdelay $0x1  }
0x238: {  	v6 =	vperm.xlane v5, v2;
	_ =	sdelay $0x1  }
0x239: {  	v5 =	vadd.f32 v5, v6;
	_ =	sdelay $0x1  }
0x23a: {  	v6 =	vperm.xlane v5, v3;
	_ =	sdelay $0x1  }
0x23b: {  	v5 =	vadd.f32 v5, v6;
	_ =	sdelay $0x1  }
0x23c: {  	v5 =	vmax.f32 v5, $1.000000020e-35  }
0x23d: {  	v6 =	vshrl.u32 v5, $0x1;
	v7 =	vmul.f32 $5.000000000e-01, v5  }
0x23e: {  	v6 =	vsub.s32 $0x5F3759DF, v6  }
0x23f: {  	v8 =	vmul.f32 v6, v7;
	_ =	sdelay $0x1  }
0x240: {  	v8 =	vmul.f32 v6, v8;
	_ =	sdelay $0x1  }
0x241: {  	v8 =	vsub.f32 $1.500000000e+00, v8;
	_ =	sdelay $0x1  }
0x242: {  	v6 =	vmul.f32 v6, v8;
	_ =	sdelay $0x1  }
0x243: {  	v8 =	vmul.f32 v6, v7;
	_ =	sdelay $0x1  }
0x244: {  	v8 =	vmul.f32 v8, v6;
	_ =	sdelay $0x1  }
0x245: {  	v8 =	vsub.f32 $1.500000000e+00, v8;
	_ =	sdelay $0x1  }
0x246: {  	v6 =	vmul.f32 v8, v6;
	_ =	sdelay $0x1  }
0x247: {  	v7 =	vmul.f32 v6, v7  }
0x248: {  	s8 =	simm.s32 $0x0  }
0x249: {  	s9 =	sand.u32 $0xF, s8;
	v8 =	vmov s8;
	v7 =	vmul.f32 v7, v6  }
0x24a: {  	v9 =	vmov s9;
	v8 =	vadd.s32 $0x180, v8  }
0x24b: {  	vm15 =	veq.s32 v9, v4;
	v8 =	vbroadcast v8, $0x0;
	v7 =	vsub.f32 $1.500000000e+00, v7;
	_ =	sdelay $0x1  }
0x24c: {  	v6 =	vmul.f32 v7, v6;
	_ =	sdelay $0x1  }
0x24d: {  	v5 =	vmul.f32 v6, v5;
	_ =	sdelay $0x1  }
0x24e: {  	s5 =	simm.s32 $0x142C0;
	[tilespmem:v8+s30+$0x0] =	vst.idx.msk vm15, v5  }
0x24f: {  	s6 =	simm.s32 $0x42A0;
	v5 =	vld [tilespmem:s5+$0xFFFFFFF0]  }
0x250: {  	v6 =	vld [tilespmem:s6+$0x10]  }
0x251: {  	v7 =	vld [tilespmem:s5+$0x20]  }
0x252: {  	v8 =	vld [tilespmem:s5+$0xFFFFFFE0]  }
0x253: {  	v9 =	vld [tilespmem:s6+$0x0]  }
0x254: {  	v10 =	vld [tilespmem:s5+$0xFFFFFFD0]  }
0x255: {  	v11 =	vld [tilespmem:s6+$0xFFFFFFF0]  }
0x256: {  	v12 =	vld [tilespmem:s5+$0xFFFFFFC0]  }
0x257: {  	s4 =	simm.s32 $0x1;
	s8 =	simm.s32 $0x2;
	v13 =	vld [tilespmem:s6+$0xFFFFFFE0]  }
.LBB2_8:
0x258: {  	p0 =	sne.s32 s8, $0x7F;
	v14 =	vld [tilespmem:s5+$0x10]  }
0x259: {  	s1 =	sadd.s32 $0x80, s1;
	v15 =	vld [tilespmem:s5+$0x0]  }
0x25a: {  	v16 =	vld [tilespmem:s1+$0xFFFFFFF0]  }
0x25b: {  	v17 =	vld [tilespmem:s1+$0xFFFFFFE0]  }
0x25c: {  	v10 =	vmul.f32 v10, v11;
	v12 =	vmul.f32 v12, v13;
	v11 =	vld [tilespmem:s5+$0x30]  }
0x25d: {  	v8 =	vmul.f32 v8, v9;
	v13 =	vld [tilespmem:s1+$0x0]  }
0x25e: {  	v10 =	vadd.f32 v14, v10;
	v9 =	vadd.f32 v15, v12  }
0x25f: {  	v5 =	vmul.f32 v5, v6;
	v7 =	vadd.f32 v7, v8;
	v8 =	vld [tilespmem:s1+$0x10]  }
0x260: {  	v6 =	vsub.f32 v9, v17;
	v9 =	vsub.f32 v10, v16  }
0x261: {  	v5 =	vadd.f32 v11, v5  }
0x262: {  	v6 =	vmul.f32 v6, v6;
	v9 =	vmul.f32 v9, v9;
	v7 =	vsub.f32 v7, v13;
	_ =	sdelay $0x1  }
0x263: {  	v6 =	vadd.f32 v9, v6;
	v7 =	vmul.f32 v7, v7;
	v5 =	vsub.f32 v5, v8;
	_ =	sdelay $0x1  }
0x264: {  	v6 =	vadd.f32 v7, v6;
	v5 =	vmul.f32 v5, v5;
	_ =	sdelay $0x1  }
0x265: {  	v5 =	vadd.f32 v5, v6;
	_ =	sdelay $0x1  }
0x266: {  	v6 =	vperm.xlane v5, v0;
	_ =	sdelay $0x1  }
0x267: {  	v5 =	vadd.f32 v5, v6;
	_ =	sdelay $0x1  }
0x268: {  	v6 =	vperm.xlane v5, v1;
	_ =	sdelay $0x1  }
0x269: {  	v5 =	vadd.f32 v5, v6;
	_ =	sdelay $0x1  }
0x26a: {  	v6 =	vperm.xlane v5, v2;
	_ =	sdelay $0x1  }
0x26b: {  	v5 =	vadd.f32 v5, v6;
	_ =	sdelay $0x1  }
0x26c: {  	v6 =	vperm.xlane v5, v3;
	_ =	sdelay $0x1  }
0x26d: {  	v5 =	vadd.f32 v5, v6;
	_ =	sdelay $0x1  }
0x26e: {  	v5 =	vmax.f32 v5, $1.000000020e-35  }
0x26f: {  	v6 =	vshrl.u32 v5, $0x1;
	v7 =	vmul.f32 $5.000000000e-01, v5  }
0x270: {  	v6 =	vsub.s32 $0x5F3759DF, v6  }
0x271: {  	v8 =	vmul.f32 v6, v7;
	_ =	sdelay $0x1  }
0x272: {  	v8 =	vmul.f32 v6, v8;
	_ =	sdelay $0x1  }
0x273: {  	v8 =	vsub.f32 $1.500000000e+00, v8;
	_ =	sdelay $0x1  }
0x274: {  	v6 =	vmul.f32 v6, v8;
	_ =	sdelay $0x1  }
0x275: {  	v8 =	vmul.f32 v6, v7;
	_ =	sdelay $0x1  }
0x276: {  	v8 =	vmul.f32 v8, v6;
	_ =	sdelay $0x1  }
0x277: {  	v8 =	vsub.f32 $1.500000000e+00, v8;
	_ =	sdelay $0x1  }
0x278: {  	v6 =	vmul.f32 v8, v6;
	_ =	sdelay $0x1  }
0x279: {  	v7 =	vmul.f32 v6, v7;
	_ =	sdelay $0x1  }
0x27a: {  	s9 =	sand.u32 $0xF, s4;
	v8 =	vmov s4;
	s4 =	smov.u32 s8;
	v7 =	vmul.f32 v7, v6  }
0x27b: {  	v9 =	vmov s9;
	v8 =	vadd.s32 $0x180, v8  }
0x27c: {  	vm0 =	veq.s32 v9, v4;
	v8 =	vbroadcast v8, $0x0;
	v7 =	vsub.f32 $1.500000000e+00, v7;
	_ =	sdelay $0x1  }
0x27d: {  	v6 =	vmul.f32 v7, v6;
	_ =	sdelay $0x1  }
0x27e: {  	v5 =	vmul.f32 v6, v5;
	_ =	sdelay $0x1  }
0x27f: {  	s5 =	sadd.s32 $0x80, s5;
	[tilespmem:v8+s30+$0x0] =	vst.idx.msk vm0, v5  }
0x280: {  	s6 =	sadd.s32 $0x80, s6;
	v5 =	vld [tilespmem:s5+$0xFFFFFFF0]  }
0x281: {  	v6 =	vld [tilespmem:s6+$0x10]  }
0x282: {  	v7 =	vld [tilespmem:s5+$0x20]  }
0x283: {  	v8 =	vld [tilespmem:s5+$0xFFFFFFE0]  }
.Ltmp3:
0x284: {  	v9 =	vld [tilespmem:s6+$0x0];
	(pc) =	sbr.rel @p0 .LBB2_8-.Ltmp3, $4  }
0x285: {  	v10 =	vld [tilespmem:s5+$0xFFFFFFD0]  }
0x286: {  	v11 =	vld [tilespmem:s6+$0xFFFFFFF0]  }
0x287: {  	v12 =	vld [tilespmem:s5+$0xFFFFFFC0]  }
0x288: {  	s8 =	sadd.s32 $0x1, s8;
	v13 =	vld [tilespmem:s6+$0xFFFFFFE0]  }
0x289: {  	v14 =	vld [tilespmem:s5+$0x10]  }
0x28a: {  	v15 =	vld [tilespmem:s5+$0x0];
	s1 =	sadd.s32 $0x80, s1  }
0x28b: {  	v16 =	vld [tilespmem:s1+$0xFFFFFFF0]  }
0x28c: {  	v17 =	vld [tilespmem:s1+$0xFFFFFFE0]  }
0x28d: {  	v56 =	vld [tilespmem:s5+$0x30];
	v10 =	vmul.f32 v10, v11;
	v12 =	vmul.f32 v12, v13  }
0x28e: {  	v8 =	vmul.f32 v8, v9;
	v57 =	vld [tilespmem:s1+$0x0]  }
0x28f: {  	v10 =	vadd.f32 v14, v10;
	v58 =	vadd.f32 v15, v12  }
0x290: {  	v5 =	vmul.f32 v5, v6;
	v59 =	vld [tilespmem:s1+$0x10];
	v7 =	vadd.f32 v7, v8  }
0x291: {  	v60 =	vsub.f32 v10, v16;
	v6 =	vsub.f32 v58, v17  }
0x292: {  	v5 =	vadd.f32 v56, v5  }
0x293: {  	v7 =	vsub.f32 v7, v57;
	v9 =	vmul.f32 v60, v60;
	v6 =	vmul.f32 v6, v6;
	_ =	sdelay $0x1  }
0x294: {  	v5 =	vsub.f32 v5, v59;
	v7 =	vmul.f32 v7, v7;
	v6 =	vadd.f32 v9, v6;
	_ =	sdelay $0x1  }
0x295: {  	v5 =	vmul.f32 v5, v5;
	v6 =	vadd.f32 v7, v6;
	_ =	sdelay $0x1  }
0x296: {  	v5 =	vadd.f32 v5, v6;
	_ =	sdelay $0x1  }
0x297: {  	v6 =	vperm.xlane v5, v0;
	_ =	sdelay $0x1  }
0x298: {  	v5 =	vadd.f32 v5, v6;
	_ =	sdelay $0x1  }
0x299: {  	v6 =	vperm.xlane v5, v1;
	_ =	sdelay $0x1  }
0x29a: {  	v5 =	vadd.f32 v5, v6;
	_ =	sdelay $0x1  }
0x29b: {  	v6 =	vperm.xlane v5, v2;
	_ =	sdelay $0x1  }
0x29c: {  	v5 =	vadd.f32 v5, v6;
	_ =	sdelay $0x1  }
0x29d: {  	v6 =	vperm.xlane v5, v3;
	_ =	sdelay $0x1  }
0x29e: {  	v5 =	vadd.f32 v5, v6;
	_ =	sdelay $0x1  }
0x29f: {  	v5 =	vmax.f32 v5, $1.000000020e-35  }
0x2a0: {  	v6 =	vshrl.u32 v5, $0x1;
	v7 =	vmul.f32 $5.000000000e-01, v5  }
0x2a1: {  	v6 =	vsub.s32 $0x5F3759DF, v6  }
0x2a2: {  	v61 =	vmul.f32 v6, v7;
	_ =	sdelay $0x1  }
0x2a3: {  	v8 =	vmul.f32 v6, v61;
	_ =	sdelay $0x1  }
0x2a4: {  	v8 =	vsub.f32 $1.500000000e+00, v8;
	_ =	sdelay $0x1  }
0x2a5: {  	v6 =	vmul.f32 v6, v8;
	_ =	sdelay $0x1  }
0x2a6: {  	v8 =	vmul.f32 v6, v7;
	_ =	sdelay $0x1  }
0x2a7: {  	v8 =	vmul.f32 v8, v6;
	_ =	sdelay $0x1  }
0x2a8: {  	v8 =	vsub.f32 $1.500000000e+00, v8;
	_ =	sdelay $0x1  }
0x2a9: {  	v6 =	vmul.f32 v8, v6;
	_ =	sdelay $0x1  }
0x2aa: {  	v7 =	vmul.f32 v6, v7;
	_ =	sdelay $0x1  }
0x2ab: {  	s9 =	sand.u32 $0xF, s4;
	v62 =	vmov s4;
	v7 =	vmul.f32 v7, v6  }
0x2ac: {  	v63 =	vmov s9;
	v8 =	vadd.s32 $0x180, v62  }
0x2ad: {  	vm0 =	veq.s32 v63, v4;
	v8 =	vbroadcast v8, $0x0;
	v7 =	vsub.f32 $1.500000000e+00, v7;
	_ =	sdelay $0x1  }
0x2ae: {  	v6 =	vmul.f32 v7, v6;
	_ =	sdelay $0x1  }
0x2af: {  	s0 =	sadd.s32 $0x1, s0;
	v5 =	vmul.f32 v6, v5  }
0x2b0: {  	p0 =	sne.s32 s0, s17  }
.Ltmp4:
0x2b1: {  	[tilespmem:v8+s30+$0x0] =	vst.idx.msk vm0, v5;
	(pc) =	sbr.rel @p0 .LBB2_1-.Ltmp4, $4  }
0x2b2: {  	[hbm4b:s16+s2] =	stream.linear.scatter [tilespmem:s30], [sflag:$0x3], $0x200, $0x38;
	[tilespmem:$0x18400] =	vst v63  }
0x2b3: {  	_ =	swait.ge [sflag:s18], $0x200  }
0x2b4: {  	[sflag:s18] =	ssyncset.done $0x0  }
0x2b5: {  	[sflag:s18] =	ssyncadd.s32 $0xFFFFFE00  }
0x2b6: {  	_ =	sfence.sel $0x180000  }
0x2b7: {  	[bflag:$0x0] =	sbarrier.arrive $0xFFFF  }
0x2b8: {  	_ =	strace $0x9000004A  }
0x2b9: {  	s0 =	stileid.u32;
	[bflag:$0x2] =	sbarrier.arrive $0xFFFF  }
0x2ba: {  	p0 =	sne.s32 s0, $0x0;
	s0 =	rddreg [dreg:$0x3]  }
0x2bb: {  	s0 =	sadd.s32 @!p0 $0x100000, s0  }
0x2bc: {  	[sflag:s0] =	ssyncadd.tile.s32 @!p0 $0x1;
	_ =	shalt  }
.Lfunc_end2:
_tile_overlayer_lowered:
.L_overlay_start_2:
0x2bd: {  	(tag) =	ssettag $0x2  }
0x2be: {  	s0 =	rddreg [dreg:$0x0];
	s2 =	stileid.u32  }
0x2bf: {  	s1 =	rddreg [dreg:$0x1];
	p0 =	sne.s32 s2, $0x0  }
0x2c0: {  	s3 =	rddreg [dreg:$0x2];
	[bflag:$0x3] =	sbarrier.arrive $0xFFFF;
	s2 =	simm.s32 @!p0 $0x1C03  }
0x2c1: {  	[timem:s3], [sflag:s2] =	dma.local @!p0 [hbm:s0], s1  }
0x2c2: {  	s0 =	simm.s32 @!p0 $0x3  }
0x2c3: {  	_ =	swait.ge @!p0 [sflag:s0], s1  }
0x2c4: {  	s1 =	ssub.s32 @!p0 $0x0, s1;
	[sflag:s0] =	ssyncset.done @!p0 $0x0  }
0x2c5: {  	[sflag:s0] =	ssyncadd.s32 @!p0 s1  }
0x2c6: {  	[bflag:$0x3] =	sbarrier.arrive $0xFFFF  }
0x2c7: {  	_ =	shalt  }

</sc_bundles>
